<compile_context>
chip_gen: v7x
topology: tpu7x:2x2x1
jax: 0.10.2.dev20260603
libtpu: 0.0.44.dev20260713+nightly
codegen_flags: <defaults>
</compile_context>

<pallas_src>
import functools

import jax
import jax.numpy as jnp
from jax import lax
from jax.experimental import pallas as pl
from jax.experimental.pallas import tpu as pltpu
from jax.experimental.pallas import tpu_sc as plsc

VOCAB = 1000000
EMBED_DIM = 64
BATCH = 16384
HIST = 50

NC = 2
NS = 16
NW = NC * NS

B_PER_W = BATCH // NW
BB = BATCH // 128
BB_W = B_PER_W // 128
CHUNK = 256
BB_C = CHUNK // 128
NCHUNK = 2 * HIST

_mesh = plsc.VectorSubcoreMesh(core_axis_name="c", subcore_axis_name="s")


@functools.partial(
    pl.kernel,
    mesh=_mesh,
    compiler_params=pltpu.CompilerParams(
        use_tc_tiling_on_sc=False, needs_layout_passes=False
    ),
    out_type=jax.ShapeDtypeStruct((HIST, 8, BB, 8, 128), jnp.float32),
    scratch_types=[
        pltpu.VMEM((HIST, B_PER_W), jnp.int32),
        pltpu.VMEM((CHUNK, 2 * EMBED_DIM), jnp.float32),
        pltpu.VMEM((CHUNK, 2 * EMBED_DIM), jnp.float32),
        pltpu.VMEM((BB_C, 8, 8, 129), jnp.float32),
        pltpu.VMEM((BB_C, 8, 8, 129), jnp.float32),
        pltpu.SemaphoreType.DMA,
        pltpu.SemaphoreType.DMA,
        pltpu.SemaphoreType.DMA,
        pltpu.SemaphoreType.DMA,
    ],
)
def _gather_kernel(
    tok_hbm, table_hbm, out_hbm,
    idx_v, rows0, rows1, tr0, tr1,
    gsem0, gsem1, wsem0, wsem1,
):
    wid = lax.axis_index("s") * NC + lax.axis_index("c")
    base = wid * B_PER_W
    gsems = (gsem0, gsem1)
    wsems = (wsem0, wsem1)
    rowbufs = (rows0, rows1)
    trbufs = (tr0, tr1)

    pltpu.sync_copy(tok_hbm.at[:, pl.ds(base, B_PER_W)], idx_v)

    lane = lax.iota(jnp.int32, 16)
    lane_hi = lane // 8
    lane_lo = lane % 8

    def _idx_slice(k):
        return idx_v.at[k // 2, pl.ds((k % 2) * CHUNK, CHUNK)]

    def _start_gather(k, b):
        pltpu.async_copy(table_hbm.at[_idx_slice(k)], rowbufs[b], gsems[b])

    def _wait_gather(k, b):
        pltpu.make_async_copy(
            table_hbm.at[_idx_slice(k)], rowbufs[b], gsems[b]
        ).wait()

    def _transpose(b):
        rows = rowbufs[b]
        tr = trbufs[b]

        @plsc.parallel_loop(0, CHUNK // 16, unroll=1)
        def vbody(v):
            bblv = jnp.full((16,), v // 8, jnp.int32)
            for b16 in range(16):
                b_row = v * 16 + b16
                biv = jnp.full((16,), (v % 8) * 16 + b16, jnp.int32)
                for c0 in range(0, EMBED_DIM, 16):
                    vals = rows[b_row, pl.ds(c0, 16)]
                    plsc.store_scatter(
                        tr, [bblv, lane_hi + (c0 // 8), lane_lo, biv], vals
                    )

    def _wb_copies(k, b):
        h = k // 2
        half = k % 2
        for bbl in range(BB_C):
            yield (
                trbufs[b].at[bbl, :, :, pl.ds(0, 128)],
                out_hbm.at[h, :, wid * BB_W + half * BB_C + bbl],
            )

    def _start_writeback(k, b):
        for src, dst in _wb_copies(k, b):
            pltpu.async_copy(src, dst, wsems[b])

    def _wait_writeback(k, b):
        for src, dst in _wb_copies(k, b):
            pltpu.make_async_copy(src, dst, wsems[b]).wait()

    for b in range(2):
        _start_gather(b, b)

    def _body(i, carry):
        for b in range(2):
            k = 2 * i + b
            _wait_gather(k, b)

            @pl.when(k >= 2)
            def _():
                _wait_writeback(k - 2, b)

            _transpose(b)
            _start_writeback(k, b)

            @pl.when(k + 2 < NCHUNK)
            def _():
                _start_gather(k + 2, b)

        return carry

    lax.fori_loop(0, NCHUNK // 2, _body, 0)

    for b in range(2):
        _wait_writeback(NCHUNK - 2 + b, b)


def kernel(token_id, embed_weight):
    tbl = jnp.pad(embed_weight, ((0, 0), (0, EMBED_DIM)))
    p5 = _gather_kernel(token_id.T, tbl)
    return p5.transpose(2, 4, 0, 1, 3).reshape(BATCH, HIST, EMBED_DIM)

# --- scband reference (transcript-rebuilt; emitter-appended) ---
"""Pipeline reference for scband-word2-vec-embedding-module-11751030522872 (READ-ONLY COPY).

The authoritative reference and input builder live on the scoring server;
editing this copy changes nothing except your own understanding.
"""

import jax, jax.numpy as jnp
import numpy as np

VOCAB = 1000000
EMBED_DIM = 64
BATCH = 16384
HIST = 50


def setup_inputs(seed: int = 0) -> dict:
    key = jax.random.key(seed)
    k1, k2 = jax.random.split(key)
    token_id = jax.random.randint(k1, (BATCH, HIST), 0, VOCAB, dtype=jnp.int32)
    embed_weight = jax.random.normal(k2, (VOCAB, EMBED_DIM), dtype=jnp.float32) * 0.02
    return {"token_id": token_id, "embed_weight": embed_weight}


def reference(token_id, embed_weight):
    # Word2VecEmbeddingModule.forward with word_dropout=None, cpu=False,
    # second_channel=False: x = batch[f'{field}_id']; x = self.embed(x)
    return jnp.take(embed_weight, token_id, axis=0)

if __name__ == "__main__":
    import jax
    _d = setup_inputs()
    print(jax.jit(kernel)(*tuple(_d.values())))

</pallas_src>

<mosaic_0001>
#map = affine_map<(d0, d1) -> (0, 0)>
#map1 = affine_map<(d0, d1) -> (0, 0, 0, 0, 0)>
module attributes {stable_mosaic.version = 14 : i64} {
  func.func @_gather_kernel(%arg0: i32, %arg1: i32, %arg2: memref<50x16384xi32, #tpu.memory_space<hbm>>, %arg3: memref<1000000x128xf32, #tpu.memory_space<hbm>>, %arg4: memref<50x8x128x8x128xf32, #tpu.memory_space<hbm>>, %arg5: memref<50x512xi32, #tpu.memory_space<vmem>>, %arg6: memref<256x128xf32, #tpu.memory_space<vmem>>, %arg7: memref<256x128xf32, #tpu.memory_space<vmem>>, %arg8: memref<2x8x8x129xf32, #tpu.memory_space<vmem>>, %arg9: memref<2x8x8x129xf32, #tpu.memory_space<vmem>>, %arg10: memref<!tpu.dma_semaphore, #tpu.memory_space<semaphore_mem>>, %arg11: memref<!tpu.dma_semaphore, #tpu.memory_space<semaphore_mem>>, %arg12: memref<!tpu.dma_semaphore, #tpu.memory_space<semaphore_mem>>, %arg13: memref<!tpu.dma_semaphore, #tpu.memory_space<semaphore_mem>>) attributes {dimension_semantics = [#tpu.dimension_semantics<core_parallel>, #tpu.dimension_semantics<subcore_parallel>], iteration_bounds = array<i64: 2, 16>, scalar_prefetch = 0 : i64, scratch_operands = 9 : i64, tpu.core_type = #tpu.core_type<sc_vector_subcore>, window_params = [{transform_indices = #map}, {transform_indices = #map}, {transform_indices = #map1}]} {
    %mul3A = arith.constant 2 : i32
    %mul3A_0 = arith.muli %arg1, %mul3A : i32
    %add3A = arith.addi %mul3A_0, %arg0 : i32
    %mul3A_1 = arith.constant 512 : i32
    %mul3A_2 = arith.muli %add3A, %mul3A_1 : i32
    "tpu.region"() ({
      %run_scoped3A = tpu.sem_alloc : memref<!tpu.dma_semaphore, #tpu.memory_space<semaphore_mem>>
      %dma_start3A_175 = arith.constant 0 : i32
      %dma_start3A_176 = tpu.memref_slice %arg2[%dma_start3A_175, %mul3A_2] : memref<50x16384xi32, #tpu.memory_space<hbm>> -> memref<50x512xi32, #tpu.memory_space<hbm>>
      %dma_start3A_177 = arith.constant 0 : i32
      %dma_start3A_178 = tpu.memref_slice %arg2[%dma_start3A_177, %mul3A_2] : memref<50x16384xi32, #tpu.memory_space<hbm>> -> memref<50x512xi32, #tpu.memory_space<hbm>>
      tpu.enqueue_dma source(%dma_start3A_178 : memref<50x512xi32, #tpu.memory_space<hbm>>) target(%arg5 : memref<50x512xi32, #tpu.memory_space<vmem>>) target_semaphore(%run_scoped3A : memref<!tpu.dma_semaphore, #tpu.memory_space<semaphore_mem>>)
      %dma_wait3A_179 = arith.constant 0 : i32
      %dma_wait3A_180 = tpu.memref_slice %arg2[%dma_wait3A_179, %mul3A_2] : memref<50x16384xi32, #tpu.memory_space<hbm>> -> memref<50x512xi32, #tpu.memory_space<hbm>>
      %dma_wait3A_181 = arith.constant 0 : i32
      %dma_wait3A_182 = tpu.memref_slice %arg2[%dma_wait3A_181, %mul3A_2] : memref<50x16384xi32, #tpu.memory_space<hbm>> -> memref<50x512xi32, #tpu.memory_space<hbm>>
      tpu.wait_dma2 semaphore(%run_scoped3A : memref<!tpu.dma_semaphore, #tpu.memory_space<semaphore_mem>>) src(%dma_wait3A_182 : memref<50x512xi32, #tpu.memory_space<hbm>>) dst(%arg5 : memref<50x512xi32, #tpu.memory_space<vmem>>)
      tpu.yield
    }) : () -> ()
    %iota3A = tpu.iota {dimensions = array<i32: 0>} : vector<16xi32>
    %jit3A = arith.constant 8 : i32
    %div3A = vector.broadcast %jit3A : i32 to vector<16xi32>
    %div3A_3 = arith.divsi %iota3A, %div3A : vector<16xi32>
    %sign3A = arith.constant 0 : i32
    %sign3A_4 = vector.broadcast %sign3A : i32 to vector<16xi32>
    %sign3A_5 = arith.cmpi sgt, %iota3A, %sign3A_4 : vector<16xi32>
    %sign3A_6 = arith.extui %sign3A_5 : vector<16xi1> to vector<16xi32>
    %sign3A_7 = arith.constant 0 : i32
    %sign3A_8 = vector.broadcast %sign3A_7 : i32 to vector<16xi32>
    %sign3A_9 = arith.cmpi slt, %iota3A, %sign3A_8 : vector<16xi32>
    %sign3A_10 = arith.extui %sign3A_9 : vector<16xi1> to vector<16xi32>
    %sign3A_11 = arith.subi %sign3A_6, %sign3A_10 : vector<16xi32>
    %sign3A_12 = arith.constant 0 : i32
    %sign3A_13 = arith.cmpi sgt, %jit3A, %sign3A_12 : i32
    %sign3A_14 = arith.extui %sign3A_13 : i1 to i32
    %sign3A_15 = arith.constant 0 : i32
    %sign3A_16 = arith.cmpi slt, %jit3A, %sign3A_15 : i32
    %sign3A_17 = arith.extui %sign3A_16 : i1 to i32
    %sign3A_18 = arith.subi %sign3A_14, %sign3A_17 : i32
    %ne3A = vector.broadcast %sign3A_18 : i32 to vector<16xi32>
    %ne3A_19 = arith.cmpi ne, %sign3A_11, %ne3A : vector<16xi32>
    %rem3A = vector.broadcast %jit3A : i32 to vector<16xi32>
    %rem3A_20 = arith.remsi %iota3A, %rem3A : vector<16xi32>
    %ne3A_21 = arith.constant 0 : i32
    %ne3A_22 = vector.broadcast %ne3A_21 : i32 to vector<16xi32>
    %ne3A_23 = arith.cmpi ne, %rem3A_20, %ne3A_22 : vector<16xi32>
    %and3A = arith.andi %ne3A_19, %ne3A_23 : vector<16xi1>
    %sub3A = arith.constant 1 : i32
    %sub3A_24 = vector.broadcast %sub3A : i32 to vector<16xi32>
    %sub3A_25 = arith.subi %div3A_3, %sub3A_24 : vector<16xi32>
    %select_n3A = arith.select %and3A, %sub3A_25, %div3A_3 : vector<16xi1>, vector<16xi32>
    %jit3A_26 = arith.constant 8 : i32
    %eq3A = arith.constant 0 : i32
    %eq3A_27 = arith.cmpi eq, %jit3A_26, %eq3A : i32
    %jit3A_28 = arith.constant 1 : i32
    %select_n3A_29 = arith.select %eq3A_27, %jit3A_28, %jit3A_26 : i32
    %rem3A_30 = vector.broadcast %select_n3A_29 : i32 to vector<16xi32>
    %rem3A_31 = arith.remsi %iota3A, %rem3A_30 : vector<16xi32>
    %ne3A_32 = arith.constant 0 : i32
    %ne3A_33 = vector.broadcast %ne3A_32 : i32 to vector<16xi32>
    %ne3A_34 = arith.cmpi ne, %rem3A_31, %ne3A_33 : vector<16xi32>
    %lt3A = arith.constant 0 : i32
    %lt3A_35 = vector.broadcast %lt3A : i32 to vector<16xi32>
    %lt3A_36 = arith.cmpi slt, %rem3A_31, %lt3A_35 : vector<16xi32>
    %lt3A_37 = arith.constant 0 : i32
    %lt3A_38 = arith.cmpi slt, %select_n3A_29, %lt3A_37 : i32
    %ne3A_39 = vector.broadcast %lt3A_38 : i1 to vector<16xi1>
    %ne3A_40 = vector.broadcast %ne3A_39 : vector<16xi1> to vector<16xi1>
    %ne3A_41 = arith.xori %lt3A_36, %ne3A_40 : vector<16xi1>
    %and3A_42 = arith.andi %ne3A_41, %ne3A_34 : vector<16xi1>
    %add3A_43 = vector.broadcast %select_n3A_29 : i32 to vector<16xi32>
    %add3A_44 = arith.addi %rem3A_31, %add3A_43 : vector<16xi32>
    %select_n3A_45 = arith.select %and3A_42, %add3A_44, %rem3A_31 : vector<16xi1>, vector<16xi32>
    %dma_start3A = arith.constant 0 : i32
    %dma_start3A_46 = arith.constant 0 : i32
    %dma_start3A_47 = tpu.memref_slice %arg5[%dma_start3A, %dma_start3A_46] : memref<50x512xi32, #tpu.memory_space<vmem>> -> memref<1x256xi32, #tpu.memory_space<vmem>>
    %dma_start3A_48 = tpu.memref_squeeze %dma_start3A_47 : memref<1x256xi32, #tpu.memory_space<vmem>> -> memref<256xi32, #tpu.memory_space<vmem>>
    %dma_start3A_49 = arith.constant 0 : i32
    %dma_start3A_50 = arith.constant 0 : i32
    %dma_start3A_51 = tpu.memref_slice %arg3[%dma_start3A_49, %dma_start3A_50] : memref<1000000x128xf32, #tpu.memory_space<hbm>> -> memref<1000000x128xf32, #tpu.memory_space<hbm>>
    tpu.enqueue_indirect_dma source(%dma_start3A_51 : memref<1000000x128xf32, #tpu.memory_space<hbm>>) target(%arg6 : memref<256x128xf32, #tpu.memory_space<vmem>>) offsets(%dma_start3A_48 : memref<256xi32, #tpu.memory_space<vmem>>) semaphore(%arg10 : memref<!tpu.dma_semaphore, #tpu.memory_space<semaphore_mem>>)
    %dma_start3A_52 = arith.constant 0 : i32
    %dma_start3A_53 = arith.constant 256 : i32
    %dma_start3A_54 = tpu.memref_slice %arg5[%dma_start3A_52, %dma_start3A_53] : memref<50x512xi32, #tpu.memory_space<vmem>> -> memref<1x256xi32, #tpu.memory_space<vmem>>
    %dma_start3A_55 = tpu.memref_squeeze %dma_start3A_54 : memref<1x256xi32, #tpu.memory_space<vmem>> -> memref<256xi32, #tpu.memory_space<vmem>>
    %dma_start3A_56 = arith.constant 0 : i32
    %dma_start3A_57 = arith.constant 0 : i32
    %dma_start3A_58 = tpu.memref_slice %arg3[%dma_start3A_56, %dma_start3A_57] : memref<1000000x128xf32, #tpu.memory_space<hbm>> -> memref<1000000x128xf32, #tpu.memory_space<hbm>>
    tpu.enqueue_indirect_dma source(%dma_start3A_58 : memref<1000000x128xf32, #tpu.memory_space<hbm>>) target(%arg7 : memref<256x128xf32, #tpu.memory_space<vmem>>) offsets(%dma_start3A_55 : memref<256xi32, #tpu.memory_space<vmem>>) semaphore(%arg11 : memref<!tpu.dma_semaphore, #tpu.memory_space<semaphore_mem>>)
    %scan3A = arith.constant 0 : i32
    %scan3A_59 = arith.constant 0 : i32
    %scan3A_60 = arith.constant 50 : i32
    %scan3A_61 = arith.addi %scan3A_59, %scan3A_60 : i32
    %scan3A_62 = arith.constant 1 : i32
    scf.for %scan3A_175 = %scan3A_59 to %scan3A_61 step %scan3A_62  : i32 {
      %mul3A_176 = arith.constant 2 : i32
      %mul3A_177 = arith.muli %mul3A_176, %scan3A_175 : i32
      %add3A_178 = arith.constant 0 : i32
      %add3A_179 = arith.addi %mul3A_177, %add3A_178 : i32
      %jit3A_180 = arith.constant 2 : i32
      %div3A_181 = arith.divsi %add3A_179, %jit3A_180 : i32
      %sign3A_182 = arith.constant 0 : i32
      %sign3A_183 = arith.cmpi sgt, %add3A_179, %sign3A_182 : i32
      %sign3A_184 = arith.extui %sign3A_183 : i1 to i32
      %sign3A_185 = arith.constant 0 : i32
      %sign3A_186 = arith.cmpi slt, %add3A_179, %sign3A_185 : i32
      %sign3A_187 = arith.extui %sign3A_186 : i1 to i32
      %sign3A_188 = arith.subi %sign3A_184, %sign3A_187 : i32
      %sign3A_189 = arith.constant 0 : i32
      %sign3A_190 = arith.cmpi sgt, %jit3A_180, %sign3A_189 : i32
      %sign3A_191 = arith.extui %sign3A_190 : i1 to i32
      %sign3A_192 = arith.constant 0 : i32
      %sign3A_193 = arith.cmpi slt, %jit3A_180, %sign3A_192 : i32
      %sign3A_194 = arith.extui %sign3A_193 : i1 to i32
      %sign3A_195 = arith.subi %sign3A_191, %sign3A_194 : i32
      %ne3A_196 = arith.cmpi ne, %sign3A_188, %sign3A_195 : i32
      %rem3A_197 = arith.remsi %add3A_179, %jit3A_180 : i32
      %ne3A_198 = arith.constant 0 : i32
      %ne3A_199 = arith.cmpi ne, %rem3A_197, %ne3A_198 : i32
      %and3A_200 = arith.andi %ne3A_196, %ne3A_199 : i1
      %sub3A_201 = arith.constant 1 : i32
      %sub3A_202 = arith.subi %div3A_181, %sub3A_201 : i32
      %select_n3A_203 = arith.select %and3A_200, %sub3A_202, %div3A_181 : i32
      %jit3A_204 = arith.constant 2 : i32
      %eq3A_205 = arith.constant 0 : i32
      %eq3A_206 = arith.cmpi eq, %jit3A_204, %eq3A_205 : i32
      %jit3A_207 = arith.constant 1 : i32
      %select_n3A_208 = arith.select %eq3A_206, %jit3A_207, %jit3A_204 : i32
      %rem3A_209 = arith.remsi %add3A_179, %select_n3A_208 : i32
      %ne3A_210 = arith.constant 0 : i32
      %ne3A_211 = arith.cmpi ne, %rem3A_209, %ne3A_210 : i32
      %lt3A_212 = arith.constant 0 : i32
      %lt3A_213 = arith.cmpi slt, %rem3A_209, %lt3A_212 : i32
      %lt3A_214 = arith.constant 0 : i32
      %lt3A_215 = arith.cmpi slt, %select_n3A_208, %lt3A_214 : i32
      %ne3A_216 = arith.xori %lt3A_213, %lt3A_215 : i1
      %and3A_217 = arith.andi %ne3A_216, %ne3A_211 : i1
      %add3A_218 = arith.addi %rem3A_209, %select_n3A_208 : i32
      %select_n3A_219 = arith.select %and3A_217, %add3A_218, %rem3A_209 : i32
      %mul3A_220 = arith.constant 256 : i32
      %mul3A_221 = arith.muli %select_n3A_219, %mul3A_220 : i32
      %dma_wait3A_222 = tpu.memref_slice %arg5[%select_n3A_203, %mul3A_221] : memref<50x512xi32, #tpu.memory_space<vmem>> -> memref<1x256xi32, #tpu.memory_space<vmem>>
      %dma_wait3A_223 = tpu.memref_squeeze %dma_wait3A_222 : memref<1x256xi32, #tpu.memory_space<vmem>> -> memref<256xi32, #tpu.memory_space<vmem>>
      %dma_wait3A_224 = arith.constant 0 : i32
      %dma_wait3A_225 = arith.constant 0 : i32
      %dma_wait3A_226 = tpu.memref_slice %arg3[%dma_wait3A_224, %dma_wait3A_225] : memref<1000000x128xf32, #tpu.memory_space<hbm>> -> memref<1000000x128xf32, #tpu.memory_space<hbm>>
      tpu.wait_indirect_dma semaphore(%arg10 : memref<!tpu.dma_semaphore, #tpu.memory_space<semaphore_mem>>) src(%dma_wait3A_226 : memref<1000000x128xf32, #tpu.memory_space<hbm>>) dst(%arg6 : memref<256x128xf32, #tpu.memory_space<vmem>>)
      %ge3A = arith.constant 2 : i32
      %ge3A_227 = arith.cmpi sge, %add3A_179, %ge3A : i32
      %convert_element_type3A = arith.extui %ge3A_227 : i1 to i32
      %cond3A = arith.constant 0 : i32
      %cond3A_228 = arith.cmpi ne, %convert_element_type3A, %cond3A : i32
      scf.if %cond3A_228 {
        %sub3A_496 = arith.constant 2 : i32
        %sub3A_497 = arith.subi %add3A_179, %sub3A_496 : i32
        %jit3A_498 = arith.constant 2 : i32
        %div3A_499 = arith.divsi %sub3A_497, %jit3A_498 : i32
        %sign3A_500 = arith.constant 0 : i32
        %sign3A_501 = arith.cmpi sgt, %sub3A_497, %sign3A_500 : i32
        %sign3A_502 = arith.extui %sign3A_501 : i1 to i32
        %sign3A_503 = arith.constant 0 : i32
        %sign3A_504 = arith.cmpi slt, %sub3A_497, %sign3A_503 : i32
        %sign3A_505 = arith.extui %sign3A_504 : i1 to i32
        %sign3A_506 = arith.subi %sign3A_502, %sign3A_505 : i32
        %sign3A_507 = arith.constant 0 : i32
        %sign3A_508 = arith.cmpi sgt, %jit3A_498, %sign3A_507 : i32
        %sign3A_509 = arith.extui %sign3A_508 : i1 to i32
        %sign3A_510 = arith.constant 0 : i32
        %sign3A_511 = arith.cmpi slt, %jit3A_498, %sign3A_510 : i32
        %sign3A_512 = arith.extui %sign3A_511 : i1 to i32
        %sign3A_513 = arith.subi %sign3A_509, %sign3A_512 : i32
        %ne3A_514 = arith.cmpi ne, %sign3A_506, %sign3A_513 : i32
        %rem3A_515 = arith.remsi %sub3A_497, %jit3A_498 : i32
        %ne3A_516 = arith.constant 0 : i32
        %ne3A_517 = arith.cmpi ne, %rem3A_515, %ne3A_516 : i32
        %and3A_518 = arith.andi %ne3A_514, %ne3A_517 : i1
        %sub3A_519 = arith.constant 1 : i32
        %sub3A_520 = arith.subi %div3A_499, %sub3A_519 : i32
        %select_n3A_521 = arith.select %and3A_518, %sub3A_520, %div3A_499 : i32
        %jit3A_522 = arith.constant 2 : i32
        %eq3A_523 = arith.constant 0 : i32
        %eq3A_524 = arith.cmpi eq, %jit3A_522, %eq3A_523 : i32
        %jit3A_525 = arith.constant 1 : i32
        %select_n3A_526 = arith.select %eq3A_524, %jit3A_525, %jit3A_522 : i32
        %rem3A_527 = arith.remsi %sub3A_497, %select_n3A_526 : i32
        %ne3A_528 = arith.constant 0 : i32
        %ne3A_529 = arith.cmpi ne, %rem3A_527, %ne3A_528 : i32
        %lt3A_530 = arith.constant 0 : i32
        %lt3A_531 = arith.cmpi slt, %rem3A_527, %lt3A_530 : i32
        %lt3A_532 = arith.constant 0 : i32
        %lt3A_533 = arith.cmpi slt, %select_n3A_526, %lt3A_532 : i32
        %ne3A_534 = arith.xori %lt3A_531, %lt3A_533 : i1
        %and3A_535 = arith.andi %ne3A_534, %ne3A_529 : i1
        %add3A_536 = arith.addi %rem3A_527, %select_n3A_526 : i32
        %select_n3A_537 = arith.select %and3A_535, %add3A_536, %rem3A_527 : i32
        %mul3A_538 = arith.constant 4 : i32
        %mul3A_539 = arith.muli %add3A, %mul3A_538 : i32
        %mul3A_540 = arith.constant 2 : i32
        %mul3A_541 = arith.muli %select_n3A_537, %mul3A_540 : i32
        %add3A_542 = arith.addi %mul3A_539, %mul3A_541 : i32
        %add3A_543 = arith.constant 0 : i32
        %add3A_544 = arith.addi %add3A_542, %add3A_543 : i32
        %dma_wait3A_545 = arith.constant 0 : i32
        %dma_wait3A_546 = arith.constant 0 : i32
        %dma_wait3A_547 = arith.constant 0 : i32
        %dma_wait3A_548 = arith.constant 0 : i32
        %dma_wait3A_549 = tpu.memref_slice %arg8[%dma_wait3A_545, %dma_wait3A_546, %dma_wait3A_547, %dma_wait3A_548] : memref<2x8x8x129xf32, #tpu.memory_space<vmem>> -> memref<1x8x8x128xf32, #tpu.memory_space<vmem>>
        %dma_wait3A_550 = tpu.memref_squeeze %dma_wait3A_549 : memref<1x8x8x128xf32, #tpu.memory_space<vmem>> -> memref<8x8x128xf32, #tpu.memory_space<vmem>>
        %dma_wait3A_551 = arith.constant 0 : i32
        %dma_wait3A_552 = arith.constant 0 : i32
        %dma_wait3A_553 = arith.constant 0 : i32
        %dma_wait3A_554 = tpu.memref_slice %arg4[%select_n3A_521, %dma_wait3A_551, %add3A_544, %dma_wait3A_552, %dma_wait3A_553] : memref<50x8x128x8x128xf32, #tpu.memory_space<hbm>> -> memref<1x8x1x8x128xf32, #tpu.memory_space<hbm>>
        %dma_wait3A_555 = tpu.memref_squeeze %dma_wait3A_554 : memref<1x8x1x8x128xf32, #tpu.memory_space<hbm>> -> memref<8x8x128xf32, #tpu.memory_space<hbm>>
        %dma_wait3A_556 = arith.constant 0 : i32
        %dma_wait3A_557 = arith.constant 0 : i32
        %dma_wait3A_558 = arith.constant 0 : i32
        %dma_wait3A_559 = tpu.memref_slice %arg4[%select_n3A_521, %dma_wait3A_556, %add3A_544, %dma_wait3A_557, %dma_wait3A_558] : memref<50x8x128x8x128xf32, #tpu.memory_space<hbm>> -> memref<1x8x1x8x128xf32, #tpu.memory_space<hbm>>
        %dma_wait3A_560 = tpu.memref_squeeze %dma_wait3A_559 : memref<1x8x1x8x128xf32, #tpu.memory_space<hbm>> -> memref<8x8x128xf32, #tpu.memory_space<hbm>>
        %dma_wait3A_561 = arith.constant 0 : i32
        %dma_wait3A_562 = arith.constant 0 : i32
        %dma_wait3A_563 = arith.constant 0 : i32
        %dma_wait3A_564 = tpu.memref_slice %arg8[%dma_wait3A_545, %dma_wait3A_561, %dma_wait3A_562, %dma_wait3A_563] : memref<2x8x8x129xf32, #tpu.memory_space<vmem>> -> memref<1x8x8x128xf32, #tpu.memory_space<vmem>>
        %dma_wait3A_565 = tpu.memref_squeeze %dma_wait3A_564 : memref<1x8x8x128xf32, #tpu.memory_space<vmem>> -> memref<8x8x128xf32, #tpu.memory_space<vmem>>
        tpu.wait_dma2 semaphore(%arg12 : memref<!tpu.dma_semaphore, #tpu.memory_space<semaphore_mem>>) src(%dma_wait3A_565 : memref<8x8x128xf32, #tpu.memory_space<vmem>>) dst(%dma_wait3A_560 : memref<8x8x128xf32, #tpu.memory_space<hbm>>)
        %mul3A_566 = arith.constant 4 : i32
        %mul3A_567 = arith.muli %add3A, %mul3A_566 : i32
        %mul3A_568 = arith.constant 2 : i32
        %mul3A_569 = arith.muli %select_n3A_537, %mul3A_568 : i32
        %add3A_570 = arith.addi %mul3A_567, %mul3A_569 : i32
        %add3A_571 = arith.constant 1 : i32
        %add3A_572 = arith.addi %add3A_570, %add3A_571 : i32
        %dma_wait3A_573 = arith.constant 1 : i32
        %dma_wait3A_574 = arith.constant 0 : i32
        %dma_wait3A_575 = arith.constant 0 : i32
        %dma_wait3A_576 = arith.constant 0 : i32
        %dma_wait3A_577 = tpu.memref_slice %arg8[%dma_wait3A_573, %dma_wait3A_574, %dma_wait3A_575, %dma_wait3A_576] : memref<2x8x8x129xf32, #tpu.memory_space<vmem>> -> memref<1x8x8x128xf32, #tpu.memory_space<vmem>>
        %dma_wait3A_578 = tpu.memref_squeeze %dma_wait3A_577 : memref<1x8x8x128xf32, #tpu.memory_space<vmem>> -> memref<8x8x128xf32, #tpu.memory_space<vmem>>
        %dma_wait3A_579 = arith.constant 0 : i32
        %dma_wait3A_580 = arith.constant 0 : i32
        %dma_wait3A_581 = arith.constant 0 : i32
        %dma_wait3A_582 = tpu.memref_slice %arg4[%select_n3A_521, %dma_wait3A_579, %add3A_572, %dma_wait3A_580, %dma_wait3A_581] : memref<50x8x128x8x128xf32, #tpu.memory_space<hbm>> -> memref<1x8x1x8x128xf32, #tpu.memory_space<hbm>>
        %dma_wait3A_583 = tpu.memref_squeeze %dma_wait3A_582 : memref<1x8x1x8x128xf32, #tpu.memory_space<hbm>> -> memref<8x8x128xf32, #tpu.memory_space<hbm>>
        %dma_wait3A_584 = arith.constant 0 : i32
        %dma_wait3A_585 = arith.constant 0 : i32
        %dma_wait3A_586 = arith.constant 0 : i32
        %dma_wait3A_587 = tpu.memref_slice %arg4[%select_n3A_521, %dma_wait3A_584, %add3A_572, %dma_wait3A_585, %dma_wait3A_586] : memref<50x8x128x8x128xf32, #tpu.memory_space<hbm>> -> memref<1x8x1x8x128xf32, #tpu.memory_space<hbm>>
        %dma_wait3A_588 = tpu.memref_squeeze %dma_wait3A_587 : memref<1x8x1x8x128xf32, #tpu.memory_space<hbm>> -> memref<8x8x128xf32, #tpu.memory_space<hbm>>
        %dma_wait3A_589 = arith.constant 0 : i32
        %dma_wait3A_590 = arith.constant 0 : i32
        %dma_wait3A_591 = arith.constant 0 : i32
        %dma_wait3A_592 = tpu.memref_slice %arg8[%dma_wait3A_573, %dma_wait3A_589, %dma_wait3A_590, %dma_wait3A_591] : memref<2x8x8x129xf32, #tpu.memory_space<vmem>> -> memref<1x8x8x128xf32, #tpu.memory_space<vmem>>
        %dma_wait3A_593 = tpu.memref_squeeze %dma_wait3A_592 : memref<1x8x8x128xf32, #tpu.memory_space<vmem>> -> memref<8x8x128xf32, #tpu.memory_space<vmem>>
        tpu.wait_dma2 semaphore(%arg12 : memref<!tpu.dma_semaphore, #tpu.memory_space<semaphore_mem>>) src(%dma_wait3A_593 : memref<8x8x128xf32, #tpu.memory_space<vmem>>) dst(%dma_wait3A_588 : memref<8x8x128xf32, #tpu.memory_space<hbm>>)
      } else {
      }
      %parallel_loop3A = arith.constant 0 : i32
      %parallel_loop3A_229 = arith.constant 16 : i32
      %parallel_loop3A_230 = arith.constant 1 : i32
      scf.for %parallel_loop3A_496 = %parallel_loop3A to %parallel_loop3A_229 step %parallel_loop3A_230  : i32 {
        %parallel_loop3A_497 = arith.constant 8 : i32
        %parallel_loop3A_498 = arith.divsi %parallel_loop3A_496, %parallel_loop3A_497 : i32
        %parallel_loop3A_499 = arith.constant 0 : i32
        %parallel_loop3A_500 = arith.cmpi sgt, %parallel_loop3A_496, %parallel_loop3A_499 : i32
        %parallel_loop3A_501 = arith.extui %parallel_loop3A_500 : i1 to i32
        %parallel_loop3A_502 = arith.constant 0 : i32
        %parallel_loop3A_503 = arith.cmpi slt, %parallel_loop3A_496, %parallel_loop3A_502 : i32
        %parallel_loop3A_504 = arith.extui %parallel_loop3A_503 : i1 to i32
        %parallel_loop3A_505 = arith.subi %parallel_loop3A_501, %parallel_loop3A_504 : i32
        %parallel_loop3A_506 = arith.constant 0 : i32
        %parallel_loop3A_507 = arith.cmpi sgt, %parallel_loop3A_497, %parallel_loop3A_506 : i32
        %parallel_loop3A_508 = arith.extui %parallel_loop3A_507 : i1 to i32
        %parallel_loop3A_509 = arith.constant 0 : i32
        %parallel_loop3A_510 = arith.cmpi slt, %parallel_loop3A_497, %parallel_loop3A_509 : i32
        %parallel_loop3A_511 = arith.extui %parallel_loop3A_510 : i1 to i32
        %parallel_loop3A_512 = arith.subi %parallel_loop3A_508, %parallel_loop3A_511 : i32
        %parallel_loop3A_513 = arith.cmpi ne, %parallel_loop3A_505, %parallel_loop3A_512 : i32
        %parallel_loop3A_514 = arith.remsi %parallel_loop3A_496, %parallel_loop3A_497 : i32
        %parallel_loop3A_515 = arith.constant 0 : i32
        %parallel_loop3A_516 = arith.cmpi ne, %parallel_loop3A_514, %parallel_loop3A_515 : i32
        %parallel_loop3A_517 = arith.andi %parallel_loop3A_513, %parallel_loop3A_516 : i1
        %parallel_loop3A_518 = arith.constant 1 : i32
        %parallel_loop3A_519 = arith.subi %parallel_loop3A_498, %parallel_loop3A_518 : i32
        %parallel_loop3A_520 = arith.select %parallel_loop3A_517, %parallel_loop3A_519, %parallel_loop3A_498 : i32
        %parallel_loop3A_521 = vector.broadcast %parallel_loop3A_520 : i32 to vector<16xi32>
        %parallel_loop3A_522 = arith.constant 16 : i32
        %parallel_loop3A_523 = arith.muli %parallel_loop3A_496, %parallel_loop3A_522 : i32
        %parallel_loop3A_524 = arith.constant 0 : i32
        %parallel_loop3A_525 = arith.addi %parallel_loop3A_523, %parallel_loop3A_524 : i32
        %parallel_loop3A_526 = arith.constant 8 : i32
        %parallel_loop3A_527 = arith.constant 0 : i32
        %parallel_loop3A_528 = arith.cmpi eq, %parallel_loop3A_526, %parallel_loop3A_527 : i32
        %parallel_loop3A_529 = arith.constant 1 : i32
        %parallel_loop3A_530 = arith.select %parallel_loop3A_528, %parallel_loop3A_529, %parallel_loop3A_526 : i32
        %parallel_loop3A_531 = arith.remsi %parallel_loop3A_496, %parallel_loop3A_530 : i32
        %parallel_loop3A_532 = arith.constant 0 : i32
        %parallel_loop3A_533 = arith.cmpi ne, %parallel_loop3A_531, %parallel_loop3A_532 : i32
        %parallel_loop3A_534 = arith.constant 0 : i32
        %parallel_loop3A_535 = arith.cmpi slt, %parallel_loop3A_531, %parallel_loop3A_534 : i32
        %parallel_loop3A_536 = arith.constant 0 : i32
        %parallel_loop3A_537 = arith.cmpi slt, %parallel_loop3A_530, %parallel_loop3A_536 : i32
        %parallel_loop3A_538 = arith.xori %parallel_loop3A_535, %parallel_loop3A_537 : i1
        %parallel_loop3A_539 = arith.andi %parallel_loop3A_538, %parallel_loop3A_533 : i1
        %parallel_loop3A_540 = arith.addi %parallel_loop3A_531, %parallel_loop3A_530 : i32
        %parallel_loop3A_541 = arith.select %parallel_loop3A_539, %parallel_loop3A_540, %parallel_loop3A_531 : i32
        %parallel_loop3A_542 = arith.constant 16 : i32
        %parallel_loop3A_543 = arith.muli %parallel_loop3A_541, %parallel_loop3A_542 : i32
        %parallel_loop3A_544 = arith.constant 0 : i32
        %parallel_loop3A_545 = arith.addi %parallel_loop3A_543, %parallel_loop3A_544 : i32
        %parallel_loop3A_546 = vector.broadcast %parallel_loop3A_545 : i32 to vector<16xi32>
        %parallel_loop3A_547 = arith.index_cast %parallel_loop3A_525 : i32 to index
        %parallel_loop3A_548 = arith.constant 0 : index
        %parallel_loop3A_549 = tpu.vector_load %arg6[%parallel_loop3A_547, %parallel_loop3A_548] {strides = array<i32>} : memref<256x128xf32, #tpu.memory_space<vmem>>, vector<16xf32>,
        %parallel_loop3A_550 = arith.constant 0 : i32
        %parallel_loop3A_551 = vector.broadcast %parallel_loop3A_550 : i32 to vector<16xi32>
        %parallel_loop3A_552 = arith.addi %select_n3A, %parallel_loop3A_551 : vector<16xi32>
        tpu.vector_store_idx %arg8[%parallel_loop3A_521, %parallel_loop3A_552, %select_n3A_45, %parallel_loop3A_546], %parallel_loop3A_549 : memref<2x8x8x129xf32, #tpu.memory_space<vmem>>[vector<16xi32>, vector<16xi32>, vector<16xi32>, vector<16xi32>], vector<16xf32>,
        %parallel_loop3A_553 = arith.index_cast %parallel_loop3A_525 : i32 to index
        %parallel_loop3A_554 = arith.constant 16 : index
        %parallel_loop3A_555 = tpu.vector_load %arg6[%parallel_loop3A_553, %parallel_loop3A_554] {strides = array<i32>} : memref<256x128xf32, #tpu.memory_space<vmem>>, vector<16xf32>,
        %parallel_loop3A_556 = arith.constant 2 : i32
        %parallel_loop3A_557 = vector.broadcast %parallel_loop3A_556 : i32 to vector<16xi32>
        %parallel_loop3A_558 = arith.addi %select_n3A, %parallel_loop3A_557 : vector<16xi32>
        tpu.vector_store_idx %arg8[%parallel_loop3A_521, %parallel_loop3A_558, %select_n3A_45, %parallel_loop3A_546], %parallel_loop3A_555 : memref<2x8x8x129xf32, #tpu.memory_space<vmem>>[vector<16xi32>, vector<16xi32>, vector<16xi32>, vector<16xi32>], vector<16xf32>,
        %parallel_loop3A_559 = arith.index_cast %parallel_loop3A_525 : i32 to index
        %parallel_loop3A_560 = arith.constant 32 : index
        %parallel_loop3A_561 = tpu.vector_load %arg6[%parallel_loop3A_559, %parallel_loop3A_560] {strides = array<i32>} : memref<256x128xf32, #tpu.memory_space<vmem>>, vector<16xf32>,
        %parallel_loop3A_562 = arith.constant 4 : i32
        %parallel_loop3A_563 = vector.broadcast %parallel_loop3A_562 : i32 to vector<16xi32>
        %parallel_loop3A_564 = arith.addi %select_n3A, %parallel_loop3A_563 : vector<16xi32>
        tpu.vector_store_idx %arg8[%parallel_loop3A_521, %parallel_loop3A_564, %select_n3A_45, %parallel_loop3A_546], %parallel_loop3A_561 : memref<2x8x8x129xf32, #tpu.memory_space<vmem>>[vector<16xi32>, vector<16xi32>, vector<16xi32>, vector<16xi32>], vector<16xf32>,
        %parallel_loop3A_565 = arith.index_cast %parallel_loop3A_525 : i32 to index
        %parallel_loop3A_566 = arith.constant 48 : index
        %parallel_loop3A_567 = tpu.vector_load %arg6[%parallel_loop3A_565, %parallel_loop3A_566] {strides = array<i32>} : memref<256x128xf32, #tpu.memory_space<vmem>>, vector<16xf32>,
        %parallel_loop3A_568 = arith.constant 6 : i32
        %parallel_loop3A_569 = vector.broadcast %parallel_loop3A_568 : i32 to vector<16xi32>
        %parallel_loop3A_570 = arith.addi %select_n3A, %parallel_loop3A_569 : vector<16xi32>
        tpu.vector_store_idx %arg8[%parallel_loop3A_521, %parallel_loop3A_570, %select_n3A_45, %parallel_loop3A_546], %parallel_loop3A_567 : memref<2x8x8x129xf32, #tpu.memory_space<vmem>>[vector<16xi32>, vector<16xi32>, vector<16xi32>, vector<16xi32>], vector<16xf32>,
        %parallel_loop3A_571 = arith.constant 16 : i32
        %parallel_loop3A_572 = arith.muli %parallel_loop3A_496, %parallel_loop3A_571 : i32
        %parallel_loop3A_573 = arith.constant 1 : i32
        %parallel_loop3A_574 = arith.addi %parallel_loop3A_572, %parallel_loop3A_573 : i32
        %parallel_loop3A_575 = arith.constant 8 : i32
        %parallel_loop3A_576 = arith.constant 0 : i32
        %parallel_loop3A_577 = arith.cmpi eq, %parallel_loop3A_575, %parallel_loop3A_576 : i32
        %parallel_loop3A_578 = arith.constant 1 : i32
        %parallel_loop3A_579 = arith.select %parallel_loop3A_577, %parallel_loop3A_578, %parallel_loop3A_575 : i32
        %parallel_loop3A_580 = arith.remsi %parallel_loop3A_496, %parallel_loop3A_579 : i32
        %parallel_loop3A_581 = arith.constant 0 : i32
        %parallel_loop3A_582 = arith.cmpi ne, %parallel_loop3A_580, %parallel_loop3A_581 : i32
        %parallel_loop3A_583 = arith.constant 0 : i32
        %parallel_loop3A_584 = arith.cmpi slt, %parallel_loop3A_580, %parallel_loop3A_583 : i32
        %parallel_loop3A_585 = arith.constant 0 : i32
        %parallel_loop3A_586 = arith.cmpi slt, %parallel_loop3A_579, %parallel_loop3A_585 : i32
        %parallel_loop3A_587 = arith.xori %parallel_loop3A_584, %parallel_loop3A_586 : i1
        %parallel_loop3A_588 = arith.andi %parallel_loop3A_587, %parallel_loop3A_582 : i1
        %parallel_loop3A_589 = arith.addi %parallel_loop3A_580, %parallel_loop3A_579 : i32
        %parallel_loop3A_590 = arith.select %parallel_loop3A_588, %parallel_loop3A_589, %parallel_loop3A_580 : i32
        %parallel_loop3A_591 = arith.constant 16 : i32
        %parallel_loop3A_592 = arith.muli %parallel_loop3A_590, %parallel_loop3A_591 : i32
        %parallel_loop3A_593 = arith.constant 1 : i32
        %parallel_loop3A_594 = arith.addi %parallel_loop3A_592, %parallel_loop3A_593 : i32
        %parallel_loop3A_595 = vector.broadcast %parallel_loop3A_594 : i32 to vector<16xi32>
        %parallel_loop3A_596 = arith.index_cast %parallel_loop3A_574 : i32 to index
        %parallel_loop3A_597 = arith.constant 0 : index
        %parallel_loop3A_598 = tpu.vector_load %arg6[%parallel_loop3A_596, %parallel_loop3A_597] {strides = array<i32>} : memref<256x128xf32, #tpu.memory_space<vmem>>, vector<16xf32>,
        %parallel_loop3A_599 = arith.constant 0 : i32
        %parallel_loop3A_600 = vector.broadcast %parallel_loop3A_599 : i32 to vector<16xi32>
        %parallel_loop3A_601 = arith.addi %select_n3A, %parallel_loop3A_600 : vector<16xi32>
        tpu.vector_store_idx %arg8[%parallel_loop3A_521, %parallel_loop3A_601, %select_n3A_45, %parallel_loop3A_595], %parallel_loop3A_598 : memref<2x8x8x129xf32, #tpu.memory_space<vmem>>[vector<16xi32>, vector<16xi32>, vector<16xi32>, vector<16xi32>], vector<16xf32>,
        %parallel_loop3A_602 = arith.index_cast %parallel_loop3A_574 : i32 to index
        %parallel_loop3A_603 = arith.constant 16 : index
        %parallel_loop3A_604 = tpu.vector_load %arg6[%parallel_loop3A_602, %parallel_loop3A_603] {strides = array<i32>} : memref<256x128xf32, #tpu.memory_space<vmem>>, vector<16xf32>,
        %parallel_loop3A_605 = arith.constant 2 : i32
        %parallel_loop3A_606 = vector.broadcast %parallel_loop3A_605 : i32 to vector<16xi32>
        %parallel_loop3A_607 = arith.addi %select_n3A, %parallel_loop3A_606 : vector<16xi32>
        tpu.vector_store_idx %arg8[%parallel_loop3A_521, %parallel_loop3A_607, %select_n3A_45, %parallel_loop3A_595], %parallel_loop3A_604 : memref<2x8x8x129xf32, #tpu.memory_space<vmem>>[vector<16xi32>, vector<16xi32>, vector<16xi32>, vector<16xi32>], vector<16xf32>,
        %parallel_loop3A_608 = arith.index_cast %parallel_loop3A_574 : i32 to index
        %parallel_loop3A_609 = arith.constant 32 : index
        %parallel_loop3A_610 = tpu.vector_load %arg6[%parallel_loop3A_608, %parallel_loop3A_609] {strides = array<i32>} : memref<256x128xf32, #tpu.memory_space<vmem>>, vector<16xf32>,
        %parallel_loop3A_611 = arith.constant 4 : i32
        %parallel_loop3A_612 = vector.broadcast %parallel_loop3A_611 : i32 to vector<16xi32>
        %parallel_loop3A_613 = arith.addi %select_n3A, %parallel_loop3A_612 : vector<16xi32>
        tpu.vector_store_idx %arg8[%parallel_loop3A_521, %parallel_loop3A_613, %select_n3A_45, %parallel_loop3A_595], %parallel_loop3A_610 : memref<2x8x8x129xf32, #tpu.memory_space<vmem>>[vector<16xi32>, vector<16xi32>, vector<16xi32>, vector<16xi32>], vector<16xf32>,
        %parallel_loop3A_614 = arith.index_cast %parallel_loop3A_574 : i32 to index
        %parallel_loop3A_615 = arith.constant 48 : index
        %parallel_loop3A_616 = tpu.vector_load %arg6[%parallel_loop3A_614, %parallel_loop3A_615] {strides = array<i32>} : memref<256x128xf32, #tpu.memory_space<vmem>>, vector<16xf32>,
        %parallel_loop3A_617 = arith.constant 6 : i32
        %parallel_loop3A_618 = vector.broadcast %parallel_loop3A_617 : i32 to vector<16xi32>
        %parallel_loop3A_619 = arith.addi %select_n3A, %parallel_loop3A_618 : vector<16xi32>
        tpu.vector_store_idx %arg8[%parallel_loop3A_521, %parallel_loop3A_619, %select_n3A_45, %parallel_loop3A_595], %parallel_loop3A_616 : memref<2x8x8x129xf32, #tpu.memory_space<vmem>>[vector<16xi32>, vector<16xi32>, vector<16xi32>, vector<16xi32>], vector<16xf32>,
        %parallel_loop3A_620 = arith.constant 16 : i32
        %parallel_loop3A_621 = arith.muli %parallel_loop3A_496, %parallel_loop3A_620 : i32
        %parallel_loop3A_622 = arith.constant 2 : i32
        %parallel_loop3A_623 = arith.addi %parallel_loop3A_621, %parallel_loop3A_622 : i32
        %parallel_loop3A_624 = arith.constant 8 : i32
        %parallel_loop3A_625 = arith.constant 0 : i32
        %parallel_loop3A_626 = arith.cmpi eq, %parallel_loop3A_624, %parallel_loop3A_625 : i32
        %parallel_loop3A_627 = arith.constant 1 : i32
        %parallel_loop3A_628 = arith.select %parallel_loop3A_626, %parallel_loop3A_627, %parallel_loop3A_624 : i32
        %parallel_loop3A_629 = arith.remsi %parallel_loop3A_496, %parallel_loop3A_628 : i32
        %parallel_loop3A_630 = arith.constant 0 : i32
        %parallel_loop3A_631 = arith.cmpi ne, %parallel_loop3A_629, %parallel_loop3A_630 : i32
        %parallel_loop3A_632 = arith.constant 0 : i32
        %parallel_loop3A_633 = arith.cmpi slt, %parallel_loop3A_629, %parallel_loop3A_632 : i32
        %parallel_loop3A_634 = arith.constant 0 : i32
        %parallel_loop3A_635 = arith.cmpi slt, %parallel_loop3A_628, %parallel_loop3A_634 : i32
        %parallel_loop3A_636 = arith.xori %parallel_loop3A_633, %parallel_loop3A_635 : i1
        %parallel_loop3A_637 = arith.andi %parallel_loop3A_636, %parallel_loop3A_631 : i1
        %parallel_loop3A_638 = arith.addi %parallel_loop3A_629, %parallel_loop3A_628 : i32
        %parallel_loop3A_639 = arith.select %parallel_loop3A_637, %parallel_loop3A_638, %parallel_loop3A_629 : i32
        %parallel_loop3A_640 = arith.constant 16 : i32
        %parallel_loop3A_641 = arith.muli %parallel_loop3A_639, %parallel_loop3A_640 : i32
        %parallel_loop3A_642 = arith.constant 2 : i32
        %parallel_loop3A_643 = arith.addi %parallel_loop3A_641, %parallel_loop3A_642 : i32
        %parallel_loop3A_644 = vector.broadcast %parallel_loop3A_643 : i32 to vector<16xi32>
        %parallel_loop3A_645 = arith.index_cast %parallel_loop3A_623 : i32 to index
        %parallel_loop3A_646 = arith.constant 0 : index
        %parallel_loop3A_647 = tpu.vector_load %arg6[%parallel_loop3A_645, %parallel_loop3A_646] {strides = array<i32>} : memref<256x128xf32, #tpu.memory_space<vmem>>, vector<16xf32>,
        %parallel_loop3A_648 = arith.constant 0 : i32
        %parallel_loop3A_649 = vector.broadcast %parallel_loop3A_648 : i32 to vector<16xi32>
        %parallel_loop3A_650 = arith.addi %select_n3A, %parallel_loop3A_649 : vector<16xi32>
        tpu.vector_store_idx %arg8[%parallel_loop3A_521, %parallel_loop3A_650, %select_n3A_45, %parallel_loop3A_644], %parallel_loop3A_647 : memref<2x8x8x129xf32, #tpu.memory_space<vmem>>[vector<16xi32>, vector<16xi32>, vector<16xi32>, vector<16xi32>], vector<16xf32>,
        %parallel_loop3A_651 = arith.index_cast %parallel_loop3A_623 : i32 to index
        %parallel_loop3A_652 = arith.constant 16 : index
        %parallel_loop3A_653 = tpu.vector_load %arg6[%parallel_loop3A_651, %parallel_loop3A_652] {strides = array<i32>} : memref<256x128xf32, #tpu.memory_space<vmem>>, vector<16xf32>,
        %parallel_loop3A_654 = arith.constant 2 : i32
        %parallel_loop3A_655 = vector.broadcast %parallel_loop3A_654 : i32 to vector<16xi32>
        %parallel_loop3A_656 = arith.addi %select_n3A, %parallel_loop3A_655 : vector<16xi32>
        tpu.vector_store_idx %arg8[%parallel_loop3A_521, %parallel_loop3A_656, %select_n3A_45, %parallel_loop3A_644], %parallel_loop3A_653 : memref<2x8x8x129xf32, #tpu.memory_space<vmem>>[vector<16xi32>, vector<16xi32>, vector<16xi32>, vector<16xi32>], vector<16xf32>,
        %parallel_loop3A_657 = arith.index_cast %parallel_loop3A_623 : i32 to index
        %parallel_loop3A_658 = arith.constant 32 : index
        %parallel_loop3A_659 = tpu.vector_load %arg6[%parallel_loop3A_657, %parallel_loop3A_658] {strides = array<i32>} : memref<256x128xf32, #tpu.memory_space<vmem>>, vector<16xf32>,
        %parallel_loop3A_660 = arith.constant 4 : i32
        %parallel_loop3A_661 = vector.broadcast %parallel_loop3A_660 : i32 to vector<16xi32>
        %parallel_loop3A_662 = arith.addi %select_n3A, %parallel_loop3A_661 : vector<16xi32>
        tpu.vector_store_idx %arg8[%parallel_loop3A_521, %parallel_loop3A_662, %select_n3A_45, %parallel_loop3A_644], %parallel_loop3A_659 : memref<2x8x8x129xf32, #tpu.memory_space<vmem>>[vector<16xi32>, vector<16xi32>, vector<16xi32>, vector<16xi32>], vector<16xf32>,
        %parallel_loop3A_663 = arith.index_cast %parallel_loop3A_623 : i32 to index
        %parallel_loop3A_664 = arith.constant 48 : index
        %parallel_loop3A_665 = tpu.vector_load %arg6[%parallel_loop3A_663, %parallel_loop3A_664] {strides = array<i32>} : memref<256x128xf32, #tpu.memory_space<vmem>>, vector<16xf32>,
        %parallel_loop3A_666 = arith.constant 6 : i32
        %parallel_loop3A_667 = vector.broadcast %parallel_loop3A_666 : i32 to vector<16xi32>
        %parallel_loop3A_668 = arith.addi %select_n3A, %parallel_loop3A_667 : vector<16xi32>
        tpu.vector_store_idx %arg8[%parallel_loop3A_521, %parallel_loop3A_668, %select_n3A_45, %parallel_loop3A_644], %parallel_loop3A_665 : memref<2x8x8x129xf32, #tpu.memory_space<vmem>>[vector<16xi32>, vector<16xi32>, vector<16xi32>, vector<16xi32>], vector<16xf32>,
        %parallel_loop3A_669 = arith.constant 16 : i32
        %parallel_loop3A_670 = arith.muli %parallel_loop3A_496, %parallel_loop3A_669 : i32
        %parallel_loop3A_671 = arith.constant 3 : i32
        %parallel_loop3A_672 = arith.addi %parallel_loop3A_670, %parallel_loop3A_671 : i32
        %parallel_loop3A_673 = arith.constant 8 : i32
        %parallel_loop3A_674 = arith.constant 0 : i32
        %parallel_loop3A_675 = arith.cmpi eq, %parallel_loop3A_673, %parallel_loop3A_674 : i32
        %parallel_loop3A_676 = arith.constant 1 : i32
        %parallel_loop3A_677 = arith.select %parallel_loop3A_675, %parallel_loop3A_676, %parallel_loop3A_673 : i32
        %parallel_loop3A_678 = arith.remsi %parallel_loop3A_496, %parallel_loop3A_677 : i32
        %parallel_loop3A_679 = arith.constant 0 : i32
        %parallel_loop3A_680 = arith.cmpi ne, %parallel_loop3A_678, %parallel_loop3A_679 : i32
        %parallel_loop3A_681 = arith.constant 0 : i32
        %parallel_loop3A_682 = arith.cmpi slt, %parallel_loop3A_678, %parallel_loop3A_681 : i32
        %parallel_loop3A_683 = arith.constant 0 : i32
        %parallel_loop3A_684 = arith.cmpi slt, %parallel_loop3A_677, %parallel_loop3A_683 : i32
        %parallel_loop3A_685 = arith.xori %parallel_loop3A_682, %parallel_loop3A_684 : i1
        %parallel_loop3A_686 = arith.andi %parallel_loop3A_685, %parallel_loop3A_680 : i1
        %parallel_loop3A_687 = arith.addi %parallel_loop3A_678, %parallel_loop3A_677 : i32
        %parallel_loop3A_688 = arith.select %parallel_loop3A_686, %parallel_loop3A_687, %parallel_loop3A_678 : i32
        %parallel_loop3A_689 = arith.constant 16 : i32
        %parallel_loop3A_690 = arith.muli %parallel_loop3A_688, %parallel_loop3A_689 : i32
        %parallel_loop3A_691 = arith.constant 3 : i32
        %parallel_loop3A_692 = arith.addi %parallel_loop3A_690, %parallel_loop3A_691 : i32
        %parallel_loop3A_693 = vector.broadcast %parallel_loop3A_692 : i32 to vector<16xi32>
        %parallel_loop3A_694 = arith.index_cast %parallel_loop3A_672 : i32 to index
        %parallel_loop3A_695 = arith.constant 0 : index
        %parallel_loop3A_696 = tpu.vector_load %arg6[%parallel_loop3A_694, %parallel_loop3A_695] {strides = array<i32>} : memref<256x128xf32, #tpu.memory_space<vmem>>, vector<16xf32>,
        %parallel_loop3A_697 = arith.constant 0 : i32
        %parallel_loop3A_698 = vector.broadcast %parallel_loop3A_697 : i32 to vector<16xi32>
        %parallel_loop3A_699 = arith.addi %select_n3A, %parallel_loop3A_698 : vector<16xi32>
        tpu.vector_store_idx %arg8[%parallel_loop3A_521, %parallel_loop3A_699, %select_n3A_45, %parallel_loop3A_693], %parallel_loop3A_696 : memref<2x8x8x129xf32, #tpu.memory_space<vmem>>[vector<16xi32>, vector<16xi32>, vector<16xi32>, vector<16xi32>], vector<16xf32>,
        %parallel_loop3A_700 = arith.index_cast %parallel_loop3A_672 : i32 to index
        %parallel_loop3A_701 = arith.constant 16 : index
        %parallel_loop3A_702 = tpu.vector_load %arg6[%parallel_loop3A_700, %parallel_loop3A_701] {strides = array<i32>} : memref<256x128xf32, #tpu.memory_space<vmem>>, vector<16xf32>,
        %parallel_loop3A_703 = arith.constant 2 : i32
        %parallel_loop3A_704 = vector.broadcast %parallel_loop3A_703 : i32 to vector<16xi32>
        %parallel_loop3A_705 = arith.addi %select_n3A, %parallel_loop3A_704 : vector<16xi32>
        tpu.vector_store_idx %arg8[%parallel_loop3A_521, %parallel_loop3A_705, %select_n3A_45, %parallel_loop3A_693], %parallel_loop3A_702 : memref<2x8x8x129xf32, #tpu.memory_space<vmem>>[vector<16xi32>, vector<16xi32>, vector<16xi32>, vector<16xi32>], vector<16xf32>,
        %parallel_loop3A_706 = arith.index_cast %parallel_loop3A_672 : i32 to index
        %parallel_loop3A_707 = arith.constant 32 : index
        %parallel_loop3A_708 = tpu.vector_load %arg6[%parallel_loop3A_706, %parallel_loop3A_707] {strides = array<i32>} : memref<256x128xf32, #tpu.memory_space<vmem>>, vector<16xf32>,
        %parallel_loop3A_709 = arith.constant 4 : i32
        %parallel_loop3A_710 = vector.broadcast %parallel_loop3A_709 : i32 to vector<16xi32>
        %parallel_loop3A_711 = arith.addi %select_n3A, %parallel_loop3A_710 : vector<16xi32>
        tpu.vector_store_idx %arg8[%parallel_loop3A_521, %parallel_loop3A_711, %select_n3A_45, %parallel_loop3A_693], %parallel_loop3A_708 : memref<2x8x8x129xf32, #tpu.memory_space<vmem>>[vector<16xi32>, vector<16xi32>, vector<16xi32>, vector<16xi32>], vector<16xf32>,
        %parallel_loop3A_712 = arith.index_cast %parallel_loop3A_672 : i32 to index
        %parallel_loop3A_713 = arith.constant 48 : index
        %parallel_loop3A_714 = tpu.vector_load %arg6[%parallel_loop3A_712, %parallel_loop3A_713] {strides = array<i32>} : memref<256x128xf32, #tpu.memory_space<vmem>>, vector<16xf32>,
        %parallel_loop3A_715 = arith.constant 6 : i32
        %parallel_loop3A_716 = vector.broadcast %parallel_loop3A_715 : i32 to vector<16xi32>
        %parallel_loop3A_717 = arith.addi %select_n3A, %parallel_loop3A_716 : vector<16xi32>
        tpu.vector_store_idx %arg8[%parallel_loop3A_521, %parallel_loop3A_717, %select_n3A_45, %parallel_loop3A_693], %parallel_loop3A_714 : memref<2x8x8x129xf32, #tpu.memory_space<vmem>>[vector<16xi32>, vector<16xi32>, vector<16xi32>, vector<16xi32>], vector<16xf32>,
        %parallel_loop3A_718 = arith.constant 16 : i32
        %parallel_loop3A_719 = arith.muli %parallel_loop3A_496, %parallel_loop3A_718 : i32
        %parallel_loop3A_720 = arith.constant 4 : i32
        %parallel_loop3A_721 = arith.addi %parallel_loop3A_719, %parallel_loop3A_720 : i32
        %parallel_loop3A_722 = arith.constant 8 : i32
        %parallel_loop3A_723 = arith.constant 0 : i32
        %parallel_loop3A_724 = arith.cmpi eq, %parallel_loop3A_722, %parallel_loop3A_723 : i32
        %parallel_loop3A_725 = arith.constant 1 : i32
        %parallel_loop3A_726 = arith.select %parallel_loop3A_724, %parallel_loop3A_725, %parallel_loop3A_722 : i32
        %parallel_loop3A_727 = arith.remsi %parallel_loop3A_496, %parallel_loop3A_726 : i32
        %parallel_loop3A_728 = arith.constant 0 : i32
        %parallel_loop3A_729 = arith.cmpi ne, %parallel_loop3A_727, %parallel_loop3A_728 : i32
        %parallel_loop3A_730 = arith.constant 0 : i32
        %parallel_loop3A_731 = arith.cmpi slt, %parallel_loop3A_727, %parallel_loop3A_730 : i32
        %parallel_loop3A_732 = arith.constant 0 : i32
        %parallel_loop3A_733 = arith.cmpi slt, %parallel_loop3A_726, %parallel_loop3A_732 : i32
        %parallel_loop3A_734 = arith.xori %parallel_loop3A_731, %parallel_loop3A_733 : i1
        %parallel_loop3A_735 = arith.andi %parallel_loop3A_734, %parallel_loop3A_729 : i1
        %parallel_loop3A_736 = arith.addi %parallel_loop3A_727, %parallel_loop3A_726 : i32
        %parallel_loop3A_737 = arith.select %parallel_loop3A_735, %parallel_loop3A_736, %parallel_loop3A_727 : i32
        %parallel_loop3A_738 = arith.constant 16 : i32
        %parallel_loop3A_739 = arith.muli %parallel_loop3A_737, %parallel_loop3A_738 : i32
        %parallel_loop3A_740 = arith.constant 4 : i32
        %parallel_loop3A_741 = arith.addi %parallel_loop3A_739, %parallel_loop3A_740 : i32
        %parallel_loop3A_742 = vector.broadcast %parallel_loop3A_741 : i32 to vector<16xi32>
        %parallel_loop3A_743 = arith.index_cast %parallel_loop3A_721 : i32 to index
        %parallel_loop3A_744 = arith.constant 0 : index
        %parallel_loop3A_745 = tpu.vector_load %arg6[%parallel_loop3A_743, %parallel_loop3A_744] {strides = array<i32>} : memref<256x128xf32, #tpu.memory_space<vmem>>, vector<16xf32>,
        %parallel_loop3A_746 = arith.constant 0 : i32
        %parallel_loop3A_747 = vector.broadcast %parallel_loop3A_746 : i32 to vector<16xi32>
        %parallel_loop3A_748 = arith.addi %select_n3A, %parallel_loop3A_747 : vector<16xi32>
        tpu.vector_store_idx %arg8[%parallel_loop3A_521, %parallel_loop3A_748, %select_n3A_45, %parallel_loop3A_742], %parallel_loop3A_745 : memref<2x8x8x129xf32, #tpu.memory_space<vmem>>[vector<16xi32>, vector<16xi32>, vector<16xi32>, vector<16xi32>], vector<16xf32>,
        %parallel_loop3A_749 = arith.index_cast %parallel_loop3A_721 : i32 to index
        %parallel_loop3A_750 = arith.constant 16 : index
        %parallel_loop3A_751 = tpu.vector_load %arg6[%parallel_loop3A_749, %parallel_loop3A_750] {strides = array<i32>} : memref<256x128xf32, #tpu.memory_space<vmem>>, vector<16xf32>,
        %parallel_loop3A_752 = arith.constant 2 : i32
        %parallel_loop3A_753 = vector.broadcast %parallel_loop3A_752 : i32 to vector<16xi32>
        %parallel_loop3A_754 = arith.addi %select_n3A, %parallel_loop3A_753 : vector<16xi32>
        tpu.vector_store_idx %arg8[%parallel_loop3A_521, %parallel_loop3A_754, %select_n3A_45, %parallel_loop3A_742], %parallel_loop3A_751 : memref<2x8x8x129xf32, #tpu.memory_space<vmem>>[vector<16xi32>, vector<16xi32>, vector<16xi32>, vector<16xi32>], vector<16xf32>,
        %parallel_loop3A_755 = arith.index_cast %parallel_loop3A_721 : i32 to index
        %parallel_loop3A_756 = arith.constant 32 : index
        %parallel_loop3A_757 = tpu.vector_load %arg6[%parallel_loop3A_755, %parallel_loop3A_756] {strides = array<i32>} : memref<256x128xf32, #tpu.memory_space<vmem>>, vector<16xf32>,
        %parallel_loop3A_758 = arith.constant 4 : i32
        %parallel_loop3A_759 = vector.broadcast %parallel_loop3A_758 : i32 to vector<16xi32>
        %parallel_loop3A_760 = arith.addi %select_n3A, %parallel_loop3A_759 : vector<16xi32>
        tpu.vector_store_idx %arg8[%parallel_loop3A_521, %parallel_loop3A_760, %select_n3A_45, %parallel_loop3A_742], %parallel_loop3A_757 : memref<2x8x8x129xf32, #tpu.memory_space<vmem>>[vector<16xi32>, vector<16xi32>, vector<16xi32>, vector<16xi32>], vector<16xf32>,
        %parallel_loop3A_761 = arith.index_cast %parallel_loop3A_721 : i32 to index
        %parallel_loop3A_762 = arith.constant 48 : index
        %parallel_loop3A_763 = tpu.vector_load %arg6[%parallel_loop3A_761, %parallel_loop3A_762] {strides = array<i32>} : memref<256x128xf32, #tpu.memory_space<vmem>>, vector<16xf32>,
        %parallel_loop3A_764 = arith.constant 6 : i32
        %parallel_loop3A_765 = vector.broadcast %parallel_loop3A_764 : i32 to vector<16xi32>
        %parallel_loop3A_766 = arith.addi %select_n3A, %parallel_loop3A_765 : vector<16xi32>
        tpu.vector_store_idx %arg8[%parallel_loop3A_521, %parallel_loop3A_766, %select_n3A_45, %parallel_loop3A_742], %parallel_loop3A_763 : memref<2x8x8x129xf32, #tpu.memory_space<vmem>>[vector<16xi32>, vector<16xi32>, vector<16xi32>, vector<16xi32>], vector<16xf32>,
        %parallel_loop3A_767 = arith.constant 16 : i32
        %parallel_loop3A_768 = arith.muli %parallel_loop3A_496, %parallel_loop3A_767 : i32
        %parallel_loop3A_769 = arith.constant 5 : i32
        %parallel_loop3A_770 = arith.addi %parallel_loop3A_768, %parallel_loop3A_769 : i32
        %parallel_loop3A_771 = arith.constant 8 : i32
        %parallel_loop3A_772 = arith.constant 0 : i32
        %parallel_loop3A_773 = arith.cmpi eq, %parallel_loop3A_771, %parallel_loop3A_772 : i32
        %parallel_loop3A_774 = arith.constant 1 : i32
        %parallel_loop3A_775 = arith.select %parallel_loop3A_773, %parallel_loop3A_774, %parallel_loop3A_771 : i32
        %parallel_loop3A_776 = arith.remsi %parallel_loop3A_496, %parallel_loop3A_775 : i32
        %parallel_loop3A_777 = arith.constant 0 : i32
        %parallel_loop3A_778 = arith.cmpi ne, %parallel_loop3A_776, %parallel_loop3A_777 : i32
        %parallel_loop3A_779 = arith.constant 0 : i32
        %parallel_loop3A_780 = arith.cmpi slt, %parallel_loop3A_776, %parallel_loop3A_779 : i32
        %parallel_loop3A_781 = arith.constant 0 : i32
        %parallel_loop3A_782 = arith.cmpi slt, %parallel_loop3A_775, %parallel_loop3A_781 : i32
        %parallel_loop3A_783 = arith.xori %parallel_loop3A_780, %parallel_loop3A_782 : i1
        %parallel_loop3A_784 = arith.andi %parallel_loop3A_783, %parallel_loop3A_778 : i1
        %parallel_loop3A_785 = arith.addi %parallel_loop3A_776, %parallel_loop3A_775 : i32
        %parallel_loop3A_786 = arith.select %parallel_loop3A_784, %parallel_loop3A_785, %parallel_loop3A_776 : i32
        %parallel_loop3A_787 = arith.constant 16 : i32
        %parallel_loop3A_788 = arith.muli %parallel_loop3A_786, %parallel_loop3A_787 : i32
        %parallel_loop3A_789 = arith.constant 5 : i32
        %parallel_loop3A_790 = arith.addi %parallel_loop3A_788, %parallel_loop3A_789 : i32
        %parallel_loop3A_791 = vector.broadcast %parallel_loop3A_790 : i32 to vector<16xi32>
        %parallel_loop3A_792 = arith.index_cast %parallel_loop3A_770 : i32 to index
        %parallel_loop3A_793 = arith.constant 0 : index
        %parallel_loop3A_794 = tpu.vector_load %arg6[%parallel_loop3A_792, %parallel_loop3A_793] {strides = array<i32>} : memref<256x128xf32, #tpu.memory_space<vmem>>, vector<16xf32>,
        %parallel_loop3A_795 = arith.constant 0 : i32
        %parallel_loop3A_796 = vector.broadcast %parallel_loop3A_795 : i32 to vector<16xi32>
        %parallel_loop3A_797 = arith.addi %select_n3A, %parallel_loop3A_796 : vector<16xi32>
        tpu.vector_store_idx %arg8[%parallel_loop3A_521, %parallel_loop3A_797, %select_n3A_45, %parallel_loop3A_791], %parallel_loop3A_794 : memref<2x8x8x129xf32, #tpu.memory_space<vmem>>[vector<16xi32>, vector<16xi32>, vector<16xi32>, vector<16xi32>], vector<16xf32>,
        %parallel_loop3A_798 = arith.index_cast %parallel_loop3A_770 : i32 to index
        %parallel_loop3A_799 = arith.constant 16 : index
        %parallel_loop3A_800 = tpu.vector_load %arg6[%parallel_loop3A_798, %parallel_loop3A_799] {strides = array<i32>} : memref<256x128xf32, #tpu.memory_space<vmem>>, vector<16xf32>,
        %parallel_loop3A_801 = arith.constant 2 : i32
        %parallel_loop3A_802 = vector.broadcast %parallel_loop3A_801 : i32 to vector<16xi32>
        %parallel_loop3A_803 = arith.addi %select_n3A, %parallel_loop3A_802 : vector<16xi32>
        tpu.vector_store_idx %arg8[%parallel_loop3A_521, %parallel_loop3A_803, %select_n3A_45, %parallel_loop3A_791], %parallel_loop3A_800 : memref<2x8x8x129xf32, #tpu.memory_space<vmem>>[vector<16xi32>, vector<16xi32>, vector<16xi32>, vector<16xi32>], vector<16xf32>,
        %parallel_loop3A_804 = arith.index_cast %parallel_loop3A_770 : i32 to index
        %parallel_loop3A_805 = arith.constant 32 : index
        %parallel_loop3A_806 = tpu.vector_load %arg6[%parallel_loop3A_804, %parallel_loop3A_805] {strides = array<i32>} : memref<256x128xf32, #tpu.memory_space<vmem>>, vector<16xf32>,
        %parallel_loop3A_807 = arith.constant 4 : i32
        %parallel_loop3A_808 = vector.broadcast %parallel_loop3A_807 : i32 to vector<16xi32>
        %parallel_loop3A_809 = arith.addi %select_n3A, %parallel_loop3A_808 : vector<16xi32>
        tpu.vector_store_idx %arg8[%parallel_loop3A_521, %parallel_loop3A_809, %select_n3A_45, %parallel_loop3A_791], %parallel_loop3A_806 : memref<2x8x8x129xf32, #tpu.memory_space<vmem>>[vector<16xi32>, vector<16xi32>, vector<16xi32>, vector<16xi32>], vector<16xf32>,
        %parallel_loop3A_810 = arith.index_cast %parallel_loop3A_770 : i32 to index
        %parallel_loop3A_811 = arith.constant 48 : index
        %parallel_loop3A_812 = tpu.vector_load %arg6[%parallel_loop3A_810, %parallel_loop3A_811] {strides = array<i32>} : memref<256x128xf32, #tpu.memory_space<vmem>>, vector<16xf32>,
        %parallel_loop3A_813 = arith.constant 6 : i32
        %parallel_loop3A_814 = vector.broadcast %parallel_loop3A_813 : i32 to vector<16xi32>
        %parallel_loop3A_815 = arith.addi %select_n3A, %parallel_loop3A_814 : vector<16xi32>
        tpu.vector_store_idx %arg8[%parallel_loop3A_521, %parallel_loop3A_815, %select_n3A_45, %parallel_loop3A_791], %parallel_loop3A_812 : memref<2x8x8x129xf32, #tpu.memory_space<vmem>>[vector<16xi32>, vector<16xi32>, vector<16xi32>, vector<16xi32>], vector<16xf32>,
        %parallel_loop3A_816 = arith.constant 16 : i32
        %parallel_loop3A_817 = arith.muli %parallel_loop3A_496, %parallel_loop3A_816 : i32
        %parallel_loop3A_818 = arith.constant 6 : i32
        %parallel_loop3A_819 = arith.addi %parallel_loop3A_817, %parallel_loop3A_818 : i32
        %parallel_loop3A_820 = arith.constant 8 : i32
        %parallel_loop3A_821 = arith.constant 0 : i32
        %parallel_loop3A_822 = arith.cmpi eq, %parallel_loop3A_820, %parallel_loop3A_821 : i32
        %parallel_loop3A_823 = arith.constant 1 : i32
        %parallel_loop3A_824 = arith.select %parallel_loop3A_822, %parallel_loop3A_823, %parallel_loop3A_820 : i32
        %parallel_loop3A_825 = arith.remsi %parallel_loop3A_496, %parallel_loop3A_824 : i32
        %parallel_loop3A_826 = arith.constant 0 : i32
        %parallel_loop3A_827 = arith.cmpi ne, %parallel_loop3A_825, %parallel_loop3A_826 : i32
        %parallel_loop3A_828 = arith.constant 0 : i32
        %parallel_loop3A_829 = arith.cmpi slt, %parallel_loop3A_825, %parallel_loop3A_828 : i32
        %parallel_loop3A_830 = arith.constant 0 : i32
        %parallel_loop3A_831 = arith.cmpi slt, %parallel_loop3A_824, %parallel_loop3A_830 : i32
        %parallel_loop3A_832 = arith.xori %parallel_loop3A_829, %parallel_loop3A_831 : i1
        %parallel_loop3A_833 = arith.andi %parallel_loop3A_832, %parallel_loop3A_827 : i1
        %parallel_loop3A_834 = arith.addi %parallel_loop3A_825, %parallel_loop3A_824 : i32
        %parallel_loop3A_835 = arith.select %parallel_loop3A_833, %parallel_loop3A_834, %parallel_loop3A_825 : i32
        %parallel_loop3A_836 = arith.constant 16 : i32
        %parallel_loop3A_837 = arith.muli %parallel_loop3A_835, %parallel_loop3A_836 : i32
        %parallel_loop3A_838 = arith.constant 6 : i32
        %parallel_loop3A_839 = arith.addi %parallel_loop3A_837, %parallel_loop3A_838 : i32
        %parallel_loop3A_840 = vector.broadcast %parallel_loop3A_839 : i32 to vector<16xi32>
        %parallel_loop3A_841 = arith.index_cast %parallel_loop3A_819 : i32 to index
        %parallel_loop3A_842 = arith.constant 0 : index
        %parallel_loop3A_843 = tpu.vector_load %arg6[%parallel_loop3A_841, %parallel_loop3A_842] {strides = array<i32>} : memref<256x128xf32, #tpu.memory_space<vmem>>, vector<16xf32>,
        %parallel_loop3A_844 = arith.constant 0 : i32
        %parallel_loop3A_845 = vector.broadcast %parallel_loop3A_844 : i32 to vector<16xi32>
        %parallel_loop3A_846 = arith.addi %select_n3A, %parallel_loop3A_845 : vector<16xi32>
        tpu.vector_store_idx %arg8[%parallel_loop3A_521, %parallel_loop3A_846, %select_n3A_45, %parallel_loop3A_840], %parallel_loop3A_843 : memref<2x8x8x129xf32, #tpu.memory_space<vmem>>[vector<16xi32>, vector<16xi32>, vector<16xi32>, vector<16xi32>], vector<16xf32>,
        %parallel_loop3A_847 = arith.index_cast %parallel_loop3A_819 : i32 to index
        %parallel_loop3A_848 = arith.constant 16 : index
        %parallel_loop3A_849 = tpu.vector_load %arg6[%parallel_loop3A_847, %parallel_loop3A_848] {strides = array<i32>} : memref<256x128xf32, #tpu.memory_space<vmem>>, vector<16xf32>,
        %parallel_loop3A_850 = arith.constant 2 : i32
        %parallel_loop3A_851 = vector.broadcast %parallel_loop3A_850 : i32 to vector<16xi32>
        %parallel_loop3A_852 = arith.addi %select_n3A, %parallel_loop3A_851 : vector<16xi32>
        tpu.vector_store_idx %arg8[%parallel_loop3A_521, %parallel_loop3A_852, %select_n3A_45, %parallel_loop3A_840], %parallel_loop3A_849 : memref<2x8x8x129xf32, #tpu.memory_space<vmem>>[vector<16xi32>, vector<16xi32>, vector<16xi32>, vector<16xi32>], vector<16xf32>,
        %parallel_loop3A_853 = arith.index_cast %parallel_loop3A_819 : i32 to index
        %parallel_loop3A_854 = arith.constant 32 : index
        %parallel_loop3A_855 = tpu.vector_load %arg6[%parallel_loop3A_853, %parallel_loop3A_854] {strides = array<i32>} : memref<256x128xf32, #tpu.memory_space<vmem>>, vector<16xf32>,
        %parallel_loop3A_856 = arith.constant 4 : i32
        %parallel_loop3A_857 = vector.broadcast %parallel_loop3A_856 : i32 to vector<16xi32>
        %parallel_loop3A_858 = arith.addi %select_n3A, %parallel_loop3A_857 : vector<16xi32>
        tpu.vector_store_idx %arg8[%parallel_loop3A_521, %parallel_loop3A_858, %select_n3A_45, %parallel_loop3A_840], %parallel_loop3A_855 : memref<2x8x8x129xf32, #tpu.memory_space<vmem>>[vector<16xi32>, vector<16xi32>, vector<16xi32>, vector<16xi32>], vector<16xf32>,
        %parallel_loop3A_859 = arith.index_cast %parallel_loop3A_819 : i32 to index
        %parallel_loop3A_860 = arith.constant 48 : index
        %parallel_loop3A_861 = tpu.vector_load %arg6[%parallel_loop3A_859, %parallel_loop3A_860] {strides = array<i32>} : memref<256x128xf32, #tpu.memory_space<vmem>>, vector<16xf32>,
        %parallel_loop3A_862 = arith.constant 6 : i32
        %parallel_loop3A_863 = vector.broadcast %parallel_loop3A_862 : i32 to vector<16xi32>
        %parallel_loop3A_864 = arith.addi %select_n3A, %parallel_loop3A_863 : vector<16xi32>
        tpu.vector_store_idx %arg8[%parallel_loop3A_521, %parallel_loop3A_864, %select_n3A_45, %parallel_loop3A_840], %parallel_loop3A_861 : memref<2x8x8x129xf32, #tpu.memory_space<vmem>>[vector<16xi32>, vector<16xi32>, vector<16xi32>, vector<16xi32>], vector<16xf32>,
        %parallel_loop3A_865 = arith.constant 16 : i32
        %parallel_loop3A_866 = arith.muli %parallel_loop3A_496, %parallel_loop3A_865 : i32
        %parallel_loop3A_867 = arith.constant 7 : i32
        %parallel_loop3A_868 = arith.addi %parallel_loop3A_866, %parallel_loop3A_867 : i32
        %parallel_loop3A_869 = arith.constant 8 : i32
        %parallel_loop3A_870 = arith.constant 0 : i32
        %parallel_loop3A_871 = arith.cmpi eq, %parallel_loop3A_869, %parallel_loop3A_870 : i32
        %parallel_loop3A_872 = arith.constant 1 : i32
        %parallel_loop3A_873 = arith.select %parallel_loop3A_871, %parallel_loop3A_872, %parallel_loop3A_869 : i32
        %parallel_loop3A_874 = arith.remsi %parallel_loop3A_496, %parallel_loop3A_873 : i32
        %parallel_loop3A_875 = arith.constant 0 : i32
        %parallel_loop3A_876 = arith.cmpi ne, %parallel_loop3A_874, %parallel_loop3A_875 : i32
        %parallel_loop3A_877 = arith.constant 0 : i32
        %parallel_loop3A_878 = arith.cmpi slt, %parallel_loop3A_874, %parallel_loop3A_877 : i32
        %parallel_loop3A_879 = arith.constant 0 : i32
        %parallel_loop3A_880 = arith.cmpi slt, %parallel_loop3A_873, %parallel_loop3A_879 : i32
        %parallel_loop3A_881 = arith.xori %parallel_loop3A_878, %parallel_loop3A_880 : i1
        %parallel_loop3A_882 = arith.andi %parallel_loop3A_881, %parallel_loop3A_876 : i1
        %parallel_loop3A_883 = arith.addi %parallel_loop3A_874, %parallel_loop3A_873 : i32
        %parallel_loop3A_884 = arith.select %parallel_loop3A_882, %parallel_loop3A_883, %parallel_loop3A_874 : i32
        %parallel_loop3A_885 = arith.constant 16 : i32
        %parallel_loop3A_886 = arith.muli %parallel_loop3A_884, %parallel_loop3A_885 : i32
        %parallel_loop3A_887 = arith.constant 7 : i32
        %parallel_loop3A_888 = arith.addi %parallel_loop3A_886, %parallel_loop3A_887 : i32
        %parallel_loop3A_889 = vector.broadcast %parallel_loop3A_888 : i32 to vector<16xi32>
        %parallel_loop3A_890 = arith.index_cast %parallel_loop3A_868 : i32 to index
        %parallel_loop3A_891 = arith.constant 0 : index
        %parallel_loop3A_892 = tpu.vector_load %arg6[%parallel_loop3A_890, %parallel_loop3A_891] {strides = array<i32>} : memref<256x128xf32, #tpu.memory_space<vmem>>, vector<16xf32>,
        %parallel_loop3A_893 = arith.constant 0 : i32
        %parallel_loop3A_894 = vector.broadcast %parallel_loop3A_893 : i32 to vector<16xi32>
        %parallel_loop3A_895 = arith.addi %select_n3A, %parallel_loop3A_894 : vector<16xi32>
        tpu.vector_store_idx %arg8[%parallel_loop3A_521, %parallel_loop3A_895, %select_n3A_45, %parallel_loop3A_889], %parallel_loop3A_892 : memref<2x8x8x129xf32, #tpu.memory_space<vmem>>[vector<16xi32>, vector<16xi32>, vector<16xi32>, vector<16xi32>], vector<16xf32>,
        %parallel_loop3A_896 = arith.index_cast %parallel_loop3A_868 : i32 to index
        %parallel_loop3A_897 = arith.constant 16 : index
        %parallel_loop3A_898 = tpu.vector_load %arg6[%parallel_loop3A_896, %parallel_loop3A_897] {strides = array<i32>} : memref<256x128xf32, #tpu.memory_space<vmem>>, vector<16xf32>,
        %parallel_loop3A_899 = arith.constant 2 : i32
        %parallel_loop3A_900 = vector.broadcast %parallel_loop3A_899 : i32 to vector<16xi32>
        %parallel_loop3A_901 = arith.addi %select_n3A, %parallel_loop3A_900 : vector<16xi32>
        tpu.vector_store_idx %arg8[%parallel_loop3A_521, %parallel_loop3A_901, %select_n3A_45, %parallel_loop3A_889], %parallel_loop3A_898 : memref<2x8x8x129xf32, #tpu.memory_space<vmem>>[vector<16xi32>, vector<16xi32>, vector<16xi32>, vector<16xi32>], vector<16xf32>,
        %parallel_loop3A_902 = arith.index_cast %parallel_loop3A_868 : i32 to index
        %parallel_loop3A_903 = arith.constant 32 : index
        %parallel_loop3A_904 = tpu.vector_load %arg6[%parallel_loop3A_902, %parallel_loop3A_903] {strides = array<i32>} : memref<256x128xf32, #tpu.memory_space<vmem>>, vector<16xf32>,
        %parallel_loop3A_905 = arith.constant 4 : i32
        %parallel_loop3A_906 = vector.broadcast %parallel_loop3A_905 : i32 to vector<16xi32>
        %parallel_loop3A_907 = arith.addi %select_n3A, %parallel_loop3A_906 : vector<16xi32>
        tpu.vector_store_idx %arg8[%parallel_loop3A_521, %parallel_loop3A_907, %select_n3A_45, %parallel_loop3A_889], %parallel_loop3A_904 : memref<2x8x8x129xf32, #tpu.memory_space<vmem>>[vector<16xi32>, vector<16xi32>, vector<16xi32>, vector<16xi32>], vector<16xf32>,
        %parallel_loop3A_908 = arith.index_cast %parallel_loop3A_868 : i32 to index
        %parallel_loop3A_909 = arith.constant 48 : index
        %parallel_loop3A_910 = tpu.vector_load %arg6[%parallel_loop3A_908, %parallel_loop3A_909] {strides = array<i32>} : memref<256x128xf32, #tpu.memory_space<vmem>>, vector<16xf32>,
        %parallel_loop3A_911 = arith.constant 6 : i32
        %parallel_loop3A_912 = vector.broadcast %parallel_loop3A_911 : i32 to vector<16xi32>
        %parallel_loop3A_913 = arith.addi %select_n3A, %parallel_loop3A_912 : vector<16xi32>
        tpu.vector_store_idx %arg8[%parallel_loop3A_521, %parallel_loop3A_913, %select_n3A_45, %parallel_loop3A_889], %parallel_loop3A_910 : memref<2x8x8x129xf32, #tpu.memory_space<vmem>>[vector<16xi32>, vector<16xi32>, vector<16xi32>, vector<16xi32>], vector<16xf32>,
        %parallel_loop3A_914 = arith.constant 16 : i32
        %parallel_loop3A_915 = arith.muli %parallel_loop3A_496, %parallel_loop3A_914 : i32
        %parallel_loop3A_916 = arith.constant 8 : i32
        %parallel_loop3A_917 = arith.addi %parallel_loop3A_915, %parallel_loop3A_916 : i32
        %parallel_loop3A_918 = arith.constant 8 : i32
        %parallel_loop3A_919 = arith.constant 0 : i32
        %parallel_loop3A_920 = arith.cmpi eq, %parallel_loop3A_918, %parallel_loop3A_919 : i32
        %parallel_loop3A_921 = arith.constant 1 : i32
        %parallel_loop3A_922 = arith.select %parallel_loop3A_920, %parallel_loop3A_921, %parallel_loop3A_918 : i32
        %parallel_loop3A_923 = arith.remsi %parallel_loop3A_496, %parallel_loop3A_922 : i32
        %parallel_loop3A_924 = arith.constant 0 : i32
        %parallel_loop3A_925 = arith.cmpi ne, %parallel_loop3A_923, %parallel_loop3A_924 : i32
        %parallel_loop3A_926 = arith.constant 0 : i32
        %parallel_loop3A_927 = arith.cmpi slt, %parallel_loop3A_923, %parallel_loop3A_926 : i32
        %parallel_loop3A_928 = arith.constant 0 : i32
        %parallel_loop3A_929 = arith.cmpi slt, %parallel_loop3A_922, %parallel_loop3A_928 : i32
        %parallel_loop3A_930 = arith.xori %parallel_loop3A_927, %parallel_loop3A_929 : i1
        %parallel_loop3A_931 = arith.andi %parallel_loop3A_930, %parallel_loop3A_925 : i1
        %parallel_loop3A_932 = arith.addi %parallel_loop3A_923, %parallel_loop3A_922 : i32
        %parallel_loop3A_933 = arith.select %parallel_loop3A_931, %parallel_loop3A_932, %parallel_loop3A_923 : i32
        %parallel_loop3A_934 = arith.constant 16 : i32
        %parallel_loop3A_935 = arith.muli %parallel_loop3A_933, %parallel_loop3A_934 : i32
        %parallel_loop3A_936 = arith.constant 8 : i32
        %parallel_loop3A_937 = arith.addi %parallel_loop3A_935, %parallel_loop3A_936 : i32
        %parallel_loop3A_938 = vector.broadcast %parallel_loop3A_937 : i32 to vector<16xi32>
        %parallel_loop3A_939 = arith.index_cast %parallel_loop3A_917 : i32 to index
        %parallel_loop3A_940 = arith.constant 0 : index
        %parallel_loop3A_941 = tpu.vector_load %arg6[%parallel_loop3A_939, %parallel_loop3A_940] {strides = array<i32>} : memref<256x128xf32, #tpu.memory_space<vmem>>, vector<16xf32>,
        %parallel_loop3A_942 = arith.constant 0 : i32
        %parallel_loop3A_943 = vector.broadcast %parallel_loop3A_942 : i32 to vector<16xi32>
        %parallel_loop3A_944 = arith.addi %select_n3A, %parallel_loop3A_943 : vector<16xi32>
        tpu.vector_store_idx %arg8[%parallel_loop3A_521, %parallel_loop3A_944, %select_n3A_45, %parallel_loop3A_938], %parallel_loop3A_941 : memref<2x8x8x129xf32, #tpu.memory_space<vmem>>[vector<16xi32>, vector<16xi32>, vector<16xi32>, vector<16xi32>], vector<16xf32>,
        %parallel_loop3A_945 = arith.index_cast %parallel_loop3A_917 : i32 to index
        %parallel_loop3A_946 = arith.constant 16 : index
        %parallel_loop3A_947 = tpu.vector_load %arg6[%parallel_loop3A_945, %parallel_loop3A_946] {strides = array<i32>} : memref<256x128xf32, #tpu.memory_space<vmem>>, vector<16xf32>,
        %parallel_loop3A_948 = arith.constant 2 : i32
        %parallel_loop3A_949 = vector.broadcast %parallel_loop3A_948 : i32 to vector<16xi32>
        %parallel_loop3A_950 = arith.addi %select_n3A, %parallel_loop3A_949 : vector<16xi32>
        tpu.vector_store_idx %arg8[%parallel_loop3A_521, %parallel_loop3A_950, %select_n3A_45, %parallel_loop3A_938], %parallel_loop3A_947 : memref<2x8x8x129xf32, #tpu.memory_space<vmem>>[vector<16xi32>, vector<16xi32>, vector<16xi32>, vector<16xi32>], vector<16xf32>,
        %parallel_loop3A_951 = arith.index_cast %parallel_loop3A_917 : i32 to index
        %parallel_loop3A_952 = arith.constant 32 : index
        %parallel_loop3A_953 = tpu.vector_load %arg6[%parallel_loop3A_951, %parallel_loop3A_952] {strides = array<i32>} : memref<256x128xf32, #tpu.memory_space<vmem>>, vector<16xf32>,
        %parallel_loop3A_954 = arith.constant 4 : i32
        %parallel_loop3A_955 = vector.broadcast %parallel_loop3A_954 : i32 to vector<16xi32>
        %parallel_loop3A_956 = arith.addi %select_n3A, %parallel_loop3A_955 : vector<16xi32>
        tpu.vector_store_idx %arg8[%parallel_loop3A_521, %parallel_loop3A_956, %select_n3A_45, %parallel_loop3A_938], %parallel_loop3A_953 : memref<2x8x8x129xf32, #tpu.memory_space<vmem>>[vector<16xi32>, vector<16xi32>, vector<16xi32>, vector<16xi32>], vector<16xf32>,
        %parallel_loop3A_957 = arith.index_cast %parallel_loop3A_917 : i32 to index
        %parallel_loop3A_958 = arith.constant 48 : index
        %parallel_loop3A_959 = tpu.vector_load %arg6[%parallel_loop3A_957, %parallel_loop3A_958] {strides = array<i32>} : memref<256x128xf32, #tpu.memory_space<vmem>>, vector<16xf32>,
        %parallel_loop3A_960 = arith.constant 6 : i32
        %parallel_loop3A_961 = vector.broadcast %parallel_loop3A_960 : i32 to vector<16xi32>
        %parallel_loop3A_962 = arith.addi %select_n3A, %parallel_loop3A_961 : vector<16xi32>
        tpu.vector_store_idx %arg8[%parallel_loop3A_521, %parallel_loop3A_962, %select_n3A_45, %parallel_loop3A_938], %parallel_loop3A_959 : memref<2x8x8x129xf32, #tpu.memory_space<vmem>>[vector<16xi32>, vector<16xi32>, vector<16xi32>, vector<16xi32>], vector<16xf32>,
        %parallel_loop3A_963 = arith.constant 16 : i32
        %parallel_loop3A_964 = arith.muli %parallel_loop3A_496, %parallel_loop3A_963 : i32
        %parallel_loop3A_965 = arith.constant 9 : i32
        %parallel_loop3A_966 = arith.addi %parallel_loop3A_964, %parallel_loop3A_965 : i32
        %parallel_loop3A_967 = arith.constant 8 : i32
        %parallel_loop3A_968 = arith.constant 0 : i32
        %parallel_loop3A_969 = arith.cmpi eq, %parallel_loop3A_967, %parallel_loop3A_968 : i32
        %parallel_loop3A_970 = arith.constant 1 : i32
        %parallel_loop3A_971 = arith.select %parallel_loop3A_969, %parallel_loop3A_970, %parallel_loop3A_967 : i32
        %parallel_loop3A_972 = arith.remsi %parallel_loop3A_496, %parallel_loop3A_971 : i32
        %parallel_loop3A_973 = arith.constant 0 : i32
        %parallel_loop3A_974 = arith.cmpi ne, %parallel_loop3A_972, %parallel_loop3A_973 : i32
        %parallel_loop3A_975 = arith.constant 0 : i32
        %parallel_loop3A_976 = arith.cmpi slt, %parallel_loop3A_972, %parallel_loop3A_975 : i32
        %parallel_loop3A_977 = arith.constant 0 : i32
        %parallel_loop3A_978 = arith.cmpi slt, %parallel_loop3A_971, %parallel_loop3A_977 : i32
        %parallel_loop3A_979 = arith.xori %parallel_loop3A_976, %parallel_loop3A_978 : i1
        %parallel_loop3A_980 = arith.andi %parallel_loop3A_979, %parallel_loop3A_974 : i1
        %parallel_loop3A_981 = arith.addi %parallel_loop3A_972, %parallel_loop3A_971 : i32
        %parallel_loop3A_982 = arith.select %parallel_loop3A_980, %parallel_loop3A_981, %parallel_loop3A_972 : i32
        %parallel_loop3A_983 = arith.constant 16 : i32
        %parallel_loop3A_984 = arith.muli %parallel_loop3A_982, %parallel_loop3A_983 : i32
        %parallel_loop3A_985 = arith.constant 9 : i32
        %parallel_loop3A_986 = arith.addi %parallel_loop3A_984, %parallel_loop3A_985 : i32
        %parallel_loop3A_987 = vector.broadcast %parallel_loop3A_986 : i32 to vector<16xi32>
        %parallel_loop3A_988 = arith.index_cast %parallel_loop3A_966 : i32 to index
        %parallel_loop3A_989 = arith.constant 0 : index
        %parallel_loop3A_990 = tpu.vector_load %arg6[%parallel_loop3A_988, %parallel_loop3A_989] {strides = array<i32>} : memref<256x128xf32, #tpu.memory_space<vmem>>, vector<16xf32>,
        %parallel_loop3A_991 = arith.constant 0 : i32
        %parallel_loop3A_992 = vector.broadcast %parallel_loop3A_991 : i32 to vector<16xi32>
        %parallel_loop3A_993 = arith.addi %select_n3A, %parallel_loop3A_992 : vector<16xi32>
        tpu.vector_store_idx %arg8[%parallel_loop3A_521, %parallel_loop3A_993, %select_n3A_45, %parallel_loop3A_987], %parallel_loop3A_990 : memref<2x8x8x129xf32, #tpu.memory_space<vmem>>[vector<16xi32>, vector<16xi32>, vector<16xi32>, vector<16xi32>], vector<16xf32>,
        %parallel_loop3A_994 = arith.index_cast %parallel_loop3A_966 : i32 to index
        %parallel_loop3A_995 = arith.constant 16 : index
        %parallel_loop3A_996 = tpu.vector_load %arg6[%parallel_loop3A_994, %parallel_loop3A_995] {strides = array<i32>} : memref<256x128xf32, #tpu.memory_space<vmem>>, vector<16xf32>,
        %parallel_loop3A_997 = arith.constant 2 : i32
        %parallel_loop3A_998 = vector.broadcast %parallel_loop3A_997 : i32 to vector<16xi32>
        %parallel_loop3A_999 = arith.addi %select_n3A, %parallel_loop3A_998 : vector<16xi32>
        tpu.vector_store_idx %arg8[%parallel_loop3A_521, %parallel_loop3A_999, %select_n3A_45, %parallel_loop3A_987], %parallel_loop3A_996 : memref<2x8x8x129xf32, #tpu.memory_space<vmem>>[vector<16xi32>, vector<16xi32>, vector<16xi32>, vector<16xi32>], vector<16xf32>,
        %parallel_loop3A_1000 = arith.index_cast %parallel_loop3A_966 : i32 to index
        %parallel_loop3A_1001 = arith.constant 32 : index
        %parallel_loop3A_1002 = tpu.vector_load %arg6[%parallel_loop3A_1000, %parallel_loop3A_1001] {strides = array<i32>} : memref<256x128xf32, #tpu.memory_space<vmem>>, vector<16xf32>,
        %parallel_loop3A_1003 = arith.constant 4 : i32
        %parallel_loop3A_1004 = vector.broadcast %parallel_loop3A_1003 : i32 to vector<16xi32>
        %parallel_loop3A_1005 = arith.addi %select_n3A, %parallel_loop3A_1004 : vector<16xi32>
        tpu.vector_store_idx %arg8[%parallel_loop3A_521, %parallel_loop3A_1005, %select_n3A_45, %parallel_loop3A_987], %parallel_loop3A_1002 : memref<2x8x8x129xf32, #tpu.memory_space<vmem>>[vector<16xi32>, vector<16xi32>, vector<16xi32>, vector<16xi32>], vector<16xf32>,
        %parallel_loop3A_1006 = arith.index_cast %parallel_loop3A_966 : i32 to index
        %parallel_loop3A_1007 = arith.constant 48 : index
        %parallel_loop3A_1008 = tpu.vector_load %arg6[%parallel_loop3A_1006, %parallel_loop3A_1007] {strides = array<i32>} : memref<256x128xf32, #tpu.memory_space<vmem>>, vector<16xf32>,
        %parallel_loop3A_1009 = arith.constant 6 : i32
        %parallel_loop3A_1010 = vector.broadcast %parallel_loop3A_1009 : i32 to vector<16xi32>
        %parallel_loop3A_1011 = arith.addi %select_n3A, %parallel_loop3A_1010 : vector<16xi32>
        tpu.vector_store_idx %arg8[%parallel_loop3A_521, %parallel_loop3A_1011, %select_n3A_45, %parallel_loop3A_987], %parallel_loop3A_1008 : memref<2x8x8x129xf32, #tpu.memory_space<vmem>>[vector<16xi32>, vector<16xi32>, vector<16xi32>, vector<16xi32>], vector<16xf32>,
        %parallel_loop3A_1012 = arith.constant 16 : i32
        %parallel_loop3A_1013 = arith.muli %parallel_loop3A_496, %parallel_loop3A_1012 : i32
        %parallel_loop3A_1014 = arith.constant 10 : i32
        %parallel_loop3A_1015 = arith.addi %parallel_loop3A_1013, %parallel_loop3A_1014 : i32
        %parallel_loop3A_1016 = arith.constant 8 : i32
        %parallel_loop3A_1017 = arith.constant 0 : i32
        %parallel_loop3A_1018 = arith.cmpi eq, %parallel_loop3A_1016, %parallel_loop3A_1017 : i32
        %parallel_loop3A_1019 = arith.constant 1 : i32
        %parallel_loop3A_1020 = arith.select %parallel_loop3A_1018, %parallel_loop3A_1019, %parallel_loop3A_1016 : i32
        %parallel_loop3A_1021 = arith.remsi %parallel_loop3A_496, %parallel_loop3A_1020 : i32
        %parallel_loop3A_1022 = arith.constant 0 : i32
        %parallel_loop3A_1023 = arith.cmpi ne, %parallel_loop3A_1021, %parallel_loop3A_1022 : i32
        %parallel_loop3A_1024 = arith.constant 0 : i32
        %parallel_loop3A_1025 = arith.cmpi slt, %parallel_loop3A_1021, %parallel_loop3A_1024 : i32
        %parallel_loop3A_1026 = arith.constant 0 : i32
        %parallel_loop3A_1027 = arith.cmpi slt, %parallel_loop3A_1020, %parallel_loop3A_1026 : i32
        %parallel_loop3A_1028 = arith.xori %parallel_loop3A_1025, %parallel_loop3A_1027 : i1
        %parallel_loop3A_1029 = arith.andi %parallel_loop3A_1028, %parallel_loop3A_1023 : i1
        %parallel_loop3A_1030 = arith.addi %parallel_loop3A_1021, %parallel_loop3A_1020 : i32
        %parallel_loop3A_1031 = arith.select %parallel_loop3A_1029, %parallel_loop3A_1030, %parallel_loop3A_1021 : i32
        %parallel_loop3A_1032 = arith.constant 16 : i32
        %parallel_loop3A_1033 = arith.muli %parallel_loop3A_1031, %parallel_loop3A_1032 : i32
        %parallel_loop3A_1034 = arith.constant 10 : i32
        %parallel_loop3A_1035 = arith.addi %parallel_loop3A_1033, %parallel_loop3A_1034 : i32
        %parallel_loop3A_1036 = vector.broadcast %parallel_loop3A_1035 : i32 to vector<16xi32>
        %parallel_loop3A_1037 = arith.index_cast %parallel_loop3A_1015 : i32 to index
        %parallel_loop3A_1038 = arith.constant 0 : index
        %parallel_loop3A_1039 = tpu.vector_load %arg6[%parallel_loop3A_1037, %parallel_loop3A_1038] {strides = array<i32>} : memref<256x128xf32, #tpu.memory_space<vmem>>, vector<16xf32>,
        %parallel_loop3A_1040 = arith.constant 0 : i32
        %parallel_loop3A_1041 = vector.broadcast %parallel_loop3A_1040 : i32 to vector<16xi32>
        %parallel_loop3A_1042 = arith.addi %select_n3A, %parallel_loop3A_1041 : vector<16xi32>
        tpu.vector_store_idx %arg8[%parallel_loop3A_521, %parallel_loop3A_1042, %select_n3A_45, %parallel_loop3A_1036], %parallel_loop3A_1039 : memref<2x8x8x129xf32, #tpu.memory_space<vmem>>[vector<16xi32>, vector<16xi32>, vector<16xi32>, vector<16xi32>], vector<16xf32>,
        %parallel_loop3A_1043 = arith.index_cast %parallel_loop3A_1015 : i32 to index
        %parallel_loop3A_1044 = arith.constant 16 : index
        %parallel_loop3A_1045 = tpu.vector_load %arg6[%parallel_loop3A_1043, %parallel_loop3A_1044] {strides = array<i32>} : memref<256x128xf32, #tpu.memory_space<vmem>>, vector<16xf32>,
        %parallel_loop3A_1046 = arith.constant 2 : i32
        %parallel_loop3A_1047 = vector.broadcast %parallel_loop3A_1046 : i32 to vector<16xi32>
        %parallel_loop3A_1048 = arith.addi %select_n3A, %parallel_loop3A_1047 : vector<16xi32>
        tpu.vector_store_idx %arg8[%parallel_loop3A_521, %parallel_loop3A_1048, %select_n3A_45, %parallel_loop3A_1036], %parallel_loop3A_1045 : memref<2x8x8x129xf32, #tpu.memory_space<vmem>>[vector<16xi32>, vector<16xi32>, vector<16xi32>, vector<16xi32>], vector<16xf32>,
        %parallel_loop3A_1049 = arith.index_cast %parallel_loop3A_1015 : i32 to index
        %parallel_loop3A_1050 = arith.constant 32 : index
        %parallel_loop3A_1051 = tpu.vector_load %arg6[%parallel_loop3A_1049, %parallel_loop3A_1050] {strides = array<i32>} : memref<256x128xf32, #tpu.memory_space<vmem>>, vector<16xf32>,
        %parallel_loop3A_1052 = arith.constant 4 : i32
        %parallel_loop3A_1053 = vector.broadcast %parallel_loop3A_1052 : i32 to vector<16xi32>
        %parallel_loop3A_1054 = arith.addi %select_n3A, %parallel_loop3A_1053 : vector<16xi32>
        tpu.vector_store_idx %arg8[%parallel_loop3A_521, %parallel_loop3A_1054, %select_n3A_45, %parallel_loop3A_1036], %parallel_loop3A_1051 : memref<2x8x8x129xf32, #tpu.memory_space<vmem>>[vector<16xi32>, vector<16xi32>, vector<16xi32>, vector<16xi32>], vector<16xf32>,
        %parallel_loop3A_1055 = arith.index_cast %parallel_loop3A_1015 : i32 to index
        %parallel_loop3A_1056 = arith.constant 48 : index
        %parallel_loop3A_1057 = tpu.vector_load %arg6[%parallel_loop3A_1055, %parallel_loop3A_1056] {strides = array<i32>} : memref<256x128xf32, #tpu.memory_space<vmem>>, vector<16xf32>,
        %parallel_loop3A_1058 = arith.constant 6 : i32
        %parallel_loop3A_1059 = vector.broadcast %parallel_loop3A_1058 : i32 to vector<16xi32>
        %parallel_loop3A_1060 = arith.addi %select_n3A, %parallel_loop3A_1059 : vector<16xi32>
        tpu.vector_store_idx %arg8[%parallel_loop3A_521, %parallel_loop3A_1060, %select_n3A_45, %parallel_loop3A_1036], %parallel_loop3A_1057 : memref<2x8x8x129xf32, #tpu.memory_space<vmem>>[vector<16xi32>, vector<16xi32>, vector<16xi32>, vector<16xi32>], vector<16xf32>,
        %parallel_loop3A_1061 = arith.constant 16 : i32
        %parallel_loop3A_1062 = arith.muli %parallel_loop3A_496, %parallel_loop3A_1061 : i32
        %parallel_loop3A_1063 = arith.constant 11 : i32
        %parallel_loop3A_1064 = arith.addi %parallel_loop3A_1062, %parallel_loop3A_1063 : i32
        %parallel_loop3A_1065 = arith.constant 8 : i32
        %parallel_loop3A_1066 = arith.constant 0 : i32
        %parallel_loop3A_1067 = arith.cmpi eq, %parallel_loop3A_1065, %parallel_loop3A_1066 : i32
        %parallel_loop3A_1068 = arith.constant 1 : i32
        %parallel_loop3A_1069 = arith.select %parallel_loop3A_1067, %parallel_loop3A_1068, %parallel_loop3A_1065 : i32
        %parallel_loop3A_1070 = arith.remsi %parallel_loop3A_496, %parallel_loop3A_1069 : i32
        %parallel_loop3A_1071 = arith.constant 0 : i32
        %parallel_loop3A_1072 = arith.cmpi ne, %parallel_loop3A_1070, %parallel_loop3A_1071 : i32
        %parallel_loop3A_1073 = arith.constant 0 : i32
        %parallel_loop3A_1074 = arith.cmpi slt, %parallel_loop3A_1070, %parallel_loop3A_1073 : i32
        %parallel_loop3A_1075 = arith.constant 0 : i32
        %parallel_loop3A_1076 = arith.cmpi slt, %parallel_loop3A_1069, %parallel_loop3A_1075 : i32
        %parallel_loop3A_1077 = arith.xori %parallel_loop3A_1074, %parallel_loop3A_1076 : i1
        %parallel_loop3A_1078 = arith.andi %parallel_loop3A_1077, %parallel_loop3A_1072 : i1
        %parallel_loop3A_1079 = arith.addi %parallel_loop3A_1070, %parallel_loop3A_1069 : i32
        %parallel_loop3A_1080 = arith.select %parallel_loop3A_1078, %parallel_loop3A_1079, %parallel_loop3A_1070 : i32
        %parallel_loop3A_1081 = arith.constant 16 : i32
        %parallel_loop3A_1082 = arith.muli %parallel_loop3A_1080, %parallel_loop3A_1081 : i32
        %parallel_loop3A_1083 = arith.constant 11 : i32
        %parallel_loop3A_1084 = arith.addi %parallel_loop3A_1082, %parallel_loop3A_1083 : i32
        %parallel_loop3A_1085 = vector.broadcast %parallel_loop3A_1084 : i32 to vector<16xi32>
        %parallel_loop3A_1086 = arith.index_cast %parallel_loop3A_1064 : i32 to index
        %parallel_loop3A_1087 = arith.constant 0 : index
        %parallel_loop3A_1088 = tpu.vector_load %arg6[%parallel_loop3A_1086, %parallel_loop3A_1087] {strides = array<i32>} : memref<256x128xf32, #tpu.memory_space<vmem>>, vector<16xf32>,
        %parallel_loop3A_1089 = arith.constant 0 : i32
        %parallel_loop3A_1090 = vector.broadcast %parallel_loop3A_1089 : i32 to vector<16xi32>
        %parallel_loop3A_1091 = arith.addi %select_n3A, %parallel_loop3A_1090 : vector<16xi32>
        tpu.vector_store_idx %arg8[%parallel_loop3A_521, %parallel_loop3A_1091, %select_n3A_45, %parallel_loop3A_1085], %parallel_loop3A_1088 : memref<2x8x8x129xf32, #tpu.memory_space<vmem>>[vector<16xi32>, vector<16xi32>, vector<16xi32>, vector<16xi32>], vector<16xf32>,
        %parallel_loop3A_1092 = arith.index_cast %parallel_loop3A_1064 : i32 to index
        %parallel_loop3A_1093 = arith.constant 16 : index
        %parallel_loop3A_1094 = tpu.vector_load %arg6[%parallel_loop3A_1092, %parallel_loop3A_1093] {strides = array<i32>} : memref<256x128xf32, #tpu.memory_space<vmem>>, vector<16xf32>,
        %parallel_loop3A_1095 = arith.constant 2 : i32
        %parallel_loop3A_1096 = vector.broadcast %parallel_loop3A_1095 : i32 to vector<16xi32>
        %parallel_loop3A_1097 = arith.addi %select_n3A, %parallel_loop3A_1096 : vector<16xi32>
        tpu.vector_store_idx %arg8[%parallel_loop3A_521, %parallel_loop3A_1097, %select_n3A_45, %parallel_loop3A_1085], %parallel_loop3A_1094 : memref<2x8x8x129xf32, #tpu.memory_space<vmem>>[vector<16xi32>, vector<16xi32>, vector<16xi32>, vector<16xi32>], vector<16xf32>,
        %parallel_loop3A_1098 = arith.index_cast %parallel_loop3A_1064 : i32 to index
        %parallel_loop3A_1099 = arith.constant 32 : index
        %parallel_loop3A_1100 = tpu.vector_load %arg6[%parallel_loop3A_1098, %parallel_loop3A_1099] {strides = array<i32>} : memref<256x128xf32, #tpu.memory_space<vmem>>, vector<16xf32>,
        %parallel_loop3A_1101 = arith.constant 4 : i32
        %parallel_loop3A_1102 = vector.broadcast %parallel_loop3A_1101 : i32 to vector<16xi32>
        %parallel_loop3A_1103 = arith.addi %select_n3A, %parallel_loop3A_1102 : vector<16xi32>
        tpu.vector_store_idx %arg8[%parallel_loop3A_521, %parallel_loop3A_1103, %select_n3A_45, %parallel_loop3A_1085], %parallel_loop3A_1100 : memref<2x8x8x129xf32, #tpu.memory_space<vmem>>[vector<16xi32>, vector<16xi32>, vector<16xi32>, vector<16xi32>], vector<16xf32>,
        %parallel_loop3A_1104 = arith.index_cast %parallel_loop3A_1064 : i32 to index
        %parallel_loop3A_1105 = arith.constant 48 : index
        %parallel_loop3A_1106 = tpu.vector_load %arg6[%parallel_loop3A_1104, %parallel_loop3A_1105] {strides = array<i32>} : memref<256x128xf32, #tpu.memory_space<vmem>>, vector<16xf32>,
        %parallel_loop3A_1107 = arith.constant 6 : i32
        %parallel_loop3A_1108 = vector.broadcast %parallel_loop3A_1107 : i32 to vector<16xi32>
        %parallel_loop3A_1109 = arith.addi %select_n3A, %parallel_loop3A_1108 : vector<16xi32>
        tpu.vector_store_idx %arg8[%parallel_loop3A_521, %parallel_loop3A_1109, %select_n3A_45, %parallel_loop3A_1085], %parallel_loop3A_1106 : memref<2x8x8x129xf32, #tpu.memory_space<vmem>>[vector<16xi32>, vector<16xi32>, vector<16xi32>, vector<16xi32>], vector<16xf32>,
        %parallel_loop3A_1110 = arith.constant 16 : i32
        %parallel_loop3A_1111 = arith.muli %parallel_loop3A_496, %parallel_loop3A_1110 : i32
        %parallel_loop3A_1112 = arith.constant 12 : i32
        %parallel_loop3A_1113 = arith.addi %parallel_loop3A_1111, %parallel_loop3A_1112 : i32
        %parallel_loop3A_1114 = arith.constant 8 : i32
        %parallel_loop3A_1115 = arith.constant 0 : i32
        %parallel_loop3A_1116 = arith.cmpi eq, %parallel_loop3A_1114, %parallel_loop3A_1115 : i32
        %parallel_loop3A_1117 = arith.constant 1 : i32
        %parallel_loop3A_1118 = arith.select %parallel_loop3A_1116, %parallel_loop3A_1117, %parallel_loop3A_1114 : i32
        %parallel_loop3A_1119 = arith.remsi %parallel_loop3A_496, %parallel_loop3A_1118 : i32
        %parallel_loop3A_1120 = arith.constant 0 : i32
        %parallel_loop3A_1121 = arith.cmpi ne, %parallel_loop3A_1119, %parallel_loop3A_1120 : i32
        %parallel_loop3A_1122 = arith.constant 0 : i32
        %parallel_loop3A_1123 = arith.cmpi slt, %parallel_loop3A_1119, %parallel_loop3A_1122 : i32
        %parallel_loop3A_1124 = arith.constant 0 : i32
        %parallel_loop3A_1125 = arith.cmpi slt, %parallel_loop3A_1118, %parallel_loop3A_1124 : i32
        %parallel_loop3A_1126 = arith.xori %parallel_loop3A_1123, %parallel_loop3A_1125 : i1
        %parallel_loop3A_1127 = arith.andi %parallel_loop3A_1126, %parallel_loop3A_1121 : i1
        %parallel_loop3A_1128 = arith.addi %parallel_loop3A_1119, %parallel_loop3A_1118 : i32
        %parallel_loop3A_1129 = arith.select %parallel_loop3A_1127, %parallel_loop3A_1128, %parallel_loop3A_1119 : i32
        %parallel_loop3A_1130 = arith.constant 16 : i32
        %parallel_loop3A_1131 = arith.muli %parallel_loop3A_1129, %parallel_loop3A_1130 : i32
        %parallel_loop3A_1132 = arith.constant 12 : i32
        %parallel_loop3A_1133 = arith.addi %parallel_loop3A_1131, %parallel_loop3A_1132 : i32
        %parallel_loop3A_1134 = vector.broadcast %parallel_loop3A_1133 : i32 to vector<16xi32>
        %parallel_loop3A_1135 = arith.index_cast %parallel_loop3A_1113 : i32 to index
        %parallel_loop3A_1136 = arith.constant 0 : index
        %parallel_loop3A_1137 = tpu.vector_load %arg6[%parallel_loop3A_1135, %parallel_loop3A_1136] {strides = array<i32>} : memref<256x128xf32, #tpu.memory_space<vmem>>, vector<16xf32>,
        %parallel_loop3A_1138 = arith.constant 0 : i32
        %parallel_loop3A_1139 = vector.broadcast %parallel_loop3A_1138 : i32 to vector<16xi32>
        %parallel_loop3A_1140 = arith.addi %select_n3A, %parallel_loop3A_1139 : vector<16xi32>
        tpu.vector_store_idx %arg8[%parallel_loop3A_521, %parallel_loop3A_1140, %select_n3A_45, %parallel_loop3A_1134], %parallel_loop3A_1137 : memref<2x8x8x129xf32, #tpu.memory_space<vmem>>[vector<16xi32>, vector<16xi32>, vector<16xi32>, vector<16xi32>], vector<16xf32>,
        %parallel_loop3A_1141 = arith.index_cast %parallel_loop3A_1113 : i32 to index
        %parallel_loop3A_1142 = arith.constant 16 : index
        %parallel_loop3A_1143 = tpu.vector_load %arg6[%parallel_loop3A_1141, %parallel_loop3A_1142] {strides = array<i32>} : memref<256x128xf32, #tpu.memory_space<vmem>>, vector<16xf32>,
        %parallel_loop3A_1144 = arith.constant 2 : i32
        %parallel_loop3A_1145 = vector.broadcast %parallel_loop3A_1144 : i32 to vector<16xi32>
        %parallel_loop3A_1146 = arith.addi %select_n3A, %parallel_loop3A_1145 : vector<16xi32>
        tpu.vector_store_idx %arg8[%parallel_loop3A_521, %parallel_loop3A_1146, %select_n3A_45, %parallel_loop3A_1134], %parallel_loop3A_1143 : memref<2x8x8x129xf32, #tpu.memory_space<vmem>>[vector<16xi32>, vector<16xi32>, vector<16xi32>, vector<16xi32>], vector<16xf32>,
        %parallel_loop3A_1147 = arith.index_cast %parallel_loop3A_1113 : i32 to index
        %parallel_loop3A_1148 = arith.constant 32 : index
        %parallel_loop3A_1149 = tpu.vector_load %arg6[%parallel_loop3A_1147, %parallel_loop3A_1148] {strides = array<i32>} : memref<256x128xf32, #tpu.memory_space<vmem>>, vector<16xf32>,
        %parallel_loop3A_1150 = arith.constant 4 : i32
        %parallel_loop3A_1151 = vector.broadcast %parallel_loop3A_1150 : i32 to vector<16xi32>
        %parallel_loop3A_1152 = arith.addi %select_n3A, %parallel_loop3A_1151 : vector<16xi32>
        tpu.vector_store_idx %arg8[%parallel_loop3A_521, %parallel_loop3A_1152, %select_n3A_45, %parallel_loop3A_1134], %parallel_loop3A_1149 : memref<2x8x8x129xf32, #tpu.memory_space<vmem>>[vector<16xi32>, vector<16xi32>, vector<16xi32>, vector<16xi32>], vector<16xf32>,
        %parallel_loop3A_1153 = arith.index_cast %parallel_loop3A_1113 : i32 to index
        %parallel_loop3A_1154 = arith.constant 48 : index
        %parallel_loop3A_1155 = tpu.vector_load %arg6[%parallel_loop3A_1153, %parallel_loop3A_1154] {strides = array<i32>} : memref<256x128xf32, #tpu.memory_space<vmem>>, vector<16xf32>,
        %parallel_loop3A_1156 = arith.constant 6 : i32
        %parallel_loop3A_1157 = vector.broadcast %parallel_loop3A_1156 : i32 to vector<16xi32>
        %parallel_loop3A_1158 = arith.addi %select_n3A, %parallel_loop3A_1157 : vector<16xi32>
        tpu.vector_store_idx %arg8[%parallel_loop3A_521, %parallel_loop3A_1158, %select_n3A_45, %parallel_loop3A_1134], %parallel_loop3A_1155 : memref<2x8x8x129xf32, #tpu.memory_space<vmem>>[vector<16xi32>, vector<16xi32>, vector<16xi32>, vector<16xi32>], vector<16xf32>,
        %parallel_loop3A_1159 = arith.constant 16 : i32
        %parallel_loop3A_1160 = arith.muli %parallel_loop3A_496, %parallel_loop3A_1159 : i32
        %parallel_loop3A_1161 = arith.constant 13 : i32
        %parallel_loop3A_1162 = arith.addi %parallel_loop3A_1160, %parallel_loop3A_1161 : i32
        %parallel_loop3A_1163 = arith.constant 8 : i32
        %parallel_loop3A_1164 = arith.constant 0 : i32
        %parallel_loop3A_1165 = arith.cmpi eq, %parallel_loop3A_1163, %parallel_loop3A_1164 : i32
        %parallel_loop3A_1166 = arith.constant 1 : i32
        %parallel_loop3A_1167 = arith.select %parallel_loop3A_1165, %parallel_loop3A_1166, %parallel_loop3A_1163 : i32
        %parallel_loop3A_1168 = arith.remsi %parallel_loop3A_496, %parallel_loop3A_1167 : i32
        %parallel_loop3A_1169 = arith.constant 0 : i32
        %parallel_loop3A_1170 = arith.cmpi ne, %parallel_loop3A_1168, %parallel_loop3A_1169 : i32
        %parallel_loop3A_1171 = arith.constant 0 : i32
        %parallel_loop3A_1172 = arith.cmpi slt, %parallel_loop3A_1168, %parallel_loop3A_1171 : i32
        %parallel_loop3A_1173 = arith.constant 0 : i32
        %parallel_loop3A_1174 = arith.cmpi slt, %parallel_loop3A_1167, %parallel_loop3A_1173 : i32
        %parallel_loop3A_1175 = arith.xori %parallel_loop3A_1172, %parallel_loop3A_1174 : i1
        %parallel_loop3A_1176 = arith.andi %parallel_loop3A_1175, %parallel_loop3A_1170 : i1
        %parallel_loop3A_1177 = arith.addi %parallel_loop3A_1168, %parallel_loop3A_1167 : i32
        %parallel_loop3A_1178 = arith.select %parallel_loop3A_1176, %parallel_loop3A_1177, %parallel_loop3A_1168 : i32
        %parallel_loop3A_1179 = arith.constant 16 : i32
        %parallel_loop3A_1180 = arith.muli %parallel_loop3A_1178, %parallel_loop3A_1179 : i32
        %parallel_loop3A_1181 = arith.constant 13 : i32
        %parallel_loop3A_1182 = arith.addi %parallel_loop3A_1180, %parallel_loop3A_1181 : i32
        %parallel_loop3A_1183 = vector.broadcast %parallel_loop3A_1182 : i32 to vector<16xi32>
        %parallel_loop3A_1184 = arith.index_cast %parallel_loop3A_1162 : i32 to index
        %parallel_loop3A_1185 = arith.constant 0 : index
        %parallel_loop3A_1186 = tpu.vector_load %arg6[%parallel_loop3A_1184, %parallel_loop3A_1185] {strides = array<i32>} : memref<256x128xf32, #tpu.memory_space<vmem>>, vector<16xf32>,
        %parallel_loop3A_1187 = arith.constant 0 : i32
        %parallel_loop3A_1188 = vector.broadcast %parallel_loop3A_1187 : i32 to vector<16xi32>
        %parallel_loop3A_1189 = arith.addi %select_n3A, %parallel_loop3A_1188 : vector<16xi32>
        tpu.vector_store_idx %arg8[%parallel_loop3A_521, %parallel_loop3A_1189, %select_n3A_45, %parallel_loop3A_1183], %parallel_loop3A_1186 : memref<2x8x8x129xf32, #tpu.memory_space<vmem>>[vector<16xi32>, vector<16xi32>, vector<16xi32>, vector<16xi32>], vector<16xf32>,
        %parallel_loop3A_1190 = arith.index_cast %parallel_loop3A_1162 : i32 to index
        %parallel_loop3A_1191 = arith.constant 16 : index
        %parallel_loop3A_1192 = tpu.vector_load %arg6[%parallel_loop3A_1190, %parallel_loop3A_1191] {strides = array<i32>} : memref<256x128xf32, #tpu.memory_space<vmem>>, vector<16xf32>,
        %parallel_loop3A_1193 = arith.constant 2 : i32
        %parallel_loop3A_1194 = vector.broadcast %parallel_loop3A_1193 : i32 to vector<16xi32>
        %parallel_loop3A_1195 = arith.addi %select_n3A, %parallel_loop3A_1194 : vector<16xi32>
        tpu.vector_store_idx %arg8[%parallel_loop3A_521, %parallel_loop3A_1195, %select_n3A_45, %parallel_loop3A_1183], %parallel_loop3A_1192 : memref<2x8x8x129xf32, #tpu.memory_space<vmem>>[vector<16xi32>, vector<16xi32>, vector<16xi32>, vector<16xi32>], vector<16xf32>,
        %parallel_loop3A_1196 = arith.index_cast %parallel_loop3A_1162 : i32 to index
        %parallel_loop3A_1197 = arith.constant 32 : index
        %parallel_loop3A_1198 = tpu.vector_load %arg6[%parallel_loop3A_1196, %parallel_loop3A_1197] {strides = array<i32>} : memref<256x128xf32, #tpu.memory_space<vmem>>, vector<16xf32>,
        %parallel_loop3A_1199 = arith.constant 4 : i32
        %parallel_loop3A_1200 = vector.broadcast %parallel_loop3A_1199 : i32 to vector<16xi32>
        %parallel_loop3A_1201 = arith.addi %select_n3A, %parallel_loop3A_1200 : vector<16xi32>
        tpu.vector_store_idx %arg8[%parallel_loop3A_521, %parallel_loop3A_1201, %select_n3A_45, %parallel_loop3A_1183], %parallel_loop3A_1198 : memref<2x8x8x129xf32, #tpu.memory_space<vmem>>[vector<16xi32>, vector<16xi32>, vector<16xi32>, vector<16xi32>], vector<16xf32>,
        %parallel_loop3A_1202 = arith.index_cast %parallel_loop3A_1162 : i32 to index
        %parallel_loop3A_1203 = arith.constant 48 : index
        %parallel_loop3A_1204 = tpu.vector_load %arg6[%parallel_loop3A_1202, %parallel_loop3A_1203] {strides = array<i32>} : memref<256x128xf32, #tpu.memory_space<vmem>>, vector<16xf32>,
        %parallel_loop3A_1205 = arith.constant 6 : i32
        %parallel_loop3A_1206 = vector.broadcast %parallel_loop3A_1205 : i32 to vector<16xi32>
        %parallel_loop3A_1207 = arith.addi %select_n3A, %parallel_loop3A_1206 : vector<16xi32>
        tpu.vector_store_idx %arg8[%parallel_loop3A_521, %parallel_loop3A_1207, %select_n3A_45, %parallel_loop3A_1183], %parallel_loop3A_1204 : memref<2x8x8x129xf32, #tpu.memory_space<vmem>>[vector<16xi32>, vector<16xi32>, vector<16xi32>, vector<16xi32>], vector<16xf32>,
        %parallel_loop3A_1208 = arith.constant 16 : i32
        %parallel_loop3A_1209 = arith.muli %parallel_loop3A_496, %parallel_loop3A_1208 : i32
        %parallel_loop3A_1210 = arith.constant 14 : i32
        %parallel_loop3A_1211 = arith.addi %parallel_loop3A_1209, %parallel_loop3A_1210 : i32
        %parallel_loop3A_1212 = arith.constant 8 : i32
        %parallel_loop3A_1213 = arith.constant 0 : i32
        %parallel_loop3A_1214 = arith.cmpi eq, %parallel_loop3A_1212, %parallel_loop3A_1213 : i32
        %parallel_loop3A_1215 = arith.constant 1 : i32
        %parallel_loop3A_1216 = arith.select %parallel_loop3A_1214, %parallel_loop3A_1215, %parallel_loop3A_1212 : i32
        %parallel_loop3A_1217 = arith.remsi %parallel_loop3A_496, %parallel_loop3A_1216 : i32
        %parallel_loop3A_1218 = arith.constant 0 : i32
        %parallel_loop3A_1219 = arith.cmpi ne, %parallel_loop3A_1217, %parallel_loop3A_1218 : i32
        %parallel_loop3A_1220 = arith.constant 0 : i32
        %parallel_loop3A_1221 = arith.cmpi slt, %parallel_loop3A_1217, %parallel_loop3A_1220 : i32
        %parallel_loop3A_1222 = arith.constant 0 : i32
        %parallel_loop3A_1223 = arith.cmpi slt, %parallel_loop3A_1216, %parallel_loop3A_1222 : i32
        %parallel_loop3A_1224 = arith.xori %parallel_loop3A_1221, %parallel_loop3A_1223 : i1
        %parallel_loop3A_1225 = arith.andi %parallel_loop3A_1224, %parallel_loop3A_1219 : i1
        %parallel_loop3A_1226 = arith.addi %parallel_loop3A_1217, %parallel_loop3A_1216 : i32
        %parallel_loop3A_1227 = arith.select %parallel_loop3A_1225, %parallel_loop3A_1226, %parallel_loop3A_1217 : i32
        %parallel_loop3A_1228 = arith.constant 16 : i32
        %parallel_loop3A_1229 = arith.muli %parallel_loop3A_1227, %parallel_loop3A_1228 : i32
        %parallel_loop3A_1230 = arith.constant 14 : i32
        %parallel_loop3A_1231 = arith.addi %parallel_loop3A_1229, %parallel_loop3A_1230 : i32
        %parallel_loop3A_1232 = vector.broadcast %parallel_loop3A_1231 : i32 to vector<16xi32>
        %parallel_loop3A_1233 = arith.index_cast %parallel_loop3A_1211 : i32 to index
        %parallel_loop3A_1234 = arith.constant 0 : index
        %parallel_loop3A_1235 = tpu.vector_load %arg6[%parallel_loop3A_1233, %parallel_loop3A_1234] {strides = array<i32>} : memref<256x128xf32, #tpu.memory_space<vmem>>, vector<16xf32>,
        %parallel_loop3A_1236 = arith.constant 0 : i32
        %parallel_loop3A_1237 = vector.broadcast %parallel_loop3A_1236 : i32 to vector<16xi32>
        %parallel_loop3A_1238 = arith.addi %select_n3A, %parallel_loop3A_1237 : vector<16xi32>
        tpu.vector_store_idx %arg8[%parallel_loop3A_521, %parallel_loop3A_1238, %select_n3A_45, %parallel_loop3A_1232], %parallel_loop3A_1235 : memref<2x8x8x129xf32, #tpu.memory_space<vmem>>[vector<16xi32>, vector<16xi32>, vector<16xi32>, vector<16xi32>], vector<16xf32>,
        %parallel_loop3A_1239 = arith.index_cast %parallel_loop3A_1211 : i32 to index
        %parallel_loop3A_1240 = arith.constant 16 : index
        %parallel_loop3A_1241 = tpu.vector_load %arg6[%parallel_loop3A_1239, %parallel_loop3A_1240] {strides = array<i32>} : memref<256x128xf32, #tpu.memory_space<vmem>>, vector<16xf32>,
        %parallel_loop3A_1242 = arith.constant 2 : i32
        %parallel_loop3A_1243 = vector.broadcast %parallel_loop3A_1242 : i32 to vector<16xi32>
        %parallel_loop3A_1244 = arith.addi %select_n3A, %parallel_loop3A_1243 : vector<16xi32>
        tpu.vector_store_idx %arg8[%parallel_loop3A_521, %parallel_loop3A_1244, %select_n3A_45, %parallel_loop3A_1232], %parallel_loop3A_1241 : memref<2x8x8x129xf32, #tpu.memory_space<vmem>>[vector<16xi32>, vector<16xi32>, vector<16xi32>, vector<16xi32>], vector<16xf32>,
        %parallel_loop3A_1245 = arith.index_cast %parallel_loop3A_1211 : i32 to index
        %parallel_loop3A_1246 = arith.constant 32 : index
        %parallel_loop3A_1247 = tpu.vector_load %arg6[%parallel_loop3A_1245, %parallel_loop3A_1246] {strides = array<i32>} : memref<256x128xf32, #tpu.memory_space<vmem>>, vector<16xf32>,
        %parallel_loop3A_1248 = arith.constant 4 : i32
        %parallel_loop3A_1249 = vector.broadcast %parallel_loop3A_1248 : i32 to vector<16xi32>
        %parallel_loop3A_1250 = arith.addi %select_n3A, %parallel_loop3A_1249 : vector<16xi32>
        tpu.vector_store_idx %arg8[%parallel_loop3A_521, %parallel_loop3A_1250, %select_n3A_45, %parallel_loop3A_1232], %parallel_loop3A_1247 : memref<2x8x8x129xf32, #tpu.memory_space<vmem>>[vector<16xi32>, vector<16xi32>, vector<16xi32>, vector<16xi32>], vector<16xf32>,
        %parallel_loop3A_1251 = arith.index_cast %parallel_loop3A_1211 : i32 to index
        %parallel_loop3A_1252 = arith.constant 48 : index
        %parallel_loop3A_1253 = tpu.vector_load %arg6[%parallel_loop3A_1251, %parallel_loop3A_1252] {strides = array<i32>} : memref<256x128xf32, #tpu.memory_space<vmem>>, vector<16xf32>,
        %parallel_loop3A_1254 = arith.constant 6 : i32
        %parallel_loop3A_1255 = vector.broadcast %parallel_loop3A_1254 : i32 to vector<16xi32>
        %parallel_loop3A_1256 = arith.addi %select_n3A, %parallel_loop3A_1255 : vector<16xi32>
        tpu.vector_store_idx %arg8[%parallel_loop3A_521, %parallel_loop3A_1256, %select_n3A_45, %parallel_loop3A_1232], %parallel_loop3A_1253 : memref<2x8x8x129xf32, #tpu.memory_space<vmem>>[vector<16xi32>, vector<16xi32>, vector<16xi32>, vector<16xi32>], vector<16xf32>,
        %parallel_loop3A_1257 = arith.constant 16 : i32
        %parallel_loop3A_1258 = arith.muli %parallel_loop3A_496, %parallel_loop3A_1257 : i32
        %parallel_loop3A_1259 = arith.constant 15 : i32
        %parallel_loop3A_1260 = arith.addi %parallel_loop3A_1258, %parallel_loop3A_1259 : i32
        %parallel_loop3A_1261 = arith.constant 8 : i32
        %parallel_loop3A_1262 = arith.constant 0 : i32
        %parallel_loop3A_1263 = arith.cmpi eq, %parallel_loop3A_1261, %parallel_loop3A_1262 : i32
        %parallel_loop3A_1264 = arith.constant 1 : i32
        %parallel_loop3A_1265 = arith.select %parallel_loop3A_1263, %parallel_loop3A_1264, %parallel_loop3A_1261 : i32
        %parallel_loop3A_1266 = arith.remsi %parallel_loop3A_496, %parallel_loop3A_1265 : i32
        %parallel_loop3A_1267 = arith.constant 0 : i32
        %parallel_loop3A_1268 = arith.cmpi ne, %parallel_loop3A_1266, %parallel_loop3A_1267 : i32
        %parallel_loop3A_1269 = arith.constant 0 : i32
        %parallel_loop3A_1270 = arith.cmpi slt, %parallel_loop3A_1266, %parallel_loop3A_1269 : i32
        %parallel_loop3A_1271 = arith.constant 0 : i32
        %parallel_loop3A_1272 = arith.cmpi slt, %parallel_loop3A_1265, %parallel_loop3A_1271 : i32
        %parallel_loop3A_1273 = arith.xori %parallel_loop3A_1270, %parallel_loop3A_1272 : i1
        %parallel_loop3A_1274 = arith.andi %parallel_loop3A_1273, %parallel_loop3A_1268 : i1
        %parallel_loop3A_1275 = arith.addi %parallel_loop3A_1266, %parallel_loop3A_1265 : i32
        %parallel_loop3A_1276 = arith.select %parallel_loop3A_1274, %parallel_loop3A_1275, %parallel_loop3A_1266 : i32
        %parallel_loop3A_1277 = arith.constant 16 : i32
        %parallel_loop3A_1278 = arith.muli %parallel_loop3A_1276, %parallel_loop3A_1277 : i32
        %parallel_loop3A_1279 = arith.constant 15 : i32
        %parallel_loop3A_1280 = arith.addi %parallel_loop3A_1278, %parallel_loop3A_1279 : i32
        %parallel_loop3A_1281 = vector.broadcast %parallel_loop3A_1280 : i32 to vector<16xi32>
        %parallel_loop3A_1282 = arith.index_cast %parallel_loop3A_1260 : i32 to index
        %parallel_loop3A_1283 = arith.constant 0 : index
        %parallel_loop3A_1284 = tpu.vector_load %arg6[%parallel_loop3A_1282, %parallel_loop3A_1283] {strides = array<i32>} : memref<256x128xf32, #tpu.memory_space<vmem>>, vector<16xf32>,
        %parallel_loop3A_1285 = arith.constant 0 : i32
        %parallel_loop3A_1286 = vector.broadcast %parallel_loop3A_1285 : i32 to vector<16xi32>
        %parallel_loop3A_1287 = arith.addi %select_n3A, %parallel_loop3A_1286 : vector<16xi32>
        tpu.vector_store_idx %arg8[%parallel_loop3A_521, %parallel_loop3A_1287, %select_n3A_45, %parallel_loop3A_1281], %parallel_loop3A_1284 : memref<2x8x8x129xf32, #tpu.memory_space<vmem>>[vector<16xi32>, vector<16xi32>, vector<16xi32>, vector<16xi32>], vector<16xf32>,
        %parallel_loop3A_1288 = arith.index_cast %parallel_loop3A_1260 : i32 to index
        %parallel_loop3A_1289 = arith.constant 16 : index
        %parallel_loop3A_1290 = tpu.vector_load %arg6[%parallel_loop3A_1288, %parallel_loop3A_1289] {strides = array<i32>} : memref<256x128xf32, #tpu.memory_space<vmem>>, vector<16xf32>,
        %parallel_loop3A_1291 = arith.constant 2 : i32
        %parallel_loop3A_1292 = vector.broadcast %parallel_loop3A_1291 : i32 to vector<16xi32>
        %parallel_loop3A_1293 = arith.addi %select_n3A, %parallel_loop3A_1292 : vector<16xi32>
        tpu.vector_store_idx %arg8[%parallel_loop3A_521, %parallel_loop3A_1293, %select_n3A_45, %parallel_loop3A_1281], %parallel_loop3A_1290 : memref<2x8x8x129xf32, #tpu.memory_space<vmem>>[vector<16xi32>, vector<16xi32>, vector<16xi32>, vector<16xi32>], vector<16xf32>,
        %parallel_loop3A_1294 = arith.index_cast %parallel_loop3A_1260 : i32 to index
        %parallel_loop3A_1295 = arith.constant 32 : index
        %parallel_loop3A_1296 = tpu.vector_load %arg6[%parallel_loop3A_1294, %parallel_loop3A_1295] {strides = array<i32>} : memref<256x128xf32, #tpu.memory_space<vmem>>, vector<16xf32>,
        %parallel_loop3A_1297 = arith.constant 4 : i32
        %parallel_loop3A_1298 = vector.broadcast %parallel_loop3A_1297 : i32 to vector<16xi32>
        %parallel_loop3A_1299 = arith.addi %select_n3A, %parallel_loop3A_1298 : vector<16xi32>
        tpu.vector_store_idx %arg8[%parallel_loop3A_521, %parallel_loop3A_1299, %select_n3A_45, %parallel_loop3A_1281], %parallel_loop3A_1296 : memref<2x8x8x129xf32, #tpu.memory_space<vmem>>[vector<16xi32>, vector<16xi32>, vector<16xi32>, vector<16xi32>], vector<16xf32>,
        %parallel_loop3A_1300 = arith.index_cast %parallel_loop3A_1260 : i32 to index
        %parallel_loop3A_1301 = arith.constant 48 : index
        %parallel_loop3A_1302 = tpu.vector_load %arg6[%parallel_loop3A_1300, %parallel_loop3A_1301] {strides = array<i32>} : memref<256x128xf32, #tpu.memory_space<vmem>>, vector<16xf32>,
        %parallel_loop3A_1303 = arith.constant 6 : i32
        %parallel_loop3A_1304 = vector.broadcast %parallel_loop3A_1303 : i32 to vector<16xi32>
        %parallel_loop3A_1305 = arith.addi %select_n3A, %parallel_loop3A_1304 : vector<16xi32>
        tpu.vector_store_idx %arg8[%parallel_loop3A_521, %parallel_loop3A_1305, %select_n3A_45, %parallel_loop3A_1281], %parallel_loop3A_1302 : memref<2x8x8x129xf32, #tpu.memory_space<vmem>>[vector<16xi32>, vector<16xi32>, vector<16xi32>, vector<16xi32>], vector<16xf32>,
      } {sc.loop_unroll_factor = 1 : i64, sc.parallel_access}
      %jit3A_231 = arith.constant 2 : i32
      %div3A_232 = arith.divsi %add3A_179, %jit3A_231 : i32
      %sign3A_233 = arith.constant 0 : i32
      %sign3A_234 = arith.cmpi sgt, %add3A_179, %sign3A_233 : i32
      %sign3A_235 = arith.extui %sign3A_234 : i1 to i32
      %sign3A_236 = arith.constant 0 : i32
      %sign3A_237 = arith.cmpi slt, %add3A_179, %sign3A_236 : i32
      %sign3A_238 = arith.extui %sign3A_237 : i1 to i32
      %sign3A_239 = arith.subi %sign3A_235, %sign3A_238 : i32
      %sign3A_240 = arith.constant 0 : i32
      %sign3A_241 = arith.cmpi sgt, %jit3A_231, %sign3A_240 : i32
      %sign3A_242 = arith.extui %sign3A_241 : i1 to i32
      %sign3A_243 = arith.constant 0 : i32
      %sign3A_244 = arith.cmpi slt, %jit3A_231, %sign3A_243 : i32
      %sign3A_245 = arith.extui %sign3A_244 : i1 to i32
      %sign3A_246 = arith.subi %sign3A_242, %sign3A_245 : i32
      %ne3A_247 = arith.cmpi ne, %sign3A_239, %sign3A_246 : i32
      %rem3A_248 = arith.remsi %add3A_179, %jit3A_231 : i32
      %ne3A_249 = arith.constant 0 : i32
      %ne3A_250 = arith.cmpi ne, %rem3A_248, %ne3A_249 : i32
      %and3A_251 = arith.andi %ne3A_247, %ne3A_250 : i1
      %sub3A_252 = arith.constant 1 : i32
      %sub3A_253 = arith.subi %div3A_232, %sub3A_252 : i32
      %select_n3A_254 = arith.select %and3A_251, %sub3A_253, %div3A_232 : i32
      %jit3A_255 = arith.constant 2 : i32
      %eq3A_256 = arith.constant 0 : i32
      %eq3A_257 = arith.cmpi eq, %jit3A_255, %eq3A_256 : i32
      %jit3A_258 = arith.constant 1 : i32
      %select_n3A_259 = arith.select %eq3A_257, %jit3A_258, %jit3A_255 : i32
      %rem3A_260 = arith.remsi %add3A_179, %select_n3A_259 : i32
      %ne3A_261 = arith.constant 0 : i32
      %ne3A_262 = arith.cmpi ne, %rem3A_260, %ne3A_261 : i32
      %lt3A_263 = arith.constant 0 : i32
      %lt3A_264 = arith.cmpi slt, %rem3A_260, %lt3A_263 : i32
      %lt3A_265 = arith.constant 0 : i32
      %lt3A_266 = arith.cmpi slt, %select_n3A_259, %lt3A_265 : i32
      %ne3A_267 = arith.xori %lt3A_264, %lt3A_266 : i1
      %and3A_268 = arith.andi %ne3A_267, %ne3A_262 : i1
      %add3A_269 = arith.addi %rem3A_260, %select_n3A_259 : i32
      %select_n3A_270 = arith.select %and3A_268, %add3A_269, %rem3A_260 : i32
      %mul3A_271 = arith.constant 4 : i32
      %mul3A_272 = arith.muli %add3A, %mul3A_271 : i32
      %mul3A_273 = arith.constant 2 : i32
      %mul3A_274 = arith.muli %select_n3A_270, %mul3A_273 : i32
      %add3A_275 = arith.addi %mul3A_272, %mul3A_274 : i32
      %add3A_276 = arith.constant 0 : i32
      %add3A_277 = arith.addi %add3A_275, %add3A_276 : i32
      %dma_start3A_278 = arith.constant 0 : i32
      %dma_start3A_279 = arith.constant 0 : i32
      %dma_start3A_280 = arith.constant 0 : i32
      %dma_start3A_281 = arith.constant 0 : i32
      %dma_start3A_282 = tpu.memref_slice %arg8[%dma_start3A_278, %dma_start3A_279, %dma_start3A_280, %dma_start3A_281] : memref<2x8x8x129xf32, #tpu.memory_space<vmem>> -> memref<1x8x8x128xf32, #tpu.memory_space<vmem>>
      %dma_start3A_283 = tpu.memref_squeeze %dma_start3A_282 : memref<1x8x8x128xf32, #tpu.memory_space<vmem>> -> memref<8x8x128xf32, #tpu.memory_space<vmem>>
      %dma_start3A_284 = arith.constant 0 : i32
      %dma_start3A_285 = arith.constant 0 : i32
      %dma_start3A_286 = arith.constant 0 : i32
      %dma_start3A_287 = tpu.memref_slice %arg4[%select_n3A_254, %dma_start3A_284, %add3A_277, %dma_start3A_285, %dma_start3A_286] : memref<50x8x128x8x128xf32, #tpu.memory_space<hbm>> -> memref<1x8x1x8x128xf32, #tpu.memory_space<hbm>>
      %dma_start3A_288 = tpu.memref_squeeze %dma_start3A_287 : memref<1x8x1x8x128xf32, #tpu.memory_space<hbm>> -> memref<8x8x128xf32, #tpu.memory_space<hbm>>
      %dma_start3A_289 = arith.constant 0 : i32
      %dma_start3A_290 = arith.constant 0 : i32
      %dma_start3A_291 = arith.constant 0 : i32
      %dma_start3A_292 = tpu.memref_slice %arg4[%select_n3A_254, %dma_start3A_289, %add3A_277, %dma_start3A_290, %dma_start3A_291] : memref<50x8x128x8x128xf32, #tpu.memory_space<hbm>> -> memref<1x8x1x8x128xf32, #tpu.memory_space<hbm>>
      %dma_start3A_293 = tpu.memref_squeeze %dma_start3A_292 : memref<1x8x1x8x128xf32, #tpu.memory_space<hbm>> -> memref<8x8x128xf32, #tpu.memory_space<hbm>>
      %dma_start3A_294 = arith.constant 0 : i32
      %dma_start3A_295 = arith.constant 0 : i32
      %dma_start3A_296 = arith.constant 0 : i32
      %dma_start3A_297 = tpu.memref_slice %arg8[%dma_start3A_278, %dma_start3A_294, %dma_start3A_295, %dma_start3A_296] : memref<2x8x8x129xf32, #tpu.memory_space<vmem>> -> memref<1x8x8x128xf32, #tpu.memory_space<vmem>>
      %dma_start3A_298 = tpu.memref_squeeze %dma_start3A_297 : memref<1x8x8x128xf32, #tpu.memory_space<vmem>> -> memref<8x8x128xf32, #tpu.memory_space<vmem>>
      tpu.enqueue_dma source(%dma_start3A_298 : memref<8x8x128xf32, #tpu.memory_space<vmem>>) target(%dma_start3A_293 : memref<8x8x128xf32, #tpu.memory_space<hbm>>) target_semaphore(%arg12 : memref<!tpu.dma_semaphore, #tpu.memory_space<semaphore_mem>>)
      %mul3A_299 = arith.constant 4 : i32
      %mul3A_300 = arith.muli %add3A, %mul3A_299 : i32
      %mul3A_301 = arith.constant 2 : i32
      %mul3A_302 = arith.muli %select_n3A_270, %mul3A_301 : i32
      %add3A_303 = arith.addi %mul3A_300, %mul3A_302 : i32
      %add3A_304 = arith.constant 1 : i32
      %add3A_305 = arith.addi %add3A_303, %add3A_304 : i32
      %dma_start3A_306 = arith.constant 1 : i32
      %dma_start3A_307 = arith.constant 0 : i32
      %dma_start3A_308 = arith.constant 0 : i32
      %dma_start3A_309 = arith.constant 0 : i32
      %dma_start3A_310 = tpu.memref_slice %arg8[%dma_start3A_306, %dma_start3A_307, %dma_start3A_308, %dma_start3A_309] : memref<2x8x8x129xf32, #tpu.memory_space<vmem>> -> memref<1x8x8x128xf32, #tpu.memory_space<vmem>>
      %dma_start3A_311 = tpu.memref_squeeze %dma_start3A_310 : memref<1x8x8x128xf32, #tpu.memory_space<vmem>> -> memref<8x8x128xf32, #tpu.memory_space<vmem>>
      %dma_start3A_312 = arith.constant 0 : i32
      %dma_start3A_313 = arith.constant 0 : i32
      %dma_start3A_314 = arith.constant 0 : i32
      %dma_start3A_315 = tpu.memref_slice %arg4[%select_n3A_254, %dma_start3A_312, %add3A_305, %dma_start3A_313, %dma_start3A_314] : memref<50x8x128x8x128xf32, #tpu.memory_space<hbm>> -> memref<1x8x1x8x128xf32, #tpu.memory_space<hbm>>
      %dma_start3A_316 = tpu.memref_squeeze %dma_start3A_315 : memref<1x8x1x8x128xf32, #tpu.memory_space<hbm>> -> memref<8x8x128xf32, #tpu.memory_space<hbm>>
      %dma_start3A_317 = arith.constant 0 : i32
      %dma_start3A_318 = arith.constant 0 : i32
      %dma_start3A_319 = arith.constant 0 : i32
      %dma_start3A_320 = tpu.memref_slice %arg4[%select_n3A_254, %dma_start3A_317, %add3A_305, %dma_start3A_318, %dma_start3A_319] : memref<50x8x128x8x128xf32, #tpu.memory_space<hbm>> -> memref<1x8x1x8x128xf32, #tpu.memory_space<hbm>>
      %dma_start3A_321 = tpu.memref_squeeze %dma_start3A_320 : memref<1x8x1x8x128xf32, #tpu.memory_space<hbm>> -> memref<8x8x128xf32, #tpu.memory_space<hbm>>
      %dma_start3A_322 = arith.constant 0 : i32
      %dma_start3A_323 = arith.constant 0 : i32
      %dma_start3A_324 = arith.constant 0 : i32
      %dma_start3A_325 = tpu.memref_slice %arg8[%dma_start3A_306, %dma_start3A_322, %dma_start3A_323, %dma_start3A_324] : memref<2x8x8x129xf32, #tpu.memory_space<vmem>> -> memref<1x8x8x128xf32, #tpu.memory_space<vmem>>
      %dma_start3A_326 = tpu.memref_squeeze %dma_start3A_325 : memref<1x8x8x128xf32, #tpu.memory_space<vmem>> -> memref<8x8x128xf32, #tpu.memory_space<vmem>>
      tpu.enqueue_dma source(%dma_start3A_326 : memref<8x8x128xf32, #tpu.memory_space<vmem>>) target(%dma_start3A_321 : memref<8x8x128xf32, #tpu.memory_space<hbm>>) target_semaphore(%arg12 : memref<!tpu.dma_semaphore, #tpu.memory_space<semaphore_mem>>)
      %add3A_327 = arith.constant 2 : i32
      %add3A_328 = arith.addi %add3A_179, %add3A_327 : i32
      %lt3A_329 = arith.constant 100 : i32
      %lt3A_330 = arith.cmpi slt, %add3A_328, %lt3A_329 : i32
      %convert_element_type3A_331 = arith.extui %lt3A_330 : i1 to i32
      %cond3A_332 = arith.constant 0 : i32
      %cond3A_333 = arith.cmpi ne, %convert_element_type3A_331, %cond3A_332 : i32
      scf.if %cond3A_333 {
        %add3A_496 = arith.constant 2 : i32
        %add3A_497 = arith.addi %add3A_179, %add3A_496 : i32
        %jit3A_498 = arith.constant 2 : i32
        %div3A_499 = arith.divsi %add3A_497, %jit3A_498 : i32
        %sign3A_500 = arith.constant 0 : i32
        %sign3A_501 = arith.cmpi sgt, %add3A_497, %sign3A_500 : i32
        %sign3A_502 = arith.extui %sign3A_501 : i1 to i32
        %sign3A_503 = arith.constant 0 : i32
        %sign3A_504 = arith.cmpi slt, %add3A_497, %sign3A_503 : i32
        %sign3A_505 = arith.extui %sign3A_504 : i1 to i32
        %sign3A_506 = arith.subi %sign3A_502, %sign3A_505 : i32
        %sign3A_507 = arith.constant 0 : i32
        %sign3A_508 = arith.cmpi sgt, %jit3A_498, %sign3A_507 : i32
        %sign3A_509 = arith.extui %sign3A_508 : i1 to i32
        %sign3A_510 = arith.constant 0 : i32
        %sign3A_511 = arith.cmpi slt, %jit3A_498, %sign3A_510 : i32
        %sign3A_512 = arith.extui %sign3A_511 : i1 to i32
        %sign3A_513 = arith.subi %sign3A_509, %sign3A_512 : i32
        %ne3A_514 = arith.cmpi ne, %sign3A_506, %sign3A_513 : i32
        %rem3A_515 = arith.remsi %add3A_497, %jit3A_498 : i32
        %ne3A_516 = arith.constant 0 : i32
        %ne3A_517 = arith.cmpi ne, %rem3A_515, %ne3A_516 : i32
        %and3A_518 = arith.andi %ne3A_514, %ne3A_517 : i1
        %sub3A_519 = arith.constant 1 : i32
        %sub3A_520 = arith.subi %div3A_499, %sub3A_519 : i32
        %select_n3A_521 = arith.select %and3A_518, %sub3A_520, %div3A_499 : i32
        %jit3A_522 = arith.constant 2 : i32
        %eq3A_523 = arith.constant 0 : i32
        %eq3A_524 = arith.cmpi eq, %jit3A_522, %eq3A_523 : i32
        %jit3A_525 = arith.constant 1 : i32
        %select_n3A_526 = arith.select %eq3A_524, %jit3A_525, %jit3A_522 : i32
        %rem3A_527 = arith.remsi %add3A_497, %select_n3A_526 : i32
        %ne3A_528 = arith.constant 0 : i32
        %ne3A_529 = arith.cmpi ne, %rem3A_527, %ne3A_528 : i32
        %lt3A_530 = arith.constant 0 : i32
        %lt3A_531 = arith.cmpi slt, %rem3A_527, %lt3A_530 : i32
        %lt3A_532 = arith.constant 0 : i32
        %lt3A_533 = arith.cmpi slt, %select_n3A_526, %lt3A_532 : i32
        %ne3A_534 = arith.xori %lt3A_531, %lt3A_533 : i1
        %and3A_535 = arith.andi %ne3A_534, %ne3A_529 : i1
        %add3A_536 = arith.addi %rem3A_527, %select_n3A_526 : i32
        %select_n3A_537 = arith.select %and3A_535, %add3A_536, %rem3A_527 : i32
        %mul3A_538 = arith.constant 256 : i32
        %mul3A_539 = arith.muli %select_n3A_537, %mul3A_538 : i32
        %dma_start3A_540 = tpu.memref_slice %arg5[%select_n3A_521, %mul3A_539] : memref<50x512xi32, #tpu.memory_space<vmem>> -> memref<1x256xi32, #tpu.memory_space<vmem>>
        %dma_start3A_541 = tpu.memref_squeeze %dma_start3A_540 : memref<1x256xi32, #tpu.memory_space<vmem>> -> memref<256xi32, #tpu.memory_space<vmem>>
        %dma_start3A_542 = arith.constant 0 : i32
        %dma_start3A_543 = arith.constant 0 : i32
        %dma_start3A_544 = tpu.memref_slice %arg3[%dma_start3A_542, %dma_start3A_543] : memref<1000000x128xf32, #tpu.memory_space<hbm>> -> memref<1000000x128xf32, #tpu.memory_space<hbm>>
        tpu.enqueue_indirect_dma source(%dma_start3A_544 : memref<1000000x128xf32, #tpu.memory_space<hbm>>) target(%arg6 : memref<256x128xf32, #tpu.memory_space<vmem>>) offsets(%dma_start3A_541 : memref<256xi32, #tpu.memory_space<vmem>>) semaphore(%arg10 : memref<!tpu.dma_semaphore, #tpu.memory_space<semaphore_mem>>)
      } else {
      }
      %mul3A_334 = arith.constant 2 : i32
      %mul3A_335 = arith.muli %mul3A_334, %scan3A_175 : i32
      %add3A_336 = arith.constant 1 : i32
      %add3A_337 = arith.addi %mul3A_335, %add3A_336 : i32
      %jit3A_338 = arith.constant 2 : i32
      %div3A_339 = arith.divsi %add3A_337, %jit3A_338 : i32
      %sign3A_340 = arith.constant 0 : i32
      %sign3A_341 = arith.cmpi sgt, %add3A_337, %sign3A_340 : i32
      %sign3A_342 = arith.extui %sign3A_341 : i1 to i32
      %sign3A_343 = arith.constant 0 : i32
      %sign3A_344 = arith.cmpi slt, %add3A_337, %sign3A_343 : i32
      %sign3A_345 = arith.extui %sign3A_344 : i1 to i32
      %sign3A_346 = arith.subi %sign3A_342, %sign3A_345 : i32
      %sign3A_347 = arith.constant 0 : i32
      %sign3A_348 = arith.cmpi sgt, %jit3A_338, %sign3A_347 : i32
      %sign3A_349 = arith.extui %sign3A_348 : i1 to i32
      %sign3A_350 = arith.constant 0 : i32
      %sign3A_351 = arith.cmpi slt, %jit3A_338, %sign3A_350 : i32
      %sign3A_352 = arith.extui %sign3A_351 : i1 to i32
      %sign3A_353 = arith.subi %sign3A_349, %sign3A_352 : i32
      %ne3A_354 = arith.cmpi ne, %sign3A_346, %sign3A_353 : i32
      %rem3A_355 = arith.remsi %add3A_337, %jit3A_338 : i32
      %ne3A_356 = arith.constant 0 : i32
      %ne3A_357 = arith.cmpi ne, %rem3A_355, %ne3A_356 : i32
      %and3A_358 = arith.andi %ne3A_354, %ne3A_357 : i1
      %sub3A_359 = arith.constant 1 : i32
      %sub3A_360 = arith.subi %div3A_339, %sub3A_359 : i32
      %select_n3A_361 = arith.select %and3A_358, %sub3A_360, %div3A_339 : i32
      %jit3A_362 = arith.constant 2 : i32
      %eq3A_363 = arith.constant 0 : i32
      %eq3A_364 = arith.cmpi eq, %jit3A_362, %eq3A_363 : i32
      %jit3A_365 = arith.constant 1 : i32
      %select_n3A_366 = arith.select %eq3A_364, %jit3A_365, %jit3A_362 : i32
      %rem3A_367 = arith.remsi %add3A_337, %select_n3A_366 : i32
      %ne3A_368 = arith.constant 0 : i32
      %ne3A_369 = arith.cmpi ne, %rem3A_367, %ne3A_368 : i32
      %lt3A_370 = arith.constant 0 : i32
      %lt3A_371 = arith.cmpi slt, %rem3A_367, %lt3A_370 : i32
      %lt3A_372 = arith.constant 0 : i32
      %lt3A_373 = arith.cmpi slt, %select_n3A_366, %lt3A_372 : i32
      %ne3A_374 = arith.xori %lt3A_371, %lt3A_373 : i1
      %and3A_375 = arith.andi %ne3A_374, %ne3A_369 : i1
      %add3A_376 = arith.addi %rem3A_367, %select_n3A_366 : i32
      %select_n3A_377 = arith.select %and3A_375, %add3A_376, %rem3A_367 : i32
      %mul3A_378 = arith.constant 256 : i32
      %mul3A_379 = arith.muli %select_n3A_377, %mul3A_378 : i32
      %dma_wait3A_380 = tpu.memref_slice %arg5[%select_n3A_361, %mul3A_379] : memref<50x512xi32, #tpu.memory_space<vmem>> -> memref<1x256xi32, #tpu.memory_space<vmem>>
      %dma_wait3A_381 = tpu.memref_squeeze %dma_wait3A_380 : memref<1x256xi32, #tpu.memory_space<vmem>> -> memref<256xi32, #tpu.memory_space<vmem>>
      %dma_wait3A_382 = arith.constant 0 : i32
      %dma_wait3A_383 = arith.constant 0 : i32
      %dma_wait3A_384 = tpu.memref_slice %arg3[%dma_wait3A_382, %dma_wait3A_383] : memref<1000000x128xf32, #tpu.memory_space<hbm>> -> memref<1000000x128xf32, #tpu.memory_space<hbm>>
      tpu.wait_indirect_dma semaphore(%arg11 : memref<!tpu.dma_semaphore, #tpu.memory_space<semaphore_mem>>) src(%dma_wait3A_384 : memref<1000000x128xf32, #tpu.memory_space<hbm>>) dst(%arg7 : memref<256x128xf32, #tpu.memory_space<vmem>>)
      %ge3A_385 = arith.constant 2 : i32
      %ge3A_386 = arith.cmpi sge, %add3A_337, %ge3A_385 : i32
      %convert_element_type3A_387 = arith.extui %ge3A_386 : i1 to i32
      %cond3A_388 = arith.constant 0 : i32
      %cond3A_389 = arith.cmpi ne, %convert_element_type3A_387, %cond3A_388 : i32
      scf.if %cond3A_389 {
        %sub3A_496 = arith.constant 2 : i32
        %sub3A_497 = arith.subi %add3A_337, %sub3A_496 : i32
        %jit3A_498 = arith.constant 2 : i32
        %div3A_499 = arith.divsi %sub3A_497, %jit3A_498 : i32
        %sign3A_500 = arith.constant 0 : i32
        %sign3A_501 = arith.cmpi sgt, %sub3A_497, %sign3A_500 : i32
        %sign3A_502 = arith.extui %sign3A_501 : i1 to i32
        %sign3A_503 = arith.constant 0 : i32
        %sign3A_504 = arith.cmpi slt, %sub3A_497, %sign3A_503 : i32
        %sign3A_505 = arith.extui %sign3A_504 : i1 to i32
        %sign3A_506 = arith.subi %sign3A_502, %sign3A_505 : i32
        %sign3A_507 = arith.constant 0 : i32
        %sign3A_508 = arith.cmpi sgt, %jit3A_498, %sign3A_507 : i32
        %sign3A_509 = arith.extui %sign3A_508 : i1 to i32
        %sign3A_510 = arith.constant 0 : i32
        %sign3A_511 = arith.cmpi slt, %jit3A_498, %sign3A_510 : i32
        %sign3A_512 = arith.extui %sign3A_511 : i1 to i32
        %sign3A_513 = arith.subi %sign3A_509, %sign3A_512 : i32
        %ne3A_514 = arith.cmpi ne, %sign3A_506, %sign3A_513 : i32
        %rem3A_515 = arith.remsi %sub3A_497, %jit3A_498 : i32
        %ne3A_516 = arith.constant 0 : i32
        %ne3A_517 = arith.cmpi ne, %rem3A_515, %ne3A_516 : i32
        %and3A_518 = arith.andi %ne3A_514, %ne3A_517 : i1
        %sub3A_519 = arith.constant 1 : i32
        %sub3A_520 = arith.subi %div3A_499, %sub3A_519 : i32
        %select_n3A_521 = arith.select %and3A_518, %sub3A_520, %div3A_499 : i32
        %jit3A_522 = arith.constant 2 : i32
        %eq3A_523 = arith.constant 0 : i32
        %eq3A_524 = arith.cmpi eq, %jit3A_522, %eq3A_523 : i32
        %jit3A_525 = arith.constant 1 : i32
        %select_n3A_526 = arith.select %eq3A_524, %jit3A_525, %jit3A_522 : i32
        %rem3A_527 = arith.remsi %sub3A_497, %select_n3A_526 : i32
        %ne3A_528 = arith.constant 0 : i32
        %ne3A_529 = arith.cmpi ne, %rem3A_527, %ne3A_528 : i32
        %lt3A_530 = arith.constant 0 : i32
        %lt3A_531 = arith.cmpi slt, %rem3A_527, %lt3A_530 : i32
        %lt3A_532 = arith.constant 0 : i32
        %lt3A_533 = arith.cmpi slt, %select_n3A_526, %lt3A_532 : i32
        %ne3A_534 = arith.xori %lt3A_531, %lt3A_533 : i1
        %and3A_535 = arith.andi %ne3A_534, %ne3A_529 : i1
        %add3A_536 = arith.addi %rem3A_527, %select_n3A_526 : i32
        %select_n3A_537 = arith.select %and3A_535, %add3A_536, %rem3A_527 : i32
        %mul3A_538 = arith.constant 4 : i32
        %mul3A_539 = arith.muli %add3A, %mul3A_538 : i32
        %mul3A_540 = arith.constant 2 : i32
        %mul3A_541 = arith.muli %select_n3A_537, %mul3A_540 : i32
        %add3A_542 = arith.addi %mul3A_539, %mul3A_541 : i32
        %add3A_543 = arith.constant 0 : i32
        %add3A_544 = arith.addi %add3A_542, %add3A_543 : i32
        %dma_wait3A_545 = arith.constant 0 : i32
        %dma_wait3A_546 = arith.constant 0 : i32
        %dma_wait3A_547 = arith.constant 0 : i32
        %dma_wait3A_548 = arith.constant 0 : i32
        %dma_wait3A_549 = tpu.memref_slice %arg9[%dma_wait3A_545, %dma_wait3A_546, %dma_wait3A_547, %dma_wait3A_548] : memref<2x8x8x129xf32, #tpu.memory_space<vmem>> -> memref<1x8x8x128xf32, #tpu.memory_space<vmem>>
        %dma_wait3A_550 = tpu.memref_squeeze %dma_wait3A_549 : memref<1x8x8x128xf32, #tpu.memory_space<vmem>> -> memref<8x8x128xf32, #tpu.memory_space<vmem>>
        %dma_wait3A_551 = arith.constant 0 : i32
        %dma_wait3A_552 = arith.constant 0 : i32
        %dma_wait3A_553 = arith.constant 0 : i32
        %dma_wait3A_554 = tpu.memref_slice %arg4[%select_n3A_521, %dma_wait3A_551, %add3A_544, %dma_wait3A_552, %dma_wait3A_553] : memref<50x8x128x8x128xf32, #tpu.memory_space<hbm>> -> memref<1x8x1x8x128xf32, #tpu.memory_space<hbm>>
        %dma_wait3A_555 = tpu.memref_squeeze %dma_wait3A_554 : memref<1x8x1x8x128xf32, #tpu.memory_space<hbm>> -> memref<8x8x128xf32, #tpu.memory_space<hbm>>
        %dma_wait3A_556 = arith.constant 0 : i32
        %dma_wait3A_557 = arith.constant 0 : i32
        %dma_wait3A_558 = arith.constant 0 : i32
        %dma_wait3A_559 = tpu.memref_slice %arg4[%select_n3A_521, %dma_wait3A_556, %add3A_544, %dma_wait3A_557, %dma_wait3A_558] : memref<50x8x128x8x128xf32, #tpu.memory_space<hbm>> -> memref<1x8x1x8x128xf32, #tpu.memory_space<hbm>>
        %dma_wait3A_560 = tpu.memref_squeeze %dma_wait3A_559 : memref<1x8x1x8x128xf32, #tpu.memory_space<hbm>> -> memref<8x8x128xf32, #tpu.memory_space<hbm>>
        %dma_wait3A_561 = arith.constant 0 : i32
        %dma_wait3A_562 = arith.constant 0 : i32
        %dma_wait3A_563 = arith.constant 0 : i32
        %dma_wait3A_564 = tpu.memref_slice %arg9[%dma_wait3A_545, %dma_wait3A_561, %dma_wait3A_562, %dma_wait3A_563] : memref<2x8x8x129xf32, #tpu.memory_space<vmem>> -> memref<1x8x8x128xf32, #tpu.memory_space<vmem>>
        %dma_wait3A_565 = tpu.memref_squeeze %dma_wait3A_564 : memref<1x8x8x128xf32, #tpu.memory_space<vmem>> -> memref<8x8x128xf32, #tpu.memory_space<vmem>>
        tpu.wait_dma2 semaphore(%arg13 : memref<!tpu.dma_semaphore, #tpu.memory_space<semaphore_mem>>) src(%dma_wait3A_565 : memref<8x8x128xf32, #tpu.memory_space<vmem>>) dst(%dma_wait3A_560 : memref<8x8x128xf32, #tpu.memory_space<hbm>>)
        %mul3A_566 = arith.constant 4 : i32
        %mul3A_567 = arith.muli %add3A, %mul3A_566 : i32
        %mul3A_568 = arith.constant 2 : i32
        %mul3A_569 = arith.muli %select_n3A_537, %mul3A_568 : i32
        %add3A_570 = arith.addi %mul3A_567, %mul3A_569 : i32
        %add3A_571 = arith.constant 1 : i32
        %add3A_572 = arith.addi %add3A_570, %add3A_571 : i32
        %dma_wait3A_573 = arith.constant 1 : i32
        %dma_wait3A_574 = arith.constant 0 : i32
        %dma_wait3A_575 = arith.constant 0 : i32
        %dma_wait3A_576 = arith.constant 0 : i32
        %dma_wait3A_577 = tpu.memref_slice %arg9[%dma_wait3A_573, %dma_wait3A_574, %dma_wait3A_575, %dma_wait3A_576] : memref<2x8x8x129xf32, #tpu.memory_space<vmem>> -> memref<1x8x8x128xf32, #tpu.memory_space<vmem>>
        %dma_wait3A_578 = tpu.memref_squeeze %dma_wait3A_577 : memref<1x8x8x128xf32, #tpu.memory_space<vmem>> -> memref<8x8x128xf32, #tpu.memory_space<vmem>>
        %dma_wait3A_579 = arith.constant 0 : i32
        %dma_wait3A_580 = arith.constant 0 : i32
        %dma_wait3A_581 = arith.constant 0 : i32
        %dma_wait3A_582 = tpu.memref_slice %arg4[%select_n3A_521, %dma_wait3A_579, %add3A_572, %dma_wait3A_580, %dma_wait3A_581] : memref<50x8x128x8x128xf32, #tpu.memory_space<hbm>> -> memref<1x8x1x8x128xf32, #tpu.memory_space<hbm>>
        %dma_wait3A_583 = tpu.memref_squeeze %dma_wait3A_582 : memref<1x8x1x8x128xf32, #tpu.memory_space<hbm>> -> memref<8x8x128xf32, #tpu.memory_space<hbm>>
        %dma_wait3A_584 = arith.constant 0 : i32
        %dma_wait3A_585 = arith.constant 0 : i32
        %dma_wait3A_586 = arith.constant 0 : i32
        %dma_wait3A_587 = tpu.memref_slice %arg4[%select_n3A_521, %dma_wait3A_584, %add3A_572, %dma_wait3A_585, %dma_wait3A_586] : memref<50x8x128x8x128xf32, #tpu.memory_space<hbm>> -> memref<1x8x1x8x128xf32, #tpu.memory_space<hbm>>
        %dma_wait3A_588 = tpu.memref_squeeze %dma_wait3A_587 : memref<1x8x1x8x128xf32, #tpu.memory_space<hbm>> -> memref<8x8x128xf32, #tpu.memory_space<hbm>>
        %dma_wait3A_589 = arith.constant 0 : i32
        %dma_wait3A_590 = arith.constant 0 : i32
        %dma_wait3A_591 = arith.constant 0 : i32
        %dma_wait3A_592 = tpu.memref_slice %arg9[%dma_wait3A_573, %dma_wait3A_589, %dma_wait3A_590, %dma_wait3A_591] : memref<2x8x8x129xf32, #tpu.memory_space<vmem>> -> memref<1x8x8x128xf32, #tpu.memory_space<vmem>>
        %dma_wait3A_593 = tpu.memref_squeeze %dma_wait3A_592 : memref<1x8x8x128xf32, #tpu.memory_space<vmem>> -> memref<8x8x128xf32, #tpu.memory_space<vmem>>
        tpu.wait_dma2 semaphore(%arg13 : memref<!tpu.dma_semaphore, #tpu.memory_space<semaphore_mem>>) src(%dma_wait3A_593 : memref<8x8x128xf32, #tpu.memory_space<vmem>>) dst(%dma_wait3A_588 : memref<8x8x128xf32, #tpu.memory_space<hbm>>)
      } else {
      }
      %parallel_loop3A_390 = arith.constant 0 : i32
      %parallel_loop3A_391 = arith.constant 16 : i32
      %parallel_loop3A_392 = arith.constant 1 : i32
      scf.for %parallel_loop3A_496 = %parallel_loop3A_390 to %parallel_loop3A_391 step %parallel_loop3A_392  : i32 {
        %parallel_loop3A_497 = arith.constant 8 : i32
        %parallel_loop3A_498 = arith.divsi %parallel_loop3A_496, %parallel_loop3A_497 : i32
        %parallel_loop3A_499 = arith.constant 0 : i32
        %parallel_loop3A_500 = arith.cmpi sgt, %parallel_loop3A_496, %parallel_loop3A_499 : i32
        %parallel_loop3A_501 = arith.extui %parallel_loop3A_500 : i1 to i32
        %parallel_loop3A_502 = arith.constant 0 : i32
        %parallel_loop3A_503 = arith.cmpi slt, %parallel_loop3A_496, %parallel_loop3A_502 : i32
        %parallel_loop3A_504 = arith.extui %parallel_loop3A_503 : i1 to i32
        %parallel_loop3A_505 = arith.subi %parallel_loop3A_501, %parallel_loop3A_504 : i32
        %parallel_loop3A_506 = arith.constant 0 : i32
        %parallel_loop3A_507 = arith.cmpi sgt, %parallel_loop3A_497, %parallel_loop3A_506 : i32
        %parallel_loop3A_508 = arith.extui %parallel_loop3A_507 : i1 to i32
        %parallel_loop3A_509 = arith.constant 0 : i32
        %parallel_loop3A_510 = arith.cmpi slt, %parallel_loop3A_497, %parallel_loop3A_509 : i32
        %parallel_loop3A_511 = arith.extui %parallel_loop3A_510 : i1 to i32
        %parallel_loop3A_512 = arith.subi %parallel_loop3A_508, %parallel_loop3A_511 : i32
        %parallel_loop3A_513 = arith.cmpi ne, %parallel_loop3A_505, %parallel_loop3A_512 : i32
        %parallel_loop3A_514 = arith.remsi %parallel_loop3A_496, %parallel_loop3A_497 : i32
        %parallel_loop3A_515 = arith.constant 0 : i32
        %parallel_loop3A_516 = arith.cmpi ne, %parallel_loop3A_514, %parallel_loop3A_515 : i32
        %parallel_loop3A_517 = arith.andi %parallel_loop3A_513, %parallel_loop3A_516 : i1
        %parallel_loop3A_518 = arith.constant 1 : i32
        %parallel_loop3A_519 = arith.subi %parallel_loop3A_498, %parallel_loop3A_518 : i32
        %parallel_loop3A_520 = arith.select %parallel_loop3A_517, %parallel_loop3A_519, %parallel_loop3A_498 : i32
        %parallel_loop3A_521 = vector.broadcast %parallel_loop3A_520 : i32 to vector<16xi32>
        %parallel_loop3A_522 = arith.constant 16 : i32
        %parallel_loop3A_523 = arith.muli %parallel_loop3A_496, %parallel_loop3A_522 : i32
        %parallel_loop3A_524 = arith.constant 0 : i32
        %parallel_loop3A_525 = arith.addi %parallel_loop3A_523, %parallel_loop3A_524 : i32
        %parallel_loop3A_526 = arith.constant 8 : i32
        %parallel_loop3A_527 = arith.constant 0 : i32
        %parallel_loop3A_528 = arith.cmpi eq, %parallel_loop3A_526, %parallel_loop3A_527 : i32
        %parallel_loop3A_529 = arith.constant 1 : i32
        %parallel_loop3A_530 = arith.select %parallel_loop3A_528, %parallel_loop3A_529, %parallel_loop3A_526 : i32
        %parallel_loop3A_531 = arith.remsi %parallel_loop3A_496, %parallel_loop3A_530 : i32
        %parallel_loop3A_532 = arith.constant 0 : i32
        %parallel_loop3A_533 = arith.cmpi ne, %parallel_loop3A_531, %parallel_loop3A_532 : i32
        %parallel_loop3A_534 = arith.constant 0 : i32
        %parallel_loop3A_535 = arith.cmpi slt, %parallel_loop3A_531, %parallel_loop3A_534 : i32
        %parallel_loop3A_536 = arith.constant 0 : i32
        %parallel_loop3A_537 = arith.cmpi slt, %parallel_loop3A_530, %parallel_loop3A_536 : i32
        %parallel_loop3A_538 = arith.xori %parallel_loop3A_535, %parallel_loop3A_537 : i1
        %parallel_loop3A_539 = arith.andi %parallel_loop3A_538, %parallel_loop3A_533 : i1
        %parallel_loop3A_540 = arith.addi %parallel_loop3A_531, %parallel_loop3A_530 : i32
        %parallel_loop3A_541 = arith.select %parallel_loop3A_539, %parallel_loop3A_540, %parallel_loop3A_531 : i32
        %parallel_loop3A_542 = arith.constant 16 : i32
        %parallel_loop3A_543 = arith.muli %parallel_loop3A_541, %parallel_loop3A_542 : i32
        %parallel_loop3A_544 = arith.constant 0 : i32
        %parallel_loop3A_545 = arith.addi %parallel_loop3A_543, %parallel_loop3A_544 : i32
        %parallel_loop3A_546 = vector.broadcast %parallel_loop3A_545 : i32 to vector<16xi32>
        %parallel_loop3A_547 = arith.index_cast %parallel_loop3A_525 : i32 to index
        %parallel_loop3A_548 = arith.constant 0 : index
        %parallel_loop3A_549 = tpu.vector_load %arg7[%parallel_loop3A_547, %parallel_loop3A_548] {strides = array<i32>} : memref<256x128xf32, #tpu.memory_space<vmem>>, vector<16xf32>,
        %parallel_loop3A_550 = arith.constant 0 : i32
        %parallel_loop3A_551 = vector.broadcast %parallel_loop3A_550 : i32 to vector<16xi32>
        %parallel_loop3A_552 = arith.addi %select_n3A, %parallel_loop3A_551 : vector<16xi32>
        tpu.vector_store_idx %arg9[%parallel_loop3A_521, %parallel_loop3A_552, %select_n3A_45, %parallel_loop3A_546], %parallel_loop3A_549 : memref<2x8x8x129xf32, #tpu.memory_space<vmem>>[vector<16xi32>, vector<16xi32>, vector<16xi32>, vector<16xi32>], vector<16xf32>,
        %parallel_loop3A_553 = arith.index_cast %parallel_loop3A_525 : i32 to index
        %parallel_loop3A_554 = arith.constant 16 : index
        %parallel_loop3A_555 = tpu.vector_load %arg7[%parallel_loop3A_553, %parallel_loop3A_554] {strides = array<i32>} : memref<256x128xf32, #tpu.memory_space<vmem>>, vector<16xf32>,
        %parallel_loop3A_556 = arith.constant 2 : i32
        %parallel_loop3A_557 = vector.broadcast %parallel_loop3A_556 : i32 to vector<16xi32>
        %parallel_loop3A_558 = arith.addi %select_n3A, %parallel_loop3A_557 : vector<16xi32>
        tpu.vector_store_idx %arg9[%parallel_loop3A_521, %parallel_loop3A_558, %select_n3A_45, %parallel_loop3A_546], %parallel_loop3A_555 : memref<2x8x8x129xf32, #tpu.memory_space<vmem>>[vector<16xi32>, vector<16xi32>, vector<16xi32>, vector<16xi32>], vector<16xf32>,
        %parallel_loop3A_559 = arith.index_cast %parallel_loop3A_525 : i32 to index
        %parallel_loop3A_560 = arith.constant 32 : index
        %parallel_loop3A_561 = tpu.vector_load %arg7[%parallel_loop3A_559, %parallel_loop3A_560] {strides = array<i32>} : memref<256x128xf32, #tpu.memory_space<vmem>>, vector<16xf32>,
        %parallel_loop3A_562 = arith.constant 4 : i32
        %parallel_loop3A_563 = vector.broadcast %parallel_loop3A_562 : i32 to vector<16xi32>
        %parallel_loop3A_564 = arith.addi %select_n3A, %parallel_loop3A_563 : vector<16xi32>
        tpu.vector_store_idx %arg9[%parallel_loop3A_521, %parallel_loop3A_564, %select_n3A_45, %parallel_loop3A_546], %parallel_loop3A_561 : memref<2x8x8x129xf32, #tpu.memory_space<vmem>>[vector<16xi32>, vector<16xi32>, vector<16xi32>, vector<16xi32>], vector<16xf32>,
        %parallel_loop3A_565 = arith.index_cast %parallel_loop3A_525 : i32 to index
        %parallel_loop3A_566 = arith.constant 48 : index
        %parallel_loop3A_567 = tpu.vector_load %arg7[%parallel_loop3A_565, %parallel_loop3A_566] {strides = array<i32>} : memref<256x128xf32, #tpu.memory_space<vmem>>, vector<16xf32>,
        %parallel_loop3A_568 = arith.constant 6 : i32
        %parallel_loop3A_569 = vector.broadcast %parallel_loop3A_568 : i32 to vector<16xi32>
        %parallel_loop3A_570 = arith.addi %select_n3A, %parallel_loop3A_569 : vector<16xi32>
        tpu.vector_store_idx %arg9[%parallel_loop3A_521, %parallel_loop3A_570, %select_n3A_45, %parallel_loop3A_546], %parallel_loop3A_567 : memref<2x8x8x129xf32, #tpu.memory_space<vmem>>[vector<16xi32>, vector<16xi32>, vector<16xi32>, vector<16xi32>], vector<16xf32>,
        %parallel_loop3A_571 = arith.constant 16 : i32
        %parallel_loop3A_572 = arith.muli %parallel_loop3A_496, %parallel_loop3A_571 : i32
        %parallel_loop3A_573 = arith.constant 1 : i32
        %parallel_loop3A_574 = arith.addi %parallel_loop3A_572, %parallel_loop3A_573 : i32
        %parallel_loop3A_575 = arith.constant 8 : i32
        %parallel_loop3A_576 = arith.constant 0 : i32
        %parallel_loop3A_577 = arith.cmpi eq, %parallel_loop3A_575, %parallel_loop3A_576 : i32
        %parallel_loop3A_578 = arith.constant 1 : i32
        %parallel_loop3A_579 = arith.select %parallel_loop3A_577, %parallel_loop3A_578, %parallel_loop3A_575 : i32
        %parallel_loop3A_580 = arith.remsi %parallel_loop3A_496, %parallel_loop3A_579 : i32
        %parallel_loop3A_581 = arith.constant 0 : i32
        %parallel_loop3A_582 = arith.cmpi ne, %parallel_loop3A_580, %parallel_loop3A_581 : i32
        %parallel_loop3A_583 = arith.constant 0 : i32
        %parallel_loop3A_584 = arith.cmpi slt, %parallel_loop3A_580, %parallel_loop3A_583 : i32
        %parallel_loop3A_585 = arith.constant 0 : i32
        %parallel_loop3A_586 = arith.cmpi slt, %parallel_loop3A_579, %parallel_loop3A_585 : i32
        %parallel_loop3A_587 = arith.xori %parallel_loop3A_584, %parallel_loop3A_586 : i1
        %parallel_loop3A_588 = arith.andi %parallel_loop3A_587, %parallel_loop3A_582 : i1
        %parallel_loop3A_589 = arith.addi %parallel_loop3A_580, %parallel_loop3A_579 : i32
        %parallel_loop3A_590 = arith.select %parallel_loop3A_588, %parallel_loop3A_589, %parallel_loop3A_580 : i32
        %parallel_loop3A_591 = arith.constant 16 : i32
        %parallel_loop3A_592 = arith.muli %parallel_loop3A_590, %parallel_loop3A_591 : i32
        %parallel_loop3A_593 = arith.constant 1 : i32
        %parallel_loop3A_594 = arith.addi %parallel_loop3A_592, %parallel_loop3A_593 : i32
        %parallel_loop3A_595 = vector.broadcast %parallel_loop3A_594 : i32 to vector<16xi32>
        %parallel_loop3A_596 = arith.index_cast %parallel_loop3A_574 : i32 to index
        %parallel_loop3A_597 = arith.constant 0 : index
        %parallel_loop3A_598 = tpu.vector_load %arg7[%parallel_loop3A_596, %parallel_loop3A_597] {strides = array<i32>} : memref<256x128xf32, #tpu.memory_space<vmem>>, vector<16xf32>,
        %parallel_loop3A_599 = arith.constant 0 : i32
        %parallel_loop3A_600 = vector.broadcast %parallel_loop3A_599 : i32 to vector<16xi32>
        %parallel_loop3A_601 = arith.addi %select_n3A, %parallel_loop3A_600 : vector<16xi32>
        tpu.vector_store_idx %arg9[%parallel_loop3A_521, %parallel_loop3A_601, %select_n3A_45, %parallel_loop3A_595], %parallel_loop3A_598 : memref<2x8x8x129xf32, #tpu.memory_space<vmem>>[vector<16xi32>, vector<16xi32>, vector<16xi32>, vector<16xi32>], vector<16xf32>,
        %parallel_loop3A_602 = arith.index_cast %parallel_loop3A_574 : i32 to index
        %parallel_loop3A_603 = arith.constant 16 : index
        %parallel_loop3A_604 = tpu.vector_load %arg7[%parallel_loop3A_602, %parallel_loop3A_603] {strides = array<i32>} : memref<256x128xf32, #tpu.memory_space<vmem>>, vector<16xf32>,
        %parallel_loop3A_605 = arith.constant 2 : i32
        %parallel_loop3A_606 = vector.broadcast %parallel_loop3A_605 : i32 to vector<16xi32>
        %parallel_loop3A_607 = arith.addi %select_n3A, %parallel_loop3A_606 : vector<16xi32>
        tpu.vector_store_idx %arg9[%parallel_loop3A_521, %parallel_loop3A_607, %select_n3A_45, %parallel_loop3A_595], %parallel_loop3A_604 : memref<2x8x8x129xf32, #tpu.memory_space<vmem>>[vector<16xi32>, vector<16xi32>, vector<16xi32>, vector<16xi32>], vector<16xf32>,
        %parallel_loop3A_608 = arith.index_cast %parallel_loop3A_574 : i32 to index
        %parallel_loop3A_609 = arith.constant 32 : index
        %parallel_loop3A_610 = tpu.vector_load %arg7[%parallel_loop3A_608, %parallel_loop3A_609] {strides = array<i32>} : memref<256x128xf32, #tpu.memory_space<vmem>>, vector<16xf32>,
        %parallel_loop3A_611 = arith.constant 4 : i32
        %parallel_loop3A_612 = vector.broadcast %parallel_loop3A_611 : i32 to vector<16xi32>
        %parallel_loop3A_613 = arith.addi %select_n3A, %parallel_loop3A_612 : vector<16xi32>
        tpu.vector_store_idx %arg9[%parallel_loop3A_521, %parallel_loop3A_613, %select_n3A_45, %parallel_loop3A_595], %parallel_loop3A_610 : memref<2x8x8x129xf32, #tpu.memory_space<vmem>>[vector<16xi32>, vector<16xi32>, vector<16xi32>, vector<16xi32>], vector<16xf32>,
        %parallel_loop3A_614 = arith.index_cast %parallel_loop3A_574 : i32 to index
        %parallel_loop3A_615 = arith.constant 48 : index
        %parallel_loop3A_616 = tpu.vector_load %arg7[%parallel_loop3A_614, %parallel_loop3A_615] {strides = array<i32>} : memref<256x128xf32, #tpu.memory_space<vmem>>, vector<16xf32>,
        %parallel_loop3A_617 = arith.constant 6 : i32
        %parallel_loop3A_618 = vector.broadcast %parallel_loop3A_617 : i32 to vector<16xi32>
        %parallel_loop3A_619 = arith.addi %select_n3A, %parallel_loop3A_618 : vector<16xi32>
        tpu.vector_store_idx %arg9[%parallel_loop3A_521, %parallel_loop3A_619, %select_n3A_45, %parallel_loop3A_595], %parallel_loop3A_616 : memref<2x8x8x129xf32, #tpu.memory_space<vmem>>[vector<16xi32>, vector<16xi32>, vector<16xi32>, vector<16xi32>], vector<16xf32>,
        %parallel_loop3A_620 = arith.constant 16 : i32
        %parallel_loop3A_621 = arith.muli %parallel_loop3A_496, %parallel_loop3A_620 : i32
        %parallel_loop3A_622 = arith.constant 2 : i32
        %parallel_loop3A_623 = arith.addi %parallel_loop3A_621, %parallel_loop3A_622 : i32
        %parallel_loop3A_624 = arith.constant 8 : i32
        %parallel_loop3A_625 = arith.constant 0 : i32
        %parallel_loop3A_626 = arith.cmpi eq, %parallel_loop3A_624, %parallel_loop3A_625 : i32
        %parallel_loop3A_627 = arith.constant 1 : i32
        %parallel_loop3A_628 = arith.select %parallel_loop3A_626, %parallel_loop3A_627, %parallel_loop3A_624 : i32
        %parallel_loop3A_629 = arith.remsi %parallel_loop3A_496, %parallel_loop3A_628 : i32
        %parallel_loop3A_630 = arith.constant 0 : i32
        %parallel_loop3A_631 = arith.cmpi ne, %parallel_loop3A_629, %parallel_loop3A_630 : i32
        %parallel_loop3A_632 = arith.constant 0 : i32
        %parallel_loop3A_633 = arith.cmpi slt, %parallel_loop3A_629, %parallel_loop3A_632 : i32
        %parallel_loop3A_634 = arith.constant 0 : i32
        %parallel_loop3A_635 = arith.cmpi slt, %parallel_loop3A_628, %parallel_loop3A_634 : i32
        %parallel_loop3A_636 = arith.xori %parallel_loop3A_633, %parallel_loop3A_635 : i1
        %parallel_loop3A_637 = arith.andi %parallel_loop3A_636, %parallel_loop3A_631 : i1
        %parallel_loop3A_638 = arith.addi %parallel_loop3A_629, %parallel_loop3A_628 : i32
        %parallel_loop3A_639 = arith.select %parallel_loop3A_637, %parallel_loop3A_638, %parallel_loop3A_629 : i32
        %parallel_loop3A_640 = arith.constant 16 : i32
        %parallel_loop3A_641 = arith.muli %parallel_loop3A_639, %parallel_loop3A_640 : i32
        %parallel_loop3A_642 = arith.constant 2 : i32
        %parallel_loop3A_643 = arith.addi %parallel_loop3A_641, %parallel_loop3A_642 : i32
        %parallel_loop3A_644 = vector.broadcast %parallel_loop3A_643 : i32 to vector<16xi32>
        %parallel_loop3A_645 = arith.index_cast %parallel_loop3A_623 : i32 to index
        %parallel_loop3A_646 = arith.constant 0 : index
        %parallel_loop3A_647 = tpu.vector_load %arg7[%parallel_loop3A_645, %parallel_loop3A_646] {strides = array<i32>} : memref<256x128xf32, #tpu.memory_space<vmem>>, vector<16xf32>,
        %parallel_loop3A_648 = arith.constant 0 : i32
        %parallel_loop3A_649 = vector.broadcast %parallel_loop3A_648 : i32 to vector<16xi32>
        %parallel_loop3A_650 = arith.addi %select_n3A, %parallel_loop3A_649 : vector<16xi32>
        tpu.vector_store_idx %arg9[%parallel_loop3A_521, %parallel_loop3A_650, %select_n3A_45, %parallel_loop3A_644], %parallel_loop3A_647 : memref<2x8x8x129xf32, #tpu.memory_space<vmem>>[vector<16xi32>, vector<16xi32>, vector<16xi32>, vector<16xi32>], vector<16xf32>,
        %parallel_loop3A_651 = arith.index_cast %parallel_loop3A_623 : i32 to index
        %parallel_loop3A_652 = arith.constant 16 : index
        %parallel_loop3A_653 = tpu.vector_load %arg7[%parallel_loop3A_651, %parallel_loop3A_652] {strides = array<i32>} : memref<256x128xf32, #tpu.memory_space<vmem>>, vector<16xf32>,
        %parallel_loop3A_654 = arith.constant 2 : i32
        %parallel_loop3A_655 = vector.broadcast %parallel_loop3A_654 : i32 to vector<16xi32>
        %parallel_loop3A_656 = arith.addi %select_n3A, %parallel_loop3A_655 : vector<16xi32>
        tpu.vector_store_idx %arg9[%parallel_loop3A_521, %parallel_loop3A_656, %select_n3A_45, %parallel_loop3A_644], %parallel_loop3A_653 : memref<2x8x8x129xf32, #tpu.memory_space<vmem>>[vector<16xi32>, vector<16xi32>, vector<16xi32>, vector<16xi32>], vector<16xf32>,
        %parallel_loop3A_657 = arith.index_cast %parallel_loop3A_623 : i32 to index
        %parallel_loop3A_658 = arith.constant 32 : index
        %parallel_loop3A_659 = tpu.vector_load %arg7[%parallel_loop3A_657, %parallel_loop3A_658] {strides = array<i32>} : memref<256x128xf32, #tpu.memory_space<vmem>>, vector<16xf32>,
        %parallel_loop3A_660 = arith.constant 4 : i32
        %parallel_loop3A_661 = vector.broadcast %parallel_loop3A_660 : i32 to vector<16xi32>
        %parallel_loop3A_662 = arith.addi %select_n3A, %parallel_loop3A_661 : vector<16xi32>
        tpu.vector_store_idx %arg9[%parallel_loop3A_521, %parallel_loop3A_662, %select_n3A_45, %parallel_loop3A_644], %parallel_loop3A_659 : memref<2x8x8x129xf32, #tpu.memory_space<vmem>>[vector<16xi32>, vector<16xi32>, vector<16xi32>, vector<16xi32>], vector<16xf32>,
        %parallel_loop3A_663 = arith.index_cast %parallel_loop3A_623 : i32 to index
        %parallel_loop3A_664 = arith.constant 48 : index
        %parallel_loop3A_665 = tpu.vector_load %arg7[%parallel_loop3A_663, %parallel_loop3A_664] {strides = array<i32>} : memref<256x128xf32, #tpu.memory_space<vmem>>, vector<16xf32>,
        %parallel_loop3A_666 = arith.constant 6 : i32
        %parallel_loop3A_667 = vector.broadcast %parallel_loop3A_666 : i32 to vector<16xi32>
        %parallel_loop3A_668 = arith.addi %select_n3A, %parallel_loop3A_667 : vector<16xi32>
        tpu.vector_store_idx %arg9[%parallel_loop3A_521, %parallel_loop3A_668, %select_n3A_45, %parallel_loop3A_644], %parallel_loop3A_665 : memref<2x8x8x129xf32, #tpu.memory_space<vmem>>[vector<16xi32>, vector<16xi32>, vector<16xi32>, vector<16xi32>], vector<16xf32>,
        %parallel_loop3A_669 = arith.constant 16 : i32
        %parallel_loop3A_670 = arith.muli %parallel_loop3A_496, %parallel_loop3A_669 : i32
        %parallel_loop3A_671 = arith.constant 3 : i32
        %parallel_loop3A_672 = arith.addi %parallel_loop3A_670, %parallel_loop3A_671 : i32
        %parallel_loop3A_673 = arith.constant 8 : i32
        %parallel_loop3A_674 = arith.constant 0 : i32
        %parallel_loop3A_675 = arith.cmpi eq, %parallel_loop3A_673, %parallel_loop3A_674 : i32
        %parallel_loop3A_676 = arith.constant 1 : i32
        %parallel_loop3A_677 = arith.select %parallel_loop3A_675, %parallel_loop3A_676, %parallel_loop3A_673 : i32
        %parallel_loop3A_678 = arith.remsi %parallel_loop3A_496, %parallel_loop3A_677 : i32
        %parallel_loop3A_679 = arith.constant 0 : i32
        %parallel_loop3A_680 = arith.cmpi ne, %parallel_loop3A_678, %parallel_loop3A_679 : i32
        %parallel_loop3A_681 = arith.constant 0 : i32
        %parallel_loop3A_682 = arith.cmpi slt, %parallel_loop3A_678, %parallel_loop3A_681 : i32
        %parallel_loop3A_683 = arith.constant 0 : i32
        %parallel_loop3A_684 = arith.cmpi slt, %parallel_loop3A_677, %parallel_loop3A_683 : i32
        %parallel_loop3A_685 = arith.xori %parallel_loop3A_682, %parallel_loop3A_684 : i1
        %parallel_loop3A_686 = arith.andi %parallel_loop3A_685, %parallel_loop3A_680 : i1
        %parallel_loop3A_687 = arith.addi %parallel_loop3A_678, %parallel_loop3A_677 : i32
        %parallel_loop3A_688 = arith.select %parallel_loop3A_686, %parallel_loop3A_687, %parallel_loop3A_678 : i32
        %parallel_loop3A_689 = arith.constant 16 : i32
        %parallel_loop3A_690 = arith.muli %parallel_loop3A_688, %parallel_loop3A_689 : i32
        %parallel_loop3A_691 = arith.constant 3 : i32
        %parallel_loop3A_692 = arith.addi %parallel_loop3A_690, %parallel_loop3A_691 : i32
        %parallel_loop3A_693 = vector.broadcast %parallel_loop3A_692 : i32 to vector<16xi32>
        %parallel_loop3A_694 = arith.index_cast %parallel_loop3A_672 : i32 to index
        %parallel_loop3A_695 = arith.constant 0 : index
        %parallel_loop3A_696 = tpu.vector_load %arg7[%parallel_loop3A_694, %parallel_loop3A_695] {strides = array<i32>} : memref<256x128xf32, #tpu.memory_space<vmem>>, vector<16xf32>,
        %parallel_loop3A_697 = arith.constant 0 : i32
        %parallel_loop3A_698 = vector.broadcast %parallel_loop3A_697 : i32 to vector<16xi32>
        %parallel_loop3A_699 = arith.addi %select_n3A, %parallel_loop3A_698 : vector<16xi32>
        tpu.vector_store_idx %arg9[%parallel_loop3A_521, %parallel_loop3A_699, %select_n3A_45, %parallel_loop3A_693], %parallel_loop3A_696 : memref<2x8x8x129xf32, #tpu.memory_space<vmem>>[vector<16xi32>, vector<16xi32>, vector<16xi32>, vector<16xi32>], vector<16xf32>,
        %parallel_loop3A_700 = arith.index_cast %parallel_loop3A_672 : i32 to index
        %parallel_loop3A_701 = arith.constant 16 : index
        %parallel_loop3A_702 = tpu.vector_load %arg7[%parallel_loop3A_700, %parallel_loop3A_701] {strides = array<i32>} : memref<256x128xf32, #tpu.memory_space<vmem>>, vector<16xf32>,
        %parallel_loop3A_703 = arith.constant 2 : i32
        %parallel_loop3A_704 = vector.broadcast %parallel_loop3A_703 : i32 to vector<16xi32>
        %parallel_loop3A_705 = arith.addi %select_n3A, %parallel_loop3A_704 : vector<16xi32>
        tpu.vector_store_idx %arg9[%parallel_loop3A_521, %parallel_loop3A_705, %select_n3A_45, %parallel_loop3A_693], %parallel_loop3A_702 : memref<2x8x8x129xf32, #tpu.memory_space<vmem>>[vector<16xi32>, vector<16xi32>, vector<16xi32>, vector<16xi32>], vector<16xf32>,
        %parallel_loop3A_706 = arith.index_cast %parallel_loop3A_672 : i32 to index
        %parallel_loop3A_707 = arith.constant 32 : index
        %parallel_loop3A_708 = tpu.vector_load %arg7[%parallel_loop3A_706, %parallel_loop3A_707] {strides = array<i32>} : memref<256x128xf32, #tpu.memory_space<vmem>>, vector<16xf32>,
        %parallel_loop3A_709 = arith.constant 4 : i32
        %parallel_loop3A_710 = vector.broadcast %parallel_loop3A_709 : i32 to vector<16xi32>
        %parallel_loop3A_711 = arith.addi %select_n3A, %parallel_loop3A_710 : vector<16xi32>
        tpu.vector_store_idx %arg9[%parallel_loop3A_521, %parallel_loop3A_711, %select_n3A_45, %parallel_loop3A_693], %parallel_loop3A_708 : memref<2x8x8x129xf32, #tpu.memory_space<vmem>>[vector<16xi32>, vector<16xi32>, vector<16xi32>, vector<16xi32>], vector<16xf32>,
        %parallel_loop3A_712 = arith.index_cast %parallel_loop3A_672 : i32 to index
        %parallel_loop3A_713 = arith.constant 48 : index
        %parallel_loop3A_714 = tpu.vector_load %arg7[%parallel_loop3A_712, %parallel_loop3A_713] {strides = array<i32>} : memref<256x128xf32, #tpu.memory_space<vmem>>, vector<16xf32>,
        %parallel_loop3A_715 = arith.constant 6 : i32
        %parallel_loop3A_716 = vector.broadcast %parallel_loop3A_715 : i32 to vector<16xi32>
        %parallel_loop3A_717 = arith.addi %select_n3A, %parallel_loop3A_716 : vector<16xi32>
        tpu.vector_store_idx %arg9[%parallel_loop3A_521, %parallel_loop3A_717, %select_n3A_45, %parallel_loop3A_693], %parallel_loop3A_714 : memref<2x8x8x129xf32, #tpu.memory_space<vmem>>[vector<16xi32>, vector<16xi32>, vector<16xi32>, vector<16xi32>], vector<16xf32>,
        %parallel_loop3A_718 = arith.constant 16 : i32
        %parallel_loop3A_719 = arith.muli %parallel_loop3A_496, %parallel_loop3A_718 : i32
        %parallel_loop3A_720 = arith.constant 4 : i32
        %parallel_loop3A_721 = arith.addi %parallel_loop3A_719, %parallel_loop3A_720 : i32
        %parallel_loop3A_722 = arith.constant 8 : i32
        %parallel_loop3A_723 = arith.constant 0 : i32
        %parallel_loop3A_724 = arith.cmpi eq, %parallel_loop3A_722, %parallel_loop3A_723 : i32
        %parallel_loop3A_725 = arith.constant 1 : i32
        %parallel_loop3A_726 = arith.select %parallel_loop3A_724, %parallel_loop3A_725, %parallel_loop3A_722 : i32
        %parallel_loop3A_727 = arith.remsi %parallel_loop3A_496, %parallel_loop3A_726 : i32
        %parallel_loop3A_728 = arith.constant 0 : i32
        %parallel_loop3A_729 = arith.cmpi ne, %parallel_loop3A_727, %parallel_loop3A_728 : i32
        %parallel_loop3A_730 = arith.constant 0 : i32
        %parallel_loop3A_731 = arith.cmpi slt, %parallel_loop3A_727, %parallel_loop3A_730 : i32
        %parallel_loop3A_732 = arith.constant 0 : i32
        %parallel_loop3A_733 = arith.cmpi slt, %parallel_loop3A_726, %parallel_loop3A_732 : i32
        %parallel_loop3A_734 = arith.xori %parallel_loop3A_731, %parallel_loop3A_733 : i1
        %parallel_loop3A_735 = arith.andi %parallel_loop3A_734, %parallel_loop3A_729 : i1
        %parallel_loop3A_736 = arith.addi %parallel_loop3A_727, %parallel_loop3A_726 : i32
        %parallel_loop3A_737 = arith.select %parallel_loop3A_735, %parallel_loop3A_736, %parallel_loop3A_727 : i32
        %parallel_loop3A_738 = arith.constant 16 : i32
        %parallel_loop3A_739 = arith.muli %parallel_loop3A_737, %parallel_loop3A_738 : i32
        %parallel_loop3A_740 = arith.constant 4 : i32
        %parallel_loop3A_741 = arith.addi %parallel_loop3A_739, %parallel_loop3A_740 : i32
        %parallel_loop3A_742 = vector.broadcast %parallel_loop3A_741 : i32 to vector<16xi32>
        %parallel_loop3A_743 = arith.index_cast %parallel_loop3A_721 : i32 to index
        %parallel_loop3A_744 = arith.constant 0 : index
        %parallel_loop3A_745 = tpu.vector_load %arg7[%parallel_loop3A_743, %parallel_loop3A_744] {strides = array<i32>} : memref<256x128xf32, #tpu.memory_space<vmem>>, vector<16xf32>,
        %parallel_loop3A_746 = arith.constant 0 : i32
        %parallel_loop3A_747 = vector.broadcast %parallel_loop3A_746 : i32 to vector<16xi32>
        %parallel_loop3A_748 = arith.addi %select_n3A, %parallel_loop3A_747 : vector<16xi32>
        tpu.vector_store_idx %arg9[%parallel_loop3A_521, %parallel_loop3A_748, %select_n3A_45, %parallel_loop3A_742], %parallel_loop3A_745 : memref<2x8x8x129xf32, #tpu.memory_space<vmem>>[vector<16xi32>, vector<16xi32>, vector<16xi32>, vector<16xi32>], vector<16xf32>,
        %parallel_loop3A_749 = arith.index_cast %parallel_loop3A_721 : i32 to index
        %parallel_loop3A_750 = arith.constant 16 : index
        %parallel_loop3A_751 = tpu.vector_load %arg7[%parallel_loop3A_749, %parallel_loop3A_750] {strides = array<i32>} : memref<256x128xf32, #tpu.memory_space<vmem>>, vector<16xf32>,
        %parallel_loop3A_752 = arith.constant 2 : i32
        %parallel_loop3A_753 = vector.broadcast %parallel_loop3A_752 : i32 to vector<16xi32>
        %parallel_loop3A_754 = arith.addi %select_n3A, %parallel_loop3A_753 : vector<16xi32>
        tpu.vector_store_idx %arg9[%parallel_loop3A_521, %parallel_loop3A_754, %select_n3A_45, %parallel_loop3A_742], %parallel_loop3A_751 : memref<2x8x8x129xf32, #tpu.memory_space<vmem>>[vector<16xi32>, vector<16xi32>, vector<16xi32>, vector<16xi32>], vector<16xf32>,
        %parallel_loop3A_755 = arith.index_cast %parallel_loop3A_721 : i32 to index
        %parallel_loop3A_756 = arith.constant 32 : index
        %parallel_loop3A_757 = tpu.vector_load %arg7[%parallel_loop3A_755, %parallel_loop3A_756] {strides = array<i32>} : memref<256x128xf32, #tpu.memory_space<vmem>>, vector<16xf32>,
        %parallel_loop3A_758 = arith.constant 4 : i32
        %parallel_loop3A_759 = vector.broadcast %parallel_loop3A_758 : i32 to vector<16xi32>
        %parallel_loop3A_760 = arith.addi %select_n3A, %parallel_loop3A_759 : vector<16xi32>
        tpu.vector_store_idx %arg9[%parallel_loop3A_521, %parallel_loop3A_760, %select_n3A_45, %parallel_loop3A_742], %parallel_loop3A_757 : memref<2x8x8x129xf32, #tpu.memory_space<vmem>>[vector<16xi32>, vector<16xi32>, vector<16xi32>, vector<16xi32>], vector<16xf32>,
        %parallel_loop3A_761 = arith.index_cast %parallel_loop3A_721 : i32 to index
        %parallel_loop3A_762 = arith.constant 48 : index
        %parallel_loop3A_763 = tpu.vector_load %arg7[%parallel_loop3A_761, %parallel_loop3A_762] {strides = array<i32>} : memref<256x128xf32, #tpu.memory_space<vmem>>, vector<16xf32>,
        %parallel_loop3A_764 = arith.constant 6 : i32
        %parallel_loop3A_765 = vector.broadcast %parallel_loop3A_764 : i32 to vector<16xi32>
        %parallel_loop3A_766 = arith.addi %select_n3A, %parallel_loop3A_765 : vector<16xi32>
        tpu.vector_store_idx %arg9[%parallel_loop3A_521, %parallel_loop3A_766, %select_n3A_45, %parallel_loop3A_742], %parallel_loop3A_763 : memref<2x8x8x129xf32, #tpu.memory_space<vmem>>[vector<16xi32>, vector<16xi32>, vector<16xi32>, vector<16xi32>], vector<16xf32>,
        %parallel_loop3A_767 = arith.constant 16 : i32
        %parallel_loop3A_768 = arith.muli %parallel_loop3A_496, %parallel_loop3A_767 : i32
        %parallel_loop3A_769 = arith.constant 5 : i32
        %parallel_loop3A_770 = arith.addi %parallel_loop3A_768, %parallel_loop3A_769 : i32
        %parallel_loop3A_771 = arith.constant 8 : i32
        %parallel_loop3A_772 = arith.constant 0 : i32
        %parallel_loop3A_773 = arith.cmpi eq, %parallel_loop3A_771, %parallel_loop3A_772 : i32
        %parallel_loop3A_774 = arith.constant 1 : i32
        %parallel_loop3A_775 = arith.select %parallel_loop3A_773, %parallel_loop3A_774, %parallel_loop3A_771 : i32
        %parallel_loop3A_776 = arith.remsi %parallel_loop3A_496, %parallel_loop3A_775 : i32
        %parallel_loop3A_777 = arith.constant 0 : i32
        %parallel_loop3A_778 = arith.cmpi ne, %parallel_loop3A_776, %parallel_loop3A_777 : i32
        %parallel_loop3A_779 = arith.constant 0 : i32
        %parallel_loop3A_780 = arith.cmpi slt, %parallel_loop3A_776, %parallel_loop3A_779 : i32
        %parallel_loop3A_781 = arith.constant 0 : i32
        %parallel_loop3A_782 = arith.cmpi slt, %parallel_loop3A_775, %parallel_loop3A_781 : i32
        %parallel_loop3A_783 = arith.xori %parallel_loop3A_780, %parallel_loop3A_782 : i1
        %parallel_loop3A_784 = arith.andi %parallel_loop3A_783, %parallel_loop3A_778 : i1
        %parallel_loop3A_785 = arith.addi %parallel_loop3A_776, %parallel_loop3A_775 : i32
        %parallel_loop3A_786 = arith.select %parallel_loop3A_784, %parallel_loop3A_785, %parallel_loop3A_776 : i32
        %parallel_loop3A_787 = arith.constant 16 : i32
        %parallel_loop3A_788 = arith.muli %parallel_loop3A_786, %parallel_loop3A_787 : i32
        %parallel_loop3A_789 = arith.constant 5 : i32
        %parallel_loop3A_790 = arith.addi %parallel_loop3A_788, %parallel_loop3A_789 : i32
        %parallel_loop3A_791 = vector.broadcast %parallel_loop3A_790 : i32 to vector<16xi32>
        %parallel_loop3A_792 = arith.index_cast %parallel_loop3A_770 : i32 to index
        %parallel_loop3A_793 = arith.constant 0 : index
        %parallel_loop3A_794 = tpu.vector_load %arg7[%parallel_loop3A_792, %parallel_loop3A_793] {strides = array<i32>} : memref<256x128xf32, #tpu.memory_space<vmem>>, vector<16xf32>,
        %parallel_loop3A_795 = arith.constant 0 : i32
        %parallel_loop3A_796 = vector.broadcast %parallel_loop3A_795 : i32 to vector<16xi32>
        %parallel_loop3A_797 = arith.addi %select_n3A, %parallel_loop3A_796 : vector<16xi32>
        tpu.vector_store_idx %arg9[%parallel_loop3A_521, %parallel_loop3A_797, %select_n3A_45, %parallel_loop3A_791], %parallel_loop3A_794 : memref<2x8x8x129xf32, #tpu.memory_space<vmem>>[vector<16xi32>, vector<16xi32>, vector<16xi32>, vector<16xi32>], vector<16xf32>,
        %parallel_loop3A_798 = arith.index_cast %parallel_loop3A_770 : i32 to index
        %parallel_loop3A_799 = arith.constant 16 : index
        %parallel_loop3A_800 = tpu.vector_load %arg7[%parallel_loop3A_798, %parallel_loop3A_799] {strides = array<i32>} : memref<256x128xf32, #tpu.memory_space<vmem>>, vector<16xf32>,
        %parallel_loop3A_801 = arith.constant 2 : i32
        %parallel_loop3A_802 = vector.broadcast %parallel_loop3A_801 : i32 to vector<16xi32>
        %parallel_loop3A_803 = arith.addi %select_n3A, %parallel_loop3A_802 : vector<16xi32>
        tpu.vector_store_idx %arg9[%parallel_loop3A_521, %parallel_loop3A_803, %select_n3A_45, %parallel_loop3A_791], %parallel_loop3A_800 : memref<2x8x8x129xf32, #tpu.memory_space<vmem>>[vector<16xi32>, vector<16xi32>, vector<16xi32>, vector<16xi32>], vector<16xf32>,
        %parallel_loop3A_804 = arith.index_cast %parallel_loop3A_770 : i32 to index
        %parallel_loop3A_805 = arith.constant 32 : index
        %parallel_loop3A_806 = tpu.vector_load %arg7[%parallel_loop3A_804, %parallel_loop3A_805] {strides = array<i32>} : memref<256x128xf32, #tpu.memory_space<vmem>>, vector<16xf32>,
        %parallel_loop3A_807 = arith.constant 4 : i32
        %parallel_loop3A_808 = vector.broadcast %parallel_loop3A_807 : i32 to vector<16xi32>
        %parallel_loop3A_809 = arith.addi %select_n3A, %parallel_loop3A_808 : vector<16xi32>
        tpu.vector_store_idx %arg9[%parallel_loop3A_521, %parallel_loop3A_809, %select_n3A_45, %parallel_loop3A_791], %parallel_loop3A_806 : memref<2x8x8x129xf32, #tpu.memory_space<vmem>>[vector<16xi32>, vector<16xi32>, vector<16xi32>, vector<16xi32>], vector<16xf32>,
        %parallel_loop3A_810 = arith.index_cast %parallel_loop3A_770 : i32 to index
        %parallel_loop3A_811 = arith.constant 48 : index
        %parallel_loop3A_812 = tpu.vector_load %arg7[%parallel_loop3A_810, %parallel_loop3A_811] {strides = array<i32>} : memref<256x128xf32, #tpu.memory_space<vmem>>, vector<16xf32>,
        %parallel_loop3A_813 = arith.constant 6 : i32
        %parallel_loop3A_814 = vector.broadcast %parallel_loop3A_813 : i32 to vector<16xi32>
        %parallel_loop3A_815 = arith.addi %select_n3A, %parallel_loop3A_814 : vector<16xi32>
        tpu.vector_store_idx %arg9[%parallel_loop3A_521, %parallel_loop3A_815, %select_n3A_45, %parallel_loop3A_791], %parallel_loop3A_812 : memref<2x8x8x129xf32, #tpu.memory_space<vmem>>[vector<16xi32>, vector<16xi32>, vector<16xi32>, vector<16xi32>], vector<16xf32>,
        %parallel_loop3A_816 = arith.constant 16 : i32
        %parallel_loop3A_817 = arith.muli %parallel_loop3A_496, %parallel_loop3A_816 : i32
        %parallel_loop3A_818 = arith.constant 6 : i32
        %parallel_loop3A_819 = arith.addi %parallel_loop3A_817, %parallel_loop3A_818 : i32
        %parallel_loop3A_820 = arith.constant 8 : i32
        %parallel_loop3A_821 = arith.constant 0 : i32
        %parallel_loop3A_822 = arith.cmpi eq, %parallel_loop3A_820, %parallel_loop3A_821 : i32
        %parallel_loop3A_823 = arith.constant 1 : i32
        %parallel_loop3A_824 = arith.select %parallel_loop3A_822, %parallel_loop3A_823, %parallel_loop3A_820 : i32
        %parallel_loop3A_825 = arith.remsi %parallel_loop3A_496, %parallel_loop3A_824 : i32
        %parallel_loop3A_826 = arith.constant 0 : i32
        %parallel_loop3A_827 = arith.cmpi ne, %parallel_loop3A_825, %parallel_loop3A_826 : i32
        %parallel_loop3A_828 = arith.constant 0 : i32
        %parallel_loop3A_829 = arith.cmpi slt, %parallel_loop3A_825, %parallel_loop3A_828 : i32
        %parallel_loop3A_830 = arith.constant 0 : i32
        %parallel_loop3A_831 = arith.cmpi slt, %parallel_loop3A_824, %parallel_loop3A_830 : i32
        %parallel_loop3A_832 = arith.xori %parallel_loop3A_829, %parallel_loop3A_831 : i1
        %parallel_loop3A_833 = arith.andi %parallel_loop3A_832, %parallel_loop3A_827 : i1
        %parallel_loop3A_834 = arith.addi %parallel_loop3A_825, %parallel_loop3A_824 : i32
        %parallel_loop3A_835 = arith.select %parallel_loop3A_833, %parallel_loop3A_834, %parallel_loop3A_825 : i32
        %parallel_loop3A_836 = arith.constant 16 : i32
        %parallel_loop3A_837 = arith.muli %parallel_loop3A_835, %parallel_loop3A_836 : i32
        %parallel_loop3A_838 = arith.constant 6 : i32
        %parallel_loop3A_839 = arith.addi %parallel_loop3A_837, %parallel_loop3A_838 : i32
        %parallel_loop3A_840 = vector.broadcast %parallel_loop3A_839 : i32 to vector<16xi32>
        %parallel_loop3A_841 = arith.index_cast %parallel_loop3A_819 : i32 to index
        %parallel_loop3A_842 = arith.constant 0 : index
        %parallel_loop3A_843 = tpu.vector_load %arg7[%parallel_loop3A_841, %parallel_loop3A_842] {strides = array<i32>} : memref<256x128xf32, #tpu.memory_space<vmem>>, vector<16xf32>,
        %parallel_loop3A_844 = arith.constant 0 : i32
        %parallel_loop3A_845 = vector.broadcast %parallel_loop3A_844 : i32 to vector<16xi32>
        %parallel_loop3A_846 = arith.addi %select_n3A, %parallel_loop3A_845 : vector<16xi32>
        tpu.vector_store_idx %arg9[%parallel_loop3A_521, %parallel_loop3A_846, %select_n3A_45, %parallel_loop3A_840], %parallel_loop3A_843 : memref<2x8x8x129xf32, #tpu.memory_space<vmem>>[vector<16xi32>, vector<16xi32>, vector<16xi32>, vector<16xi32>], vector<16xf32>,
        %parallel_loop3A_847 = arith.index_cast %parallel_loop3A_819 : i32 to index
        %parallel_loop3A_848 = arith.constant 16 : index
        %parallel_loop3A_849 = tpu.vector_load %arg7[%parallel_loop3A_847, %parallel_loop3A_848] {strides = array<i32>} : memref<256x128xf32, #tpu.memory_space<vmem>>, vector<16xf32>,
        %parallel_loop3A_850 = arith.constant 2 : i32
        %parallel_loop3A_851 = vector.broadcast %parallel_loop3A_850 : i32 to vector<16xi32>
        %parallel_loop3A_852 = arith.addi %select_n3A, %parallel_loop3A_851 : vector<16xi32>
        tpu.vector_store_idx %arg9[%parallel_loop3A_521, %parallel_loop3A_852, %select_n3A_45, %parallel_loop3A_840], %parallel_loop3A_849 : memref<2x8x8x129xf32, #tpu.memory_space<vmem>>[vector<16xi32>, vector<16xi32>, vector<16xi32>, vector<16xi32>], vector<16xf32>,
        %parallel_loop3A_853 = arith.index_cast %parallel_loop3A_819 : i32 to index
        %parallel_loop3A_854 = arith.constant 32 : index
        %parallel_loop3A_855 = tpu.vector_load %arg7[%parallel_loop3A_853, %parallel_loop3A_854] {strides = array<i32>} : memref<256x128xf32, #tpu.memory_space<vmem>>, vector<16xf32>,
        %parallel_loop3A_856 = arith.constant 4 : i32
        %parallel_loop3A_857 = vector.broadcast %parallel_loop3A_856 : i32 to vector<16xi32>
        %parallel_loop3A_858 = arith.addi %select_n3A, %parallel_loop3A_857 : vector<16xi32>
        tpu.vector_store_idx %arg9[%parallel_loop3A_521, %parallel_loop3A_858, %select_n3A_45, %parallel_loop3A_840], %parallel_loop3A_855 : memref<2x8x8x129xf32, #tpu.memory_space<vmem>>[vector<16xi32>, vector<16xi32>, vector<16xi32>, vector<16xi32>], vector<16xf32>,
        %parallel_loop3A_859 = arith.index_cast %parallel_loop3A_819 : i32 to index
        %parallel_loop3A_860 = arith.constant 48 : index
        %parallel_loop3A_861 = tpu.vector_load %arg7[%parallel_loop3A_859, %parallel_loop3A_860] {strides = array<i32>} : memref<256x128xf32, #tpu.memory_space<vmem>>, vector<16xf32>,
        %parallel_loop3A_862 = arith.constant 6 : i32
        %parallel_loop3A_863 = vector.broadcast %parallel_loop3A_862 : i32 to vector<16xi32>
        %parallel_loop3A_864 = arith.addi %select_n3A, %parallel_loop3A_863 : vector<16xi32>
        tpu.vector_store_idx %arg9[%parallel_loop3A_521, %parallel_loop3A_864, %select_n3A_45, %parallel_loop3A_840], %parallel_loop3A_861 : memref<2x8x8x129xf32, #tpu.memory_space<vmem>>[vector<16xi32>, vector<16xi32>, vector<16xi32>, vector<16xi32>], vector<16xf32>,
        %parallel_loop3A_865 = arith.constant 16 : i32
        %parallel_loop3A_866 = arith.muli %parallel_loop3A_496, %parallel_loop3A_865 : i32
        %parallel_loop3A_867 = arith.constant 7 : i32
        %parallel_loop3A_868 = arith.addi %parallel_loop3A_866, %parallel_loop3A_867 : i32
        %parallel_loop3A_869 = arith.constant 8 : i32
        %parallel_loop3A_870 = arith.constant 0 : i32
        %parallel_loop3A_871 = arith.cmpi eq, %parallel_loop3A_869, %parallel_loop3A_870 : i32
        %parallel_loop3A_872 = arith.constant 1 : i32
        %parallel_loop3A_873 = arith.select %parallel_loop3A_871, %parallel_loop3A_872, %parallel_loop3A_869 : i32
        %parallel_loop3A_874 = arith.remsi %parallel_loop3A_496, %parallel_loop3A_873 : i32
        %parallel_loop3A_875 = arith.constant 0 : i32
        %parallel_loop3A_876 = arith.cmpi ne, %parallel_loop3A_874, %parallel_loop3A_875 : i32
        %parallel_loop3A_877 = arith.constant 0 : i32
        %parallel_loop3A_878 = arith.cmpi slt, %parallel_loop3A_874, %parallel_loop3A_877 : i32
        %parallel_loop3A_879 = arith.constant 0 : i32
        %parallel_loop3A_880 = arith.cmpi slt, %parallel_loop3A_873, %parallel_loop3A_879 : i32
        %parallel_loop3A_881 = arith.xori %parallel_loop3A_878, %parallel_loop3A_880 : i1
        %parallel_loop3A_882 = arith.andi %parallel_loop3A_881, %parallel_loop3A_876 : i1
        %parallel_loop3A_883 = arith.addi %parallel_loop3A_874, %parallel_loop3A_873 : i32
        %parallel_loop3A_884 = arith.select %parallel_loop3A_882, %parallel_loop3A_883, %parallel_loop3A_874 : i32
        %parallel_loop3A_885 = arith.constant 16 : i32
        %parallel_loop3A_886 = arith.muli %parallel_loop3A_884, %parallel_loop3A_885 : i32
        %parallel_loop3A_887 = arith.constant 7 : i32
        %parallel_loop3A_888 = arith.addi %parallel_loop3A_886, %parallel_loop3A_887 : i32
        %parallel_loop3A_889 = vector.broadcast %parallel_loop3A_888 : i32 to vector<16xi32>
        %parallel_loop3A_890 = arith.index_cast %parallel_loop3A_868 : i32 to index
        %parallel_loop3A_891 = arith.constant 0 : index
        %parallel_loop3A_892 = tpu.vector_load %arg7[%parallel_loop3A_890, %parallel_loop3A_891] {strides = array<i32>} : memref<256x128xf32, #tpu.memory_space<vmem>>, vector<16xf32>,
        %parallel_loop3A_893 = arith.constant 0 : i32
        %parallel_loop3A_894 = vector.broadcast %parallel_loop3A_893 : i32 to vector<16xi32>
        %parallel_loop3A_895 = arith.addi %select_n3A, %parallel_loop3A_894 : vector<16xi32>
        tpu.vector_store_idx %arg9[%parallel_loop3A_521, %parallel_loop3A_895, %select_n3A_45, %parallel_loop3A_889], %parallel_loop3A_892 : memref<2x8x8x129xf32, #tpu.memory_space<vmem>>[vector<16xi32>, vector<16xi32>, vector<16xi32>, vector<16xi32>], vector<16xf32>,
        %parallel_loop3A_896 = arith.index_cast %parallel_loop3A_868 : i32 to index
        %parallel_loop3A_897 = arith.constant 16 : index
        %parallel_loop3A_898 = tpu.vector_load %arg7[%parallel_loop3A_896, %parallel_loop3A_897] {strides = array<i32>} : memref<256x128xf32, #tpu.memory_space<vmem>>, vector<16xf32>,
        %parallel_loop3A_899 = arith.constant 2 : i32
        %parallel_loop3A_900 = vector.broadcast %parallel_loop3A_899 : i32 to vector<16xi32>
        %parallel_loop3A_901 = arith.addi %select_n3A, %parallel_loop3A_900 : vector<16xi32>
        tpu.vector_store_idx %arg9[%parallel_loop3A_521, %parallel_loop3A_901, %select_n3A_45, %parallel_loop3A_889], %parallel_loop3A_898 : memref<2x8x8x129xf32, #tpu.memory_space<vmem>>[vector<16xi32>, vector<16xi32>, vector<16xi32>, vector<16xi32>], vector<16xf32>,
        %parallel_loop3A_902 = arith.index_cast %parallel_loop3A_868 : i32 to index
        %parallel_loop3A_903 = arith.constant 32 : index
        %parallel_loop3A_904 = tpu.vector_load %arg7[%parallel_loop3A_902, %parallel_loop3A_903] {strides = array<i32>} : memref<256x128xf32, #tpu.memory_space<vmem>>, vector<16xf32>,
        %parallel_loop3A_905 = arith.constant 4 : i32
        %parallel_loop3A_906 = vector.broadcast %parallel_loop3A_905 : i32 to vector<16xi32>
        %parallel_loop3A_907 = arith.addi %select_n3A, %parallel_loop3A_906 : vector<16xi32>
        tpu.vector_store_idx %arg9[%parallel_loop3A_521, %parallel_loop3A_907, %select_n3A_45, %parallel_loop3A_889], %parallel_loop3A_904 : memref<2x8x8x129xf32, #tpu.memory_space<vmem>>[vector<16xi32>, vector<16xi32>, vector<16xi32>, vector<16xi32>], vector<16xf32>,
        %parallel_loop3A_908 = arith.index_cast %parallel_loop3A_868 : i32 to index
        %parallel_loop3A_909 = arith.constant 48 : index
        %parallel_loop3A_910 = tpu.vector_load %arg7[%parallel_loop3A_908, %parallel_loop3A_909] {strides = array<i32>} : memref<256x128xf32, #tpu.memory_space<vmem>>, vector<16xf32>,
        %parallel_loop3A_911 = arith.constant 6 : i32
        %parallel_loop3A_912 = vector.broadcast %parallel_loop3A_911 : i32 to vector<16xi32>
        %parallel_loop3A_913 = arith.addi %select_n3A, %parallel_loop3A_912 : vector<16xi32>
        tpu.vector_store_idx %arg9[%parallel_loop3A_521, %parallel_loop3A_913, %select_n3A_45, %parallel_loop3A_889], %parallel_loop3A_910 : memref<2x8x8x129xf32, #tpu.memory_space<vmem>>[vector<16xi32>, vector<16xi32>, vector<16xi32>, vector<16xi32>], vector<16xf32>,
        %parallel_loop3A_914 = arith.constant 16 : i32
        %parallel_loop3A_915 = arith.muli %parallel_loop3A_496, %parallel_loop3A_914 : i32
        %parallel_loop3A_916 = arith.constant 8 : i32
        %parallel_loop3A_917 = arith.addi %parallel_loop3A_915, %parallel_loop3A_916 : i32
        %parallel_loop3A_918 = arith.constant 8 : i32
        %parallel_loop3A_919 = arith.constant 0 : i32
        %parallel_loop3A_920 = arith.cmpi eq, %parallel_loop3A_918, %parallel_loop3A_919 : i32
        %parallel_loop3A_921 = arith.constant 1 : i32
        %parallel_loop3A_922 = arith.select %parallel_loop3A_920, %parallel_loop3A_921, %parallel_loop3A_918 : i32
        %parallel_loop3A_923 = arith.remsi %parallel_loop3A_496, %parallel_loop3A_922 : i32
        %parallel_loop3A_924 = arith.constant 0 : i32
        %parallel_loop3A_925 = arith.cmpi ne, %parallel_loop3A_923, %parallel_loop3A_924 : i32
        %parallel_loop3A_926 = arith.constant 0 : i32
        %parallel_loop3A_927 = arith.cmpi slt, %parallel_loop3A_923, %parallel_loop3A_926 : i32
        %parallel_loop3A_928 = arith.constant 0 : i32
        %parallel_loop3A_929 = arith.cmpi slt, %parallel_loop3A_922, %parallel_loop3A_928 : i32
        %parallel_loop3A_930 = arith.xori %parallel_loop3A_927, %parallel_loop3A_929 : i1
        %parallel_loop3A_931 = arith.andi %parallel_loop3A_930, %parallel_loop3A_925 : i1
        %parallel_loop3A_932 = arith.addi %parallel_loop3A_923, %parallel_loop3A_922 : i32
        %parallel_loop3A_933 = arith.select %parallel_loop3A_931, %parallel_loop3A_932, %parallel_loop3A_923 : i32
        %parallel_loop3A_934 = arith.constant 16 : i32
        %parallel_loop3A_935 = arith.muli %parallel_loop3A_933, %parallel_loop3A_934 : i32
        %parallel_loop3A_936 = arith.constant 8 : i32
        %parallel_loop3A_937 = arith.addi %parallel_loop3A_935, %parallel_loop3A_936 : i32
        %parallel_loop3A_938 = vector.broadcast %parallel_loop3A_937 : i32 to vector<16xi32>
        %parallel_loop3A_939 = arith.index_cast %parallel_loop3A_917 : i32 to index
        %parallel_loop3A_940 = arith.constant 0 : index
        %parallel_loop3A_941 = tpu.vector_load %arg7[%parallel_loop3A_939, %parallel_loop3A_940] {strides = array<i32>} : memref<256x128xf32, #tpu.memory_space<vmem>>, vector<16xf32>,
        %parallel_loop3A_942 = arith.constant 0 : i32
        %parallel_loop3A_943 = vector.broadcast %parallel_loop3A_942 : i32 to vector<16xi32>
        %parallel_loop3A_944 = arith.addi %select_n3A, %parallel_loop3A_943 : vector<16xi32>
        tpu.vector_store_idx %arg9[%parallel_loop3A_521, %parallel_loop3A_944, %select_n3A_45, %parallel_loop3A_938], %parallel_loop3A_941 : memref<2x8x8x129xf32, #tpu.memory_space<vmem>>[vector<16xi32>, vector<16xi32>, vector<16xi32>, vector<16xi32>], vector<16xf32>,
        %parallel_loop3A_945 = arith.index_cast %parallel_loop3A_917 : i32 to index
        %parallel_loop3A_946 = arith.constant 16 : index
        %parallel_loop3A_947 = tpu.vector_load %arg7[%parallel_loop3A_945, %parallel_loop3A_946] {strides = array<i32>} : memref<256x128xf32, #tpu.memory_space<vmem>>, vector<16xf32>,
        %parallel_loop3A_948 = arith.constant 2 : i32
        %parallel_loop3A_949 = vector.broadcast %parallel_loop3A_948 : i32 to vector<16xi32>
        %parallel_loop3A_950 = arith.addi %select_n3A, %parallel_loop3A_949 : vector<16xi32>
        tpu.vector_store_idx %arg9[%parallel_loop3A_521, %parallel_loop3A_950, %select_n3A_45, %parallel_loop3A_938], %parallel_loop3A_947 : memref<2x8x8x129xf32, #tpu.memory_space<vmem>>[vector<16xi32>, vector<16xi32>, vector<16xi32>, vector<16xi32>], vector<16xf32>,
        %parallel_loop3A_951 = arith.index_cast %parallel_loop3A_917 : i32 to index
        %parallel_loop3A_952 = arith.constant 32 : index
        %parallel_loop3A_953 = tpu.vector_load %arg7[%parallel_loop3A_951, %parallel_loop3A_952] {strides = array<i32>} : memref<256x128xf32, #tpu.memory_space<vmem>>, vector<16xf32>,
        %parallel_loop3A_954 = arith.constant 4 : i32
        %parallel_loop3A_955 = vector.broadcast %parallel_loop3A_954 : i32 to vector<16xi32>
        %parallel_loop3A_956 = arith.addi %select_n3A, %parallel_loop3A_955 : vector<16xi32>
        tpu.vector_store_idx %arg9[%parallel_loop3A_521, %parallel_loop3A_956, %select_n3A_45, %parallel_loop3A_938], %parallel_loop3A_953 : memref<2x8x8x129xf32, #tpu.memory_space<vmem>>[vector<16xi32>, vector<16xi32>, vector<16xi32>, vector<16xi32>], vector<16xf32>,
        %parallel_loop3A_957 = arith.index_cast %parallel_loop3A_917 : i32 to index
        %parallel_loop3A_958 = arith.constant 48 : index
        %parallel_loop3A_959 = tpu.vector_load %arg7[%parallel_loop3A_957, %parallel_loop3A_958] {strides = array<i32>} : memref<256x128xf32, #tpu.memory_space<vmem>>, vector<16xf32>,
        %parallel_loop3A_960 = arith.constant 6 : i32
        %parallel_loop3A_961 = vector.broadcast %parallel_loop3A_960 : i32 to vector<16xi32>
        %parallel_loop3A_962 = arith.addi %select_n3A, %parallel_loop3A_961 : vector<16xi32>
        tpu.vector_store_idx %arg9[%parallel_loop3A_521, %parallel_loop3A_962, %select_n3A_45, %parallel_loop3A_938], %parallel_loop3A_959 : memref<2x8x8x129xf32, #tpu.memory_space<vmem>>[vector<16xi32>, vector<16xi32>, vector<16xi32>, vector<16xi32>], vector<16xf32>,
        %parallel_loop3A_963 = arith.constant 16 : i32
        %parallel_loop3A_964 = arith.muli %parallel_loop3A_496, %parallel_loop3A_963 : i32
        %parallel_loop3A_965 = arith.constant 9 : i32
        %parallel_loop3A_966 = arith.addi %parallel_loop3A_964, %parallel_loop3A_965 : i32
        %parallel_loop3A_967 = arith.constant 8 : i32
        %parallel_loop3A_968 = arith.constant 0 : i32
        %parallel_loop3A_969 = arith.cmpi eq, %parallel_loop3A_967, %parallel_loop3A_968 : i32
        %parallel_loop3A_970 = arith.constant 1 : i32
        %parallel_loop3A_971 = arith.select %parallel_loop3A_969, %parallel_loop3A_970, %parallel_loop3A_967 : i32
        %parallel_loop3A_972 = arith.remsi %parallel_loop3A_496, %parallel_loop3A_971 : i32
        %parallel_loop3A_973 = arith.constant 0 : i32
        %parallel_loop3A_974 = arith.cmpi ne, %parallel_loop3A_972, %parallel_loop3A_973 : i32
        %parallel_loop3A_975 = arith.constant 0 : i32
        %parallel_loop3A_976 = arith.cmpi slt, %parallel_loop3A_972, %parallel_loop3A_975 : i32
        %parallel_loop3A_977 = arith.constant 0 : i32
        %parallel_loop3A_978 = arith.cmpi slt, %parallel_loop3A_971, %parallel_loop3A_977 : i32
        %parallel_loop3A_979 = arith.xori %parallel_loop3A_976, %parallel_loop3A_978 : i1
        %parallel_loop3A_980 = arith.andi %parallel_loop3A_979, %parallel_loop3A_974 : i1
        %parallel_loop3A_981 = arith.addi %parallel_loop3A_972, %parallel_loop3A_971 : i32
        %parallel_loop3A_982 = arith.select %parallel_loop3A_980, %parallel_loop3A_981, %parallel_loop3A_972 : i32
        %parallel_loop3A_983 = arith.constant 16 : i32
        %parallel_loop3A_984 = arith.muli %parallel_loop3A_982, %parallel_loop3A_983 : i32
        %parallel_loop3A_985 = arith.constant 9 : i32
        %parallel_loop3A_986 = arith.addi %parallel_loop3A_984, %parallel_loop3A_985 : i32
        %parallel_loop3A_987 = vector.broadcast %parallel_loop3A_986 : i32 to vector<16xi32>
        %parallel_loop3A_988 = arith.index_cast %parallel_loop3A_966 : i32 to index
        %parallel_loop3A_989 = arith.constant 0 : index
        %parallel_loop3A_990 = tpu.vector_load %arg7[%parallel_loop3A_988, %parallel_loop3A_989] {strides = array<i32>} : memref<256x128xf32, #tpu.memory_space<vmem>>, vector<16xf32>,
        %parallel_loop3A_991 = arith.constant 0 : i32
        %parallel_loop3A_992 = vector.broadcast %parallel_loop3A_991 : i32 to vector<16xi32>
        %parallel_loop3A_993 = arith.addi %select_n3A, %parallel_loop3A_992 : vector<16xi32>
        tpu.vector_store_idx %arg9[%parallel_loop3A_521, %parallel_loop3A_993, %select_n3A_45, %parallel_loop3A_987], %parallel_loop3A_990 : memref<2x8x8x129xf32, #tpu.memory_space<vmem>>[vector<16xi32>, vector<16xi32>, vector<16xi32>, vector<16xi32>], vector<16xf32>,
        %parallel_loop3A_994 = arith.index_cast %parallel_loop3A_966 : i32 to index
        %parallel_loop3A_995 = arith.constant 16 : index
        %parallel_loop3A_996 = tpu.vector_load %arg7[%parallel_loop3A_994, %parallel_loop3A_995] {strides = array<i32>} : memref<256x128xf32, #tpu.memory_space<vmem>>, vector<16xf32>,
        %parallel_loop3A_997 = arith.constant 2 : i32
        %parallel_loop3A_998 = vector.broadcast %parallel_loop3A_997 : i32 to vector<16xi32>
        %parallel_loop3A_999 = arith.addi %select_n3A, %parallel_loop3A_998 : vector<16xi32>
        tpu.vector_store_idx %arg9[%parallel_loop3A_521, %parallel_loop3A_999, %select_n3A_45, %parallel_loop3A_987], %parallel_loop3A_996 : memref<2x8x8x129xf32, #tpu.memory_space<vmem>>[vector<16xi32>, vector<16xi32>, vector<16xi32>, vector<16xi32>], vector<16xf32>,
        %parallel_loop3A_1000 = arith.index_cast %parallel_loop3A_966 : i32 to index
        %parallel_loop3A_1001 = arith.constant 32 : index
        %parallel_loop3A_1002 = tpu.vector_load %arg7[%parallel_loop3A_1000, %parallel_loop3A_1001] {strides = array<i32>} : memref<256x128xf32, #tpu.memory_space<vmem>>, vector<16xf32>,
        %parallel_loop3A_1003 = arith.constant 4 : i32
        %parallel_loop3A_1004 = vector.broadcast %parallel_loop3A_1003 : i32 to vector<16xi32>
        %parallel_loop3A_1005 = arith.addi %select_n3A, %parallel_loop3A_1004 : vector<16xi32>
        tpu.vector_store_idx %arg9[%parallel_loop3A_521, %parallel_loop3A_1005, %select_n3A_45, %parallel_loop3A_987], %parallel_loop3A_1002 : memref<2x8x8x129xf32, #tpu.memory_space<vmem>>[vector<16xi32>, vector<16xi32>, vector<16xi32>, vector<16xi32>], vector<16xf32>,
        %parallel_loop3A_1006 = arith.index_cast %parallel_loop3A_966 : i32 to index
        %parallel_loop3A_1007 = arith.constant 48 : index
        %parallel_loop3A_1008 = tpu.vector_load %arg7[%parallel_loop3A_1006, %parallel_loop3A_1007] {strides = array<i32>} : memref<256x128xf32, #tpu.memory_space<vmem>>, vector<16xf32>,
        %parallel_loop3A_1009 = arith.constant 6 : i32
        %parallel_loop3A_1010 = vector.broadcast %parallel_loop3A_1009 : i32 to vector<16xi32>
        %parallel_loop3A_1011 = arith.addi %select_n3A, %parallel_loop3A_1010 : vector<16xi32>
        tpu.vector_store_idx %arg9[%parallel_loop3A_521, %parallel_loop3A_1011, %select_n3A_45, %parallel_loop3A_987], %parallel_loop3A_1008 : memref<2x8x8x129xf32, #tpu.memory_space<vmem>>[vector<16xi32>, vector<16xi32>, vector<16xi32>, vector<16xi32>], vector<16xf32>,
        %parallel_loop3A_1012 = arith.constant 16 : i32
        %parallel_loop3A_1013 = arith.muli %parallel_loop3A_496, %parallel_loop3A_1012 : i32
        %parallel_loop3A_1014 = arith.constant 10 : i32
        %parallel_loop3A_1015 = arith.addi %parallel_loop3A_1013, %parallel_loop3A_1014 : i32
        %parallel_loop3A_1016 = arith.constant 8 : i32
        %parallel_loop3A_1017 = arith.constant 0 : i32
        %parallel_loop3A_1018 = arith.cmpi eq, %parallel_loop3A_1016, %parallel_loop3A_1017 : i32
        %parallel_loop3A_1019 = arith.constant 1 : i32
        %parallel_loop3A_1020 = arith.select %parallel_loop3A_1018, %parallel_loop3A_1019, %parallel_loop3A_1016 : i32
        %parallel_loop3A_1021 = arith.remsi %parallel_loop3A_496, %parallel_loop3A_1020 : i32
        %parallel_loop3A_1022 = arith.constant 0 : i32
        %parallel_loop3A_1023 = arith.cmpi ne, %parallel_loop3A_1021, %parallel_loop3A_1022 : i32
        %parallel_loop3A_1024 = arith.constant 0 : i32
        %parallel_loop3A_1025 = arith.cmpi slt, %parallel_loop3A_1021, %parallel_loop3A_1024 : i32
        %parallel_loop3A_1026 = arith.constant 0 : i32
        %parallel_loop3A_1027 = arith.cmpi slt, %parallel_loop3A_1020, %parallel_loop3A_1026 : i32
        %parallel_loop3A_1028 = arith.xori %parallel_loop3A_1025, %parallel_loop3A_1027 : i1
        %parallel_loop3A_1029 = arith.andi %parallel_loop3A_1028, %parallel_loop3A_1023 : i1
        %parallel_loop3A_1030 = arith.addi %parallel_loop3A_1021, %parallel_loop3A_1020 : i32
        %parallel_loop3A_1031 = arith.select %parallel_loop3A_1029, %parallel_loop3A_1030, %parallel_loop3A_1021 : i32
        %parallel_loop3A_1032 = arith.constant 16 : i32
        %parallel_loop3A_1033 = arith.muli %parallel_loop3A_1031, %parallel_loop3A_1032 : i32
        %parallel_loop3A_1034 = arith.constant 10 : i32
        %parallel_loop3A_1035 = arith.addi %parallel_loop3A_1033, %parallel_loop3A_1034 : i32
        %parallel_loop3A_1036 = vector.broadcast %parallel_loop3A_1035 : i32 to vector<16xi32>
        %parallel_loop3A_1037 = arith.index_cast %parallel_loop3A_1015 : i32 to index
        %parallel_loop3A_1038 = arith.constant 0 : index
        %parallel_loop3A_1039 = tpu.vector_load %arg7[%parallel_loop3A_1037, %parallel_loop3A_1038] {strides = array<i32>} : memref<256x128xf32, #tpu.memory_space<vmem>>, vector<16xf32>,
        %parallel_loop3A_1040 = arith.constant 0 : i32
        %parallel_loop3A_1041 = vector.broadcast %parallel_loop3A_1040 : i32 to vector<16xi32>
        %parallel_loop3A_1042 = arith.addi %select_n3A, %parallel_loop3A_1041 : vector<16xi32>
        tpu.vector_store_idx %arg9[%parallel_loop3A_521, %parallel_loop3A_1042, %select_n3A_45, %parallel_loop3A_1036], %parallel_loop3A_1039 : memref<2x8x8x129xf32, #tpu.memory_space<vmem>>[vector<16xi32>, vector<16xi32>, vector<16xi32>, vector<16xi32>], vector<16xf32>,
        %parallel_loop3A_1043 = arith.index_cast %parallel_loop3A_1015 : i32 to index
        %parallel_loop3A_1044 = arith.constant 16 : index
        %parallel_loop3A_1045 = tpu.vector_load %arg7[%parallel_loop3A_1043, %parallel_loop3A_1044] {strides = array<i32>} : memref<256x128xf32, #tpu.memory_space<vmem>>, vector<16xf32>,
        %parallel_loop3A_1046 = arith.constant 2 : i32
        %parallel_loop3A_1047 = vector.broadcast %parallel_loop3A_1046 : i32 to vector<16xi32>
        %parallel_loop3A_1048 = arith.addi %select_n3A, %parallel_loop3A_1047 : vector<16xi32>
        tpu.vector_store_idx %arg9[%parallel_loop3A_521, %parallel_loop3A_1048, %select_n3A_45, %parallel_loop3A_1036], %parallel_loop3A_1045 : memref<2x8x8x129xf32, #tpu.memory_space<vmem>>[vector<16xi32>, vector<16xi32>, vector<16xi32>, vector<16xi32>], vector<16xf32>,
        %parallel_loop3A_1049 = arith.index_cast %parallel_loop3A_1015 : i32 to index
        %parallel_loop3A_1050 = arith.constant 32 : index
        %parallel_loop3A_1051 = tpu.vector_load %arg7[%parallel_loop3A_1049, %parallel_loop3A_1050] {strides = array<i32>} : memref<256x128xf32, #tpu.memory_space<vmem>>, vector<16xf32>,
        %parallel_loop3A_1052 = arith.constant 4 : i32
        %parallel_loop3A_1053 = vector.broadcast %parallel_loop3A_1052 : i32 to vector<16xi32>
        %parallel_loop3A_1054 = arith.addi %select_n3A, %parallel_loop3A_1053 : vector<16xi32>
        tpu.vector_store_idx %arg9[%parallel_loop3A_521, %parallel_loop3A_1054, %select_n3A_45, %parallel_loop3A_1036], %parallel_loop3A_1051 : memref<2x8x8x129xf32, #tpu.memory_space<vmem>>[vector<16xi32>, vector<16xi32>, vector<16xi32>, vector<16xi32>], vector<16xf32>,
        %parallel_loop3A_1055 = arith.index_cast %parallel_loop3A_1015 : i32 to index
        %parallel_loop3A_1056 = arith.constant 48 : index
        %parallel_loop3A_1057 = tpu.vector_load %arg7[%parallel_loop3A_1055, %parallel_loop3A_1056] {strides = array<i32>} : memref<256x128xf32, #tpu.memory_space<vmem>>, vector<16xf32>,
        %parallel_loop3A_1058 = arith.constant 6 : i32
        %parallel_loop3A_1059 = vector.broadcast %parallel_loop3A_1058 : i32 to vector<16xi32>
        %parallel_loop3A_1060 = arith.addi %select_n3A, %parallel_loop3A_1059 : vector<16xi32>
        tpu.vector_store_idx %arg9[%parallel_loop3A_521, %parallel_loop3A_1060, %select_n3A_45, %parallel_loop3A_1036], %parallel_loop3A_1057 : memref<2x8x8x129xf32, #tpu.memory_space<vmem>>[vector<16xi32>, vector<16xi32>, vector<16xi32>, vector<16xi32>], vector<16xf32>,
        %parallel_loop3A_1061 = arith.constant 16 : i32
        %parallel_loop3A_1062 = arith.muli %parallel_loop3A_496, %parallel_loop3A_1061 : i32
        %parallel_loop3A_1063 = arith.constant 11 : i32
        %parallel_loop3A_1064 = arith.addi %parallel_loop3A_1062, %parallel_loop3A_1063 : i32
        %parallel_loop3A_1065 = arith.constant 8 : i32
        %parallel_loop3A_1066 = arith.constant 0 : i32
        %parallel_loop3A_1067 = arith.cmpi eq, %parallel_loop3A_1065, %parallel_loop3A_1066 : i32
        %parallel_loop3A_1068 = arith.constant 1 : i32
        %parallel_loop3A_1069 = arith.select %parallel_loop3A_1067, %parallel_loop3A_1068, %parallel_loop3A_1065 : i32
        %parallel_loop3A_1070 = arith.remsi %parallel_loop3A_496, %parallel_loop3A_1069 : i32
        %parallel_loop3A_1071 = arith.constant 0 : i32
        %parallel_loop3A_1072 = arith.cmpi ne, %parallel_loop3A_1070, %parallel_loop3A_1071 : i32
        %parallel_loop3A_1073 = arith.constant 0 : i32
        %parallel_loop3A_1074 = arith.cmpi slt, %parallel_loop3A_1070, %parallel_loop3A_1073 : i32
        %parallel_loop3A_1075 = arith.constant 0 : i32
        %parallel_loop3A_1076 = arith.cmpi slt, %parallel_loop3A_1069, %parallel_loop3A_1075 : i32
        %parallel_loop3A_1077 = arith.xori %parallel_loop3A_1074, %parallel_loop3A_1076 : i1
        %parallel_loop3A_1078 = arith.andi %parallel_loop3A_1077, %parallel_loop3A_1072 : i1
        %parallel_loop3A_1079 = arith.addi %parallel_loop3A_1070, %parallel_loop3A_1069 : i32
        %parallel_loop3A_1080 = arith.select %parallel_loop3A_1078, %parallel_loop3A_1079, %parallel_loop3A_1070 : i32
        %parallel_loop3A_1081 = arith.constant 16 : i32
        %parallel_loop3A_1082 = arith.muli %parallel_loop3A_1080, %parallel_loop3A_1081 : i32
        %parallel_loop3A_1083 = arith.constant 11 : i32
        %parallel_loop3A_1084 = arith.addi %parallel_loop3A_1082, %parallel_loop3A_1083 : i32
        %parallel_loop3A_1085 = vector.broadcast %parallel_loop3A_1084 : i32 to vector<16xi32>
        %parallel_loop3A_1086 = arith.index_cast %parallel_loop3A_1064 : i32 to index
        %parallel_loop3A_1087 = arith.constant 0 : index
        %parallel_loop3A_1088 = tpu.vector_load %arg7[%parallel_loop3A_1086, %parallel_loop3A_1087] {strides = array<i32>} : memref<256x128xf32, #tpu.memory_space<vmem>>, vector<16xf32>,
        %parallel_loop3A_1089 = arith.constant 0 : i32
        %parallel_loop3A_1090 = vector.broadcast %parallel_loop3A_1089 : i32 to vector<16xi32>
        %parallel_loop3A_1091 = arith.addi %select_n3A, %parallel_loop3A_1090 : vector<16xi32>
        tpu.vector_store_idx %arg9[%parallel_loop3A_521, %parallel_loop3A_1091, %select_n3A_45, %parallel_loop3A_1085], %parallel_loop3A_1088 : memref<2x8x8x129xf32, #tpu.memory_space<vmem>>[vector<16xi32>, vector<16xi32>, vector<16xi32>, vector<16xi32>], vector<16xf32>,
        %parallel_loop3A_1092 = arith.index_cast %parallel_loop3A_1064 : i32 to index
        %parallel_loop3A_1093 = arith.constant 16 : index
        %parallel_loop3A_1094 = tpu.vector_load %arg7[%parallel_loop3A_1092, %parallel_loop3A_1093] {strides = array<i32>} : memref<256x128xf32, #tpu.memory_space<vmem>>, vector<16xf32>,
        %parallel_loop3A_1095 = arith.constant 2 : i32
        %parallel_loop3A_1096 = vector.broadcast %parallel_loop3A_1095 : i32 to vector<16xi32>
        %parallel_loop3A_1097 = arith.addi %select_n3A, %parallel_loop3A_1096 : vector<16xi32>
        tpu.vector_store_idx %arg9[%parallel_loop3A_521, %parallel_loop3A_1097, %select_n3A_45, %parallel_loop3A_1085], %parallel_loop3A_1094 : memref<2x8x8x129xf32, #tpu.memory_space<vmem>>[vector<16xi32>, vector<16xi32>, vector<16xi32>, vector<16xi32>], vector<16xf32>,
        %parallel_loop3A_1098 = arith.index_cast %parallel_loop3A_1064 : i32 to index
        %parallel_loop3A_1099 = arith.constant 32 : index
        %parallel_loop3A_1100 = tpu.vector_load %arg7[%parallel_loop3A_1098, %parallel_loop3A_1099] {strides = array<i32>} : memref<256x128xf32, #tpu.memory_space<vmem>>, vector<16xf32>,
        %parallel_loop3A_1101 = arith.constant 4 : i32
        %parallel_loop3A_1102 = vector.broadcast %parallel_loop3A_1101 : i32 to vector<16xi32>
        %parallel_loop3A_1103 = arith.addi %select_n3A, %parallel_loop3A_1102 : vector<16xi32>
        tpu.vector_store_idx %arg9[%parallel_loop3A_521, %parallel_loop3A_1103, %select_n3A_45, %parallel_loop3A_1085], %parallel_loop3A_1100 : memref<2x8x8x129xf32, #tpu.memory_space<vmem>>[vector<16xi32>, vector<16xi32>, vector<16xi32>, vector<16xi32>], vector<16xf32>,
        %parallel_loop3A_1104 = arith.index_cast %parallel_loop3A_1064 : i32 to index
        %parallel_loop3A_1105 = arith.constant 48 : index
        %parallel_loop3A_1106 = tpu.vector_load %arg7[%parallel_loop3A_1104, %parallel_loop3A_1105] {strides = array<i32>} : memref<256x128xf32, #tpu.memory_space<vmem>>, vector<16xf32>,
        %parallel_loop3A_1107 = arith.constant 6 : i32
        %parallel_loop3A_1108 = vector.broadcast %parallel_loop3A_1107 : i32 to vector<16xi32>
        %parallel_loop3A_1109 = arith.addi %select_n3A, %parallel_loop3A_1108 : vector<16xi32>
        tpu.vector_store_idx %arg9[%parallel_loop3A_521, %parallel_loop3A_1109, %select_n3A_45, %parallel_loop3A_1085], %parallel_loop3A_1106 : memref<2x8x8x129xf32, #tpu.memory_space<vmem>>[vector<16xi32>, vector<16xi32>, vector<16xi32>, vector<16xi32>], vector<16xf32>,
        %parallel_loop3A_1110 = arith.constant 16 : i32
        %parallel_loop3A_1111 = arith.muli %parallel_loop3A_496, %parallel_loop3A_1110 : i32
        %parallel_loop3A_1112 = arith.constant 12 : i32
        %parallel_loop3A_1113 = arith.addi %parallel_loop3A_1111, %parallel_loop3A_1112 : i32
        %parallel_loop3A_1114 = arith.constant 8 : i32
        %parallel_loop3A_1115 = arith.constant 0 : i32
        %parallel_loop3A_1116 = arith.cmpi eq, %parallel_loop3A_1114, %parallel_loop3A_1115 : i32
        %parallel_loop3A_1117 = arith.constant 1 : i32
        %parallel_loop3A_1118 = arith.select %parallel_loop3A_1116, %parallel_loop3A_1117, %parallel_loop3A_1114 : i32
        %parallel_loop3A_1119 = arith.remsi %parallel_loop3A_496, %parallel_loop3A_1118 : i32
        %parallel_loop3A_1120 = arith.constant 0 : i32
        %parallel_loop3A_1121 = arith.cmpi ne, %parallel_loop3A_1119, %parallel_loop3A_1120 : i32
        %parallel_loop3A_1122 = arith.constant 0 : i32
        %parallel_loop3A_1123 = arith.cmpi slt, %parallel_loop3A_1119, %parallel_loop3A_1122 : i32
        %parallel_loop3A_1124 = arith.constant 0 : i32
        %parallel_loop3A_1125 = arith.cmpi slt, %parallel_loop3A_1118, %parallel_loop3A_1124 : i32
        %parallel_loop3A_1126 = arith.xori %parallel_loop3A_1123, %parallel_loop3A_1125 : i1
        %parallel_loop3A_1127 = arith.andi %parallel_loop3A_1126, %parallel_loop3A_1121 : i1
        %parallel_loop3A_1128 = arith.addi %parallel_loop3A_1119, %parallel_loop3A_1118 : i32
        %parallel_loop3A_1129 = arith.select %parallel_loop3A_1127, %parallel_loop3A_1128, %parallel_loop3A_1119 : i32
        %parallel_loop3A_1130 = arith.constant 16 : i32
        %parallel_loop3A_1131 = arith.muli %parallel_loop3A_1129, %parallel_loop3A_1130 : i32
        %parallel_loop3A_1132 = arith.constant 12 : i32
        %parallel_loop3A_1133 = arith.addi %parallel_loop3A_1131, %parallel_loop3A_1132 : i32
        %parallel_loop3A_1134 = vector.broadcast %parallel_loop3A_1133 : i32 to vector<16xi32>
        %parallel_loop3A_1135 = arith.index_cast %parallel_loop3A_1113 : i32 to index
        %parallel_loop3A_1136 = arith.constant 0 : index
        %parallel_loop3A_1137 = tpu.vector_load %arg7[%parallel_loop3A_1135, %parallel_loop3A_1136] {strides = array<i32>} : memref<256x128xf32, #tpu.memory_space<vmem>>, vector<16xf32>,
        %parallel_loop3A_1138 = arith.constant 0 : i32
        %parallel_loop3A_1139 = vector.broadcast %parallel_loop3A_1138 : i32 to vector<16xi32>
        %parallel_loop3A_1140 = arith.addi %select_n3A, %parallel_loop3A_1139 : vector<16xi32>
        tpu.vector_store_idx %arg9[%parallel_loop3A_521, %parallel_loop3A_1140, %select_n3A_45, %parallel_loop3A_1134], %parallel_loop3A_1137 : memref<2x8x8x129xf32, #tpu.memory_space<vmem>>[vector<16xi32>, vector<16xi32>, vector<16xi32>, vector<16xi32>], vector<16xf32>,
        %parallel_loop3A_1141 = arith.index_cast %parallel_loop3A_1113 : i32 to index
        %parallel_loop3A_1142 = arith.constant 16 : index
        %parallel_loop3A_1143 = tpu.vector_load %arg7[%parallel_loop3A_1141, %parallel_loop3A_1142] {strides = array<i32>} : memref<256x128xf32, #tpu.memory_space<vmem>>, vector<16xf32>,
        %parallel_loop3A_1144 = arith.constant 2 : i32
        %parallel_loop3A_1145 = vector.broadcast %parallel_loop3A_1144 : i32 to vector<16xi32>
        %parallel_loop3A_1146 = arith.addi %select_n3A, %parallel_loop3A_1145 : vector<16xi32>
        tpu.vector_store_idx %arg9[%parallel_loop3A_521, %parallel_loop3A_1146, %select_n3A_45, %parallel_loop3A_1134], %parallel_loop3A_1143 : memref<2x8x8x129xf32, #tpu.memory_space<vmem>>[vector<16xi32>, vector<16xi32>, vector<16xi32>, vector<16xi32>], vector<16xf32>,
        %parallel_loop3A_1147 = arith.index_cast %parallel_loop3A_1113 : i32 to index
        %parallel_loop3A_1148 = arith.constant 32 : index
        %parallel_loop3A_1149 = tpu.vector_load %arg7[%parallel_loop3A_1147, %parallel_loop3A_1148] {strides = array<i32>} : memref<256x128xf32, #tpu.memory_space<vmem>>, vector<16xf32>,
        %parallel_loop3A_1150 = arith.constant 4 : i32
        %parallel_loop3A_1151 = vector.broadcast %parallel_loop3A_1150 : i32 to vector<16xi32>
        %parallel_loop3A_1152 = arith.addi %select_n3A, %parallel_loop3A_1151 : vector<16xi32>
        tpu.vector_store_idx %arg9[%parallel_loop3A_521, %parallel_loop3A_1152, %select_n3A_45, %parallel_loop3A_1134], %parallel_loop3A_1149 : memref<2x8x8x129xf32, #tpu.memory_space<vmem>>[vector<16xi32>, vector<16xi32>, vector<16xi32>, vector<16xi32>], vector<16xf32>,
        %parallel_loop3A_1153 = arith.index_cast %parallel_loop3A_1113 : i32 to index
        %parallel_loop3A_1154 = arith.constant 48 : index
        %parallel_loop3A_1155 = tpu.vector_load %arg7[%parallel_loop3A_1153, %parallel_loop3A_1154] {strides = array<i32>} : memref<256x128xf32, #tpu.memory_space<vmem>>, vector<16xf32>,
        %parallel_loop3A_1156 = arith.constant 6 : i32
        %parallel_loop3A_1157 = vector.broadcast %parallel_loop3A_1156 : i32 to vector<16xi32>
        %parallel_loop3A_1158 = arith.addi %select_n3A, %parallel_loop3A_1157 : vector<16xi32>
        tpu.vector_store_idx %arg9[%parallel_loop3A_521, %parallel_loop3A_1158, %select_n3A_45, %parallel_loop3A_1134], %parallel_loop3A_1155 : memref<2x8x8x129xf32, #tpu.memory_space<vmem>>[vector<16xi32>, vector<16xi32>, vector<16xi32>, vector<16xi32>], vector<16xf32>,
        %parallel_loop3A_1159 = arith.constant 16 : i32
        %parallel_loop3A_1160 = arith.muli %parallel_loop3A_496, %parallel_loop3A_1159 : i32
        %parallel_loop3A_1161 = arith.constant 13 : i32
        %parallel_loop3A_1162 = arith.addi %parallel_loop3A_1160, %parallel_loop3A_1161 : i32
        %parallel_loop3A_1163 = arith.constant 8 : i32
        %parallel_loop3A_1164 = arith.constant 0 : i32
        %parallel_loop3A_1165 = arith.cmpi eq, %parallel_loop3A_1163, %parallel_loop3A_1164 : i32
        %parallel_loop3A_1166 = arith.constant 1 : i32
        %parallel_loop3A_1167 = arith.select %parallel_loop3A_1165, %parallel_loop3A_1166, %parallel_loop3A_1163 : i32
        %parallel_loop3A_1168 = arith.remsi %parallel_loop3A_496, %parallel_loop3A_1167 : i32
        %parallel_loop3A_1169 = arith.constant 0 : i32
        %parallel_loop3A_1170 = arith.cmpi ne, %parallel_loop3A_1168, %parallel_loop3A_1169 : i32
        %parallel_loop3A_1171 = arith.constant 0 : i32
        %parallel_loop3A_1172 = arith.cmpi slt, %parallel_loop3A_1168, %parallel_loop3A_1171 : i32
        %parallel_loop3A_1173 = arith.constant 0 : i32
        %parallel_loop3A_1174 = arith.cmpi slt, %parallel_loop3A_1167, %parallel_loop3A_1173 : i32
        %parallel_loop3A_1175 = arith.xori %parallel_loop3A_1172, %parallel_loop3A_1174 : i1
        %parallel_loop3A_1176 = arith.andi %parallel_loop3A_1175, %parallel_loop3A_1170 : i1
        %parallel_loop3A_1177 = arith.addi %parallel_loop3A_1168, %parallel_loop3A_1167 : i32
        %parallel_loop3A_1178 = arith.select %parallel_loop3A_1176, %parallel_loop3A_1177, %parallel_loop3A_1168 : i32
        %parallel_loop3A_1179 = arith.constant 16 : i32
        %parallel_loop3A_1180 = arith.muli %parallel_loop3A_1178, %parallel_loop3A_1179 : i32
        %parallel_loop3A_1181 = arith.constant 13 : i32
        %parallel_loop3A_1182 = arith.addi %parallel_loop3A_1180, %parallel_loop3A_1181 : i32
        %parallel_loop3A_1183 = vector.broadcast %parallel_loop3A_1182 : i32 to vector<16xi32>
        %parallel_loop3A_1184 = arith.index_cast %parallel_loop3A_1162 : i32 to index
        %parallel_loop3A_1185 = arith.constant 0 : index
        %parallel_loop3A_1186 = tpu.vector_load %arg7[%parallel_loop3A_1184, %parallel_loop3A_1185] {strides = array<i32>} : memref<256x128xf32, #tpu.memory_space<vmem>>, vector<16xf32>,
        %parallel_loop3A_1187 = arith.constant 0 : i32
        %parallel_loop3A_1188 = vector.broadcast %parallel_loop3A_1187 : i32 to vector<16xi32>
        %parallel_loop3A_1189 = arith.addi %select_n3A, %parallel_loop3A_1188 : vector<16xi32>
        tpu.vector_store_idx %arg9[%parallel_loop3A_521, %parallel_loop3A_1189, %select_n3A_45, %parallel_loop3A_1183], %parallel_loop3A_1186 : memref<2x8x8x129xf32, #tpu.memory_space<vmem>>[vector<16xi32>, vector<16xi32>, vector<16xi32>, vector<16xi32>], vector<16xf32>,
        %parallel_loop3A_1190 = arith.index_cast %parallel_loop3A_1162 : i32 to index
        %parallel_loop3A_1191 = arith.constant 16 : index
        %parallel_loop3A_1192 = tpu.vector_load %arg7[%parallel_loop3A_1190, %parallel_loop3A_1191] {strides = array<i32>} : memref<256x128xf32, #tpu.memory_space<vmem>>, vector<16xf32>,
        %parallel_loop3A_1193 = arith.constant 2 : i32
        %parallel_loop3A_1194 = vector.broadcast %parallel_loop3A_1193 : i32 to vector<16xi32>
        %parallel_loop3A_1195 = arith.addi %select_n3A, %parallel_loop3A_1194 : vector<16xi32>
        tpu.vector_store_idx %arg9[%parallel_loop3A_521, %parallel_loop3A_1195, %select_n3A_45, %parallel_loop3A_1183], %parallel_loop3A_1192 : memref<2x8x8x129xf32, #tpu.memory_space<vmem>>[vector<16xi32>, vector<16xi32>, vector<16xi32>, vector<16xi32>], vector<16xf32>,
        %parallel_loop3A_1196 = arith.index_cast %parallel_loop3A_1162 : i32 to index
        %parallel_loop3A_1197 = arith.constant 32 : index
        %parallel_loop3A_1198 = tpu.vector_load %arg7[%parallel_loop3A_1196, %parallel_loop3A_1197] {strides = array<i32>} : memref<256x128xf32, #tpu.memory_space<vmem>>, vector<16xf32>,
        %parallel_loop3A_1199 = arith.constant 4 : i32
        %parallel_loop3A_1200 = vector.broadcast %parallel_loop3A_1199 : i32 to vector<16xi32>
        %parallel_loop3A_1201 = arith.addi %select_n3A, %parallel_loop3A_1200 : vector<16xi32>
        tpu.vector_store_idx %arg9[%parallel_loop3A_521, %parallel_loop3A_1201, %select_n3A_45, %parallel_loop3A_1183], %parallel_loop3A_1198 : memref<2x8x8x129xf32, #tpu.memory_space<vmem>>[vector<16xi32>, vector<16xi32>, vector<16xi32>, vector<16xi32>], vector<16xf32>,
        %parallel_loop3A_1202 = arith.index_cast %parallel_loop3A_1162 : i32 to index
        %parallel_loop3A_1203 = arith.constant 48 : index
        %parallel_loop3A_1204 = tpu.vector_load %arg7[%parallel_loop3A_1202, %parallel_loop3A_1203] {strides = array<i32>} : memref<256x128xf32, #tpu.memory_space<vmem>>, vector<16xf32>,
        %parallel_loop3A_1205 = arith.constant 6 : i32
        %parallel_loop3A_1206 = vector.broadcast %parallel_loop3A_1205 : i32 to vector<16xi32>
        %parallel_loop3A_1207 = arith.addi %select_n3A, %parallel_loop3A_1206 : vector<16xi32>
        tpu.vector_store_idx %arg9[%parallel_loop3A_521, %parallel_loop3A_1207, %select_n3A_45, %parallel_loop3A_1183], %parallel_loop3A_1204 : memref<2x8x8x129xf32, #tpu.memory_space<vmem>>[vector<16xi32>, vector<16xi32>, vector<16xi32>, vector<16xi32>], vector<16xf32>,
        %parallel_loop3A_1208 = arith.constant 16 : i32
        %parallel_loop3A_1209 = arith.muli %parallel_loop3A_496, %parallel_loop3A_1208 : i32
        %parallel_loop3A_1210 = arith.constant 14 : i32
        %parallel_loop3A_1211 = arith.addi %parallel_loop3A_1209, %parallel_loop3A_1210 : i32
        %parallel_loop3A_1212 = arith.constant 8 : i32
        %parallel_loop3A_1213 = arith.constant 0 : i32
        %parallel_loop3A_1214 = arith.cmpi eq, %parallel_loop3A_1212, %parallel_loop3A_1213 : i32
        %parallel_loop3A_1215 = arith.constant 1 : i32
        %parallel_loop3A_1216 = arith.select %parallel_loop3A_1214, %parallel_loop3A_1215, %parallel_loop3A_1212 : i32
        %parallel_loop3A_1217 = arith.remsi %parallel_loop3A_496, %parallel_loop3A_1216 : i32
        %parallel_loop3A_1218 = arith.constant 0 : i32
        %parallel_loop3A_1219 = arith.cmpi ne, %parallel_loop3A_1217, %parallel_loop3A_1218 : i32
        %parallel_loop3A_1220 = arith.constant 0 : i32
        %parallel_loop3A_1221 = arith.cmpi slt, %parallel_loop3A_1217, %parallel_loop3A_1220 : i32
        %parallel_loop3A_1222 = arith.constant 0 : i32
        %parallel_loop3A_1223 = arith.cmpi slt, %parallel_loop3A_1216, %parallel_loop3A_1222 : i32
        %parallel_loop3A_1224 = arith.xori %parallel_loop3A_1221, %parallel_loop3A_1223 : i1
        %parallel_loop3A_1225 = arith.andi %parallel_loop3A_1224, %parallel_loop3A_1219 : i1
        %parallel_loop3A_1226 = arith.addi %parallel_loop3A_1217, %parallel_loop3A_1216 : i32
        %parallel_loop3A_1227 = arith.select %parallel_loop3A_1225, %parallel_loop3A_1226, %parallel_loop3A_1217 : i32
        %parallel_loop3A_1228 = arith.constant 16 : i32
        %parallel_loop3A_1229 = arith.muli %parallel_loop3A_1227, %parallel_loop3A_1228 : i32
        %parallel_loop3A_1230 = arith.constant 14 : i32
        %parallel_loop3A_1231 = arith.addi %parallel_loop3A_1229, %parallel_loop3A_1230 : i32
        %parallel_loop3A_1232 = vector.broadcast %parallel_loop3A_1231 : i32 to vector<16xi32>
        %parallel_loop3A_1233 = arith.index_cast %parallel_loop3A_1211 : i32 to index
        %parallel_loop3A_1234 = arith.constant 0 : index
        %parallel_loop3A_1235 = tpu.vector_load %arg7[%parallel_loop3A_1233, %parallel_loop3A_1234] {strides = array<i32>} : memref<256x128xf32, #tpu.memory_space<vmem>>, vector<16xf32>,
        %parallel_loop3A_1236 = arith.constant 0 : i32
        %parallel_loop3A_1237 = vector.broadcast %parallel_loop3A_1236 : i32 to vector<16xi32>
        %parallel_loop3A_1238 = arith.addi %select_n3A, %parallel_loop3A_1237 : vector<16xi32>
        tpu.vector_store_idx %arg9[%parallel_loop3A_521, %parallel_loop3A_1238, %select_n3A_45, %parallel_loop3A_1232], %parallel_loop3A_1235 : memref<2x8x8x129xf32, #tpu.memory_space<vmem>>[vector<16xi32>, vector<16xi32>, vector<16xi32>, vector<16xi32>], vector<16xf32>,
        %parallel_loop3A_1239 = arith.index_cast %parallel_loop3A_1211 : i32 to index
        %parallel_loop3A_1240 = arith.constant 16 : index
        %parallel_loop3A_1241 = tpu.vector_load %arg7[%parallel_loop3A_1239, %parallel_loop3A_1240] {strides = array<i32>} : memref<256x128xf32, #tpu.memory_space<vmem>>, vector<16xf32>,
        %parallel_loop3A_1242 = arith.constant 2 : i32
        %parallel_loop3A_1243 = vector.broadcast %parallel_loop3A_1242 : i32 to vector<16xi32>
        %parallel_loop3A_1244 = arith.addi %select_n3A, %parallel_loop3A_1243 : vector<16xi32>
        tpu.vector_store_idx %arg9[%parallel_loop3A_521, %parallel_loop3A_1244, %select_n3A_45, %parallel_loop3A_1232], %parallel_loop3A_1241 : memref<2x8x8x129xf32, #tpu.memory_space<vmem>>[vector<16xi32>, vector<16xi32>, vector<16xi32>, vector<16xi32>], vector<16xf32>,
        %parallel_loop3A_1245 = arith.index_cast %parallel_loop3A_1211 : i32 to index
        %parallel_loop3A_1246 = arith.constant 32 : index
        %parallel_loop3A_1247 = tpu.vector_load %arg7[%parallel_loop3A_1245, %parallel_loop3A_1246] {strides = array<i32>} : memref<256x128xf32, #tpu.memory_space<vmem>>, vector<16xf32>,
        %parallel_loop3A_1248 = arith.constant 4 : i32
        %parallel_loop3A_1249 = vector.broadcast %parallel_loop3A_1248 : i32 to vector<16xi32>
        %parallel_loop3A_1250 = arith.addi %select_n3A, %parallel_loop3A_1249 : vector<16xi32>
        tpu.vector_store_idx %arg9[%parallel_loop3A_521, %parallel_loop3A_1250, %select_n3A_45, %parallel_loop3A_1232], %parallel_loop3A_1247 : memref<2x8x8x129xf32, #tpu.memory_space<vmem>>[vector<16xi32>, vector<16xi32>, vector<16xi32>, vector<16xi32>], vector<16xf32>,
        %parallel_loop3A_1251 = arith.index_cast %parallel_loop3A_1211 : i32 to index
        %parallel_loop3A_1252 = arith.constant 48 : index
        %parallel_loop3A_1253 = tpu.vector_load %arg7[%parallel_loop3A_1251, %parallel_loop3A_1252] {strides = array<i32>} : memref<256x128xf32, #tpu.memory_space<vmem>>, vector<16xf32>,
        %parallel_loop3A_1254 = arith.constant 6 : i32
        %parallel_loop3A_1255 = vector.broadcast %parallel_loop3A_1254 : i32 to vector<16xi32>
        %parallel_loop3A_1256 = arith.addi %select_n3A, %parallel_loop3A_1255 : vector<16xi32>
        tpu.vector_store_idx %arg9[%parallel_loop3A_521, %parallel_loop3A_1256, %select_n3A_45, %parallel_loop3A_1232], %parallel_loop3A_1253 : memref<2x8x8x129xf32, #tpu.memory_space<vmem>>[vector<16xi32>, vector<16xi32>, vector<16xi32>, vector<16xi32>], vector<16xf32>,
        %parallel_loop3A_1257 = arith.constant 16 : i32
        %parallel_loop3A_1258 = arith.muli %parallel_loop3A_496, %parallel_loop3A_1257 : i32
        %parallel_loop3A_1259 = arith.constant 15 : i32
        %parallel_loop3A_1260 = arith.addi %parallel_loop3A_1258, %parallel_loop3A_1259 : i32
        %parallel_loop3A_1261 = arith.constant 8 : i32
        %parallel_loop3A_1262 = arith.constant 0 : i32
        %parallel_loop3A_1263 = arith.cmpi eq, %parallel_loop3A_1261, %parallel_loop3A_1262 : i32
        %parallel_loop3A_1264 = arith.constant 1 : i32
        %parallel_loop3A_1265 = arith.select %parallel_loop3A_1263, %parallel_loop3A_1264, %parallel_loop3A_1261 : i32
        %parallel_loop3A_1266 = arith.remsi %parallel_loop3A_496, %parallel_loop3A_1265 : i32
        %parallel_loop3A_1267 = arith.constant 0 : i32
        %parallel_loop3A_1268 = arith.cmpi ne, %parallel_loop3A_1266, %parallel_loop3A_1267 : i32
        %parallel_loop3A_1269 = arith.constant 0 : i32
        %parallel_loop3A_1270 = arith.cmpi slt, %parallel_loop3A_1266, %parallel_loop3A_1269 : i32
        %parallel_loop3A_1271 = arith.constant 0 : i32
        %parallel_loop3A_1272 = arith.cmpi slt, %parallel_loop3A_1265, %parallel_loop3A_1271 : i32
        %parallel_loop3A_1273 = arith.xori %parallel_loop3A_1270, %parallel_loop3A_1272 : i1
        %parallel_loop3A_1274 = arith.andi %parallel_loop3A_1273, %parallel_loop3A_1268 : i1
        %parallel_loop3A_1275 = arith.addi %parallel_loop3A_1266, %parallel_loop3A_1265 : i32
        %parallel_loop3A_1276 = arith.select %parallel_loop3A_1274, %parallel_loop3A_1275, %parallel_loop3A_1266 : i32
        %parallel_loop3A_1277 = arith.constant 16 : i32
        %parallel_loop3A_1278 = arith.muli %parallel_loop3A_1276, %parallel_loop3A_1277 : i32
        %parallel_loop3A_1279 = arith.constant 15 : i32
        %parallel_loop3A_1280 = arith.addi %parallel_loop3A_1278, %parallel_loop3A_1279 : i32
        %parallel_loop3A_1281 = vector.broadcast %parallel_loop3A_1280 : i32 to vector<16xi32>
        %parallel_loop3A_1282 = arith.index_cast %parallel_loop3A_1260 : i32 to index
        %parallel_loop3A_1283 = arith.constant 0 : index
        %parallel_loop3A_1284 = tpu.vector_load %arg7[%parallel_loop3A_1282, %parallel_loop3A_1283] {strides = array<i32>} : memref<256x128xf32, #tpu.memory_space<vmem>>, vector<16xf32>,
        %parallel_loop3A_1285 = arith.constant 0 : i32
        %parallel_loop3A_1286 = vector.broadcast %parallel_loop3A_1285 : i32 to vector<16xi32>
        %parallel_loop3A_1287 = arith.addi %select_n3A, %parallel_loop3A_1286 : vector<16xi32>
        tpu.vector_store_idx %arg9[%parallel_loop3A_521, %parallel_loop3A_1287, %select_n3A_45, %parallel_loop3A_1281], %parallel_loop3A_1284 : memref<2x8x8x129xf32, #tpu.memory_space<vmem>>[vector<16xi32>, vector<16xi32>, vector<16xi32>, vector<16xi32>], vector<16xf32>,
        %parallel_loop3A_1288 = arith.index_cast %parallel_loop3A_1260 : i32 to index
        %parallel_loop3A_1289 = arith.constant 16 : index
        %parallel_loop3A_1290 = tpu.vector_load %arg7[%parallel_loop3A_1288, %parallel_loop3A_1289] {strides = array<i32>} : memref<256x128xf32, #tpu.memory_space<vmem>>, vector<16xf32>,
        %parallel_loop3A_1291 = arith.constant 2 : i32
        %parallel_loop3A_1292 = vector.broadcast %parallel_loop3A_1291 : i32 to vector<16xi32>
        %parallel_loop3A_1293 = arith.addi %select_n3A, %parallel_loop3A_1292 : vector<16xi32>
        tpu.vector_store_idx %arg9[%parallel_loop3A_521, %parallel_loop3A_1293, %select_n3A_45, %parallel_loop3A_1281], %parallel_loop3A_1290 : memref<2x8x8x129xf32, #tpu.memory_space<vmem>>[vector<16xi32>, vector<16xi32>, vector<16xi32>, vector<16xi32>], vector<16xf32>,
        %parallel_loop3A_1294 = arith.index_cast %parallel_loop3A_1260 : i32 to index
        %parallel_loop3A_1295 = arith.constant 32 : index
        %parallel_loop3A_1296 = tpu.vector_load %arg7[%parallel_loop3A_1294, %parallel_loop3A_1295] {strides = array<i32>} : memref<256x128xf32, #tpu.memory_space<vmem>>, vector<16xf32>,
        %parallel_loop3A_1297 = arith.constant 4 : i32
        %parallel_loop3A_1298 = vector.broadcast %parallel_loop3A_1297 : i32 to vector<16xi32>
        %parallel_loop3A_1299 = arith.addi %select_n3A, %parallel_loop3A_1298 : vector<16xi32>
        tpu.vector_store_idx %arg9[%parallel_loop3A_521, %parallel_loop3A_1299, %select_n3A_45, %parallel_loop3A_1281], %parallel_loop3A_1296 : memref<2x8x8x129xf32, #tpu.memory_space<vmem>>[vector<16xi32>, vector<16xi32>, vector<16xi32>, vector<16xi32>], vector<16xf32>,
        %parallel_loop3A_1300 = arith.index_cast %parallel_loop3A_1260 : i32 to index
        %parallel_loop3A_1301 = arith.constant 48 : index
        %parallel_loop3A_1302 = tpu.vector_load %arg7[%parallel_loop3A_1300, %parallel_loop3A_1301] {strides = array<i32>} : memref<256x128xf32, #tpu.memory_space<vmem>>, vector<16xf32>,
        %parallel_loop3A_1303 = arith.constant 6 : i32
        %parallel_loop3A_1304 = vector.broadcast %parallel_loop3A_1303 : i32 to vector<16xi32>
        %parallel_loop3A_1305 = arith.addi %select_n3A, %parallel_loop3A_1304 : vector<16xi32>
        tpu.vector_store_idx %arg9[%parallel_loop3A_521, %parallel_loop3A_1305, %select_n3A_45, %parallel_loop3A_1281], %parallel_loop3A_1302 : memref<2x8x8x129xf32, #tpu.memory_space<vmem>>[vector<16xi32>, vector<16xi32>, vector<16xi32>, vector<16xi32>], vector<16xf32>,
      } {sc.loop_unroll_factor = 1 : i64, sc.parallel_access}
      %jit3A_393 = arith.constant 2 : i32
      %div3A_394 = arith.divsi %add3A_337, %jit3A_393 : i32
      %sign3A_395 = arith.constant 0 : i32
      %sign3A_396 = arith.cmpi sgt, %add3A_337, %sign3A_395 : i32
      %sign3A_397 = arith.extui %sign3A_396 : i1 to i32
      %sign3A_398 = arith.constant 0 : i32
      %sign3A_399 = arith.cmpi slt, %add3A_337, %sign3A_398 : i32
      %sign3A_400 = arith.extui %sign3A_399 : i1 to i32
      %sign3A_401 = arith.subi %sign3A_397, %sign3A_400 : i32
      %sign3A_402 = arith.constant 0 : i32
      %sign3A_403 = arith.cmpi sgt, %jit3A_393, %sign3A_402 : i32
      %sign3A_404 = arith.extui %sign3A_403 : i1 to i32
      %sign3A_405 = arith.constant 0 : i32
      %sign3A_406 = arith.cmpi slt, %jit3A_393, %sign3A_405 : i32
      %sign3A_407 = arith.extui %sign3A_406 : i1 to i32
      %sign3A_408 = arith.subi %sign3A_404, %sign3A_407 : i32
      %ne3A_409 = arith.cmpi ne, %sign3A_401, %sign3A_408 : i32
      %rem3A_410 = arith.remsi %add3A_337, %jit3A_393 : i32
      %ne3A_411 = arith.constant 0 : i32
      %ne3A_412 = arith.cmpi ne, %rem3A_410, %ne3A_411 : i32
      %and3A_413 = arith.andi %ne3A_409, %ne3A_412 : i1
      %sub3A_414 = arith.constant 1 : i32
      %sub3A_415 = arith.subi %div3A_394, %sub3A_414 : i32
      %select_n3A_416 = arith.select %and3A_413, %sub3A_415, %div3A_394 : i32
      %jit3A_417 = arith.constant 2 : i32
      %eq3A_418 = arith.constant 0 : i32
      %eq3A_419 = arith.cmpi eq, %jit3A_417, %eq3A_418 : i32
      %jit3A_420 = arith.constant 1 : i32
      %select_n3A_421 = arith.select %eq3A_419, %jit3A_420, %jit3A_417 : i32
      %rem3A_422 = arith.remsi %add3A_337, %select_n3A_421 : i32
      %ne3A_423 = arith.constant 0 : i32
      %ne3A_424 = arith.cmpi ne, %rem3A_422, %ne3A_423 : i32
      %lt3A_425 = arith.constant 0 : i32
      %lt3A_426 = arith.cmpi slt, %rem3A_422, %lt3A_425 : i32
      %lt3A_427 = arith.constant 0 : i32
      %lt3A_428 = arith.cmpi slt, %select_n3A_421, %lt3A_427 : i32
      %ne3A_429 = arith.xori %lt3A_426, %lt3A_428 : i1
      %and3A_430 = arith.andi %ne3A_429, %ne3A_424 : i1
      %add3A_431 = arith.addi %rem3A_422, %select_n3A_421 : i32
      %select_n3A_432 = arith.select %and3A_430, %add3A_431, %rem3A_422 : i32
      %mul3A_433 = arith.constant 4 : i32
      %mul3A_434 = arith.muli %add3A, %mul3A_433 : i32
      %mul3A_435 = arith.constant 2 : i32
      %mul3A_436 = arith.muli %select_n3A_432, %mul3A_435 : i32
      %add3A_437 = arith.addi %mul3A_434, %mul3A_436 : i32
      %add3A_438 = arith.constant 0 : i32
      %add3A_439 = arith.addi %add3A_437, %add3A_438 : i32
      %dma_start3A_440 = arith.constant 0 : i32
      %dma_start3A_441 = arith.constant 0 : i32
      %dma_start3A_442 = arith.constant 0 : i32
      %dma_start3A_443 = arith.constant 0 : i32
      %dma_start3A_444 = tpu.memref_slice %arg9[%dma_start3A_440, %dma_start3A_441, %dma_start3A_442, %dma_start3A_443] : memref<2x8x8x129xf32, #tpu.memory_space<vmem>> -> memref<1x8x8x128xf32, #tpu.memory_space<vmem>>
      %dma_start3A_445 = tpu.memref_squeeze %dma_start3A_444 : memref<1x8x8x128xf32, #tpu.memory_space<vmem>> -> memref<8x8x128xf32, #tpu.memory_space<vmem>>
      %dma_start3A_446 = arith.constant 0 : i32
      %dma_start3A_447 = arith.constant 0 : i32
      %dma_start3A_448 = arith.constant 0 : i32
      %dma_start3A_449 = tpu.memref_slice %arg4[%select_n3A_416, %dma_start3A_446, %add3A_439, %dma_start3A_447, %dma_start3A_448] : memref<50x8x128x8x128xf32, #tpu.memory_space<hbm>> -> memref<1x8x1x8x128xf32, #tpu.memory_space<hbm>>
      %dma_start3A_450 = tpu.memref_squeeze %dma_start3A_449 : memref<1x8x1x8x128xf32, #tpu.memory_space<hbm>> -> memref<8x8x128xf32, #tpu.memory_space<hbm>>
      %dma_start3A_451 = arith.constant 0 : i32
      %dma_start3A_452 = arith.constant 0 : i32
      %dma_start3A_453 = arith.constant 0 : i32
      %dma_start3A_454 = tpu.memref_slice %arg4[%select_n3A_416, %dma_start3A_451, %add3A_439, %dma_start3A_452, %dma_start3A_453] : memref<50x8x128x8x128xf32, #tpu.memory_space<hbm>> -> memref<1x8x1x8x128xf32, #tpu.memory_space<hbm>>
      %dma_start3A_455 = tpu.memref_squeeze %dma_start3A_454 : memref<1x8x1x8x128xf32, #tpu.memory_space<hbm>> -> memref<8x8x128xf32, #tpu.memory_space<hbm>>
      %dma_start3A_456 = arith.constant 0 : i32
      %dma_start3A_457 = arith.constant 0 : i32
      %dma_start3A_458 = arith.constant 0 : i32
      %dma_start3A_459 = tpu.memref_slice %arg9[%dma_start3A_440, %dma_start3A_456, %dma_start3A_457, %dma_start3A_458] : memref<2x8x8x129xf32, #tpu.memory_space<vmem>> -> memref<1x8x8x128xf32, #tpu.memory_space<vmem>>
      %dma_start3A_460 = tpu.memref_squeeze %dma_start3A_459 : memref<1x8x8x128xf32, #tpu.memory_space<vmem>> -> memref<8x8x128xf32, #tpu.memory_space<vmem>>
      tpu.enqueue_dma source(%dma_start3A_460 : memref<8x8x128xf32, #tpu.memory_space<vmem>>) target(%dma_start3A_455 : memref<8x8x128xf32, #tpu.memory_space<hbm>>) target_semaphore(%arg13 : memref<!tpu.dma_semaphore, #tpu.memory_space<semaphore_mem>>)
      %mul3A_461 = arith.constant 4 : i32
      %mul3A_462 = arith.muli %add3A, %mul3A_461 : i32
      %mul3A_463 = arith.constant 2 : i32
      %mul3A_464 = arith.muli %select_n3A_432, %mul3A_463 : i32
      %add3A_465 = arith.addi %mul3A_462, %mul3A_464 : i32
      %add3A_466 = arith.constant 1 : i32
      %add3A_467 = arith.addi %add3A_465, %add3A_466 : i32
      %dma_start3A_468 = arith.constant 1 : i32
      %dma_start3A_469 = arith.constant 0 : i32
      %dma_start3A_470 = arith.constant 0 : i32
      %dma_start3A_471 = arith.constant 0 : i32
      %dma_start3A_472 = tpu.memref_slice %arg9[%dma_start3A_468, %dma_start3A_469, %dma_start3A_470, %dma_start3A_471] : memref<2x8x8x129xf32, #tpu.memory_space<vmem>> -> memref<1x8x8x128xf32, #tpu.memory_space<vmem>>
      %dma_start3A_473 = tpu.memref_squeeze %dma_start3A_472 : memref<1x8x8x128xf32, #tpu.memory_space<vmem>> -> memref<8x8x128xf32, #tpu.memory_space<vmem>>
      %dma_start3A_474 = arith.constant 0 : i32
      %dma_start3A_475 = arith.constant 0 : i32
      %dma_start3A_476 = arith.constant 0 : i32
      %dma_start3A_477 = tpu.memref_slice %arg4[%select_n3A_416, %dma_start3A_474, %add3A_467, %dma_start3A_475, %dma_start3A_476] : memref<50x8x128x8x128xf32, #tpu.memory_space<hbm>> -> memref<1x8x1x8x128xf32, #tpu.memory_space<hbm>>
      %dma_start3A_478 = tpu.memref_squeeze %dma_start3A_477 : memref<1x8x1x8x128xf32, #tpu.memory_space<hbm>> -> memref<8x8x128xf32, #tpu.memory_space<hbm>>
      %dma_start3A_479 = arith.constant 0 : i32
      %dma_start3A_480 = arith.constant 0 : i32
      %dma_start3A_481 = arith.constant 0 : i32
      %dma_start3A_482 = tpu.memref_slice %arg4[%select_n3A_416, %dma_start3A_479, %add3A_467, %dma_start3A_480, %dma_start3A_481] : memref<50x8x128x8x128xf32, #tpu.memory_space<hbm>> -> memref<1x8x1x8x128xf32, #tpu.memory_space<hbm>>
      %dma_start3A_483 = tpu.memref_squeeze %dma_start3A_482 : memref<1x8x1x8x128xf32, #tpu.memory_space<hbm>> -> memref<8x8x128xf32, #tpu.memory_space<hbm>>
      %dma_start3A_484 = arith.constant 0 : i32
      %dma_start3A_485 = arith.constant 0 : i32
      %dma_start3A_486 = arith.constant 0 : i32
      %dma_start3A_487 = tpu.memref_slice %arg9[%dma_start3A_468, %dma_start3A_484, %dma_start3A_485, %dma_start3A_486] : memref<2x8x8x129xf32, #tpu.memory_space<vmem>> -> memref<1x8x8x128xf32, #tpu.memory_space<vmem>>
      %dma_start3A_488 = tpu.memref_squeeze %dma_start3A_487 : memref<1x8x8x128xf32, #tpu.memory_space<vmem>> -> memref<8x8x128xf32, #tpu.memory_space<vmem>>
      tpu.enqueue_dma source(%dma_start3A_488 : memref<8x8x128xf32, #tpu.memory_space<vmem>>) target(%dma_start3A_483 : memref<8x8x128xf32, #tpu.memory_space<hbm>>) target_semaphore(%arg13 : memref<!tpu.dma_semaphore, #tpu.memory_space<semaphore_mem>>)
      %add3A_489 = arith.constant 2 : i32
      %add3A_490 = arith.addi %add3A_337, %add3A_489 : i32
      %lt3A_491 = arith.constant 100 : i32
      %lt3A_492 = arith.cmpi slt, %add3A_490, %lt3A_491 : i32
      %convert_element_type3A_493 = arith.extui %lt3A_492 : i1 to i32
      %cond3A_494 = arith.constant 0 : i32
      %cond3A_495 = arith.cmpi ne, %convert_element_type3A_493, %cond3A_494 : i32
      scf.if %cond3A_495 {
        %add3A_496 = arith.constant 2 : i32
        %add3A_497 = arith.addi %add3A_337, %add3A_496 : i32
        %jit3A_498 = arith.constant 2 : i32
        %div3A_499 = arith.divsi %add3A_497, %jit3A_498 : i32
        %sign3A_500 = arith.constant 0 : i32
        %sign3A_501 = arith.cmpi sgt, %add3A_497, %sign3A_500 : i32
        %sign3A_502 = arith.extui %sign3A_501 : i1 to i32
        %sign3A_503 = arith.constant 0 : i32
        %sign3A_504 = arith.cmpi slt, %add3A_497, %sign3A_503 : i32
        %sign3A_505 = arith.extui %sign3A_504 : i1 to i32
        %sign3A_506 = arith.subi %sign3A_502, %sign3A_505 : i32
        %sign3A_507 = arith.constant 0 : i32
        %sign3A_508 = arith.cmpi sgt, %jit3A_498, %sign3A_507 : i32
        %sign3A_509 = arith.extui %sign3A_508 : i1 to i32
        %sign3A_510 = arith.constant 0 : i32
        %sign3A_511 = arith.cmpi slt, %jit3A_498, %sign3A_510 : i32
        %sign3A_512 = arith.extui %sign3A_511 : i1 to i32
        %sign3A_513 = arith.subi %sign3A_509, %sign3A_512 : i32
        %ne3A_514 = arith.cmpi ne, %sign3A_506, %sign3A_513 : i32
        %rem3A_515 = arith.remsi %add3A_497, %jit3A_498 : i32
        %ne3A_516 = arith.constant 0 : i32
        %ne3A_517 = arith.cmpi ne, %rem3A_515, %ne3A_516 : i32
        %and3A_518 = arith.andi %ne3A_514, %ne3A_517 : i1
        %sub3A_519 = arith.constant 1 : i32
        %sub3A_520 = arith.subi %div3A_499, %sub3A_519 : i32
        %select_n3A_521 = arith.select %and3A_518, %sub3A_520, %div3A_499 : i32
        %jit3A_522 = arith.constant 2 : i32
        %eq3A_523 = arith.constant 0 : i32
        %eq3A_524 = arith.cmpi eq, %jit3A_522, %eq3A_523 : i32
        %jit3A_525 = arith.constant 1 : i32
        %select_n3A_526 = arith.select %eq3A_524, %jit3A_525, %jit3A_522 : i32
        %rem3A_527 = arith.remsi %add3A_497, %select_n3A_526 : i32
        %ne3A_528 = arith.constant 0 : i32
        %ne3A_529 = arith.cmpi ne, %rem3A_527, %ne3A_528 : i32
        %lt3A_530 = arith.constant 0 : i32
        %lt3A_531 = arith.cmpi slt, %rem3A_527, %lt3A_530 : i32
        %lt3A_532 = arith.constant 0 : i32
        %lt3A_533 = arith.cmpi slt, %select_n3A_526, %lt3A_532 : i32
        %ne3A_534 = arith.xori %lt3A_531, %lt3A_533 : i1
        %and3A_535 = arith.andi %ne3A_534, %ne3A_529 : i1
        %add3A_536 = arith.addi %rem3A_527, %select_n3A_526 : i32
        %select_n3A_537 = arith.select %and3A_535, %add3A_536, %rem3A_527 : i32
        %mul3A_538 = arith.constant 256 : i32
        %mul3A_539 = arith.muli %select_n3A_537, %mul3A_538 : i32
        %dma_start3A_540 = tpu.memref_slice %arg5[%select_n3A_521, %mul3A_539] : memref<50x512xi32, #tpu.memory_space<vmem>> -> memref<1x256xi32, #tpu.memory_space<vmem>>
        %dma_start3A_541 = tpu.memref_squeeze %dma_start3A_540 : memref<1x256xi32, #tpu.memory_space<vmem>> -> memref<256xi32, #tpu.memory_space<vmem>>
        %dma_start3A_542 = arith.constant 0 : i32
        %dma_start3A_543 = arith.constant 0 : i32
        %dma_start3A_544 = tpu.memref_slice %arg3[%dma_start3A_542, %dma_start3A_543] : memref<1000000x128xf32, #tpu.memory_space<hbm>> -> memref<1000000x128xf32, #tpu.memory_space<hbm>>
        tpu.enqueue_indirect_dma source(%dma_start3A_544 : memref<1000000x128xf32, #tpu.memory_space<hbm>>) target(%arg7 : memref<256x128xf32, #tpu.memory_space<vmem>>) offsets(%dma_start3A_541 : memref<256xi32, #tpu.memory_space<vmem>>) semaphore(%arg11 : memref<!tpu.dma_semaphore, #tpu.memory_space<semaphore_mem>>)
      } else {
      }
    }
    %scan3A_63 = arith.constant 50 : i32
    %mul3A_64 = arith.constant 4 : i32
    %mul3A_65 = arith.muli %add3A, %mul3A_64 : i32
    %add3A_66 = arith.constant 0 : i32
    %add3A_67 = arith.addi %mul3A_65, %add3A_66 : i32
    %add3A_68 = arith.constant 0 : i32
    %add3A_69 = arith.addi %add3A_67, %add3A_68 : i32
    %dma_wait3A = arith.constant 0 : i32
    %dma_wait3A_70 = arith.constant 49 : i32
    %dma_wait3A_71 = arith.constant 0 : i32
    %dma_wait3A_72 = arith.constant 0 : i32
    %dma_wait3A_73 = arith.constant 0 : i32
    %dma_wait3A_74 = tpu.memref_slice %arg8[%dma_wait3A, %dma_wait3A_71, %dma_wait3A_72, %dma_wait3A_73] : memref<2x8x8x129xf32, #tpu.memory_space<vmem>> -> memref<1x8x8x128xf32, #tpu.memory_space<vmem>>
    %dma_wait3A_75 = tpu.memref_squeeze %dma_wait3A_74 : memref<1x8x8x128xf32, #tpu.memory_space<vmem>> -> memref<8x8x128xf32, #tpu.memory_space<vmem>>
    %dma_wait3A_76 = arith.constant 0 : i32
    %dma_wait3A_77 = arith.constant 0 : i32
    %dma_wait3A_78 = arith.constant 0 : i32
    %dma_wait3A_79 = tpu.memref_slice %arg4[%dma_wait3A_70, %dma_wait3A_76, %add3A_69, %dma_wait3A_77, %dma_wait3A_78] : memref<50x8x128x8x128xf32, #tpu.memory_space<hbm>> -> memref<1x8x1x8x128xf32, #tpu.memory_space<hbm>>
    %dma_wait3A_80 = tpu.memref_squeeze %dma_wait3A_79 : memref<1x8x1x8x128xf32, #tpu.memory_space<hbm>> -> memref<8x8x128xf32, #tpu.memory_space<hbm>>
    %dma_wait3A_81 = arith.constant 0 : i32
    %dma_wait3A_82 = arith.constant 0 : i32
    %dma_wait3A_83 = arith.constant 0 : i32
    %dma_wait3A_84 = tpu.memref_slice %arg4[%dma_wait3A_70, %dma_wait3A_81, %add3A_69, %dma_wait3A_82, %dma_wait3A_83] : memref<50x8x128x8x128xf32, #tpu.memory_space<hbm>> -> memref<1x8x1x8x128xf32, #tpu.memory_space<hbm>>
    %dma_wait3A_85 = tpu.memref_squeeze %dma_wait3A_84 : memref<1x8x1x8x128xf32, #tpu.memory_space<hbm>> -> memref<8x8x128xf32, #tpu.memory_space<hbm>>
    %dma_wait3A_86 = arith.constant 0 : i32
    %dma_wait3A_87 = arith.constant 0 : i32
    %dma_wait3A_88 = arith.constant 0 : i32
    %dma_wait3A_89 = tpu.memref_slice %arg8[%dma_wait3A, %dma_wait3A_86, %dma_wait3A_87, %dma_wait3A_88] : memref<2x8x8x129xf32, #tpu.memory_space<vmem>> -> memref<1x8x8x128xf32, #tpu.memory_space<vmem>>
    %dma_wait3A_90 = tpu.memref_squeeze %dma_wait3A_89 : memref<1x8x8x128xf32, #tpu.memory_space<vmem>> -> memref<8x8x128xf32, #tpu.memory_space<vmem>>
    tpu.wait_dma2 semaphore(%arg12 : memref<!tpu.dma_semaphore, #tpu.memory_space<semaphore_mem>>) src(%dma_wait3A_90 : memref<8x8x128xf32, #tpu.memory_space<vmem>>) dst(%dma_wait3A_85 : memref<8x8x128xf32, #tpu.memory_space<hbm>>)
    %mul3A_91 = arith.constant 4 : i32
    %mul3A_92 = arith.muli %add3A, %mul3A_91 : i32
    %add3A_93 = arith.constant 0 : i32
    %add3A_94 = arith.addi %mul3A_92, %add3A_93 : i32
    %add3A_95 = arith.constant 1 : i32
    %add3A_96 = arith.addi %add3A_94, %add3A_95 : i32
    %dma_wait3A_97 = arith.constant 1 : i32
    %dma_wait3A_98 = arith.constant 49 : i32
    %dma_wait3A_99 = arith.constant 0 : i32
    %dma_wait3A_100 = arith.constant 0 : i32
    %dma_wait3A_101 = arith.constant 0 : i32
    %dma_wait3A_102 = tpu.memref_slice %arg8[%dma_wait3A_97, %dma_wait3A_99, %dma_wait3A_100, %dma_wait3A_101] : memref<2x8x8x129xf32, #tpu.memory_space<vmem>> -> memref<1x8x8x128xf32, #tpu.memory_space<vmem>>
    %dma_wait3A_103 = tpu.memref_squeeze %dma_wait3A_102 : memref<1x8x8x128xf32, #tpu.memory_space<vmem>> -> memref<8x8x128xf32, #tpu.memory_space<vmem>>
    %dma_wait3A_104 = arith.constant 0 : i32
    %dma_wait3A_105 = arith.constant 0 : i32
    %dma_wait3A_106 = arith.constant 0 : i32
    %dma_wait3A_107 = tpu.memref_slice %arg4[%dma_wait3A_98, %dma_wait3A_104, %add3A_96, %dma_wait3A_105, %dma_wait3A_106] : memref<50x8x128x8x128xf32, #tpu.memory_space<hbm>> -> memref<1x8x1x8x128xf32, #tpu.memory_space<hbm>>
    %dma_wait3A_108 = tpu.memref_squeeze %dma_wait3A_107 : memref<1x8x1x8x128xf32, #tpu.memory_space<hbm>> -> memref<8x8x128xf32, #tpu.memory_space<hbm>>
    %dma_wait3A_109 = arith.constant 0 : i32
    %dma_wait3A_110 = arith.constant 0 : i32
    %dma_wait3A_111 = arith.constant 0 : i32
    %dma_wait3A_112 = tpu.memref_slice %arg4[%dma_wait3A_98, %dma_wait3A_109, %add3A_96, %dma_wait3A_110, %dma_wait3A_111] : memref<50x8x128x8x128xf32, #tpu.memory_space<hbm>> -> memref<1x8x1x8x128xf32, #tpu.memory_space<hbm>>
    %dma_wait3A_113 = tpu.memref_squeeze %dma_wait3A_112 : memref<1x8x1x8x128xf32, #tpu.memory_space<hbm>> -> memref<8x8x128xf32, #tpu.memory_space<hbm>>
    %dma_wait3A_114 = arith.constant 0 : i32
    %dma_wait3A_115 = arith.constant 0 : i32
    %dma_wait3A_116 = arith.constant 0 : i32
    %dma_wait3A_117 = tpu.memref_slice %arg8[%dma_wait3A_97, %dma_wait3A_114, %dma_wait3A_115, %dma_wait3A_116] : memref<2x8x8x129xf32, #tpu.memory_space<vmem>> -> memref<1x8x8x128xf32, #tpu.memory_space<vmem>>
    %dma_wait3A_118 = tpu.memref_squeeze %dma_wait3A_117 : memref<1x8x8x128xf32, #tpu.memory_space<vmem>> -> memref<8x8x128xf32, #tpu.memory_space<vmem>>
    tpu.wait_dma2 semaphore(%arg12 : memref<!tpu.dma_semaphore, #tpu.memory_space<semaphore_mem>>) src(%dma_wait3A_118 : memref<8x8x128xf32, #tpu.memory_space<vmem>>) dst(%dma_wait3A_113 : memref<8x8x128xf32, #tpu.memory_space<hbm>>)
    %mul3A_119 = arith.constant 4 : i32
    %mul3A_120 = arith.muli %add3A, %mul3A_119 : i32
    %add3A_121 = arith.constant 2 : i32
    %add3A_122 = arith.addi %mul3A_120, %add3A_121 : i32
    %add3A_123 = arith.constant 0 : i32
    %add3A_124 = arith.addi %add3A_122, %add3A_123 : i32
    %dma_wait3A_125 = arith.constant 0 : i32
    %dma_wait3A_126 = arith.constant 49 : i32
    %dma_wait3A_127 = arith.constant 0 : i32
    %dma_wait3A_128 = arith.constant 0 : i32
    %dma_wait3A_129 = arith.constant 0 : i32
    %dma_wait3A_130 = tpu.memref_slice %arg9[%dma_wait3A_125, %dma_wait3A_127, %dma_wait3A_128, %dma_wait3A_129] : memref<2x8x8x129xf32, #tpu.memory_space<vmem>> -> memref<1x8x8x128xf32, #tpu.memory_space<vmem>>
    %dma_wait3A_131 = tpu.memref_squeeze %dma_wait3A_130 : memref<1x8x8x128xf32, #tpu.memory_space<vmem>> -> memref<8x8x128xf32, #tpu.memory_space<vmem>>
    %dma_wait3A_132 = arith.constant 0 : i32
    %dma_wait3A_133 = arith.constant 0 : i32
    %dma_wait3A_134 = arith.constant 0 : i32
    %dma_wait3A_135 = tpu.memref_slice %arg4[%dma_wait3A_126, %dma_wait3A_132, %add3A_124, %dma_wait3A_133, %dma_wait3A_134] : memref<50x8x128x8x128xf32, #tpu.memory_space<hbm>> -> memref<1x8x1x8x128xf32, #tpu.memory_space<hbm>>
    %dma_wait3A_136 = tpu.memref_squeeze %dma_wait3A_135 : memref<1x8x1x8x128xf32, #tpu.memory_space<hbm>> -> memref<8x8x128xf32, #tpu.memory_space<hbm>>
    %dma_wait3A_137 = arith.constant 0 : i32
    %dma_wait3A_138 = arith.constant 0 : i32
    %dma_wait3A_139 = arith.constant 0 : i32
    %dma_wait3A_140 = tpu.memref_slice %arg4[%dma_wait3A_126, %dma_wait3A_137, %add3A_124, %dma_wait3A_138, %dma_wait3A_139] : memref<50x8x128x8x128xf32, #tpu.memory_space<hbm>> -> memref<1x8x1x8x128xf32, #tpu.memory_space<hbm>>
    %dma_wait3A_141 = tpu.memref_squeeze %dma_wait3A_140 : memref<1x8x1x8x128xf32, #tpu.memory_space<hbm>> -> memref<8x8x128xf32, #tpu.memory_space<hbm>>
    %dma_wait3A_142 = arith.constant 0 : i32
    %dma_wait3A_143 = arith.constant 0 : i32
    %dma_wait3A_144 = arith.constant 0 : i32
    %dma_wait3A_145 = tpu.memref_slice %arg9[%dma_wait3A_125, %dma_wait3A_142, %dma_wait3A_143, %dma_wait3A_144] : memref<2x8x8x129xf32, #tpu.memory_space<vmem>> -> memref<1x8x8x128xf32, #tpu.memory_space<vmem>>
    %dma_wait3A_146 = tpu.memref_squeeze %dma_wait3A_145 : memref<1x8x8x128xf32, #tpu.memory_space<vmem>> -> memref<8x8x128xf32, #tpu.memory_space<vmem>>
    tpu.wait_dma2 semaphore(%arg13 : memref<!tpu.dma_semaphore, #tpu.memory_space<semaphore_mem>>) src(%dma_wait3A_146 : memref<8x8x128xf32, #tpu.memory_space<vmem>>) dst(%dma_wait3A_141 : memref<8x8x128xf32, #tpu.memory_space<hbm>>)
    %mul3A_147 = arith.constant 4 : i32
    %mul3A_148 = arith.muli %add3A, %mul3A_147 : i32
    %add3A_149 = arith.constant 2 : i32
    %add3A_150 = arith.addi %mul3A_148, %add3A_149 : i32
    %add3A_151 = arith.constant 1 : i32
    %add3A_152 = arith.addi %add3A_150, %add3A_151 : i32
    %dma_wait3A_153 = arith.constant 1 : i32
    %dma_wait3A_154 = arith.constant 49 : i32
    %dma_wait3A_155 = arith.constant 0 : i32
    %dma_wait3A_156 = arith.constant 0 : i32
    %dma_wait3A_157 = arith.constant 0 : i32
    %dma_wait3A_158 = tpu.memref_slice %arg9[%dma_wait3A_153, %dma_wait3A_155, %dma_wait3A_156, %dma_wait3A_157] : memref<2x8x8x129xf32, #tpu.memory_space<vmem>> -> memref<1x8x8x128xf32, #tpu.memory_space<vmem>>
    %dma_wait3A_159 = tpu.memref_squeeze %dma_wait3A_158 : memref<1x8x8x128xf32, #tpu.memory_space<vmem>> -> memref<8x8x128xf32, #tpu.memory_space<vmem>>
    %dma_wait3A_160 = arith.constant 0 : i32
    %dma_wait3A_161 = arith.constant 0 : i32
    %dma_wait3A_162 = arith.constant 0 : i32
    %dma_wait3A_163 = tpu.memref_slice %arg4[%dma_wait3A_154, %dma_wait3A_160, %add3A_152, %dma_wait3A_161, %dma_wait3A_162] : memref<50x8x128x8x128xf32, #tpu.memory_space<hbm>> -> memref<1x8x1x8x128xf32, #tpu.memory_space<hbm>>
    %dma_wait3A_164 = tpu.memref_squeeze %dma_wait3A_163 : memref<1x8x1x8x128xf32, #tpu.memory_space<hbm>> -> memref<8x8x128xf32, #tpu.memory_space<hbm>>
    %dma_wait3A_165 = arith.constant 0 : i32
    %dma_wait3A_166 = arith.constant 0 : i32
    %dma_wait3A_167 = arith.constant 0 : i32
    %dma_wait3A_168 = tpu.memref_slice %arg4[%dma_wait3A_154, %dma_wait3A_165, %add3A_152, %dma_wait3A_166, %dma_wait3A_167] : memref<50x8x128x8x128xf32, #tpu.memory_space<hbm>> -> memref<1x8x1x8x128xf32, #tpu.memory_space<hbm>>
    %dma_wait3A_169 = tpu.memref_squeeze %dma_wait3A_168 : memref<1x8x1x8x128xf32, #tpu.memory_space<hbm>> -> memref<8x8x128xf32, #tpu.memory_space<hbm>>
    %dma_wait3A_170 = arith.constant 0 : i32
    %dma_wait3A_171 = arith.constant 0 : i32
    %dma_wait3A_172 = arith.constant 0 : i32
    %dma_wait3A_173 = tpu.memref_slice %arg9[%dma_wait3A_153, %dma_wait3A_170, %dma_wait3A_171, %dma_wait3A_172] : memref<2x8x8x129xf32, #tpu.memory_space<vmem>> -> memref<1x8x8x128xf32, #tpu.memory_space<vmem>>
    %dma_wait3A_174 = tpu.memref_squeeze %dma_wait3A_173 : memref<1x8x8x128xf32, #tpu.memory_space<vmem>> -> memref<8x8x128xf32, #tpu.memory_space<vmem>>
    tpu.wait_dma2 semaphore(%arg13 : memref<!tpu.dma_semaphore, #tpu.memory_space<semaphore_mem>>) src(%dma_wait3A_174 : memref<8x8x128xf32, #tpu.memory_space<vmem>>) dst(%dma_wait3A_169 : memref<8x8x128xf32, #tpu.memory_space<hbm>>)
    return
  }
}

</mosaic_0001>

<sc_bundles>
// kernel: kernel.3.cloned.1.call-start
scs
__scs_entry_jumppad:
0x0: {  	(pc) =	sbr.rel $0x88, $3  }
0x1: {  	(tag) =	ssettag $0x0;
	lr =	simm.s32 $0x1  }
0x2: {  	[smem:$0x3F9F] =	sst lr;
	_ =	strace $0xD0000000  }
0x3: {  	_ = 	snop  }
0x4: {  	_ = 	snop  }
0x5: {  	_ = 	snop  }
0x6: {  	_ = 	snop  }
0x7: {  	_ = 	snop  }
__scs_overlays_trampoline_lowered:
0x8: {  	[smem:$0x3FAE] =	sst s0  }
0x9: {  	[smem:$0x3FAF] =	sst s1  }
0xa: {  	[smem:$0x3FB0] =	sst s2  }
0xb: {  	[smem:$0x3FB1] =	sst s3  }
0xc: {  	[smem:$0x3FB2] =	sst s4  }
0xd: {  	[smem:$0x3FB3] =	sst s5  }
0xe: {  	[smem:$0x3FB4] =	sst s6  }
0xf: {  	[smem:$0x3FB5] =	sst s7  }
0x10: {  	[smem:$0x3FB6] =	sst s8  }
0x11: {  	[smem:$0x3FB7] =	sst s9;
	s0 =	simm.s32 @!p0 $0x0  }
0x12: {  	s1 =	sld [smem:$0x3F9D];
	s0 =	simm.s32 @p0 $0x1  }
0x13: {  	[smem:$0x3FB8] =	sst s0;
	s0 =	simm.s32 @!p1 $0x0  }
0x14: {  	s2 =	sld [smem:$0x3F9C];
	s0 =	simm.s32 @p1 $0x1  }
0x15: {  	[smem:$0x3FB9] =	sst s0;
	s0 =	simm.s32 @!p2 $0x0  }
0x16: {  	s3 =	sld [smem:$0x3FDB];
	s0 =	simm.s32 @p2 $0x1  }
0x17: {  	s4 =	simm.s32 $0x1BF5;
	[smem:$0x3FBB] =	sst s0  }
0x18: {  	s0 =	sld [smem:$0x3F9E];
	_ =	swait.ge [sflag:s4], $0x0  }
0x19: {  	s7 =	sld [smem:$0x3F9F]  }
0x1a: {  	s8 =	sadd.s32 $0xFFFFE003, lr  }
0x1b: {  	s9 =	sadd.s32 $0xFFFFFEF7, lr;
	s5 =	simm.s32 $0xFFFFFFFF;
	p2 =	slt.u32 s8, $0xFFFFF086  }
0x1c: {  	p1 =	slt.u32 s9, $0xF7A;
	s5 =	simm.s32 @!p2 $0x0  }
0x1d: {  	s5 =	simm.s32 @p1 $0x1;
	p0 =	seq.s32 s7, s2  }
0x1e: {  	s7 =	smul.u32 @!p0 $0xF7A, s2;
	p2 =	seq.s32 @!p0 s5, $0x0  }
0x1f: {  	s9 =	smul.u32 $0xF7A, s1;
	s8 =	simm.s32 @!p0 $0x1BF5;
	p2 =	por !p2, p0  }
0x20: {  	[sflag:s8] =	ssyncset.s32 @!p0 $0xFFFFF086;
	s6 =	sadd.s32 @!p0 s3, s7;
	s7 =	simm.s32 @!p0 $0x108  }
0x21: {  	s3 =	sadd.s32 s3, s9;
	s6 =	sadd.s32 @!p0 $0x88, s6;
	s7 =	simm.s32 @p2 $0x1082  }
0x22: {  	[simem:s7], [sflag:s8] =	dma.local @!p0 [hbm:s6], $0xF7A  }
0x23: {  	s9 =	sor.u32 $0xD0000000, s2;
	s6 =	simm.s32 $0x108;
	_ =	swait.ge @!p0 [sflag:s8], $0x0  }
0x24: {  	s3 =	sadd.s32 $0x88, s3;
	s6 =	simm.s32 @!p1 $0x1082;
	[sflag:s4] =	ssyncset.s32 $0xFFFFF086  }
0x25: {  	[simem:s6], [sflag:s4] =	dma.local [hbm:s3], $0xF7A  }
0x26: {  	[smem:$0x3F9F] =	sst s1;
	(tag) =	ssettag s2;
	_ =	strace s9  }
0x27: {  	s1 =	sld [smem:$0x3FAF]  }
0x28: {  	s2 =	sld [smem:$0x3FB0]  }
0x29: {  	s4 =	sld [smem:$0x3FB2]  }
0x2a: {  	p0 =	seq.s32 s5, $0x0;
	s5 =	sld [smem:$0x3FB3]  }
0x2b: {  	s6 =	sld [smem:$0x3FB4]  }
0x2c: {  	s7 =	sld [smem:$0x3FB5]  }
0x2d: {  	s3 =	simm.s32 $0x108;
	s8 =	sld [smem:$0x3FB6]  }
0x2e: {  	s3 =	simm.s32 @!p0 $0x1082;
	s9 =	sld [smem:$0x3FB7]  }
0x2f: {  	lr =	sadd.s32 s0, s3;
	s0 =	sld [smem:$0x3FAE]  }
0x30: {  	s3 =	sld [smem:$0x3FB1]  }
0x31: {  	[smem:$0x3FBA] =	sst s10  }
0x32: {  	s10 =	sld [smem:$0x3FB8];
	_ =	sdelay $0x3  }
0x33: {  	p0 =	seq.s32 s10, $0x1;
	s10 =	sld [smem:$0x3FBA];
	_ =	sdelay $0x3  }
0x34: {  	[smem:$0x3FBA] =	sst s10  }
0x35: {  	s10 =	sld [smem:$0x3FB9];
	_ =	sdelay $0x3  }
0x36: {  	p1 =	seq.s32 s10, $0x1;
	s10 =	sld [smem:$0x3FBA];
	_ =	sdelay $0x3  }
0x37: {  	[smem:$0x3FBA] =	sst s10  }
0x38: {  	s10 =	sld [smem:$0x3FBB]  }
0x39: {  	_ = 	snop;
	(pc) =	sbr.ind lr, $3  }
0x3a: {  	_ = 	snop  }
0x3b: {  	_ = 	snop  }
0x3c: {  	p2 =	seq.s32 s10, $0x1;
	s10 =	sld [smem:$0x3FBA]  }
0x3d: {  	_ =	shalt  }
0x3e: {  	_ =	shalt  }
0x3f: {  	_ =	shalt  }
0x40: {  	_ =	shalt  }
0x41: {  	_ =	shalt  }
0x42: {  	_ =	shalt  }
0x43: {  	_ =	shalt  }
0x44: {  	_ =	shalt  }
0x45: {  	_ =	shalt  }
0x46: {  	_ =	shalt  }
0x47: {  	_ =	shalt  }
0x48: {  	_ =	shalt  }
0x49: {  	_ =	shalt  }
0x4a: {  	_ =	shalt  }
0x4b: {  	_ =	shalt  }
0x4c: {  	_ =	shalt  }
0x4d: {  	_ =	shalt  }
0x4e: {  	_ =	shalt  }
0x4f: {  	_ =	shalt  }
0x50: {  	_ =	shalt  }
0x51: {  	_ =	shalt  }
0x52: {  	_ =	shalt  }
0x53: {  	_ =	shalt  }
0x54: {  	_ =	shalt  }
0x55: {  	_ =	shalt  }
0x56: {  	_ =	shalt  }
0x57: {  	_ =	shalt  }
0x58: {  	_ =	shalt  }
0x59: {  	_ =	shalt  }
0x5a: {  	_ =	shalt  }
0x5b: {  	_ =	shalt  }
0x5c: {  	_ =	shalt  }
0x5d: {  	_ =	shalt  }
0x5e: {  	_ =	shalt  }
0x5f: {  	_ =	shalt  }
0x60: {  	_ =	shalt  }
0x61: {  	_ =	shalt  }
0x62: {  	_ =	shalt  }
0x63: {  	_ =	shalt  }
0x64: {  	_ =	shalt  }
0x65: {  	_ =	shalt  }
0x66: {  	_ =	shalt  }
0x67: {  	_ =	shalt  }
0x68: {  	_ =	shalt  }
0x69: {  	_ =	shalt  }
0x6a: {  	_ =	shalt  }
0x6b: {  	_ =	shalt  }
0x6c: {  	_ =	shalt  }
0x6d: {  	_ =	shalt  }
0x6e: {  	_ =	shalt  }
0x6f: {  	_ =	shalt  }
0x70: {  	_ =	shalt  }
0x71: {  	_ =	shalt  }
0x72: {  	_ =	shalt  }
0x73: {  	_ =	shalt  }
0x74: {  	_ =	shalt  }
0x75: {  	_ =	shalt  }
0x76: {  	_ =	shalt  }
0x77: {  	_ =	shalt  }
0x78: {  	_ =	shalt  }
0x79: {  	_ =	shalt  }
0x7a: {  	_ =	shalt  }
0x7b: {  	_ =	shalt  }
0x7c: {  	_ =	shalt  }
0x7d: {  	_ =	shalt  }
0x7e: {  	_ =	shalt  }
0x7f: {  	_ =	shalt  }
0x80: {  	_ =	shalt  }
0x81: {  	_ =	shalt  }
0x82: {  	_ =	shalt  }
0x83: {  	_ =	shalt  }
0x84: {  	_ =	shalt  }
0x85: {  	_ =	shalt  }
0x86: {  	_ =	shalt  }
0x87: {  	_ =	shalt  }
.Lfunc_end0:
.L_simem_size_0:
called_computation_lowered:
.L_overlay_start_0:
0x88: {  	s2 =	sld [smem:$0x3FD9]  }
0x89: {  	s3 =	sld [smem:$0x3FFE];
	_ =	sdelay $0x1  }
0x8a: {  	s1 =	srdreg.scid  }
0x8b: {  	s0 =	sand.u32 $0x1, s1  }
0x8c: {  	s17 =	sshll.u32 s0, $0xA;
	s2 =	sadd.s32 s3, s2  }
0x8d: {  	s2 =	sadd.s32 s2, s17  }
0x8e: {  	[smem:$0x3FC6] =	sst s2  }
0x8f: {  	_ = 	snop  }
0x90: {  	s2 =	sld [smem:$0x3FD0];
	(tm) =	ssettm $0x1  }
0x91: {  	s18 =	sld [smem:$0x3FFB];
	_ =	sdelay $0x3  }
0x92: {  	_ =	strace s18  }
0x93: {  	s3 =	sld [smem:$0x3FFC];
	_ =	sdelay $0x3  }
0x94: {  	_ =	strace s3  }
0x95: {  	s3 =	sld [smem:$0x3FFD];
	_ =	sdelay $0x3  }
0x96: {  	_ =	strace s3  }
0x97: {  	_ =	strace $0x8FFFFFFF  }
0x98: {  	s19 =	sld [smem:$0x3FDB];
	_ =	sdelay $0x1  }
0x99: {  	s4 =	simm.s32 $_scs_section_size  }
0x9a: {  	s5 =	simm.s32 $_size__tile_overlayer_lowered;
	s6 =	simm.s32 $_tile_overlayer_lowered  }
0x9b: {  	s22 =	simm.s32 $0x1BFF;
	s21 =	sshll.u32 s6, $0x1;
	s3 =	sadd.s32 s4, s19  }
0x9c: {  	s7 =	simm.s32 $0x0;
	s20 =	sshll.u32 s5, $0x1;
	s5 =	sadd.s32 s21, s3  }
0x9d: {  	[timem:s7], [sflag:s22] =	dma.local [hbm:s5], s20  }
0x9e: {  	_ =	swait.ge [sflag:s22], s20  }
0x9f: {  	s4 =	ssub.s32 $0x0, s20;
	[sflag:s22] =	ssyncset.done $0x0  }
0xa0: {  	[sflag:s22] =	ssyncadd.s32 s4;
	_ =	sdelay $0x1  }
0xa1: {  	s23 =	simm.s32 $0x1B8B  }
0xa2: {  	_ =	swait.ge [sflag:s23], $0x1  }
0xa3: {  	[sflag:s23] =	ssyncset.done $0x0  }
0xa4: {  	s25 =	simm.s32 $0x1B8E;
	s24 =	sld [smem:$0x3FFE];
	[sflag:s23] =	ssyncadd.s32 $0xFFFFFFFF  }
0xa5: {  	s26 =	simm.s32 $execute0_lowered;
	[smem:$0x3FD2] =	sst s25  }
0xa6: {  	s5 =	sshll.u32 s26, $0x1;
	_ =	strace $0x80000046;
	[dreg:$0x1] =	wrdreg $0xFFFFFFFF  }
0xa7: {  	s28 =	simm.s32 $_size_execute0_lowered;
	s3 =	sadd.s32 s3, s5;
	[dreg:$0x0] =	wrdreg $0x0  }
0xa8: {  	s5 =	sshll.u32 s28, $0x1;
	[dreg:$0x2] =	wrdreg s3  }
0xa9: {  	[dreg:$0x3] =	wrdreg s5  }
0xaa: {  	[dreg:$0x4] =	wrdreg $0xC0  }
0xab: {  	_ =	task [dreg:s7], $0x5FFFF  }
0xac: {  	[dreg:$0x1] =	wrdreg $0xFFFFFFFF  }
0xad: {  	[dreg:$0x0] =	wrdreg $0x60  }
0xae: {  	[dreg:$0x2] =	wrdreg s24  }
0xaf: {  	[dreg:$0x3] =	wrdreg s2  }
0xb0: {  	[dreg:$0x4] =	wrdreg $0x9  }
0xb1: {  	_ =	task.clear_ibuf [dreg:s7], $0x5FFFF;
	_ =	strace $0x90000046  }
0xb2: {  	s29 =	simm.s32 $0x9;
	_ =	strace $0x80000048  }
0xb3: {  	_ =	swait.ge [sflag:s29], $0x1  }
0xb4: {  	[sflag:s29] =	ssyncadd.s32 $0xFFFFFFFF  }
0xb5: {  	_ =	strace $0x90000048  }
0xb6: {  	_ =	sfence  }
0xb7: {  	s30 =	sld [smem:$0x0];
	_ =	sdelay $0x2  }
0xb8: {  	s31 =	sshll.u32 s1, $0xD;
	s1 =	sshrl.u32 s1, $0x2  }
0xb9: {  	s3 =	sand.u32 $0x4000, s31;
	s1 =	sadd.s32 s1, s30  }
0xba: {  	s0 =	sor.u32 s3, s0;
	s1 =	sshll.u32 s1, $0x11  }
0xbb: {  	s0 =	sor.u32 s1, s0  }
0xbc: {  	s0 =	sadd.s32 $0x8F2B, s0  }
0xbd: {  	[sflag:s0] =	ssyncadd.remote.s32 $0x1  }
0xbe: {  	_ =	sfence.sel $0xFFFF  }
0xbf: {  	[dreg:$0x0] =	wrdreg $0xFFFFFFFF;
	(pc) =	sbr.abs _section_cstart, $3  }
0xc0: {  	[dreg:$0x1] =	wrdreg $0xFFFFFFFF  }
0xc1: {  	_ =	task.clear_ibuf [dreg:s7], $0x2FFFF;
	_ =	strace $0x9FFFFFFF  }
0xc2: {  	(tm) =	ssettm $0x7FFFFFFF  }
0xc3: {  	_ =	shalt  }
tec
execute0_lowered:
.L_overlay_start_1:
0x0: {  	(tag) =	ssettag $0x1  }
0x1: {  	s0 =	rddreg [dreg:$0x0];
	s1 =	srdreg.scid  }
0x2: {  	s3 =	stileid.u32;
	s2 =	rddreg [dreg:$0x1]  }
0x3: {  	s14 =	simm.s32 $0x100;
	s15 =	simm.s32 $0x6400;
	s16 =	simm.s32 $0xE400  }
0x4: {  	s17 =	simm.s32 $0x1;
	s18 =	simm.s32 $0x16400;
	s19 =	simm.s32 $0x2  }
0x5: {  	s20 =	simm.s32 $0x4;
	s21 =	simm.s32 $0x1A800;
	s23 =	simm.s32 $0x0  }
0x6: {  	s1 =	sand.u32 $0x1, s1;
	s4 =	sshll.u32 s3, $0x1;
	s3 =	simm.s32 $0x0  }
0x7: {  	s5 =	sor.u32 s1, s4;
	[smem:$0x7FF] =	sst s3;
	s1 =	ssub.s32 $0x2, s1  }
.Ltmp0:
0x8: {  	s4 =	sshll.u32 s5, $0x6;
	_ =	strace $0x80000047;
	(pc) =	sbr.rel .LBB2_1-.Ltmp0, $4  }
0x9: {  	v0 =	vlaneseq.u32;
	s7 =	sshrl.u32 s1, $0x1;
	s5 =	sshll.u32 s5, $0xC;
	s6 =	sadd.s32 s4, s0  }
0xa: {  	v1 =	vimm.s32 $0x0;
	vm0 =	vcmask $0x300;
	v0 =	vmul.u32 $0x88, v0;
	s4 =	sadd.s32 $0xF5BA00, s0;
	s30 =	ssub.s32 s1, s7;
	s31 =	sadd.s32 $0xF42A00, s6  }
0xb: {  	v1 =	vsel vm0, $0x3, v1;
	s7 =	sor.u32 $0x400, s5;
	s0 =	smax.u32 s30, $0x1;
	[dreg:$0x3] =	wrdreg s31  }
0xc: {  	v2 =	vadd.s32 $0x880, v0;
	v3 =	vadd.s32 $0x1100, v0;
	v4 =	vadd.s32 $0x1980, v0;
	s8 =	sor.u32 $0x800, s5;
	s9 =	sor.u32 $0xC00, s5;
	[dreg:$0x4] =	wrdreg s0  }
.LBB2_20:
0xd: {  	s0 =	simm.s32 $0x3  }
0xe: {  	_ =	swait.ge [sflag:s0], $0x2000  }
0xf: {  	[sflag:s0] =	ssyncset.done $0x0  }
0x10: {  	[sflag:s0] =	ssyncadd.s32 $0xFFFFE000  }
0x11: {  	_ =	swait.ge [sflag:s0], $0x2000  }
0x12: {  	[sflag:s0] =	ssyncset.done $0x0  }
0x13: {  	[sflag:s0] =	ssyncadd.s32 $0xFFFFE000  }
0x14: {  	_ =	swait.ge [sflag:s20], $0x2000  }
0x15: {  	[sflag:s20] =	ssyncset.done $0x0  }
0x16: {  	[sflag:s20] =	ssyncadd.s32 $0xFFFFE000  }
0x17: {  	_ =	swait.ge [sflag:s20], $0x2000  }
0x18: {  	s23 =	sadd.s32 $0x1, s23;
	s31 =	rddreg [dreg:$0x4]  }
0x19: {  	p0 =	sne.s32 s23, s31  }
.Ltmp1:
0x1a: {  	_ = 	snop;
	(pc) =	sbr.rel @!p0 .LBB2_21-.Ltmp1, $3  }
0x1b: {  	_ =	sdelay $0x1  }
0x1c: {  	[sflag:s20] =	ssyncset.done $0x0  }
0x1d: {  	[sflag:s20] =	ssyncadd.s32 $0xFFFFE000  }
.LBB2_1:
0x1e: {  	s0 =	rddreg [dreg:$0x3]  }
0x1f: {  	s1 =	simm.s32 $0x200;
	s6 =	simm.s32 $0x4000;
	s31 =	simm.s32 $0x5  }
0x20: {  	[tilespmem:s3], [sflag:$0x5] =	stream.strided.gather [hbm4b:s0+s1], $0x6400, s6, s1, $0x38;
	[tilespmem:$0x1EC00] =	vst v63  }
0x21: {  	_ =	swait.ge [sflag:s31], $0x6400  }
0x22: {  	[sflag:s31] =	ssyncset.done $0x0  }
0x23: {  	[sflag:s31] =	ssyncadd.s32 $0xFFFF9C00  }
0x24: {  	[tilespmem:s15], [sflag:$0x1] =	stream.indirect.gather [hbm4b:s4+s14], $0x80, s3, s14, $0xb8;
	[tilespmem:$0x1EC00] =	vst v63  }
0x25: {  	s24 =	simm.s32 $0x0  }
0x26: {  	[tilespmem:s16], [sflag:$0x2] =	stream.indirect.gather [hbm4b:s4+s14], $0x80, s14, s14, $0xb8;
	[tilespmem:$0x1EC00] =	vst v63  }
.LBB2_2:
0x27: {  	_ =	swait.ge [sflag:s17], $0x8000  }
0x28: {  	p0 =	seq.s32 s24, $0x0;
	s1 =	simm.s32 $0x0;
	[sflag:s17] =	ssyncset.done $0x0  }
0x29: {  	s6 =	simm.s32 $0x0;
	s0 =	simm.s32 @!p0 $0x3;
	[sflag:s17] =	ssyncadd.s32 $0xFFFF8000  }
0x2a: {  	s1 =	sand.u32 $0x70, s1;
	v5 =	vmov s6;
	_ =	swait.ge @!p0 [sflag:s0], $0x2000  }
0x2b: {  	v6 =	vmov s1;
	v5 =	vmul.u32 $0x2200, v5;
	[sflag:s0] =	ssyncset.done @!p0 $0x0  }
0x2c: {  	v6 =	vshrl.u32 v6, $0x3;
	[sflag:s0] =	ssyncadd.s32 @!p0 $0xFFFFE000  }
0x2d: {  	v5 =	vbroadcast v5, $0x0;
	v6 =	vshll.u32 v6, v1;
	_ =	swait.ge @!p0 [sflag:s0], $0x2000  }
0x2e: {  	v6 =	vbroadcast v6, $0x0;
	[sflag:s0] =	ssyncset.done @!p0 $0x0  }
0x2f: {  	s28 =	simm.s32 $0x6800;
	v14 =	vadd.s32 v0, v5;
	[sflag:s0] =	ssyncadd.s32 @!p0 $0xFFFFE000  }
0x30: {  	v24 =	vadd.s32 v14, v6;
	v7 =	vld [tilespmem:s28+$0xFFFFFC00];
	_ =	sdelay $0x4  }
0x31: {  	v15 =	vadd.s32 v2, v5;
	[tilespmem:v24+s18+$0x0] =	vst.idx.msk $0xffff, v7  }
0x32: {  	v23 =	vadd.s32 v15, v6;
	v7 =	vld [tilespmem:s28+$0xFFFFFC10];
	_ =	sdelay $0x4  }
0x33: {  	v16 =	vadd.s32 v3, v5;
	[tilespmem:v23+s18+$0x0] =	vst.idx.msk $0xffff, v7  }
0x34: {  	v22 =	vadd.s32 v16, v6;
	v7 =	vld [tilespmem:s28+$0xFFFFFC20];
	_ =	sdelay $0x4  }
0x35: {  	v9 =	vadd.s32 v4, v5;
	[tilespmem:v22+s18+$0x0] =	vst.idx.msk $0xffff, v7  }
0x36: {  	v13 =	vadd.s32 v9, v6;
	v5 =	vld [tilespmem:s28+$0xFFFFFC30];
	_ =	sdelay $0x4  }
0x37: {  	[tilespmem:v13+s18+$0x0] =	vst.idx.msk $0xffff, v5  }
0x38: {  	v6 =	vor.u32 $0x1, v24;
	v5 =	vld [tilespmem:s28+$0xFFFFFC80];
	_ =	sdelay $0x4  }
0x39: {  	[tilespmem:v6+s18+$0x0] =	vst.idx.msk $0xffff, v5  }
0x3a: {  	v6 =	vor.u32 $0x1, v23;
	v5 =	vld [tilespmem:s28+$0xFFFFFC90];
	_ =	sdelay $0x4  }
0x3b: {  	[tilespmem:v6+s18+$0x0] =	vst.idx.msk $0xffff, v5  }
0x3c: {  	v6 =	vor.u32 $0x1, v22;
	v5 =	vld [tilespmem:s28+$0xFFFFFCA0];
	_ =	sdelay $0x4  }
0x3d: {  	[tilespmem:v6+s18+$0x0] =	vst.idx.msk $0xffff, v5  }
0x3e: {  	v6 =	vor.u32 $0x1, v13;
	v5 =	vld [tilespmem:s28+$0xFFFFFCB0];
	_ =	sdelay $0x4  }
0x3f: {  	[tilespmem:v6+s18+$0x0] =	vst.idx.msk $0xffff, v5  }
0x40: {  	v6 =	vor.u32 $0x2, v24;
	v5 =	vld [tilespmem:s28+$0xFFFFFD00];
	_ =	sdelay $0x4  }
0x41: {  	[tilespmem:v6+s18+$0x0] =	vst.idx.msk $0xffff, v5  }
0x42: {  	v6 =	vor.u32 $0x2, v23;
	v5 =	vld [tilespmem:s28+$0xFFFFFD10];
	_ =	sdelay $0x2  }
0x43: {  	s10 =	simm.s32 $0x10;
	s11 =	simm.s32 $0x0  }
0x44: {  	s0 =	sand.u32 $0x70, s10;
	v7 =	vmov s11  }
0x45: {  	v8 =	vmov s0;
	v7 =	vmul.u32 $0x2200, v7;
	[tilespmem:v6+s18+$0x0] =	vst.idx.msk $0xffff, v5  }
0x46: {  	v10 =	vor.u32 $0x2, v22;
	v5 =	vshrl.u32 v8, $0x3;
	v6 =	vld [tilespmem:s28+$0xFFFFFD20]  }
0x47: {  	v11 =	vbroadcast v7, $0x0;
	v5 =	vshll.u32 v5, v1  }
0x48: {  	v12 =	vbroadcast v5, $0x0  }
0x49: {  	s25 =	simm.s32 $0x7000;
	v8 =	vadd.s32 v0, v11  }
0x4a: {  	v5 =	vld [tilespmem:s25+$0xFFFFFC00];
	v21 =	vadd.s32 v8, v12  }
0x4b: {  	[tilespmem:v10+s18+$0x0] =	vst.idx.msk $0xffff, v6  }
0x4c: {  	v10 =	vor.u32 $0x2, v13;
	v6 =	vld [tilespmem:s28+$0xFFFFFD30];
	_ =	sdelay $0x2  }
0x4d: {  	v7 =	vadd.s32 v2, v11;
	[tilespmem:v21+s18+$0x0] =	vst.idx.msk $0xffff, v5  }
0x4e: {  	v20 =	vadd.s32 v7, v12;
	v5 =	vld [tilespmem:s25+$0xFFFFFC10]  }
0x4f: {  	[tilespmem:v10+s18+$0x0] =	vst.idx.msk $0xffff, v6  }
0x50: {  	v17 =	vor.u32 $0x3, v24;
	v10 =	vld [tilespmem:s28+$0xFFFFFD80];
	_ =	sdelay $0x2  }
0x51: {  	v6 =	vadd.s32 v3, v11;
	[tilespmem:v20+s18+$0x0] =	vst.idx.msk $0xffff, v5  }
0x52: {  	v19 =	vadd.s32 v6, v12;
	v5 =	vld [tilespmem:s25+$0xFFFFFC20]  }
0x53: {  	[tilespmem:v17+s18+$0x0] =	vst.idx.msk $0xffff, v10  }
0x54: {  	v17 =	vor.u32 $0x3, v23;
	v10 =	vld [tilespmem:s28+$0xFFFFFD90];
	_ =	sdelay $0x2  }
0x55: {  	[tilespmem:v19+s18+$0x0] =	vst.idx.msk $0xffff, v5;
	v5 =	vadd.s32 v4, v11  }
0x56: {  	v11 =	vld [tilespmem:s25+$0xFFFFFC30];
	v18 =	vadd.s32 v5, v12  }
0x57: {  	[tilespmem:v17+s18+$0x0] =	vst.idx.msk $0xffff, v10  }
0x58: {  	v12 =	vor.u32 $0x3, v22;
	v10 =	vld [tilespmem:s28+$0xFFFFFDA0];
	_ =	sdelay $0x2  }
0x59: {  	[tilespmem:v18+s18+$0x0] =	vst.idx.msk $0xffff, v11  }
0x5a: {  	v17 =	vor.u32 $0x1, v21;
	v11 =	vld [tilespmem:s25+$0xFFFFFC80]  }
0x5b: {  	[tilespmem:v12+s18+$0x0] =	vst.idx.msk $0xffff, v10  }
0x5c: {  	v12 =	vor.u32 $0x3, v13;
	v10 =	vld [tilespmem:s28+$0xFFFFFDB0];
	_ =	sdelay $0x2  }
0x5d: {  	[tilespmem:v17+s18+$0x0] =	vst.idx.msk $0xffff, v11  }
0x5e: {  	v17 =	vor.u32 $0x1, v20;
	v11 =	vld [tilespmem:s25+$0xFFFFFC90]  }
0x5f: {  	[tilespmem:v12+s18+$0x0] =	vst.idx.msk $0xffff, v10  }
0x60: {  	v12 =	vor.u32 $0x4, v24;
	v10 =	vld [tilespmem:s28+$0xFFFFFE00];
	_ =	sdelay $0x2  }
0x61: {  	[tilespmem:v17+s18+$0x0] =	vst.idx.msk $0xffff, v11  }
0x62: {  	v17 =	vor.u32 $0x1, v19;
	v11 =	vld [tilespmem:s25+$0xFFFFFCA0]  }
0x63: {  	[tilespmem:v12+s18+$0x0] =	vst.idx.msk $0xffff, v10  }
0x64: {  	v12 =	vor.u32 $0x4, v23;
	v10 =	vld [tilespmem:s28+$0xFFFFFE10];
	_ =	sdelay $0x2  }
0x65: {  	[tilespmem:v17+s18+$0x0] =	vst.idx.msk $0xffff, v11  }
0x66: {  	v17 =	vor.u32 $0x1, v18;
	v11 =	vld [tilespmem:s25+$0xFFFFFCB0]  }
0x67: {  	[tilespmem:v12+s18+$0x0] =	vst.idx.msk $0xffff, v10  }
0x68: {  	v12 =	vor.u32 $0x4, v22;
	v10 =	vld [tilespmem:s28+$0xFFFFFE20];
	_ =	sdelay $0x2  }
0x69: {  	[tilespmem:v17+s18+$0x0] =	vst.idx.msk $0xffff, v11  }
0x6a: {  	v17 =	vor.u32 $0x2, v21;
	v11 =	vld [tilespmem:s25+$0xFFFFFD00]  }
0x6b: {  	[tilespmem:v12+s18+$0x0] =	vst.idx.msk $0xffff, v10  }
0x6c: {  	v12 =	vor.u32 $0x4, v13;
	v10 =	vld [tilespmem:s28+$0xFFFFFE30];
	_ =	sdelay $0x2  }
0x6d: {  	[tilespmem:v17+s18+$0x0] =	vst.idx.msk $0xffff, v11  }
0x6e: {  	v17 =	vor.u32 $0x2, v20;
	v11 =	vld [tilespmem:s25+$0xFFFFFD10]  }
0x6f: {  	[tilespmem:v12+s18+$0x0] =	vst.idx.msk $0xffff, v10  }
0x70: {  	v12 =	vor.u32 $0x5, v24;
	v10 =	vld [tilespmem:s28+$0xFFFFFE80]  }
0x71: {  	s12 =	simm.s32 $0x20;
	s10 =	simm.s32 $0x0  }
0x72: {  	s12 =	sand.u32 $0x70, s12;
	v25 =	vmov s10  }
0x73: {  	v26 =	vmov s12;
	v25 =	vmul.u32 $0x2200, v25;
	[tilespmem:v17+s18+$0x0] =	vst.idx.msk $0xffff, v11  }
0x74: {  	v11 =	vshrl.u32 v26, $0x3;
	v26 =	vor.u32 $0x2, v19;
	v17 =	vld [tilespmem:s25+$0xFFFFFD20]  }
0x75: {  	v25 =	vbroadcast v25, $0x0;
	v11 =	vshll.u32 v11, v1;
	[tilespmem:v12+s18+$0x0] =	vst.idx.msk $0xffff, v10  }
0x76: {  	v30 =	vbroadcast v11, $0x0;
	v12 =	vor.u32 $0x5, v23;
	v11 =	vld [tilespmem:s28+$0xFFFFFE90]  }
0x77: {  	s26 =	simm.s32 $0x7800;
	v10 =	vadd.s32 v0, v25  }
0x78: {  	v27 =	vld [tilespmem:s26+$0xFFFFFC00];
	v29 =	vadd.s32 v10, v30  }
0x79: {  	[tilespmem:v26+s18+$0x0] =	vst.idx.msk $0xffff, v17  }
0x7a: {  	v26 =	vor.u32 $0x2, v18;
	v17 =	vld [tilespmem:s25+$0xFFFFFD30]  }
0x7b: {  	[tilespmem:v12+s18+$0x0] =	vst.idx.msk $0xffff, v11  }
0x7c: {  	v31 =	vor.u32 $0x5, v22;
	v12 =	vld [tilespmem:s28+$0xFFFFFEA0]  }
0x7d: {  	[tilespmem:v29+s18+$0x0] =	vst.idx.msk $0xffff, v27;
	v11 =	vadd.s32 v2, v25  }
0x7e: {  	v27 =	vld [tilespmem:s26+$0xFFFFFC10];
	v28 =	vadd.s32 v11, v30  }
0x7f: {  	[tilespmem:v26+s18+$0x0] =	vst.idx.msk $0xffff, v17  }
0x80: {  	v26 =	vor.u32 $0x3, v21;
	v17 =	vld [tilespmem:s25+$0xFFFFFD80]  }
0x81: {  	[tilespmem:v31+s18+$0x0] =	vst.idx.msk $0xffff, v12  }
0x82: {  	v32 =	vor.u32 $0x5, v13;
	v31 =	vld [tilespmem:s28+$0xFFFFFEB0]  }
0x83: {  	[tilespmem:v28+s18+$0x0] =	vst.idx.msk $0xffff, v27;
	v12 =	vadd.s32 v3, v25  }
0x84: {  	v33 =	vld [tilespmem:s26+$0xFFFFFC20];
	v27 =	vadd.s32 v12, v30  }
0x85: {  	[tilespmem:v26+s18+$0x0] =	vst.idx.msk $0xffff, v17  }
0x86: {  	v35 =	vor.u32 $0x3, v20;
	v34 =	vld [tilespmem:s25+$0xFFFFFD90]  }
0x87: {  	[tilespmem:v32+s18+$0x0] =	vst.idx.msk $0xffff, v31  }
0x88: {  	v57 =	vor.u32 $0x6, v24;
	v31 =	vld [tilespmem:s28+$0xFFFFFF00]  }
0x89: {  	v17 =	vadd.s32 v4, v25;
	[tilespmem:v27+s18+$0x0] =	vst.idx.msk $0xffff, v33  }
0x8a: {  	v26 =	vadd.s32 v17, v30;
	v25 =	vld [tilespmem:s26+$0xFFFFFC30]  }
0x8b: {  	[tilespmem:v35+s18+$0x0] =	vst.idx.msk $0xffff, v34  }
0x8c: {  	v58 =	vor.u32 $0x3, v19;
	v30 =	vld [tilespmem:s25+$0xFFFFFDA0]  }
0x8d: {  	[tilespmem:v57+s18+$0x0] =	vst.idx.msk $0xffff, v31  }
0x8e: {  	v59 =	vor.u32 $0x6, v23;
	v31 =	vld [tilespmem:s28+$0xFFFFFF10]  }
0x8f: {  	[tilespmem:v26+s18+$0x0] =	vst.idx.msk $0xffff, v25  }
0x90: {  	v60 =	vor.u32 $0x1, v29;
	v25 =	vld [tilespmem:s26+$0xFFFFFC80]  }
0x91: {  	[tilespmem:v58+s18+$0x0] =	vst.idx.msk $0xffff, v30  }
0x92: {  	v61 =	vor.u32 $0x3, v18;
	v30 =	vld [tilespmem:s25+$0xFFFFFDB0]  }
0x93: {  	[tilespmem:v59+s18+$0x0] =	vst.idx.msk $0xffff, v31  }
0x94: {  	v62 =	vor.u32 $0x6, v22;
	v31 =	vld [tilespmem:s28+$0xFFFFFF20]  }
0x95: {  	[tilespmem:v60+s18+$0x0] =	vst.idx.msk $0xffff, v25  }
0x96: {  	v63 =	vor.u32 $0x1, v28;
	v25 =	vld [tilespmem:s26+$0xFFFFFC90]  }
0x97: {  	[tilespmem:v61+s18+$0x0] =	vst.idx.msk $0xffff, v30  }
0x98: {  	v36 =	vor.u32 $0x4, v21;
	v30 =	vld [tilespmem:s25+$0xFFFFFE00]  }
0x99: {  	[tilespmem:v62+s18+$0x0] =	vst.idx.msk $0xffff, v31  }
0x9a: {  	v37 =	vor.u32 $0x6, v13;
	v31 =	vld [tilespmem:s28+$0xFFFFFF30]  }
0x9b: {  	[tilespmem:v63+s18+$0x0] =	vst.idx.msk $0xffff, v25  }
0x9c: {  	v38 =	vor.u32 $0x1, v27;
	v25 =	vld [tilespmem:s26+$0xFFFFFCA0]  }
0x9d: {  	[tilespmem:v36+s18+$0x0] =	vst.idx.msk $0xffff, v30  }
0x9e: {  	v39 =	vor.u32 $0x4, v20;
	v30 =	vld [tilespmem:s25+$0xFFFFFE10]  }
0x9f: {  	[tilespmem:v37+s18+$0x0] =	vst.idx.msk $0xffff, v31  }
0xa0: {  	v24 =	vor.u32 $0x7, v24;
	v31 =	vld [tilespmem:s28+$0xFFFFFF80]  }
0xa1: {  	[tilespmem:v38+s18+$0x0] =	vst.idx.msk $0xffff, v25  }
0xa2: {  	v40 =	vor.u32 $0x1, v26;
	v25 =	vld [tilespmem:s26+$0xFFFFFCB0]  }
0xa3: {  	[tilespmem:v39+s18+$0x0] =	vst.idx.msk $0xffff, v30  }
0xa4: {  	v41 =	vor.u32 $0x4, v19;
	v30 =	vld [tilespmem:s25+$0xFFFFFE20]  }
0xa5: {  	[tilespmem:v24+s18+$0x0] =	vst.idx.msk $0xffff, v31  }
0xa6: {  	v23 =	vor.u32 $0x7, v23;
	v24 =	vld [tilespmem:s28+$0xFFFFFF90]  }
0xa7: {  	[tilespmem:v40+s18+$0x0] =	vst.idx.msk $0xffff, v25  }
0xa8: {  	v31 =	vor.u32 $0x2, v29;
	v25 =	vld [tilespmem:s26+$0xFFFFFD00]  }
0xa9: {  	[tilespmem:v41+s18+$0x0] =	vst.idx.msk $0xffff, v30  }
0xaa: {  	v42 =	vor.u32 $0x4, v18;
	v30 =	vld [tilespmem:s25+$0xFFFFFE30]  }
0xab: {  	[tilespmem:v23+s18+$0x0] =	vst.idx.msk $0xffff, v24  }
0xac: {  	v22 =	vor.u32 $0x7, v22;
	v23 =	vld [tilespmem:s28+$0xFFFFFFA0]  }
0xad: {  	[tilespmem:v31+s18+$0x0] =	vst.idx.msk $0xffff, v25  }
0xae: {  	v25 =	vor.u32 $0x2, v28;
	v24 =	vld [tilespmem:s26+$0xFFFFFD10]  }
0xaf: {  	[tilespmem:v42+s18+$0x0] =	vst.idx.msk $0xffff, v30  }
0xb0: {  	s13 =	simm.s32 $0x30;
	s22 =	simm.s32 $0x0;
	v31 =	vor.u32 $0x5, v21;
	v30 =	vld [tilespmem:s25+$0xFFFFFE80]  }
0xb1: {  	s11 =	sand.u32 $0x70, s13;
	[tilespmem:v22+s18+$0x0] =	vst.idx.msk $0xffff, v23;
	v22 =	vmov s22  }
0xb2: {  	s1 =	sor.u32 $0x8, s1;
	v44 =	vor.u32 $0x7, v13;
	v23 =	vmov s11;
	v43 =	vld [tilespmem:s28+$0xFFFFFFB0];
	v13 =	vmul.u32 $0x2200, v22  }
0xb3: {  	[tilespmem:v25+s18+$0x0] =	vst.idx.msk $0xffff, v24;
	v24 =	vor.u32 $0x2, v27;
	v22 =	vmov s1;
	v23 =	vshrl.u32 v23, $0x3  }
0xb4: {  	v25 =	vld [tilespmem:s26+$0xFFFFFD20];
	v22 =	vshrl.u32 v22, $0x3;
	v36 =	vbroadcast v13, $0x0;
	v13 =	vshll.u32 v23, v1  }
0xb5: {  	[tilespmem:v31+s18+$0x0] =	vst.idx.msk $0xffff, v30;
	v22 =	vshll.u32 v22, v1;
	v23 =	vbroadcast v13, $0x0  }
0xb6: {  	s29 =	simm.s32 $0x8000;
	v31 =	vor.u32 $0x5, v20;
	v30 =	vld [tilespmem:s25+$0xFFFFFE90];
	v22 =	vbroadcast v22, $0x0;
	v13 =	vadd.s32 v0, v36  }
0xb7: {  	v45 =	vld [tilespmem:s29+$0xFFFFFC00];
	[tilespmem:v44+s18+$0x0] =	vst.idx.msk $0xffff, v43;
	v40 =	vadd.s32 v13, v23  }
0xb8: {  	v39 =	vadd.s32 v14, v22;
	v33 =	vld [tilespmem:s28+$0x0]  }
0xb9: {  	[tilespmem:v24+s18+$0x0] =	vst.idx.msk $0xffff, v25  }
0xba: {  	v25 =	vor.u32 $0x2, v26;
	v24 =	vld [tilespmem:s26+$0xFFFFFD30]  }
0xbb: {  	[tilespmem:v31+s18+$0x0] =	vst.idx.msk $0xffff, v30  }
0xbc: {  	v14 =	vadd.s32 v2, v36;
	v31 =	vor.u32 $0x5, v19;
	v30 =	vld [tilespmem:s25+$0xFFFFFEA0];
	[tilespmem:v40+s18+$0x0] =	vst.idx.msk $0xffff, v45  }
0xbd: {  	v38 =	vadd.s32 v14, v23;
	v32 =	vld [tilespmem:s29+$0xFFFFFC10];
	[tilespmem:v39+s18+$0x0] =	vst.idx.msk $0xffff, v33  }
0xbe: {  	v37 =	vadd.s32 v15, v22;
	v33 =	vld [tilespmem:s28+$0x10]  }
0xbf: {  	[tilespmem:v25+s18+$0x0] =	vst.idx.msk $0xffff, v24  }
0xc0: {  	v25 =	vor.u32 $0x3, v29;
	v24 =	vld [tilespmem:s26+$0xFFFFFD80]  }
0xc1: {  	[tilespmem:v31+s18+$0x0] =	vst.idx.msk $0xffff, v30  }
0xc2: {  	v15 =	vadd.s32 v3, v36;
	v31 =	vor.u32 $0x5, v18;
	v30 =	vld [tilespmem:s25+$0xFFFFFEB0];
	[tilespmem:v38+s18+$0x0] =	vst.idx.msk $0xffff, v32  }
0xc3: {  	v35 =	vadd.s32 v15, v23;
	v32 =	vld [tilespmem:s29+$0xFFFFFC20];
	[tilespmem:v37+s18+$0x0] =	vst.idx.msk $0xffff, v33  }
0xc4: {  	v34 =	vadd.s32 v16, v22;
	v33 =	vld [tilespmem:s28+$0x20]  }
0xc5: {  	[tilespmem:v25+s18+$0x0] =	vst.idx.msk $0xffff, v24  }
0xc6: {  	v25 =	vor.u32 $0x3, v28;
	v24 =	vld [tilespmem:s26+$0xFFFFFD90]  }
0xc7: {  	[tilespmem:v31+s18+$0x0] =	vst.idx.msk $0xffff, v30  }
0xc8: {  	v16 =	vadd.s32 v4, v36;
	v31 =	vor.u32 $0x6, v21;
	v30 =	vld [tilespmem:s25+$0xFFFFFF00];
	[tilespmem:v35+s18+$0x0] =	vst.idx.msk $0xffff, v32  }
0xc9: {  	v36 =	vadd.s32 v16, v23;
	v32 =	vld [tilespmem:s29+$0xFFFFFC30];
	[tilespmem:v34+s18+$0x0] =	vst.idx.msk $0xffff, v33  }
0xca: {  	v9 =	vadd.s32 v9, v22;
	v23 =	vld [tilespmem:s28+$0x30]  }
0xcb: {  	[tilespmem:v25+s18+$0x0] =	vst.idx.msk $0xffff, v24  }
0xcc: {  	v24 =	vor.u32 $0x3, v27;
	v22 =	vld [tilespmem:s26+$0xFFFFFDA0]  }
0xcd: {  	[tilespmem:v31+s18+$0x0] =	vst.idx.msk $0xffff, v30  }
0xce: {  	v30 =	vor.u32 $0x6, v20;
	v25 =	vld [tilespmem:s25+$0xFFFFFF10];
	[tilespmem:v36+s18+$0x0] =	vst.idx.msk $0xffff, v32  }
0xcf: {  	v46 =	vor.u32 $0x1, v40;
	v31 =	vld [tilespmem:s29+$0xFFFFFC80];
	[tilespmem:v9+s18+$0x0] =	vst.idx.msk $0xffff, v23  }
0xd0: {  	v47 =	vor.u32 $0x1, v39;
	v23 =	vld [tilespmem:s28+$0x80]  }
0xd1: {  	[tilespmem:v24+s18+$0x0] =	vst.idx.msk $0xffff, v22  }
0xd2: {  	v24 =	vor.u32 $0x3, v26;
	v22 =	vld [tilespmem:s26+$0xFFFFFDB0]  }
0xd3: {  	[tilespmem:v30+s18+$0x0] =	vst.idx.msk $0xffff, v25  }
0xd4: {  	v30 =	vor.u32 $0x6, v19;
	v25 =	vld [tilespmem:s25+$0xFFFFFF20];
	[tilespmem:v46+s18+$0x0] =	vst.idx.msk $0xffff, v31  }
0xd5: {  	v48 =	vor.u32 $0x1, v38;
	v31 =	vld [tilespmem:s29+$0xFFFFFC90];
	[tilespmem:v47+s18+$0x0] =	vst.idx.msk $0xffff, v23  }
0xd6: {  	v49 =	vor.u32 $0x1, v37;
	v23 =	vld [tilespmem:s28+$0x90]  }
0xd7: {  	[tilespmem:v24+s18+$0x0] =	vst.idx.msk $0xffff, v22  }
0xd8: {  	v24 =	vor.u32 $0x4, v29;
	v22 =	vld [tilespmem:s26+$0xFFFFFE00]  }
0xd9: {  	[tilespmem:v30+s18+$0x0] =	vst.idx.msk $0xffff, v25  }
0xda: {  	v30 =	vor.u32 $0x6, v18;
	v25 =	vld [tilespmem:s25+$0xFFFFFF30];
	[tilespmem:v48+s18+$0x0] =	vst.idx.msk $0xffff, v31  }
0xdb: {  	v50 =	vor.u32 $0x1, v35;
	v31 =	vld [tilespmem:s29+$0xFFFFFCA0];
	[tilespmem:v49+s18+$0x0] =	vst.idx.msk $0xffff, v23  }
0xdc: {  	v51 =	vor.u32 $0x1, v34;
	v23 =	vld [tilespmem:s28+$0xA0]  }
0xdd: {  	[tilespmem:v24+s18+$0x0] =	vst.idx.msk $0xffff, v22  }
0xde: {  	v24 =	vor.u32 $0x4, v28;
	v22 =	vld [tilespmem:s26+$0xFFFFFE10]  }
0xdf: {  	[tilespmem:v30+s18+$0x0] =	vst.idx.msk $0xffff, v25  }
0xe0: {  	v21 =	vor.u32 $0x7, v21;
	v25 =	vld [tilespmem:s25+$0xFFFFFF80];
	[tilespmem:v50+s18+$0x0] =	vst.idx.msk $0xffff, v31  }
0xe1: {  	v31 =	vor.u32 $0x1, v36;
	v30 =	vld [tilespmem:s29+$0xFFFFFCB0];
	[tilespmem:v51+s18+$0x0] =	vst.idx.msk $0xffff, v23  }
0xe2: {  	v52 =	vor.u32 $0x1, v9;
	v23 =	vld [tilespmem:s28+$0xB0]  }
0xe3: {  	[tilespmem:v24+s18+$0x0] =	vst.idx.msk $0xffff, v22  }
0xe4: {  	v24 =	vor.u32 $0x4, v27;
	v22 =	vld [tilespmem:s26+$0xFFFFFE20]  }
0xe5: {  	[tilespmem:v21+s18+$0x0] =	vst.idx.msk $0xffff, v25  }
0xe6: {  	v20 =	vor.u32 $0x7, v20;
	v21 =	vld [tilespmem:s25+$0xFFFFFF90];
	[tilespmem:v31+s18+$0x0] =	vst.idx.msk $0xffff, v30  }
0xe7: {  	v30 =	vor.u32 $0x2, v40;
	v25 =	vld [tilespmem:s29+$0xFFFFFD00];
	[tilespmem:v52+s18+$0x0] =	vst.idx.msk $0xffff, v23  }
0xe8: {  	v31 =	vor.u32 $0x2, v39;
	v23 =	vld [tilespmem:s28+$0x100]  }
0xe9: {  	[tilespmem:v24+s18+$0x0] =	vst.idx.msk $0xffff, v22  }
0xea: {  	v24 =	vor.u32 $0x4, v26;
	v22 =	vld [tilespmem:s26+$0xFFFFFE30]  }
0xeb: {  	[tilespmem:v20+s18+$0x0] =	vst.idx.msk $0xffff, v21  }
0xec: {  	v19 =	vor.u32 $0x7, v19;
	v20 =	vld [tilespmem:s25+$0xFFFFFFA0];
	[tilespmem:v30+s18+$0x0] =	vst.idx.msk $0xffff, v25  }
0xed: {  	v25 =	vor.u32 $0x2, v38;
	v21 =	vld [tilespmem:s29+$0xFFFFFD10];
	[tilespmem:v31+s18+$0x0] =	vst.idx.msk $0xffff, v23  }
0xee: {  	v30 =	vor.u32 $0x2, v37;
	v23 =	vld [tilespmem:s28+$0x110]  }
0xef: {  	[tilespmem:v24+s18+$0x0] =	vst.idx.msk $0xffff, v22  }
0xf0: {  	s13 =	simm.s32 $0x40;
	s22 =	simm.s32 $0x0;
	v24 =	vor.u32 $0x5, v29;
	v22 =	vld [tilespmem:s26+$0xFFFFFE80]  }
0xf1: {  	s0 =	sor.u32 $0x8, s0;
	v53 =	vor.u32 $0x7, v18;
	s1 =	sand.u32 $0x70, s13;
	[tilespmem:v19+s18+$0x0] =	vst.idx.msk $0xffff, v20;
	v19 =	vmov s22  }
0xf2: {  	v20 =	vmov s1;
	v31 =	vld [tilespmem:s25+$0xFFFFFFB0];
	v18 =	vmul.u32 $0x2200, v19;
	v19 =	vmov s0;
	[tilespmem:v25+s18+$0x0] =	vst.idx.msk $0xffff, v21  }
0xf3: {  	v20 =	vshrl.u32 v20, $0x3;
	v25 =	vor.u32 $0x2, v35;
	v19 =	vshrl.u32 v19, $0x3;
	v21 =	vld [tilespmem:s29+$0xFFFFFD20];
	[tilespmem:v30+s18+$0x0] =	vst.idx.msk $0xffff, v23  }
0xf4: {  	v30 =	vbroadcast v18, $0x0;
	v18 =	vshll.u32 v20, v1;
	v23 =	vor.u32 $0x2, v34;
	v20 =	vld [tilespmem:s28+$0x120]  }
0xf5: {  	[tilespmem:v24+s18+$0x0] =	vst.idx.msk $0xffff, v22;
	v19 =	vshll.u32 v19, v1;
	v54 =	vbroadcast v18, $0x0  }
0xf6: {  	s30 =	simm.s32 $0x8800;
	v41 =	vor.u32 $0x5, v28;
	v24 =	vld [tilespmem:s26+$0xFFFFFE90];
	v42 =	vbroadcast v19, $0x0;
	v18 =	vadd.s32 v0, v30  }
0xf7: {  	v19 =	vld [tilespmem:s30+$0xFFFFFC00];
	[tilespmem:v53+s18+$0x0] =	vst.idx.msk $0xffff, v31;
	v22 =	vadd.s32 v18, v54  }
0xf8: {  	v8 =	vadd.s32 v8, v42;
	[tilespmem:v25+s18+$0x0] =	vst.idx.msk $0xffff, v21;
	v21 =	vld [tilespmem:s25+$0x0]  }
0xf9: {  	v31 =	vor.u32 $0x2, v36;
	v25 =	vld [tilespmem:s29+$0xFFFFFD30];
	[tilespmem:v23+s18+$0x0] =	vst.idx.msk $0xffff, v20  }
0xfa: {  	v55 =	vor.u32 $0x2, v9;
	v20 =	vld [tilespmem:s28+$0x130]  }
0xfb: {  	[tilespmem:v41+s18+$0x0] =	vst.idx.msk $0xffff, v24  }
0xfc: {  	v56 =	vor.u32 $0x5, v27;
	v24 =	vld [tilespmem:s26+$0xFFFFFEA0];
	[tilespmem:v22+s18+$0x0] =	vst.idx.msk $0xffff, v19;
	v19 =	vadd.s32 v2, v30  }
0xfd: {  	v43 =	vld [tilespmem:s30+$0xFFFFFC10];
	v23 =	vadd.s32 v19, v54;
	[tilespmem:v8+s18+$0x0] =	vst.idx.msk $0xffff, v21  }
0xfe: {  	v7 =	vadd.s32 v7, v42;
	[tilespmem:v31+s18+$0x0] =	vst.idx.msk $0xffff, v25;
	v21 =	vld [tilespmem:s25+$0x10]  }
0xff: {  	v31 =	vor.u32 $0x3, v40;
	v25 =	vld [tilespmem:s29+$0xFFFFFD80];
	[tilespmem:v55+s18+$0x0] =	vst.idx.msk $0xffff, v20  }
0x100: {  	v44 =	vor.u32 $0x3, v39;
	v32 =	vld [tilespmem:s28+$0x180]  }
0x101: {  	[tilespmem:v56+s18+$0x0] =	vst.idx.msk $0xffff, v24  }
0x102: {  	v45 =	vor.u32 $0x5, v26;
	v20 =	vadd.s32 v3, v30;
	v41 =	vld [tilespmem:s26+$0xFFFFFEB0];
	[tilespmem:v23+s18+$0x0] =	vst.idx.msk $0xffff, v43  }
0x103: {  	v24 =	vadd.s32 v20, v54;
	v43 =	vld [tilespmem:s30+$0xFFFFFC20];
	[tilespmem:v7+s18+$0x0] =	vst.idx.msk $0xffff, v21  }
0x104: {  	v6 =	vadd.s32 v6, v42;
	[tilespmem:v31+s18+$0x0] =	vst.idx.msk $0xffff, v25;
	v31 =	vld [tilespmem:s25+$0x20]  }
0x105: {  	v47 =	vor.u32 $0x3, v38;
	v46 =	vld [tilespmem:s29+$0xFFFFFD90];
	[tilespmem:v44+s18+$0x0] =	vst.idx.msk $0xffff, v32  }
0x106: {  	v57 =	vor.u32 $0x3, v37;
	v32 =	vld [tilespmem:s28+$0x190]  }
0x107: {  	[tilespmem:v45+s18+$0x0] =	vst.idx.msk $0xffff, v41  }
0x108: {  	v58 =	vor.u32 $0x6, v29;
	v21 =	vadd.s32 v4, v30;
	v41 =	vld [tilespmem:s26+$0xFFFFFF00];
	[tilespmem:v24+s18+$0x0] =	vst.idx.msk $0xffff, v43  }
0x109: {  	v25 =	vadd.s32 v21, v54;
	v30 =	vld [tilespmem:s30+$0xFFFFFC30];
	[tilespmem:v6+s18+$0x0] =	vst.idx.msk $0xffff, v31  }
0x10a: {  	v5 =	vadd.s32 v5, v42;
	[tilespmem:v47+s18+$0x0] =	vst.idx.msk $0xffff, v46;
	v31 =	vld [tilespmem:s25+$0x30]  }
0x10b: {  	v60 =	vor.u32 $0x3, v35;
	v59 =	vld [tilespmem:s29+$0xFFFFFDA0];
	[tilespmem:v57+s18+$0x0] =	vst.idx.msk $0xffff, v32  }
0x10c: {  	v61 =	vor.u32 $0x3, v34;
	v32 =	vld [tilespmem:s28+$0x1A0]  }
0x10d: {  	[tilespmem:v58+s18+$0x0] =	vst.idx.msk $0xffff, v41  }
0x10e: {  	v62 =	vor.u32 $0x6, v28;
	v41 =	vld [tilespmem:s26+$0xFFFFFF10];
	[tilespmem:v25+s18+$0x0] =	vst.idx.msk $0xffff, v30  }
0x10f: {  	v63 =	vor.u32 $0x1, v22;
	v30 =	vld [tilespmem:s30+$0xFFFFFC80];
	[tilespmem:v5+s18+$0x0] =	vst.idx.msk $0xffff, v31  }
0x110: {  	v48 =	vor.u32 $0x1, v8;
	[tilespmem:v60+s18+$0x0] =	vst.idx.msk $0xffff, v59;
	v31 =	vld [tilespmem:s25+$0x80]  }
0x111: {  	v49 =	vor.u32 $0x3, v36;
	v42 =	vld [tilespmem:s29+$0xFFFFFDB0];
	[tilespmem:v61+s18+$0x0] =	vst.idx.msk $0xffff, v32  }
0x112: {  	v50 =	vor.u32 $0x3, v9;
	v32 =	vld [tilespmem:s28+$0x1B0]  }
0x113: {  	[tilespmem:v62+s18+$0x0] =	vst.idx.msk $0xffff, v41  }
0x114: {  	v51 =	vor.u32 $0x6, v27;
	v41 =	vld [tilespmem:s26+$0xFFFFFF20];
	[tilespmem:v63+s18+$0x0] =	vst.idx.msk $0xffff, v30  }
0x115: {  	v52 =	vor.u32 $0x1, v23;
	v30 =	vld [tilespmem:s30+$0xFFFFFC90];
	[tilespmem:v48+s18+$0x0] =	vst.idx.msk $0xffff, v31  }
0x116: {  	v53 =	vor.u32 $0x1, v7;
	[tilespmem:v49+s18+$0x0] =	vst.idx.msk $0xffff, v42;
	v31 =	vld [tilespmem:s25+$0x90]  }
0x117: {  	v54 =	vor.u32 $0x4, v40;
	v42 =	vld [tilespmem:s29+$0xFFFFFE00];
	[tilespmem:v50+s18+$0x0] =	vst.idx.msk $0xffff, v32  }
0x118: {  	v55 =	vor.u32 $0x4, v39;
	v32 =	vld [tilespmem:s28+$0x200]  }
0x119: {  	[tilespmem:v51+s18+$0x0] =	vst.idx.msk $0xffff, v41  }
0x11a: {  	v56 =	vor.u32 $0x6, v26;
	v41 =	vld [tilespmem:s26+$0xFFFFFF30];
	[tilespmem:v52+s18+$0x0] =	vst.idx.msk $0xffff, v30  }
0x11b: {  	v57 =	vor.u32 $0x1, v24;
	v30 =	vld [tilespmem:s30+$0xFFFFFCA0];
	[tilespmem:v53+s18+$0x0] =	vst.idx.msk $0xffff, v31  }
0x11c: {  	v58 =	vor.u32 $0x1, v6;
	[tilespmem:v54+s18+$0x0] =	vst.idx.msk $0xffff, v42;
	v31 =	vld [tilespmem:s25+$0xA0]  }
0x11d: {  	v59 =	vor.u32 $0x4, v38;
	v42 =	vld [tilespmem:s29+$0xFFFFFE10];
	[tilespmem:v55+s18+$0x0] =	vst.idx.msk $0xffff, v32  }
0x11e: {  	v60 =	vor.u32 $0x4, v37;
	v32 =	vld [tilespmem:s28+$0x210]  }
0x11f: {  	[tilespmem:v56+s18+$0x0] =	vst.idx.msk $0xffff, v41  }
0x120: {  	v29 =	vor.u32 $0x7, v29;
	v41 =	vld [tilespmem:s26+$0xFFFFFF80];
	[tilespmem:v57+s18+$0x0] =	vst.idx.msk $0xffff, v30  }
0x121: {  	v61 =	vor.u32 $0x1, v25;
	v30 =	vld [tilespmem:s30+$0xFFFFFCB0];
	[tilespmem:v58+s18+$0x0] =	vst.idx.msk $0xffff, v31  }
0x122: {  	v62 =	vor.u32 $0x1, v5;
	[tilespmem:v59+s18+$0x0] =	vst.idx.msk $0xffff, v42;
	v31 =	vld [tilespmem:s25+$0xB0]  }
0x123: {  	v63 =	vor.u32 $0x4, v35;
	v42 =	vld [tilespmem:s29+$0xFFFFFE20];
	[tilespmem:v60+s18+$0x0] =	vst.idx.msk $0xffff, v32  }
0x124: {  	v48 =	vor.u32 $0x4, v34;
	v32 =	vld [tilespmem:s28+$0x220]  }
0x125: {  	[tilespmem:v29+s18+$0x0] =	vst.idx.msk $0xffff, v41  }
0x126: {  	v28 =	vor.u32 $0x7, v28;
	v29 =	vld [tilespmem:s26+$0xFFFFFF90];
	[tilespmem:v61+s18+$0x0] =	vst.idx.msk $0xffff, v30  }
0x127: {  	v49 =	vor.u32 $0x2, v22;
	v30 =	vld [tilespmem:s30+$0xFFFFFD00];
	[tilespmem:v62+s18+$0x0] =	vst.idx.msk $0xffff, v31  }
0x128: {  	v50 =	vor.u32 $0x2, v8;
	[tilespmem:v63+s18+$0x0] =	vst.idx.msk $0xffff, v42;
	v31 =	vld [tilespmem:s25+$0x100]  }
0x129: {  	v51 =	vor.u32 $0x4, v36;
	v42 =	vld [tilespmem:s29+$0xFFFFFE30];
	[tilespmem:v48+s18+$0x0] =	vst.idx.msk $0xffff, v32  }
0x12a: {  	v52 =	vor.u32 $0x4, v9;
	v32 =	vld [tilespmem:s28+$0x230]  }
0x12b: {  	[tilespmem:v28+s18+$0x0] =	vst.idx.msk $0xffff, v29  }
0x12c: {  	v27 =	vor.u32 $0x7, v27;
	v28 =	vld [tilespmem:s26+$0xFFFFFFA0];
	[tilespmem:v49+s18+$0x0] =	vst.idx.msk $0xffff, v30  }
0x12d: {  	v30 =	vor.u32 $0x2, v23;
	v29 =	vld [tilespmem:s30+$0xFFFFFD10];
	[tilespmem:v50+s18+$0x0] =	vst.idx.msk $0xffff, v31  }
0x12e: {  	v53 =	vor.u32 $0x2, v7;
	[tilespmem:v51+s18+$0x0] =	vst.idx.msk $0xffff, v42;
	v31 =	vld [tilespmem:s25+$0x110]  }
0x12f: {  	v55 =	vor.u32 $0x5, v40;
	v54 =	vld [tilespmem:s29+$0xFFFFFE80];
	[tilespmem:v52+s18+$0x0] =	vst.idx.msk $0xffff, v32  }
0x130: {  	s6 =	simm.s32 $0x50;
	s10 =	simm.s32 $0x0;
	v56 =	vor.u32 $0x5, v39;
	v32 =	vld [tilespmem:s28+$0x280]  }
0x131: {  	s13 =	sor.u32 $0x8, s12;
	s0 =	sand.u32 $0x70, s6;
	v58 =	vor.u32 $0x7, v26;
	[tilespmem:v27+s18+$0x0] =	vst.idx.msk $0xffff, v28;
	v27 =	vmov s10  }
0x132: {  	v28 =	vmov s0;
	v57 =	vld [tilespmem:s26+$0xFFFFFFB0];
	v26 =	vmul.u32 $0x2200, v27;
	v27 =	vmov s13;
	[tilespmem:v30+s18+$0x0] =	vst.idx.msk $0xffff, v29  }
0x133: {  	v59 =	vor.u32 $0x2, v24;
	v28 =	vshrl.u32 v28, $0x3;
	v27 =	vshrl.u32 v27, $0x3;
	v29 =	vld [tilespmem:s30+$0xFFFFFD20];
	[tilespmem:v53+s18+$0x0] =	vst.idx.msk $0xffff, v31  }
0x134: {  	v33 =	vbroadcast v26, $0x0;
	v26 =	vshll.u32 v28, v1;
	v31 =	vor.u32 $0x2, v6;
	[tilespmem:v55+s18+$0x0] =	vst.idx.msk $0xffff, v54;
	v28 =	vld [tilespmem:s25+$0x120]  }
0x135: {  	v60 =	vor.u32 $0x5, v38;
	v27 =	vshll.u32 v27, v1;
	v41 =	vbroadcast v26, $0x0;
	v42 =	vld [tilespmem:s29+$0xFFFFFE90];
	[tilespmem:v56+s18+$0x0] =	vst.idx.msk $0xffff, v32  }
0x136: {  	s31 =	simm.s32 $0x9000;
	v62 =	vor.u32 $0x5, v37;
	v61 =	vbroadcast v27, $0x0;
	v26 =	vadd.s32 v0, v33;
	v27 =	vld [tilespmem:s28+$0x290]  }
0x137: {  	v63 =	vld [tilespmem:s31+$0xFFFFFC00];
	[tilespmem:v58+s18+$0x0] =	vst.idx.msk $0xffff, v57;
	v30 =	vadd.s32 v26, v41  }
0x138: {  	v10 =	vadd.s32 v10, v61;
	[tilespmem:v59+s18+$0x0] =	vst.idx.msk $0xffff, v29;
	v29 =	vld [tilespmem:s26+$0x0]  }
0x139: {  	v53 =	vor.u32 $0x2, v25;
	v52 =	vld [tilespmem:s30+$0xFFFFFD30];
	[tilespmem:v31+s18+$0x0] =	vst.idx.msk $0xffff, v28  }
0x13a: {  	v54 =	vor.u32 $0x2, v5;
	[tilespmem:v60+s18+$0x0] =	vst.idx.msk $0xffff, v42;
	v28 =	vld [tilespmem:s25+$0x130]  }
0x13b: {  	v48 =	vor.u32 $0x5, v35;
	v47 =	vld [tilespmem:s29+$0xFFFFFEA0];
	[tilespmem:v62+s18+$0x0] =	vst.idx.msk $0xffff, v27  }
0x13c: {  	v55 =	vor.u32 $0x5, v34;
	[tilespmem:v30+s18+$0x0] =	vst.idx.msk $0xffff, v63;
	v27 =	vadd.s32 v2, v33;
	v32 =	vld [tilespmem:s28+$0x2A0]  }
0x13d: {  	v49 =	vld [tilespmem:s31+$0xFFFFFC10];
	v31 =	vadd.s32 v27, v41;
	[tilespmem:v10+s18+$0x0] =	vst.idx.msk $0xffff, v29  }
0x13e: {  	v11 =	vadd.s32 v11, v61;
	[tilespmem:v53+s18+$0x0] =	vst.idx.msk $0xffff, v52;
	v29 =	vld [tilespmem:s26+$0x10]  }
0x13f: {  	v56 =	vor.u32 $0x3, v22;
	v45 =	vld [tilespmem:s30+$0xFFFFFD80];
	[tilespmem:v54+s18+$0x0] =	vst.idx.msk $0xffff, v28  }
0x140: {  	v57 =	vor.u32 $0x3, v8;
	[tilespmem:v48+s18+$0x0] =	vst.idx.msk $0xffff, v47;
	v42 =	vld [tilespmem:s25+$0x180]  }
0x141: {  	v50 =	vor.u32 $0x5, v36;
	v48 =	vld [tilespmem:s29+$0xFFFFFEB0];
	[tilespmem:v55+s18+$0x0] =	vst.idx.msk $0xffff, v32  }
0x142: {  	v58 =	vor.u32 $0x5, v9;
	v28 =	vadd.s32 v3, v33;
	[tilespmem:v31+s18+$0x0] =	vst.idx.msk $0xffff, v49;
	v44 =	vld [tilespmem:s28+$0x2B0]  }
0x143: {  	v32 =	vadd.s32 v28, v41;
	v51 =	vld [tilespmem:s31+$0xFFFFFC20];
	[tilespmem:v11+s18+$0x0] =	vst.idx.msk $0xffff, v29  }
0x144: {  	v12 =	vadd.s32 v12, v61;
	[tilespmem:v56+s18+$0x0] =	vst.idx.msk $0xffff, v45;
	v59 =	vld [tilespmem:s26+$0x20]  }
0x145: {  	v52 =	vor.u32 $0x3, v23;
	v46 =	vld [tilespmem:s30+$0xFFFFFD90];
	[tilespmem:v57+s18+$0x0] =	vst.idx.msk $0xffff, v42  }
0x146: {  	v60 =	vor.u32 $0x3, v7;
	[tilespmem:v50+s18+$0x0] =	vst.idx.msk $0xffff, v48;
	v42 =	vld [tilespmem:s25+$0x190]  }
0x147: {  	v63 =	vor.u32 $0x6, v40;
	v48 =	vld [tilespmem:s29+$0xFFFFFF00];
	[tilespmem:v58+s18+$0x0] =	vst.idx.msk $0xffff, v44  }
0x148: {  	v54 =	vor.u32 $0x6, v39;
	v29 =	vadd.s32 v4, v33;
	[tilespmem:v32+s18+$0x0] =	vst.idx.msk $0xffff, v51;
	v44 =	vld [tilespmem:s28+$0x300]  }
0x149: {  	v33 =	vadd.s32 v29, v41;
	v51 =	vld [tilespmem:s31+$0xFFFFFC30];
	[tilespmem:v12+s18+$0x0] =	vst.idx.msk $0xffff, v59  }
0x14a: {  	v17 =	vadd.s32 v17, v61;
	[tilespmem:v52+s18+$0x0] =	vst.idx.msk $0xffff, v46;
	v55 =	vld [tilespmem:s26+$0x30]  }
0x14b: {  	v62 =	vor.u32 $0x3, v24;
	v61 =	vld [tilespmem:s30+$0xFFFFFDA0];
	[tilespmem:v60+s18+$0x0] =	vst.idx.msk $0xffff, v42  }
0x14c: {  	[tilespmem:v63+s18+$0x0] =	vst.idx.msk $0xffff, v48;
	v42 =	vld [tilespmem:s25+$0x1A0];
	v63 =	vor.u32 $0x3, v6  }
0x14d: {  	v57 =	vor.u32 $0x6, v38;
	v56 =	vld [tilespmem:s29+$0xFFFFFF10];
	[tilespmem:v54+s18+$0x0] =	vst.idx.msk $0xffff, v44  }
0x14e: {  	v58 =	vor.u32 $0x6, v37;
	[tilespmem:v33+s18+$0x0] =	vst.idx.msk $0xffff, v51;
	v44 =	vld [tilespmem:s28+$0x310]  }
0x14f: {  	v60 =	vor.u32 $0x1, v30;
	v59 =	vld [tilespmem:s31+$0xFFFFFC80];
	[tilespmem:v17+s18+$0x0] =	vst.idx.msk $0xffff, v55  }
0x150: {  	[tilespmem:v62+s18+$0x0] =	vst.idx.msk $0xffff, v61;
	v41 =	vld [tilespmem:s26+$0x80];
	v61 =	vor.u32 $0x1, v10  }
0x151: {  	v62 =	vor.u32 $0x3, v25;
	v45 =	vld [tilespmem:s30+$0xFFFFFDB0];
	[tilespmem:v63+s18+$0x0] =	vst.idx.msk $0xffff, v42  }
0x152: {  	v63 =	vor.u32 $0x3, v5;
	[tilespmem:v57+s18+$0x0] =	vst.idx.msk $0xffff, v56;
	v42 =	vld [tilespmem:s25+$0x1B0]  }
0x153: {  	v56 =	vor.u32 $0x6, v35;
	v47 =	vld [tilespmem:s29+$0xFFFFFF20];
	[tilespmem:v58+s18+$0x0] =	vst.idx.msk $0xffff, v44  }
0x154: {  	v57 =	vor.u32 $0x6, v34;
	[tilespmem:v60+s18+$0x0] =	vst.idx.msk $0xffff, v59;
	v44 =	vld [tilespmem:s28+$0x320]  }
0x155: {  	v58 =	vor.u32 $0x1, v31;
	v50 =	vld [tilespmem:s31+$0xFFFFFC90];
	[tilespmem:v61+s18+$0x0] =	vst.idx.msk $0xffff, v41  }
0x156: {  	v59 =	vor.u32 $0x1, v11;
	[tilespmem:v62+s18+$0x0] =	vst.idx.msk $0xffff, v45;
	v41 =	vld [tilespmem:s26+$0x90]  }
0x157: {  	v60 =	vor.u32 $0x4, v22;
	v45 =	vld [tilespmem:s30+$0xFFFFFE00];
	[tilespmem:v63+s18+$0x0] =	vst.idx.msk $0xffff, v42  }
0x158: {  	v61 =	vor.u32 $0x4, v8;
	[tilespmem:v56+s18+$0x0] =	vst.idx.msk $0xffff, v47;
	v42 =	vld [tilespmem:s25+$0x200]  }
0x159: {  	v62 =	vor.u32 $0x6, v36;
	v47 =	vld [tilespmem:s29+$0xFFFFFF30];
	[tilespmem:v57+s18+$0x0] =	vst.idx.msk $0xffff, v44  }
0x15a: {  	v63 =	vor.u32 $0x6, v9;
	[tilespmem:v58+s18+$0x0] =	vst.idx.msk $0xffff, v50;
	v44 =	vld [tilespmem:s28+$0x330]  }
0x15b: {  	v56 =	vor.u32 $0x1, v32;
	v50 =	vld [tilespmem:s31+$0xFFFFFCA0];
	[tilespmem:v59+s18+$0x0] =	vst.idx.msk $0xffff, v41  }
0x15c: {  	v57 =	vor.u32 $0x1, v12;
	[tilespmem:v60+s18+$0x0] =	vst.idx.msk $0xffff, v45;
	v41 =	vld [tilespmem:s26+$0xA0]  }
0x15d: {  	v58 =	vor.u32 $0x4, v23;
	v45 =	vld [tilespmem:s30+$0xFFFFFE10];
	[tilespmem:v61+s18+$0x0] =	vst.idx.msk $0xffff, v42  }
0x15e: {  	v59 =	vor.u32 $0x4, v7;
	[tilespmem:v62+s18+$0x0] =	vst.idx.msk $0xffff, v47;
	v42 =	vld [tilespmem:s25+$0x210]  }
0x15f: {  	v40 =	vor.u32 $0x7, v40;
	v47 =	vld [tilespmem:s29+$0xFFFFFF80];
	[tilespmem:v63+s18+$0x0] =	vst.idx.msk $0xffff, v44  }
0x160: {  	v39 =	vor.u32 $0x7, v39;
	[tilespmem:v56+s18+$0x0] =	vst.idx.msk $0xffff, v50;
	v44 =	vld [tilespmem:s28+$0x380]  }
0x161: {  	v61 =	vor.u32 $0x1, v33;
	v60 =	vld [tilespmem:s31+$0xFFFFFCB0];
	[tilespmem:v57+s18+$0x0] =	vst.idx.msk $0xffff, v41  }
0x162: {  	v62 =	vor.u32 $0x1, v17;
	[tilespmem:v58+s18+$0x0] =	vst.idx.msk $0xffff, v45;
	v41 =	vld [tilespmem:s26+$0xB0]  }
0x163: {  	v63 =	vor.u32 $0x4, v24;
	v45 =	vld [tilespmem:s30+$0xFFFFFE20];
	[tilespmem:v59+s18+$0x0] =	vst.idx.msk $0xffff, v42  }
0x164: {  	v53 =	vor.u32 $0x4, v6;
	[tilespmem:v40+s18+$0x0] =	vst.idx.msk $0xffff, v47;
	v52 =	vld [tilespmem:s25+$0x220]  }
0x165: {  	v38 =	vor.u32 $0x7, v38;
	v54 =	vld [tilespmem:s29+$0xFFFFFF90];
	[tilespmem:v39+s18+$0x0] =	vst.idx.msk $0xffff, v44  }
0x166: {  	v37 =	vor.u32 $0x7, v37;
	[tilespmem:v61+s18+$0x0] =	vst.idx.msk $0xffff, v60;
	v39 =	vld [tilespmem:s28+$0x390]  }
0x167: {  	v56 =	vor.u32 $0x2, v30;
	v55 =	vld [tilespmem:s31+$0xFFFFFD00];
	[tilespmem:v62+s18+$0x0] =	vst.idx.msk $0xffff, v41  }
0x168: {  	v57 =	vor.u32 $0x2, v10;
	[tilespmem:v63+s18+$0x0] =	vst.idx.msk $0xffff, v45;
	v41 =	vld [tilespmem:s26+$0x100]  }
0x169: {  	v58 =	vor.u32 $0x4, v25;
	v45 =	vld [tilespmem:s30+$0xFFFFFE30];
	[tilespmem:v53+s18+$0x0] =	vst.idx.msk $0xffff, v52  }
0x16a: {  	v60 =	vor.u32 $0x4, v5;
	[tilespmem:v38+s18+$0x0] =	vst.idx.msk $0xffff, v54;
	v59 =	vld [tilespmem:s25+$0x230]  }
0x16b: {  	v35 =	vor.u32 $0x7, v35;
	v61 =	vld [tilespmem:s29+$0xFFFFFFA0];
	[tilespmem:v37+s18+$0x0] =	vst.idx.msk $0xffff, v39  }
0x16c: {  	v63 =	vor.u32 $0x7, v34;
	[tilespmem:v56+s18+$0x0] =	vst.idx.msk $0xffff, v55;
	v62 =	vld [tilespmem:s28+$0x3A0]  }
0x16d: {  	v51 =	vor.u32 $0x2, v31;
	v50 =	vld [tilespmem:s31+$0xFFFFFD10];
	[tilespmem:v57+s18+$0x0] =	vst.idx.msk $0xffff, v41  }
0x16e: {  	v38 =	vor.u32 $0x2, v11;
	[tilespmem:v58+s18+$0x0] =	vst.idx.msk $0xffff, v45;
	v37 =	vld [tilespmem:s26+$0x110]  }
0x16f: {  	s12 =	simm.s32 $0x60;
	v49 =	vor.u32 $0x5, v22;
	v48 =	vld [tilespmem:s30+$0xFFFFFE80];
	[tilespmem:v60+s18+$0x0] =	vst.idx.msk $0xffff, v59  }
0x170: {  	s22 =	simm.s32 $0x0;
	s13 =	sand.u32 $0x70, s12;
	[tilespmem:v35+s18+$0x0] =	vst.idx.msk $0xffff, v61;
	v34 =	vld [tilespmem:s25+$0x280];
	v35 =	vor.u32 $0x5, v8  }
0x171: {  	s6 =	simm.s32 $0x7;
	v36 =	vor.u32 $0x7, v36;
	v42 =	vmov s22;
	s22 =	sor.u32 $0x8, s11;
	v41 =	vmov s13;
	v39 =	vld [tilespmem:s29+$0xFFFFFFB0];
	[tilespmem:v63+s18+$0x0] =	vst.idx.msk $0xffff, v62  }
.LBB2_3:
0x172: {  	p1 =	sne.s32 s6, $0xF;
	v40 =	vmul.u32 $0x2200, v42;
	[tilespmem:v51+s18+$0x0] =	vst.idx.msk $0xffff, v50;
	v42 =	vmov s22;
	v43 =	vld [tilespmem:s28+$0x3B0];
	v44 =	vor.u32 $0x7, v9;
	v9 =	vmovc v5;
	v5 =	vmovc v17;
	s28 =	smov.u32 s25;
	s25 =	smov.u32 s26  }
0x173: {  	v17 =	vshrl.u32 v41, $0x3;
	v45 =	vor.u32 $0x2, v32;
	s26 =	smov.u32 s29;
	s29 =	smov.u32 s30;
	s30 =	smov.u32 s31;
	v41 =	vld [tilespmem:s31+$0xFFFFFD20];
	v42 =	vshrl.u32 v42, $0x3;
	[tilespmem:v38+s18+$0x0] =	vst.idx.msk $0xffff, v37  }
0x174: {  	v46 =	vor.u32 $0x2, v12;
	s10 =	smov.u32 s0;
	s0 =	smov.u32 s13;
	v17 =	vshll.u32 v17, v1;
	v40 =	vbroadcast v40, $0x0;
	[tilespmem:v49+s18+$0x0] =	vst.idx.msk $0xffff, v48;
	v38 =	vld [tilespmem:s25+$0x120]  }
0x175: {  	v17 =	vbroadcast v17, $0x0;
	v48 =	vor.u32 $0x5, v23;
	v37 =	vshll.u32 v42, v1;
	v47 =	vld [tilespmem:s29+$0xFFFFFE90];
	[tilespmem:v35+s18+$0x0] =	vst.idx.msk $0xffff, v34  }
0x176: {  	s31 =	sadd.s32 $0x800, s31;
	v42 =	vbroadcast v37, $0x0;
	v35 =	vadd.s32 v0, v40;
	[tilespmem:v36+s18+$0x0] =	vst.idx.msk $0xffff, v39;
	v36 =	vld [tilespmem:s28+$0x290];
	v39 =	vor.u32 $0x5, v7  }
0x177: {  	v49 =	vld [tilespmem:s31+$0xFFFFFC00];
	v37 =	vadd.s32 v35, v17;
	[tilespmem:v44+s18+$0x0] =	vst.idx.msk $0xffff, v43  }
0x178: {  	v34 =	vadd.s32 v13, v42;
	v13 =	vmovc v18;
	v18 =	vmov v26;
	v26 =	vmov v35;
	[tilespmem:v45+s18+$0x0] =	vst.idx.msk $0xffff, v41;
	v41 =	vld [tilespmem:s26+$0x0]  }
0x179: {  	v43 =	vor.u32 $0x2, v33;
	v35 =	vld [tilespmem:s30+$0xFFFFFD30];
	[tilespmem:v46+s18+$0x0] =	vst.idx.msk $0xffff, v38  }
0x17a: {  	v45 =	vor.u32 $0x2, v5;
	[tilespmem:v48+s18+$0x0] =	vst.idx.msk $0xffff, v47;
	v44 =	vld [tilespmem:s25+$0x130]  }
0x17b: {  	v47 =	vor.u32 $0x5, v24;
	v46 =	vld [tilespmem:s29+$0xFFFFFEA0];
	[tilespmem:v39+s18+$0x0] =	vst.idx.msk $0xffff, v36  }
0x17c: {  	v48 =	vor.u32 $0x5, v6;
	v36 =	vadd.s32 v2, v40;
	[tilespmem:v37+s18+$0x0] =	vst.idx.msk $0xffff, v49;
	v39 =	vld [tilespmem:s28+$0x2A0]  }
0x17d: {  	v38 =	vadd.s32 v36, v17;
	v49 =	vld [tilespmem:s31+$0xFFFFFC10];
	[tilespmem:v34+s18+$0x0] =	vst.idx.msk $0xffff, v41  }
0x17e: {  	[tilespmem:v43+s18+$0x0] =	vst.idx.msk $0xffff, v35;
	v41 =	vld [tilespmem:s26+$0x10];
	v35 =	vadd.s32 v14, v42;
	v14 =	vmovc v19;
	v19 =	vmov v27;
	v27 =	vmov v36  }
0x17f: {  	v43 =	vor.u32 $0x3, v30;
	v36 =	vld [tilespmem:s30+$0xFFFFFD80];
	[tilespmem:v45+s18+$0x0] =	vst.idx.msk $0xffff, v44  }
0x180: {  	v45 =	vor.u32 $0x3, v10;
	[tilespmem:v47+s18+$0x0] =	vst.idx.msk $0xffff, v46;
	v44 =	vld [tilespmem:s25+$0x180]  }
0x181: {  	v47 =	vor.u32 $0x5, v25;
	v46 =	vld [tilespmem:s29+$0xFFFFFEB0];
	[tilespmem:v48+s18+$0x0] =	vst.idx.msk $0xffff, v39  }
0x182: {  	v50 =	vor.u32 $0x5, v9;
	v48 =	vadd.s32 v3, v40;
	[tilespmem:v38+s18+$0x0] =	vst.idx.msk $0xffff, v49;
	v49 =	vld [tilespmem:s28+$0x2B0]  }
0x183: {  	v39 =	vadd.s32 v48, v17;
	v51 =	vld [tilespmem:s31+$0xFFFFFC20];
	[tilespmem:v35+s18+$0x0] =	vst.idx.msk $0xffff, v41  }
0x184: {  	[tilespmem:v43+s18+$0x0] =	vst.idx.msk $0xffff, v36;
	v41 =	vld [tilespmem:s26+$0x20];
	v36 =	vadd.s32 v15, v42;
	v15 =	vmovc v20;
	v20 =	vmov v28;
	v28 =	vmov v48  }
0x185: {  	v48 =	vor.u32 $0x3, v31;
	v43 =	vld [tilespmem:s30+$0xFFFFFD90];
	[tilespmem:v45+s18+$0x0] =	vst.idx.msk $0xffff, v44  }
0x186: {  	v45 =	vor.u32 $0x3, v11;
	[tilespmem:v47+s18+$0x0] =	vst.idx.msk $0xffff, v46;
	v44 =	vld [tilespmem:s25+$0x190]  }
0x187: {  	v47 =	vor.u32 $0x6, v22;
	v46 =	vld [tilespmem:s29+$0xFFFFFF00];
	[tilespmem:v50+s18+$0x0] =	vst.idx.msk $0xffff, v49  }
0x188: {  	v49 =	vadd.s32 v4, v40;
	[tilespmem:v39+s18+$0x0] =	vst.idx.msk $0xffff, v51;
	v50 =	vld [tilespmem:s28+$0x300];
	v51 =	vor.u32 $0x6, v8  }
0x189: {  	v40 =	vadd.s32 v49, v17;
	v52 =	vld [tilespmem:s31+$0xFFFFFC30];
	[tilespmem:v36+s18+$0x0] =	vst.idx.msk $0xffff, v41  }
0x18a: {  	v17 =	vadd.s32 v16, v42;
	v16 =	vmovc v21;
	v21 =	vmov v29;
	v29 =	vmov v49;
	[tilespmem:v48+s18+$0x0] =	vst.idx.msk $0xffff, v43;
	v41 =	vld [tilespmem:s26+$0x30]  }
0x18b: {  	v43 =	vor.u32 $0x3, v32;
	v42 =	vld [tilespmem:s30+$0xFFFFFDA0];
	[tilespmem:v45+s18+$0x0] =	vst.idx.msk $0xffff, v44  }
0x18c: {  	v45 =	vor.u32 $0x3, v12;
	[tilespmem:v47+s18+$0x0] =	vst.idx.msk $0xffff, v46;
	v44 =	vld [tilespmem:s25+$0x1A0]  }
0x18d: {  	v47 =	vor.u32 $0x6, v23;
	v46 =	vld [tilespmem:s29+$0xFFFFFF10];
	[tilespmem:v51+s18+$0x0] =	vst.idx.msk $0xffff, v50  }
0x18e: {  	v49 =	vor.u32 $0x6, v7;
	[tilespmem:v40+s18+$0x0] =	vst.idx.msk $0xffff, v52;
	v48 =	vld [tilespmem:s28+$0x310]  }
0x18f: {  	v51 =	vor.u32 $0x1, v37;
	v50 =	vld [tilespmem:s31+$0xFFFFFC80];
	[tilespmem:v17+s18+$0x0] =	vst.idx.msk $0xffff, v41  }
0x190: {  	[tilespmem:v43+s18+$0x0] =	vst.idx.msk $0xffff, v42;
	v41 =	vld [tilespmem:s26+$0x80];
	v42 =	vor.u32 $0x1, v34  }
0x191: {  	v52 =	vor.u32 $0x3, v33;
	v43 =	vld [tilespmem:s30+$0xFFFFFDB0];
	[tilespmem:v45+s18+$0x0] =	vst.idx.msk $0xffff, v44  }
0x192: {  	v45 =	vor.u32 $0x3, v5;
	[tilespmem:v47+s18+$0x0] =	vst.idx.msk $0xffff, v46;
	v44 =	vld [tilespmem:s25+$0x1B0]  }
0x193: {  	v47 =	vor.u32 $0x6, v24;
	v46 =	vld [tilespmem:s29+$0xFFFFFF20];
	[tilespmem:v49+s18+$0x0] =	vst.idx.msk $0xffff, v48  }
0x194: {  	v49 =	vor.u32 $0x6, v6;
	[tilespmem:v51+s18+$0x0] =	vst.idx.msk $0xffff, v50;
	v48 =	vld [tilespmem:s28+$0x320]  }
0x195: {  	v51 =	vor.u32 $0x1, v38;
	v50 =	vld [tilespmem:s31+$0xFFFFFC90];
	[tilespmem:v42+s18+$0x0] =	vst.idx.msk $0xffff, v41  }
0x196: {  	v42 =	vor.u32 $0x1, v35;
	[tilespmem:v52+s18+$0x0] =	vst.idx.msk $0xffff, v43;
	v41 =	vld [tilespmem:s26+$0x90]  }
0x197: {  	v52 =	vor.u32 $0x4, v30;
	v43 =	vld [tilespmem:s30+$0xFFFFFE00];
	[tilespmem:v45+s18+$0x0] =	vst.idx.msk $0xffff, v44  }
0x198: {  	v45 =	vor.u32 $0x4, v10;
	[tilespmem:v47+s18+$0x0] =	vst.idx.msk $0xffff, v46;
	v44 =	vld [tilespmem:s25+$0x200]  }
0x199: {  	v47 =	vor.u32 $0x6, v25;
	v46 =	vld [tilespmem:s29+$0xFFFFFF30];
	[tilespmem:v49+s18+$0x0] =	vst.idx.msk $0xffff, v48  }
0x19a: {  	v49 =	vor.u32 $0x6, v9;
	[tilespmem:v51+s18+$0x0] =	vst.idx.msk $0xffff, v50;
	v48 =	vld [tilespmem:s28+$0x330]  }
0x19b: {  	v51 =	vor.u32 $0x1, v39;
	v50 =	vld [tilespmem:s31+$0xFFFFFCA0];
	[tilespmem:v42+s18+$0x0] =	vst.idx.msk $0xffff, v41  }
0x19c: {  	v42 =	vor.u32 $0x1, v36;
	[tilespmem:v52+s18+$0x0] =	vst.idx.msk $0xffff, v43;
	v41 =	vld [tilespmem:s26+$0xA0]  }
0x19d: {  	v52 =	vor.u32 $0x4, v31;
	v43 =	vld [tilespmem:s30+$0xFFFFFE10];
	[tilespmem:v45+s18+$0x0] =	vst.idx.msk $0xffff, v44  }
0x19e: {  	v45 =	vor.u32 $0x4, v11;
	[tilespmem:v47+s18+$0x0] =	vst.idx.msk $0xffff, v46;
	v44 =	vld [tilespmem:s25+$0x210]  }
0x19f: {  	v47 =	vor.u32 $0x7, v22;
	v22 =	vmov v30;
	v30 =	vmov v37;
	v46 =	vld [tilespmem:s29+$0xFFFFFF80];
	[tilespmem:v49+s18+$0x0] =	vst.idx.msk $0xffff, v48  }
0x1a0: {  	v48 =	vor.u32 $0x7, v8;
	v8 =	vmov v10;
	v10 =	vmov v34;
	[tilespmem:v51+s18+$0x0] =	vst.idx.msk $0xffff, v50;
	v37 =	vld [tilespmem:s28+$0x380]  }
0x1a1: {  	v49 =	vor.u32 $0x1, v40;
	v34 =	vld [tilespmem:s31+$0xFFFFFCB0];
	[tilespmem:v42+s18+$0x0] =	vst.idx.msk $0xffff, v41  }
0x1a2: {  	v42 =	vor.u32 $0x1, v17;
	[tilespmem:v52+s18+$0x0] =	vst.idx.msk $0xffff, v43;
	v41 =	vld [tilespmem:s26+$0xB0]  }
0x1a3: {  	v50 =	vor.u32 $0x4, v32;
	v43 =	vld [tilespmem:s30+$0xFFFFFE20];
	[tilespmem:v45+s18+$0x0] =	vst.idx.msk $0xffff, v44  }
0x1a4: {  	v45 =	vor.u32 $0x4, v12;
	[tilespmem:v47+s18+$0x0] =	vst.idx.msk $0xffff, v46;
	v44 =	vld [tilespmem:s25+$0x220]  }
0x1a5: {  	v47 =	vor.u32 $0x7, v23;
	v23 =	vmov v31;
	v31 =	vmov v38;
	v46 =	vld [tilespmem:s29+$0xFFFFFF90];
	[tilespmem:v48+s18+$0x0] =	vst.idx.msk $0xffff, v37  }
0x1a6: {  	v37 =	vor.u32 $0x7, v7;
	v7 =	vmov v11;
	v11 =	vmov v35;
	[tilespmem:v49+s18+$0x0] =	vst.idx.msk $0xffff, v34;
	v34 =	vld [tilespmem:s28+$0x390]  }
0x1a7: {  	v38 =	vor.u32 $0x2, v30;
	v35 =	vld [tilespmem:s31+$0xFFFFFD00];
	[tilespmem:v42+s18+$0x0] =	vst.idx.msk $0xffff, v41  }
0x1a8: {  	v42 =	vor.u32 $0x2, v10;
	[tilespmem:v50+s18+$0x0] =	vst.idx.msk $0xffff, v43;
	v41 =	vld [tilespmem:s26+$0x100]  }
0x1a9: {  	v48 =	vor.u32 $0x4, v33;
	v43 =	vld [tilespmem:s30+$0xFFFFFE30];
	[tilespmem:v45+s18+$0x0] =	vst.idx.msk $0xffff, v44  }
0x1aa: {  	v45 =	vor.u32 $0x4, v5;
	[tilespmem:v47+s18+$0x0] =	vst.idx.msk $0xffff, v46;
	v44 =	vld [tilespmem:s25+$0x230]  }
0x1ab: {  	v47 =	vor.u32 $0x7, v24;
	v24 =	vmov v32;
	v32 =	vmov v39;
	v46 =	vld [tilespmem:s29+$0xFFFFFFA0];
	[tilespmem:v37+s18+$0x0] =	vst.idx.msk $0xffff, v34  }
0x1ac: {  	v53 =	vor.u32 $0x7, v6;
	v6 =	vmov v12;
	v12 =	vmov v36;
	[tilespmem:v38+s18+$0x0] =	vst.idx.msk $0xffff, v35;
	v52 =	vld [tilespmem:s28+$0x3A0]  }
.Ltmp2:
0x1ad: {  	v51 =	vor.u32 $0x2, v31;
	v50 =	vld [tilespmem:s31+$0xFFFFFD10];
	[tilespmem:v42+s18+$0x0] =	vst.idx.msk $0xffff, v41;
	(pc) =	sbr.rel @p1 .LBB2_3-.Ltmp2, $4  }
0x1ae: {  	v38 =	vor.u32 $0x2, v11;
	[tilespmem:v48+s18+$0x0] =	vst.idx.msk $0xffff, v43;
	v37 =	vld [tilespmem:s26+$0x110]  }
0x1af: {  	s12 =	sadd.s32 $0x10, s12;
	v49 =	vor.u32 $0x5, v22;
	v48 =	vld [tilespmem:s30+$0xFFFFFE80];
	[tilespmem:v45+s18+$0x0] =	vst.idx.msk $0xffff, v44  }
0x1b0: {  	s11 =	sshrl.u32 s6, $0x3;
	s13 =	sand.u32 $0x70, s12;
	v35 =	vor.u32 $0x5, v8;
	[tilespmem:v47+s18+$0x0] =	vst.idx.msk $0xffff, v46;
	v34 =	vld [tilespmem:s25+$0x280]  }
0x1b1: {  	s6 =	sadd.s32 $0x1, s6;
	s22 =	sor.u32 $0x8, s1;
	s1 =	smov.u32 s10;
	v36 =	vor.u32 $0x7, v25;
	v25 =	vmovc v33;
	v33 =	vmovc v40;
	v42 =	vmov s11;
	v41 =	vmov s13;
	v39 =	vld [tilespmem:s29+$0xFFFFFFB0];
	[tilespmem:v53+s18+$0x0] =	vst.idx.msk $0xffff, v52  }
0x1b2: {  	v40 =	vmul.u32 $0x2200, v42  }
0x1b3: {  	v41 =	vshrl.u32 v41, $0x3  }
0x1b4: {  	v41 =	vshll.u32 v41, v1;
	v40 =	vbroadcast v40, $0x0  }
0x1b5: {  	v44 =	vbroadcast v41, $0x0  }
0x1b6: {  	s11 =	sadd.s32 $0x800, s31;
	v43 =	vadd.s32 v0, v40  }
0x1b7: {  	v59 =	vld [tilespmem:s11+$0xFFFFFC00];
	v47 =	vadd.s32 v43, v44;
	_ =	sdelay $0x4  }
0x1b8: {  	v42 =	vadd.s32 v2, v40;
	[tilespmem:v47+s18+$0x0] =	vst.idx.msk $0xffff, v59  }
0x1b9: {  	v46 =	vadd.s32 v42, v44;
	v41 =	vld [tilespmem:s11+$0xFFFFFC10];
	_ =	sdelay $0x4  }
0x1ba: {  	[tilespmem:v46+s18+$0x0] =	vst.idx.msk $0xffff, v41;
	v41 =	vadd.s32 v3, v40  }
0x1bb: {  	v52 =	vld [tilespmem:s11+$0xFFFFFC20];
	v45 =	vadd.s32 v41, v44;
	_ =	sdelay $0x4  }
0x1bc: {  	v40 =	vadd.s32 v4, v40;
	[tilespmem:v45+s18+$0x0] =	vst.idx.msk $0xffff, v52  }
0x1bd: {  	v44 =	vadd.s32 v40, v44;
	v52 =	vld [tilespmem:s11+$0xFFFFFC30];
	_ =	sdelay $0x4  }
0x1be: {  	[tilespmem:v44+s18+$0x0] =	vst.idx.msk $0xffff, v52  }
0x1bf: {  	v53 =	vor.u32 $0x1, v47;
	v52 =	vld [tilespmem:s11+$0xFFFFFC80];
	_ =	sdelay $0x4  }
0x1c0: {  	[tilespmem:v53+s18+$0x0] =	vst.idx.msk $0xffff, v52  }
0x1c1: {  	v60 =	vor.u32 $0x1, v46;
	v52 =	vld [tilespmem:s11+$0xFFFFFC90];
	_ =	sdelay $0x4  }
0x1c2: {  	[tilespmem:v60+s18+$0x0] =	vst.idx.msk $0xffff, v52  }
0x1c3: {  	v61 =	vor.u32 $0x1, v45;
	v52 =	vld [tilespmem:s11+$0xFFFFFCA0];
	_ =	sdelay $0x4  }
0x1c4: {  	[tilespmem:v61+s18+$0x0] =	vst.idx.msk $0xffff, v52  }
0x1c5: {  	v62 =	vor.u32 $0x1, v44;
	v52 =	vld [tilespmem:s11+$0xFFFFFCB0];
	_ =	sdelay $0x4  }
0x1c6: {  	[tilespmem:v62+s18+$0x0] =	vst.idx.msk $0xffff, v52  }
0x1c7: {  	v63 =	vor.u32 $0x2, v47;
	v52 =	vld [tilespmem:s11+$0xFFFFFD00];
	_ =	sdelay $0x4  }
0x1c8: {  	[tilespmem:v63+s18+$0x0] =	vst.idx.msk $0xffff, v52  }
0x1c9: {  	v56 =	vor.u32 $0x2, v46;
	v52 =	vld [tilespmem:s11+$0xFFFFFD10];
	_ =	sdelay $0x3  }
0x1ca: {  	[tilespmem:v51+s18+$0x0] =	vst.idx.msk $0xffff, v50  }
0x1cb: {  	v57 =	vor.u32 $0x2, v32;
	v50 =	vld [tilespmem:s31+$0xFFFFFD20];
	[tilespmem:v56+s18+$0x0] =	vst.idx.msk $0xffff, v52  }
0x1cc: {  	v58 =	vor.u32 $0x2, v45;
	v52 =	vld [tilespmem:s11+$0xFFFFFD20];
	_ =	sdelay $0x3  }
0x1cd: {  	[tilespmem:v57+s18+$0x0] =	vst.idx.msk $0xffff, v50  }
0x1ce: {  	v50 =	vld [tilespmem:s31+$0xFFFFFD30];
	v59 =	vor.u32 $0x2, v33;
	[tilespmem:v58+s18+$0x0] =	vst.idx.msk $0xffff, v52  }
0x1cf: {  	v60 =	vor.u32 $0x2, v44;
	v52 =	vld [tilespmem:s11+$0xFFFFFD30];
	_ =	sdelay $0x3  }
0x1d0: {  	[tilespmem:v59+s18+$0x0] =	vst.idx.msk $0xffff, v50  }
0x1d1: {  	v50 =	vld [tilespmem:s31+$0xFFFFFD80];
	v61 =	vor.u32 $0x3, v30;
	[tilespmem:v60+s18+$0x0] =	vst.idx.msk $0xffff, v52  }
0x1d2: {  	v62 =	vor.u32 $0x3, v47;
	v52 =	vld [tilespmem:s11+$0xFFFFFD80];
	_ =	sdelay $0x3  }
0x1d3: {  	[tilespmem:v61+s18+$0x0] =	vst.idx.msk $0xffff, v50  }
0x1d4: {  	v50 =	vld [tilespmem:s31+$0xFFFFFD90];
	v63 =	vor.u32 $0x3, v31;
	[tilespmem:v62+s18+$0x0] =	vst.idx.msk $0xffff, v52  }
0x1d5: {  	v56 =	vor.u32 $0x3, v46;
	v52 =	vld [tilespmem:s11+$0xFFFFFD90];
	_ =	sdelay $0x3  }
0x1d6: {  	[tilespmem:v63+s18+$0x0] =	vst.idx.msk $0xffff, v50  }
0x1d7: {  	v57 =	vor.u32 $0x3, v32;
	v50 =	vld [tilespmem:s31+$0xFFFFFDA0];
	[tilespmem:v56+s18+$0x0] =	vst.idx.msk $0xffff, v52  }
0x1d8: {  	v58 =	vor.u32 $0x3, v45;
	v52 =	vld [tilespmem:s11+$0xFFFFFDA0];
	_ =	sdelay $0x3  }
0x1d9: {  	[tilespmem:v57+s18+$0x0] =	vst.idx.msk $0xffff, v50  }
0x1da: {  	v59 =	vor.u32 $0x3, v33;
	v50 =	vld [tilespmem:s31+$0xFFFFFDB0];
	[tilespmem:v58+s18+$0x0] =	vst.idx.msk $0xffff, v52  }
0x1db: {  	v60 =	vor.u32 $0x3, v44;
	v52 =	vld [tilespmem:s11+$0xFFFFFDB0];
	_ =	sdelay $0x3  }
0x1dc: {  	[tilespmem:v59+s18+$0x0] =	vst.idx.msk $0xffff, v50  }
0x1dd: {  	v61 =	vor.u32 $0x4, v30;
	v50 =	vld [tilespmem:s31+$0xFFFFFE00];
	[tilespmem:v60+s18+$0x0] =	vst.idx.msk $0xffff, v52  }
0x1de: {  	v62 =	vor.u32 $0x4, v47;
	v52 =	vld [tilespmem:s11+$0xFFFFFE00];
	_ =	sdelay $0x3  }
0x1df: {  	[tilespmem:v61+s18+$0x0] =	vst.idx.msk $0xffff, v50  }
0x1e0: {  	v63 =	vor.u32 $0x4, v31;
	v50 =	vld [tilespmem:s31+$0xFFFFFE10];
	[tilespmem:v62+s18+$0x0] =	vst.idx.msk $0xffff, v52  }
0x1e1: {  	v56 =	vor.u32 $0x4, v46;
	v52 =	vld [tilespmem:s11+$0xFFFFFE10];
	_ =	sdelay $0x3  }
0x1e2: {  	[tilespmem:v63+s18+$0x0] =	vst.idx.msk $0xffff, v50  }
0x1e3: {  	v57 =	vor.u32 $0x4, v32;
	v50 =	vld [tilespmem:s31+$0xFFFFFE20];
	[tilespmem:v56+s18+$0x0] =	vst.idx.msk $0xffff, v52  }
0x1e4: {  	v58 =	vor.u32 $0x4, v45;
	v52 =	vld [tilespmem:s11+$0xFFFFFE20];
	_ =	sdelay $0x3  }
0x1e5: {  	[tilespmem:v57+s18+$0x0] =	vst.idx.msk $0xffff, v50  }
0x1e6: {  	v59 =	vor.u32 $0x4, v33;
	v50 =	vld [tilespmem:s31+$0xFFFFFE30];
	[tilespmem:v58+s18+$0x0] =	vst.idx.msk $0xffff, v52  }
0x1e7: {  	v60 =	vor.u32 $0x4, v44;
	v52 =	vld [tilespmem:s11+$0xFFFFFE30];
	_ =	sdelay $0x3  }
0x1e8: {  	[tilespmem:v59+s18+$0x0] =	vst.idx.msk $0xffff, v50  }
0x1e9: {  	v61 =	vor.u32 $0x5, v30;
	v50 =	vld [tilespmem:s31+$0xFFFFFE80];
	[tilespmem:v60+s18+$0x0] =	vst.idx.msk $0xffff, v52  }
0x1ea: {  	v62 =	vor.u32 $0x5, v47;
	v52 =	vld [tilespmem:s11+$0xFFFFFE80];
	_ =	sdelay $0x2  }
0x1eb: {  	[tilespmem:v49+s18+$0x0] =	vst.idx.msk $0xffff, v48  }
0x1ec: {  	v48 =	vld [tilespmem:s30+$0xFFFFFE90];
	v63 =	vor.u32 $0x5, v23;
	[tilespmem:v61+s18+$0x0] =	vst.idx.msk $0xffff, v50  }
0x1ed: {  	v50 =	vld [tilespmem:s31+$0xFFFFFE90];
	v56 =	vor.u32 $0x5, v31;
	[tilespmem:v62+s18+$0x0] =	vst.idx.msk $0xffff, v52  }
0x1ee: {  	v57 =	vor.u32 $0x5, v46;
	v52 =	vld [tilespmem:s11+$0xFFFFFE90];
	_ =	sdelay $0x2  }
0x1ef: {  	[tilespmem:v63+s18+$0x0] =	vst.idx.msk $0xffff, v48  }
0x1f0: {  	v48 =	vld [tilespmem:s30+$0xFFFFFEA0];
	[tilespmem:v56+s18+$0x0] =	vst.idx.msk $0xffff, v50;
	v58 =	vor.u32 $0x5, v24  }
0x1f1: {  	v59 =	vor.u32 $0x5, v32;
	v50 =	vld [tilespmem:s31+$0xFFFFFEA0];
	[tilespmem:v57+s18+$0x0] =	vst.idx.msk $0xffff, v52  }
0x1f2: {  	v60 =	vor.u32 $0x5, v45;
	v52 =	vld [tilespmem:s11+$0xFFFFFEA0];
	_ =	sdelay $0x2  }
0x1f3: {  	[tilespmem:v58+s18+$0x0] =	vst.idx.msk $0xffff, v48  }
0x1f4: {  	v61 =	vor.u32 $0x5, v25;
	[tilespmem:v59+s18+$0x0] =	vst.idx.msk $0xffff, v50;
	v48 =	vld [tilespmem:s30+$0xFFFFFEB0]  }
0x1f5: {  	v50 =	vld [tilespmem:s31+$0xFFFFFEB0];
	v62 =	vor.u32 $0x5, v33;
	[tilespmem:v60+s18+$0x0] =	vst.idx.msk $0xffff, v52  }
0x1f6: {  	v63 =	vor.u32 $0x5, v44;
	v52 =	vld [tilespmem:s11+$0xFFFFFEB0];
	_ =	sdelay $0x2  }
0x1f7: {  	[tilespmem:v61+s18+$0x0] =	vst.idx.msk $0xffff, v48  }
0x1f8: {  	v56 =	vor.u32 $0x6, v22;
	v48 =	vld [tilespmem:s30+$0xFFFFFF00];
	[tilespmem:v62+s18+$0x0] =	vst.idx.msk $0xffff, v50  }
0x1f9: {  	v50 =	vld [tilespmem:s31+$0xFFFFFF00];
	v57 =	vor.u32 $0x6, v30;
	[tilespmem:v63+s18+$0x0] =	vst.idx.msk $0xffff, v52  }
0x1fa: {  	v58 =	vor.u32 $0x6, v47;
	v52 =	vld [tilespmem:s11+$0xFFFFFF00];
	_ =	sdelay $0x2  }
0x1fb: {  	[tilespmem:v56+s18+$0x0] =	vst.idx.msk $0xffff, v48  }
0x1fc: {  	v59 =	vor.u32 $0x6, v23;
	v48 =	vld [tilespmem:s30+$0xFFFFFF10];
	[tilespmem:v57+s18+$0x0] =	vst.idx.msk $0xffff, v50  }
0x1fd: {  	v50 =	vld [tilespmem:s31+$0xFFFFFF10];
	v60 =	vor.u32 $0x6, v31;
	[tilespmem:v58+s18+$0x0] =	vst.idx.msk $0xffff, v52  }
0x1fe: {  	v61 =	vor.u32 $0x6, v46;
	v52 =	vld [tilespmem:s11+$0xFFFFFF10];
	_ =	sdelay $0x2  }
0x1ff: {  	[tilespmem:v59+s18+$0x0] =	vst.idx.msk $0xffff, v48  }
0x200: {  	v62 =	vor.u32 $0x6, v24;
	v48 =	vld [tilespmem:s30+$0xFFFFFF20];
	[tilespmem:v60+s18+$0x0] =	vst.idx.msk $0xffff, v50  }
0x201: {  	v50 =	vld [tilespmem:s31+$0xFFFFFF20];
	v63 =	vor.u32 $0x6, v32;
	[tilespmem:v61+s18+$0x0] =	vst.idx.msk $0xffff, v52  }
0x202: {  	v56 =	vor.u32 $0x6, v45;
	v52 =	vld [tilespmem:s11+$0xFFFFFF20];
	_ =	sdelay $0x2  }
0x203: {  	[tilespmem:v62+s18+$0x0] =	vst.idx.msk $0xffff, v48  }
0x204: {  	v57 =	vor.u32 $0x6, v25;
	v48 =	vld [tilespmem:s30+$0xFFFFFF30];
	[tilespmem:v63+s18+$0x0] =	vst.idx.msk $0xffff, v50  }
0x205: {  	v50 =	vld [tilespmem:s31+$0xFFFFFF30];
	v58 =	vor.u32 $0x6, v33;
	[tilespmem:v56+s18+$0x0] =	vst.idx.msk $0xffff, v52  }
0x206: {  	v59 =	vor.u32 $0x6, v44;
	v52 =	vld [tilespmem:s11+$0xFFFFFF30];
	_ =	sdelay $0x2  }
0x207: {  	[tilespmem:v57+s18+$0x0] =	vst.idx.msk $0xffff, v48  }
0x208: {  	v60 =	vor.u32 $0x7, v22;
	v48 =	vld [tilespmem:s30+$0xFFFFFF80];
	[tilespmem:v58+s18+$0x0] =	vst.idx.msk $0xffff, v50  }
0x209: {  	v62 =	vor.u32 $0x7, v30;
	v61 =	vld [tilespmem:s31+$0xFFFFFF80];
	[tilespmem:v59+s18+$0x0] =	vst.idx.msk $0xffff, v52  }
0x20a: {  	v47 =	vor.u32 $0x7, v47;
	v63 =	vld [tilespmem:s11+$0xFFFFFF80];
	_ =	sdelay $0x2  }
0x20b: {  	[tilespmem:v60+s18+$0x0] =	vst.idx.msk $0xffff, v48  }
0x20c: {  	v48 =	vor.u32 $0x7, v23;
	v22 =	vld [tilespmem:s30+$0xFFFFFF90];
	[tilespmem:v62+s18+$0x0] =	vst.idx.msk $0xffff, v61  }
0x20d: {  	v49 =	vor.u32 $0x7, v31;
	v30 =	vld [tilespmem:s31+$0xFFFFFF90];
	[tilespmem:v47+s18+$0x0] =	vst.idx.msk $0xffff, v63  }
0x20e: {  	v46 =	vor.u32 $0x7, v46;
	v47 =	vld [tilespmem:s11+$0xFFFFFF90];
	_ =	sdelay $0x2  }
0x20f: {  	[tilespmem:v48+s18+$0x0] =	vst.idx.msk $0xffff, v22  }
0x210: {  	v51 =	vor.u32 $0x7, v24;
	v22 =	vld [tilespmem:s30+$0xFFFFFFA0];
	[tilespmem:v49+s18+$0x0] =	vst.idx.msk $0xffff, v30  }
0x211: {  	v53 =	vor.u32 $0x7, v32;
	v52 =	vld [tilespmem:s31+$0xFFFFFFA0];
	[tilespmem:v46+s18+$0x0] =	vst.idx.msk $0xffff, v47  }
0x212: {  	v55 =	vor.u32 $0x7, v45;
	v54 =	vld [tilespmem:s11+$0xFFFFFFA0];
	_ =	sdelay $0x2  }
0x213: {  	v44 =	vor.u32 $0x7, v44;
	v56 =	vmov s22;
	[tilespmem:v51+s18+$0x0] =	vst.idx.msk $0xffff, v22  }
0x214: {  	s1 =	sor.u32 $0x8, s1;
	s0 =	sor.u32 $0x8, s0;
	v58 =	vor.u32 $0x7, v25;
	v60 =	vor.u32 $0x7, v33;
	v45 =	vshrl.u32 v56, $0x3;
	v23 =	vld [tilespmem:s30+$0xFFFFFFB0];
	[tilespmem:v53+s18+$0x0] =	vst.idx.msk $0xffff, v52  }
0x215: {  	v61 =	vmov s0;
	s22 =	sor.u32 $0x8, s13;
	v57 =	vshll.u32 v45, v1;
	v59 =	vmov s1;
	v24 =	vld [tilespmem:s31+$0xFFFFFFB0];
	[tilespmem:v55+s18+$0x0] =	vst.idx.msk $0xffff, v54  }
0x216: {  	v62 =	vmov s22;
	v45 =	vbroadcast v57, $0x0;
	v22 =	vshrl.u32 v59, $0x3;
	v31 =	vld [tilespmem:s11+$0xFFFFFFB0]  }
0x217: {  	[tilespmem:v36+s18+$0x0] =	vst.idx.msk $0xffff, v39;
	v32 =	vshrl.u32 v62, $0x3;
	v30 =	vshrl.u32 v61, $0x3;
	v22 =	vshll.u32 v22, v1  }
0x218: {  	v39 =	vld [tilespmem:s29+$0x0];
	v48 =	vshll.u32 v30, v1;
	v30 =	vadd.s32 v13, v45;
	v63 =	vbroadcast v22, $0x0  }
0x219: {  	v50 =	vshll.u32 v32, v1;
	v49 =	vbroadcast v48, $0x0;
	[tilespmem:v58+s18+$0x0] =	vst.idx.msk $0xffff, v23  }
0x21a: {  	v51 =	vbroadcast v50, $0x0;
	v23 =	vld [tilespmem:s30+$0x0];
	v32 =	vadd.s32 v18, v63;
	[tilespmem:v60+s18+$0x0] =	vst.idx.msk $0xffff, v24  }
0x21b: {  	v33 =	vadd.s32 v26, v49;
	v52 =	vld [tilespmem:s31+$0x0];
	[tilespmem:v44+s18+$0x0] =	vst.idx.msk $0xffff, v31  }
0x21c: {  	v31 =	vadd.s32 v43, v51;
	v53 =	vld [tilespmem:s11+$0x0]  }
0x21d: {  	[tilespmem:v30+s18+$0x0] =	vst.idx.msk $0xffff, v39  }
0x21e: {  	v26 =	vadd.s32 v14, v45;
	v39 =	vld [tilespmem:s29+$0x10]  }
0x21f: {  	[tilespmem:v32+s18+$0x0] =	vst.idx.msk $0xffff, v23  }
0x220: {  	v25 =	vadd.s32 v19, v63;
	[tilespmem:v33+s18+$0x0] =	vst.idx.msk $0xffff, v52;
	v54 =	vld [tilespmem:s30+$0x10]  }
0x221: {  	v24 =	vadd.s32 v27, v49;
	v18 =	vld [tilespmem:s31+$0x10];
	[tilespmem:v31+s18+$0x0] =	vst.idx.msk $0xffff, v53  }
0x222: {  	v23 =	vadd.s32 v42, v51;
	v55 =	vld [tilespmem:s11+$0x10]  }
0x223: {  	[tilespmem:v26+s18+$0x0] =	vst.idx.msk $0xffff, v39  }
0x224: {  	v22 =	vadd.s32 v15, v45;
	v39 =	vld [tilespmem:s29+$0x20]  }
0x225: {  	[tilespmem:v25+s18+$0x0] =	vst.idx.msk $0xffff, v54  }
0x226: {  	v20 =	vadd.s32 v20, v63;
	[tilespmem:v24+s18+$0x0] =	vst.idx.msk $0xffff, v18;
	v14 =	vld [tilespmem:s30+$0x20]  }
0x227: {  	v19 =	vadd.s32 v28, v49;
	v56 =	vld [tilespmem:s31+$0x20];
	[tilespmem:v23+s18+$0x0] =	vst.idx.msk $0xffff, v55  }
0x228: {  	v18 =	vadd.s32 v41, v51;
	v27 =	vld [tilespmem:s11+$0x20]  }
0x229: {  	[tilespmem:v22+s18+$0x0] =	vst.idx.msk $0xffff, v39  }
0x22a: {  	v16 =	vadd.s32 v16, v45;
	v57 =	vld [tilespmem:s29+$0x30]  }
0x22b: {  	[tilespmem:v20+s18+$0x0] =	vst.idx.msk $0xffff, v14  }
0x22c: {  	v15 =	vadd.s32 v21, v63;
	[tilespmem:v19+s18+$0x0] =	vst.idx.msk $0xffff, v56;
	v58 =	vld [tilespmem:s30+$0x30]  }
0x22d: {  	v14 =	vadd.s32 v29, v49;
	v59 =	vld [tilespmem:s31+$0x30];
	[tilespmem:v18+s18+$0x0] =	vst.idx.msk $0xffff, v27  }
0x22e: {  	v13 =	vadd.s32 v40, v51;
	v27 =	vld [tilespmem:s11+$0x30]  }
0x22f: {  	[tilespmem:v16+s18+$0x0] =	vst.idx.msk $0xffff, v57  }
0x230: {  	v60 =	vor.u32 $0x1, v30;
	v28 =	vld [tilespmem:s29+$0x80]  }
0x231: {  	[tilespmem:v15+s18+$0x0] =	vst.idx.msk $0xffff, v58  }
0x232: {  	v62 =	vor.u32 $0x1, v32;
	[tilespmem:v14+s18+$0x0] =	vst.idx.msk $0xffff, v59;
	v61 =	vld [tilespmem:s30+$0x80]  }
0x233: {  	v63 =	vor.u32 $0x1, v33;
	v21 =	vld [tilespmem:s31+$0x80];
	[tilespmem:v13+s18+$0x0] =	vst.idx.msk $0xffff, v27  }
0x234: {  	v44 =	vor.u32 $0x1, v31;
	v27 =	vld [tilespmem:s11+$0x80]  }
0x235: {  	[tilespmem:v60+s18+$0x0] =	vst.idx.msk $0xffff, v28  }
0x236: {  	v45 =	vor.u32 $0x1, v26;
	v28 =	vld [tilespmem:s29+$0x90]  }
0x237: {  	[tilespmem:v62+s18+$0x0] =	vst.idx.msk $0xffff, v61  }
0x238: {  	v46 =	vor.u32 $0x1, v25;
	[tilespmem:v63+s18+$0x0] =	vst.idx.msk $0xffff, v21;
	v36 =	vld [tilespmem:s30+$0x90]  }
0x239: {  	v47 =	vor.u32 $0x1, v24;
	v21 =	vld [tilespmem:s31+$0x90];
	[tilespmem:v44+s18+$0x0] =	vst.idx.msk $0xffff, v27  }
0x23a: {  	v48 =	vor.u32 $0x1, v23;
	v27 =	vld [tilespmem:s11+$0x90]  }
0x23b: {  	[tilespmem:v45+s18+$0x0] =	vst.idx.msk $0xffff, v28  }
0x23c: {  	v49 =	vor.u32 $0x1, v22;
	v28 =	vld [tilespmem:s29+$0xA0]  }
0x23d: {  	[tilespmem:v46+s18+$0x0] =	vst.idx.msk $0xffff, v36  }
0x23e: {  	v50 =	vor.u32 $0x1, v20;
	[tilespmem:v47+s18+$0x0] =	vst.idx.msk $0xffff, v21;
	v36 =	vld [tilespmem:s30+$0xA0]  }
0x23f: {  	v51 =	vor.u32 $0x1, v19;
	v21 =	vld [tilespmem:s31+$0xA0];
	[tilespmem:v48+s18+$0x0] =	vst.idx.msk $0xffff, v27  }
0x240: {  	v52 =	vor.u32 $0x1, v18;
	v27 =	vld [tilespmem:s11+$0xA0]  }
0x241: {  	[tilespmem:v49+s18+$0x0] =	vst.idx.msk $0xffff, v28  }
0x242: {  	v53 =	vor.u32 $0x1, v16;
	v28 =	vld [tilespmem:s29+$0xB0]  }
0x243: {  	[tilespmem:v50+s18+$0x0] =	vst.idx.msk $0xffff, v36  }
0x244: {  	v54 =	vor.u32 $0x1, v15;
	[tilespmem:v51+s18+$0x0] =	vst.idx.msk $0xffff, v21;
	v36 =	vld [tilespmem:s30+$0xB0]  }
0x245: {  	v55 =	vor.u32 $0x1, v14;
	v21 =	vld [tilespmem:s31+$0xB0];
	[tilespmem:v52+s18+$0x0] =	vst.idx.msk $0xffff, v27  }
0x246: {  	v56 =	vor.u32 $0x1, v13;
	v27 =	vld [tilespmem:s11+$0xB0]  }
0x247: {  	[tilespmem:v53+s18+$0x0] =	vst.idx.msk $0xffff, v28  }
0x248: {  	v57 =	vor.u32 $0x2, v30;
	v28 =	vld [tilespmem:s29+$0x100]  }
0x249: {  	[tilespmem:v54+s18+$0x0] =	vst.idx.msk $0xffff, v36  }
0x24a: {  	v58 =	vor.u32 $0x2, v32;
	[tilespmem:v55+s18+$0x0] =	vst.idx.msk $0xffff, v21;
	v36 =	vld [tilespmem:s30+$0x100]  }
0x24b: {  	v59 =	vor.u32 $0x2, v33;
	v21 =	vld [tilespmem:s31+$0x100];
	[tilespmem:v56+s18+$0x0] =	vst.idx.msk $0xffff, v27  }
0x24c: {  	v60 =	vor.u32 $0x2, v31;
	v27 =	vld [tilespmem:s11+$0x100]  }
0x24d: {  	[tilespmem:v57+s18+$0x0] =	vst.idx.msk $0xffff, v28  }
0x24e: {  	v61 =	vor.u32 $0x2, v26;
	v28 =	vld [tilespmem:s29+$0x110]  }
0x24f: {  	[tilespmem:v58+s18+$0x0] =	vst.idx.msk $0xffff, v36  }
0x250: {  	v62 =	vor.u32 $0x2, v25;
	[tilespmem:v59+s18+$0x0] =	vst.idx.msk $0xffff, v21;
	v36 =	vld [tilespmem:s30+$0x110]  }
0x251: {  	v63 =	vor.u32 $0x2, v24;
	v21 =	vld [tilespmem:s31+$0x110];
	[tilespmem:v60+s18+$0x0] =	vst.idx.msk $0xffff, v27  }
0x252: {  	v44 =	vor.u32 $0x2, v23;
	v27 =	vld [tilespmem:s11+$0x110]  }
0x253: {  	[tilespmem:v61+s18+$0x0] =	vst.idx.msk $0xffff, v28  }
0x254: {  	[tilespmem:v38+s18+$0x0] =	vst.idx.msk $0xffff, v37;
	v46 =	vor.u32 $0x2, v22;
	v28 =	vld [tilespmem:s29+$0x120]  }
0x255: {  	v37 =	vld [tilespmem:s26+$0x120];
	v45 =	vor.u32 $0x2, v12;
	[tilespmem:v62+s18+$0x0] =	vst.idx.msk $0xffff, v36  }
0x256: {  	v47 =	vor.u32 $0x2, v20;
	[tilespmem:v63+s18+$0x0] =	vst.idx.msk $0xffff, v21;
	v36 =	vld [tilespmem:s30+$0x120]  }
0x257: {  	v48 =	vor.u32 $0x2, v19;
	v21 =	vld [tilespmem:s31+$0x120];
	[tilespmem:v44+s18+$0x0] =	vst.idx.msk $0xffff, v27  }
0x258: {  	v49 =	vor.u32 $0x2, v18;
	v27 =	vld [tilespmem:s11+$0x120]  }
0x259: {  	[tilespmem:v46+s18+$0x0] =	vst.idx.msk $0xffff, v28  }
0x25a: {  	[tilespmem:v45+s18+$0x0] =	vst.idx.msk $0xffff, v37;
	v51 =	vor.u32 $0x2, v16;
	v28 =	vld [tilespmem:s29+$0x130]  }
0x25b: {  	v37 =	vld [tilespmem:s26+$0x130];
	v50 =	vor.u32 $0x2, v17;
	[tilespmem:v47+s18+$0x0] =	vst.idx.msk $0xffff, v36  }
0x25c: {  	v52 =	vor.u32 $0x2, v15;
	[tilespmem:v48+s18+$0x0] =	vst.idx.msk $0xffff, v21;
	v36 =	vld [tilespmem:s30+$0x130]  }
0x25d: {  	v53 =	vor.u32 $0x2, v14;
	v21 =	vld [tilespmem:s31+$0x130];
	[tilespmem:v49+s18+$0x0] =	vst.idx.msk $0xffff, v27  }
0x25e: {  	v54 =	vor.u32 $0x2, v13;
	v27 =	vld [tilespmem:s11+$0x130]  }
0x25f: {  	[tilespmem:v51+s18+$0x0] =	vst.idx.msk $0xffff, v28  }
0x260: {  	[tilespmem:v50+s18+$0x0] =	vst.idx.msk $0xffff, v37;
	v28 =	vld [tilespmem:s29+$0x180];
	v56 =	vor.u32 $0x3, v30  }
0x261: {  	v37 =	vld [tilespmem:s26+$0x180];
	v55 =	vor.u32 $0x3, v10;
	[tilespmem:v52+s18+$0x0] =	vst.idx.msk $0xffff, v36  }
0x262: {  	v57 =	vor.u32 $0x3, v32;
	[tilespmem:v53+s18+$0x0] =	vst.idx.msk $0xffff, v21;
	v36 =	vld [tilespmem:s30+$0x180]  }
0x263: {  	v58 =	vor.u32 $0x3, v33;
	v21 =	vld [tilespmem:s31+$0x180];
	[tilespmem:v54+s18+$0x0] =	vst.idx.msk $0xffff, v27  }
0x264: {  	v59 =	vor.u32 $0x3, v31;
	v27 =	vld [tilespmem:s11+$0x180]  }
0x265: {  	[tilespmem:v56+s18+$0x0] =	vst.idx.msk $0xffff, v28  }
0x266: {  	v61 =	vor.u32 $0x3, v26;
	[tilespmem:v55+s18+$0x0] =	vst.idx.msk $0xffff, v37;
	v28 =	vld [tilespmem:s29+$0x190]  }
0x267: {  	v37 =	vld [tilespmem:s26+$0x190];
	v60 =	vor.u32 $0x3, v11;
	[tilespmem:v57+s18+$0x0] =	vst.idx.msk $0xffff, v36  }
0x268: {  	v62 =	vor.u32 $0x3, v25;
	[tilespmem:v58+s18+$0x0] =	vst.idx.msk $0xffff, v21;
	v36 =	vld [tilespmem:s30+$0x190]  }
0x269: {  	v63 =	vor.u32 $0x3, v24;
	v21 =	vld [tilespmem:s31+$0x190];
	[tilespmem:v59+s18+$0x0] =	vst.idx.msk $0xffff, v27  }
0x26a: {  	v44 =	vor.u32 $0x3, v23;
	v27 =	vld [tilespmem:s11+$0x190]  }
0x26b: {  	[tilespmem:v61+s18+$0x0] =	vst.idx.msk $0xffff, v28  }
0x26c: {  	v46 =	vor.u32 $0x3, v22;
	[tilespmem:v60+s18+$0x0] =	vst.idx.msk $0xffff, v37;
	v28 =	vld [tilespmem:s29+$0x1A0]  }
0x26d: {  	v45 =	vor.u32 $0x3, v12;
	v37 =	vld [tilespmem:s26+$0x1A0];
	[tilespmem:v62+s18+$0x0] =	vst.idx.msk $0xffff, v36  }
0x26e: {  	v47 =	vor.u32 $0x3, v20;
	[tilespmem:v63+s18+$0x0] =	vst.idx.msk $0xffff, v21;
	v36 =	vld [tilespmem:s30+$0x1A0]  }
0x26f: {  	v48 =	vor.u32 $0x3, v19;
	v21 =	vld [tilespmem:s31+$0x1A0];
	[tilespmem:v44+s18+$0x0] =	vst.idx.msk $0xffff, v27  }
0x270: {  	v49 =	vor.u32 $0x3, v18;
	v27 =	vld [tilespmem:s11+$0x1A0]  }
0x271: {  	[tilespmem:v46+s18+$0x0] =	vst.idx.msk $0xffff, v28  }
0x272: {  	v51 =	vor.u32 $0x3, v16;
	[tilespmem:v45+s18+$0x0] =	vst.idx.msk $0xffff, v37;
	v28 =	vld [tilespmem:s29+$0x1B0]  }
0x273: {  	v50 =	vor.u32 $0x3, v17;
	v37 =	vld [tilespmem:s26+$0x1B0];
	[tilespmem:v47+s18+$0x0] =	vst.idx.msk $0xffff, v36  }
0x274: {  	v52 =	vor.u32 $0x3, v15;
	[tilespmem:v48+s18+$0x0] =	vst.idx.msk $0xffff, v21;
	v36 =	vld [tilespmem:s30+$0x1B0]  }
0x275: {  	v53 =	vor.u32 $0x3, v14;
	v21 =	vld [tilespmem:s31+$0x1B0];
	[tilespmem:v49+s18+$0x0] =	vst.idx.msk $0xffff, v27  }
0x276: {  	v54 =	vor.u32 $0x3, v13;
	v27 =	vld [tilespmem:s11+$0x1B0]  }
0x277: {  	[tilespmem:v51+s18+$0x0] =	vst.idx.msk $0xffff, v28  }
0x278: {  	v56 =	vor.u32 $0x4, v30;
	[tilespmem:v50+s18+$0x0] =	vst.idx.msk $0xffff, v37;
	v28 =	vld [tilespmem:s29+$0x200]  }
0x279: {  	v55 =	vor.u32 $0x4, v10;
	v37 =	vld [tilespmem:s26+$0x200];
	[tilespmem:v52+s18+$0x0] =	vst.idx.msk $0xffff, v36  }
0x27a: {  	v57 =	vor.u32 $0x4, v32;
	[tilespmem:v53+s18+$0x0] =	vst.idx.msk $0xffff, v21;
	v36 =	vld [tilespmem:s30+$0x200]  }
0x27b: {  	v58 =	vor.u32 $0x4, v33;
	v21 =	vld [tilespmem:s31+$0x200];
	[tilespmem:v54+s18+$0x0] =	vst.idx.msk $0xffff, v27  }
0x27c: {  	v59 =	vor.u32 $0x4, v31;
	v27 =	vld [tilespmem:s11+$0x200]  }
0x27d: {  	[tilespmem:v56+s18+$0x0] =	vst.idx.msk $0xffff, v28  }
0x27e: {  	v61 =	vor.u32 $0x4, v26;
	[tilespmem:v55+s18+$0x0] =	vst.idx.msk $0xffff, v37;
	v28 =	vld [tilespmem:s29+$0x210]  }
0x27f: {  	v60 =	vor.u32 $0x4, v11;
	v37 =	vld [tilespmem:s26+$0x210];
	[tilespmem:v57+s18+$0x0] =	vst.idx.msk $0xffff, v36  }
0x280: {  	v62 =	vor.u32 $0x4, v25;
	[tilespmem:v58+s18+$0x0] =	vst.idx.msk $0xffff, v21;
	v36 =	vld [tilespmem:s30+$0x210]  }
0x281: {  	v63 =	vor.u32 $0x4, v24;
	v21 =	vld [tilespmem:s31+$0x210];
	[tilespmem:v59+s18+$0x0] =	vst.idx.msk $0xffff, v27  }
0x282: {  	v44 =	vor.u32 $0x4, v23;
	v27 =	vld [tilespmem:s11+$0x210]  }
0x283: {  	[tilespmem:v61+s18+$0x0] =	vst.idx.msk $0xffff, v28  }
0x284: {  	v46 =	vor.u32 $0x4, v22;
	[tilespmem:v60+s18+$0x0] =	vst.idx.msk $0xffff, v37;
	v28 =	vld [tilespmem:s29+$0x220]  }
0x285: {  	v45 =	vor.u32 $0x4, v12;
	v37 =	vld [tilespmem:s26+$0x220];
	[tilespmem:v62+s18+$0x0] =	vst.idx.msk $0xffff, v36  }
0x286: {  	v47 =	vor.u32 $0x4, v20;
	[tilespmem:v63+s18+$0x0] =	vst.idx.msk $0xffff, v21;
	v36 =	vld [tilespmem:s30+$0x220]  }
0x287: {  	v48 =	vor.u32 $0x4, v19;
	v21 =	vld [tilespmem:s31+$0x220];
	[tilespmem:v44+s18+$0x0] =	vst.idx.msk $0xffff, v27  }
0x288: {  	v49 =	vor.u32 $0x4, v18;
	v27 =	vld [tilespmem:s11+$0x220]  }
0x289: {  	[tilespmem:v46+s18+$0x0] =	vst.idx.msk $0xffff, v28  }
0x28a: {  	v51 =	vor.u32 $0x4, v16;
	[tilespmem:v45+s18+$0x0] =	vst.idx.msk $0xffff, v37;
	v28 =	vld [tilespmem:s29+$0x230]  }
0x28b: {  	v50 =	vor.u32 $0x4, v17;
	v37 =	vld [tilespmem:s26+$0x230];
	[tilespmem:v47+s18+$0x0] =	vst.idx.msk $0xffff, v36  }
0x28c: {  	v52 =	vor.u32 $0x4, v15;
	[tilespmem:v48+s18+$0x0] =	vst.idx.msk $0xffff, v21;
	v36 =	vld [tilespmem:s30+$0x230]  }
0x28d: {  	v53 =	vor.u32 $0x4, v14;
	v21 =	vld [tilespmem:s31+$0x230];
	[tilespmem:v49+s18+$0x0] =	vst.idx.msk $0xffff, v27  }
0x28e: {  	[tilespmem:v35+s18+$0x0] =	vst.idx.msk $0xffff, v34;
	v54 =	vor.u32 $0x4, v13;
	v27 =	vld [tilespmem:s11+$0x230]  }
0x28f: {  	v9 =	vor.u32 $0x7, v9;
	v55 =	vld [tilespmem:s28+$0x3B0];
	[tilespmem:v51+s18+$0x0] =	vst.idx.msk $0xffff, v28  }
0x290: {  	v57 =	vor.u32 $0x5, v30;
	[tilespmem:v50+s18+$0x0] =	vst.idx.msk $0xffff, v37;
	v28 =	vld [tilespmem:s29+$0x280]  }
0x291: {  	v56 =	vor.u32 $0x5, v10;
	v37 =	vld [tilespmem:s26+$0x280];
	[tilespmem:v52+s18+$0x0] =	vst.idx.msk $0xffff, v36  }
0x292: {  	v58 =	vor.u32 $0x5, v32;
	[tilespmem:v53+s18+$0x0] =	vst.idx.msk $0xffff, v21;
	v36 =	vld [tilespmem:s30+$0x280]  }
0x293: {  	v59 =	vor.u32 $0x5, v33;
	v21 =	vld [tilespmem:s31+$0x280];
	[tilespmem:v54+s18+$0x0] =	vst.idx.msk $0xffff, v27  }
0x294: {  	[tilespmem:v9+s18+$0x0] =	vst.idx.msk $0xffff, v55;
	v61 =	vor.u32 $0x5, v31;
	v60 =	vld [tilespmem:s11+$0x280]  }
0x295: {  	v62 =	vld [tilespmem:s25+$0x290];
	v63 =	vor.u32 $0x5, v7;
	[tilespmem:v57+s18+$0x0] =	vst.idx.msk $0xffff, v28  }
0x296: {  	v45 =	vor.u32 $0x5, v26;
	[tilespmem:v56+s18+$0x0] =	vst.idx.msk $0xffff, v37;
	v28 =	vld [tilespmem:s29+$0x290]  }
0x297: {  	v37 =	vld [tilespmem:s26+$0x290];
	v44 =	vor.u32 $0x5, v11;
	[tilespmem:v58+s18+$0x0] =	vst.idx.msk $0xffff, v36  }
0x298: {  	v46 =	vor.u32 $0x5, v25;
	[tilespmem:v59+s18+$0x0] =	vst.idx.msk $0xffff, v21;
	v36 =	vld [tilespmem:s30+$0x290]  }
0x299: {  	v47 =	vor.u32 $0x5, v24;
	v21 =	vld [tilespmem:s31+$0x290];
	[tilespmem:v61+s18+$0x0] =	vst.idx.msk $0xffff, v60  }
0x29a: {  	[tilespmem:v63+s18+$0x0] =	vst.idx.msk $0xffff, v62;
	v48 =	vor.u32 $0x5, v23;
	v9 =	vld [tilespmem:s11+$0x290]  }
0x29b: {  	v34 =	vld [tilespmem:s25+$0x2A0];
	[tilespmem:v45+s18+$0x0] =	vst.idx.msk $0xffff, v28;
	v49 =	vor.u32 $0x5, v6  }
0x29c: {  	v51 =	vor.u32 $0x5, v22;
	v28 =	vld [tilespmem:s29+$0x2A0];
	[tilespmem:v44+s18+$0x0] =	vst.idx.msk $0xffff, v37  }
0x29d: {  	v50 =	vor.u32 $0x5, v12;
	v37 =	vld [tilespmem:s26+$0x2A0];
	[tilespmem:v46+s18+$0x0] =	vst.idx.msk $0xffff, v36  }
0x29e: {  	v52 =	vor.u32 $0x5, v20;
	[tilespmem:v47+s18+$0x0] =	vst.idx.msk $0xffff, v21;
	v36 =	vld [tilespmem:s30+$0x2A0]  }
0x29f: {  	v53 =	vor.u32 $0x5, v19;
	v21 =	vld [tilespmem:s31+$0x2A0];
	[tilespmem:v48+s18+$0x0] =	vst.idx.msk $0xffff, v9  }
0x2a0: {  	[tilespmem:v49+s18+$0x0] =	vst.idx.msk $0xffff, v34;
	v54 =	vor.u32 $0x5, v18;
	v9 =	vld [tilespmem:s11+$0x2A0]  }
0x2a1: {  	v55 =	vor.u32 $0x5, v5;
	[tilespmem:v51+s18+$0x0] =	vst.idx.msk $0xffff, v28;
	v34 =	vld [tilespmem:s25+$0x2B0]  }
0x2a2: {  	v57 =	vor.u32 $0x5, v16;
	v28 =	vld [tilespmem:s29+$0x2B0];
	[tilespmem:v50+s18+$0x0] =	vst.idx.msk $0xffff, v37  }
0x2a3: {  	v56 =	vor.u32 $0x5, v17;
	v37 =	vld [tilespmem:s26+$0x2B0];
	[tilespmem:v52+s18+$0x0] =	vst.idx.msk $0xffff, v36  }
0x2a4: {  	v58 =	vor.u32 $0x5, v15;
	[tilespmem:v53+s18+$0x0] =	vst.idx.msk $0xffff, v21;
	v36 =	vld [tilespmem:s30+$0x2B0]  }
0x2a5: {  	v59 =	vor.u32 $0x5, v14;
	v21 =	vld [tilespmem:s31+$0x2B0];
	[tilespmem:v54+s18+$0x0] =	vst.idx.msk $0xffff, v9  }
0x2a6: {  	[tilespmem:v55+s18+$0x0] =	vst.idx.msk $0xffff, v34;
	v60 =	vor.u32 $0x5, v13;
	v9 =	vld [tilespmem:s11+$0x2B0]  }
0x2a7: {  	[tilespmem:v57+s18+$0x0] =	vst.idx.msk $0xffff, v28;
	v34 =	vld [tilespmem:s25+$0x300];
	v61 =	vor.u32 $0x6, v8  }
0x2a8: {  	v63 =	vor.u32 $0x6, v30;
	v28 =	vld [tilespmem:s29+$0x300];
	[tilespmem:v56+s18+$0x0] =	vst.idx.msk $0xffff, v37  }
0x2a9: {  	v62 =	vor.u32 $0x6, v10;
	v37 =	vld [tilespmem:s26+$0x300];
	[tilespmem:v58+s18+$0x0] =	vst.idx.msk $0xffff, v36  }
0x2aa: {  	v44 =	vor.u32 $0x6, v32;
	[tilespmem:v59+s18+$0x0] =	vst.idx.msk $0xffff, v21;
	v36 =	vld [tilespmem:s30+$0x300]  }
0x2ab: {  	v45 =	vor.u32 $0x6, v33;
	v21 =	vld [tilespmem:s31+$0x300];
	[tilespmem:v60+s18+$0x0] =	vst.idx.msk $0xffff, v9  }
0x2ac: {  	v46 =	vor.u32 $0x6, v31;
	[tilespmem:v61+s18+$0x0] =	vst.idx.msk $0xffff, v34;
	v9 =	vld [tilespmem:s11+$0x300]  }
0x2ad: {  	v47 =	vor.u32 $0x6, v7;
	[tilespmem:v63+s18+$0x0] =	vst.idx.msk $0xffff, v28;
	v34 =	vld [tilespmem:s25+$0x310]  }
0x2ae: {  	v49 =	vor.u32 $0x6, v26;
	v28 =	vld [tilespmem:s29+$0x310];
	[tilespmem:v62+s18+$0x0] =	vst.idx.msk $0xffff, v37  }
0x2af: {  	v37 =	vld [tilespmem:s26+$0x310];
	v48 =	vor.u32 $0x6, v11;
	[tilespmem:v44+s18+$0x0] =	vst.idx.msk $0xffff, v36  }
0x2b0: {  	v50 =	vor.u32 $0x6, v25;
	[tilespmem:v45+s18+$0x0] =	vst.idx.msk $0xffff, v21;
	v36 =	vld [tilespmem:s30+$0x310]  }
0x2b1: {  	v51 =	vor.u32 $0x6, v24;
	v21 =	vld [tilespmem:s31+$0x310];
	[tilespmem:v46+s18+$0x0] =	vst.idx.msk $0xffff, v9  }
0x2b2: {  	v52 =	vor.u32 $0x6, v23;
	[tilespmem:v47+s18+$0x0] =	vst.idx.msk $0xffff, v34;
	v9 =	vld [tilespmem:s11+$0x310]  }
0x2b3: {  	v53 =	vor.u32 $0x6, v6;
	[tilespmem:v49+s18+$0x0] =	vst.idx.msk $0xffff, v28;
	v34 =	vld [tilespmem:s25+$0x320]  }
0x2b4: {  	v55 =	vor.u32 $0x6, v22;
	v28 =	vld [tilespmem:s29+$0x320];
	[tilespmem:v48+s18+$0x0] =	vst.idx.msk $0xffff, v37  }
0x2b5: {  	v37 =	vld [tilespmem:s26+$0x320];
	v54 =	vor.u32 $0x6, v12;
	[tilespmem:v50+s18+$0x0] =	vst.idx.msk $0xffff, v36  }
0x2b6: {  	v56 =	vor.u32 $0x6, v20;
	[tilespmem:v51+s18+$0x0] =	vst.idx.msk $0xffff, v21;
	v36 =	vld [tilespmem:s30+$0x320]  }
0x2b7: {  	v57 =	vor.u32 $0x6, v19;
	v21 =	vld [tilespmem:s31+$0x320];
	[tilespmem:v52+s18+$0x0] =	vst.idx.msk $0xffff, v9  }
0x2b8: {  	v58 =	vor.u32 $0x6, v18;
	[tilespmem:v53+s18+$0x0] =	vst.idx.msk $0xffff, v34;
	v9 =	vld [tilespmem:s11+$0x320]  }
0x2b9: {  	v59 =	vor.u32 $0x6, v5;
	[tilespmem:v55+s18+$0x0] =	vst.idx.msk $0xffff, v28;
	v34 =	vld [tilespmem:s25+$0x330]  }
0x2ba: {  	v61 =	vor.u32 $0x6, v16;
	v28 =	vld [tilespmem:s29+$0x330];
	[tilespmem:v54+s18+$0x0] =	vst.idx.msk $0xffff, v37  }
0x2bb: {  	v37 =	vld [tilespmem:s26+$0x330];
	v60 =	vor.u32 $0x6, v17;
	[tilespmem:v56+s18+$0x0] =	vst.idx.msk $0xffff, v36  }
0x2bc: {  	v62 =	vor.u32 $0x6, v15;
	[tilespmem:v57+s18+$0x0] =	vst.idx.msk $0xffff, v21;
	v36 =	vld [tilespmem:s30+$0x330]  }
0x2bd: {  	v63 =	vor.u32 $0x6, v14;
	v21 =	vld [tilespmem:s31+$0x330];
	[tilespmem:v58+s18+$0x0] =	vst.idx.msk $0xffff, v9  }
0x2be: {  	v41 =	vor.u32 $0x6, v13;
	[tilespmem:v59+s18+$0x0] =	vst.idx.msk $0xffff, v34;
	v9 =	vld [tilespmem:s11+$0x330]  }
0x2bf: {  	v42 =	vor.u32 $0x7, v8;
	[tilespmem:v61+s18+$0x0] =	vst.idx.msk $0xffff, v28;
	v34 =	vld [tilespmem:s25+$0x380]  }
0x2c0: {  	v45 =	vor.u32 $0x7, v30;
	v28 =	vld [tilespmem:s29+$0x380];
	[tilespmem:v60+s18+$0x0] =	vst.idx.msk $0xffff, v37  }
0x2c1: {  	v44 =	vor.u32 $0x7, v10;
	v43 =	vld [tilespmem:s26+$0x380];
	[tilespmem:v62+s18+$0x0] =	vst.idx.msk $0xffff, v36  }
0x2c2: {  	v32 =	vor.u32 $0x7, v32;
	[tilespmem:v63+s18+$0x0] =	vst.idx.msk $0xffff, v21;
	v46 =	vld [tilespmem:s30+$0x380]  }
0x2c3: {  	v33 =	vor.u32 $0x7, v33;
	v21 =	vld [tilespmem:s31+$0x380];
	[tilespmem:v41+s18+$0x0] =	vst.idx.msk $0xffff, v9  }
0x2c4: {  	v48 =	vor.u32 $0x7, v31;
	[tilespmem:v42+s18+$0x0] =	vst.idx.msk $0xffff, v34;
	v47 =	vld [tilespmem:s11+$0x380]  }
0x2c5: {  	v7 =	vor.u32 $0x7, v7;
	[tilespmem:v45+s18+$0x0] =	vst.idx.msk $0xffff, v28;
	v49 =	vld [tilespmem:s25+$0x390]  }
0x2c6: {  	v26 =	vor.u32 $0x7, v26;
	v28 =	vld [tilespmem:s29+$0x390];
	[tilespmem:v44+s18+$0x0] =	vst.idx.msk $0xffff, v43  }
0x2c7: {  	v50 =	vor.u32 $0x7, v11;
	v10 =	vld [tilespmem:s26+$0x390];
	[tilespmem:v32+s18+$0x0] =	vst.idx.msk $0xffff, v46  }
0x2c8: {  	v25 =	vor.u32 $0x7, v25;
	[tilespmem:v33+s18+$0x0] =	vst.idx.msk $0xffff, v21;
	v51 =	vld [tilespmem:s30+$0x390]  }
0x2c9: {  	v24 =	vor.u32 $0x7, v24;
	v21 =	vld [tilespmem:s31+$0x390];
	[tilespmem:v48+s18+$0x0] =	vst.idx.msk $0xffff, v47  }
0x2ca: {  	v52 =	vor.u32 $0x7, v23;
	[tilespmem:v7+s18+$0x0] =	vst.idx.msk $0xffff, v49;
	v7 =	vld [tilespmem:s11+$0x390]  }
0x2cb: {  	v6 =	vor.u32 $0x7, v6;
	[tilespmem:v26+s18+$0x0] =	vst.idx.msk $0xffff, v28;
	v53 =	vld [tilespmem:s25+$0x3A0]  }
0x2cc: {  	v22 =	vor.u32 $0x7, v22;
	v55 =	vld [tilespmem:s29+$0x3A0];
	[tilespmem:v50+s18+$0x0] =	vst.idx.msk $0xffff, v10  }
0x2cd: {  	v54 =	vor.u32 $0x7, v12;
	v10 =	vld [tilespmem:s26+$0x3A0];
	[tilespmem:v25+s18+$0x0] =	vst.idx.msk $0xffff, v51  }
0x2ce: {  	v20 =	vor.u32 $0x7, v20;
	[tilespmem:v24+s18+$0x0] =	vst.idx.msk $0xffff, v21;
	v56 =	vld [tilespmem:s30+$0x3A0]  }
0x2cf: {  	v19 =	vor.u32 $0x7, v19;
	v21 =	vld [tilespmem:s31+$0x3A0];
	[tilespmem:v52+s18+$0x0] =	vst.idx.msk $0xffff, v7  }
0x2d0: {  	[tilespmem:v6+s18+$0x0] =	vst.idx.msk $0xffff, v53;
	v7 =	vor.u32 $0x7, v18;
	v6 =	vld [tilespmem:s11+$0x3A0]  }
0x2d1: {  	v5 =	vor.u32 $0x7, v5;
	[tilespmem:v22+s18+$0x0] =	vst.idx.msk $0xffff, v55;
	v57 =	vld [tilespmem:s25+$0x3B0]  }
0x2d2: {  	v61 =	vor.u32 $0x7, v16;
	v60 =	vld [tilespmem:s29+$0x3B0];
	[tilespmem:v54+s18+$0x0] =	vst.idx.msk $0xffff, v10  }
0x2d3: {  	v59 =	vor.u32 $0x7, v17;
	v58 =	vld [tilespmem:s26+$0x3B0];
	[tilespmem:v20+s18+$0x0] =	vst.idx.msk $0xffff, v56  }
0x2d4: {  	v15 =	vor.u32 $0x7, v15;
	[tilespmem:v19+s18+$0x0] =	vst.idx.msk $0xffff, v21;
	v62 =	vld [tilespmem:s30+$0x3B0]  }
0x2d5: {  	v14 =	vor.u32 $0x7, v14;
	v63 =	vld [tilespmem:s31+$0x3B0];
	[tilespmem:v7+s18+$0x0] =	vst.idx.msk $0xffff, v6  }
0x2d6: {  	[tilespmem:v5+s18+$0x0] =	vst.idx.msk $0xffff, v57;
	v6 =	vor.u32 $0x7, v13;
	v5 =	vld [tilespmem:s11+$0x3B0]  }
0x2d7: {  	[tilespmem:v61+s18+$0x0] =	vst.idx.msk $0xffff, v60  }
0x2d8: {  	s25 =	sshll.u32 s24, $0x14;
	[tilespmem:v59+s18+$0x0] =	vst.idx.msk $0xffff, v58  }
0x2d9: {  	s29 =	sor.u32 s5, s25;
	[tilespmem:v15+s18+$0x0] =	vst.idx.msk $0xffff, v62  }
0x2da: {  	s0 =	sshrl.u32 s29, $0x3;
	[tilespmem:v14+s18+$0x0] =	vst.idx.msk $0xffff, v63  }
0x2db: {  	s1 =	sadd.s32 s2, s0;
	s30 =	simm.s32 $0x16400;
	[tilespmem:v6+s18+$0x0] =	vst.idx.msk $0xffff, v5  }
0x2dc: {  	[hbm4b:s1+s3] =	stream.linear.scatter [tilespmem:s30], [sflag:$0x3], $0x80, $0x38;
	[tilespmem:$0x1EC00] =	vst v63  }
0x2dd: {  	s6 =	sadd.s32 $0x10, s1;
	s31 =	simm.s32 $0x16488  }
0x2de: {  	[hbm4b:s6+s3] =	stream.linear.scatter [tilespmem:s31], [sflag:$0x3], $0x80, $0x38;
	[tilespmem:$0x1EC00] =	vst v63  }
0x2df: {  	s10 =	simm.s32 $0x16510;
	s12 =	simm.s32 $0x16598;
	s11 =	sadd.s32 $0x20, s1  }
0x2e0: {  	[hbm4b:s11+s3] =	stream.linear.scatter [tilespmem:s10], [sflag:$0x3], $0x80, $0x38;
	[tilespmem:$0x1EC00] =	vst v63  }
0x2e1: {  	s22 =	simm.s32 $0x16620;
	s28 =	simm.s32 $0x166A8;
	s13 =	sadd.s32 $0x30, s1  }
0x2e2: {  	[hbm4b:s13+s3] =	stream.linear.scatter [tilespmem:s12], [sflag:$0x3], $0x80, $0x38;
	[tilespmem:$0x1EC00] =	vst v63  }
0x2e3: {  	s0 =	simm.s32 $0x440;
	s26 =	sadd.s32 $0x40, s1;
	s29 =	sadd.s32 $0x50, s1  }
0x2e4: {  	[hbm4b:s26+s3] =	stream.linear.scatter [tilespmem:s22], [sflag:$0x3], $0x80, $0x38;
	[tilespmem:$0x1EC00] =	vst v63  }
0x2e5: {  	s30 =	simm.s32 $0x16730;
	s31 =	sadd.s32 $0x60, s1;
	s6 =	simm.s32 $0x2200  }
0x2e6: {  	[hbm4b:s29+s3] =	stream.linear.scatter [tilespmem:s28], [sflag:$0x3], $0x80, $0x38;
	[tilespmem:$0x1EC00] =	vst v63  }
0x2e7: {  	s10 =	simm.s32 $0x167B8;
	s11 =	sadd.s32 $0x70, s1;
	s1 =	sadd.s32 $0x4000, s1  }
0x2e8: {  	[hbm4b:s31+s3] =	stream.linear.scatter [tilespmem:s30], [sflag:$0x3], $0x80, $0x38;
	[tilespmem:$0x1EC00] =	vst v63  }
.LBB2_5:
0x2e9: {  	[hbm4b:s11+s3] =	stream.linear.scatter [tilespmem:s10], [sflag:$0x3], $0x80, $0x38;
	[tilespmem:$0x1EC00] =	vst v63  }
0x2ea: {  	s10 =	smov.u32 s0;
	s0 =	smov.u32 s6  }
0x2eb: {  	s12 =	sadd.s32 $0x1100, s6;
	s0 =	sshra.s32 s0, $0x2;
	s11 =	sadd.s32 $0x16400, s10  }
0x2ec: {  	[hbm4b:s1+s3] =	stream.linear.scatter [tilespmem:s11], [sflag:$0x3], $0x80, $0x38;
	[tilespmem:$0x1EC00] =	vst v63  }
0x2ed: {  	p1 =	sne.s32 s6, $0x7700;
	s6 =	sadd.s32 $0x16488, s10;
	s11 =	sadd.s32 $0x10, s1  }
0x2ee: {  	[hbm4b:s11+s3] =	stream.linear.scatter [tilespmem:s6], [sflag:$0x3], $0x80, $0x38;
	[tilespmem:$0x1EC00] =	vst v63  }
0x2ef: {  	s6 =	sadd.s32 $0x16510, s10;
	s11 =	sadd.s32 $0x20, s1  }
0x2f0: {  	[hbm4b:s11+s3] =	stream.linear.scatter [tilespmem:s6], [sflag:$0x3], $0x80, $0x38;
	[tilespmem:$0x1EC00] =	vst v63  }
0x2f1: {  	s6 =	sadd.s32 $0x16598, s10;
	s11 =	sadd.s32 $0x30, s1  }
0x2f2: {  	[hbm4b:s11+s3] =	stream.linear.scatter [tilespmem:s6], [sflag:$0x3], $0x80, $0x38;
	[tilespmem:$0x1EC00] =	vst v63  }
0x2f3: {  	s6 =	sadd.s32 $0x16620, s10;
	s11 =	sadd.s32 $0x40, s1  }
0x2f4: {  	[hbm4b:s11+s3] =	stream.linear.scatter [tilespmem:s6], [sflag:$0x3], $0x80, $0x38;
	[tilespmem:$0x1EC00] =	vst v63  }
.Ltmp3:
0x2f5: {  	s6 =	sadd.s32 $0x166A8, s10;
	s11 =	sadd.s32 $0x50, s1;
	(pc) =	sbr.rel @p1 .LBB2_5-.Ltmp3, $4  }
0x2f6: {  	[hbm4b:s11+s3] =	stream.linear.scatter [tilespmem:s6], [sflag:$0x3], $0x80, $0x38;
	[tilespmem:$0x1EC00] =	vst v63  }
0x2f7: {  	s6 =	sadd.s32 $0x16730, s10;
	s11 =	sadd.s32 $0x60, s1;
	s10 =	sadd.s32 $0x167B8, s10  }
0x2f8: {  	[hbm4b:s11+s3] =	stream.linear.scatter [tilespmem:s6], [sflag:$0x3], $0x80, $0x38;
	[tilespmem:$0x1EC00] =	vst v63  }
0x2f9: {  	s11 =	sadd.s32 $0x70, s1;
	s1 =	sadd.s32 $0x4000, s1;
	s6 =	smov.u32 s12  }
0x2fa: {  	[hbm4b:s11+s3] =	stream.linear.scatter [tilespmem:s10], [sflag:$0x3], $0x80, $0x38;
	[tilespmem:$0x1EC00] =	vst v63  }
0x2fb: {  	s6 =	sadd.s32 $0x16400, s0  }
0x2fc: {  	[hbm4b:s1+s3] =	stream.linear.scatter [tilespmem:s6], [sflag:$0x3], $0x80, $0x38;
	[tilespmem:$0x1EC00] =	vst v63  }
0x2fd: {  	s12 =	sadd.s32 $0x16488, s0;
	s13 =	sadd.s32 $0x10, s1  }
0x2fe: {  	[hbm4b:s13+s3] =	stream.linear.scatter [tilespmem:s12], [sflag:$0x3], $0x80, $0x38;
	[tilespmem:$0x1EC00] =	vst v63  }
0x2ff: {  	s22 =	sadd.s32 $0x16510, s0;
	s26 =	sadd.s32 $0x20, s1  }
0x300: {  	[hbm4b:s26+s3] =	stream.linear.scatter [tilespmem:s22], [sflag:$0x3], $0x80, $0x38;
	[tilespmem:$0x1EC00] =	vst v63  }
0x301: {  	s28 =	sadd.s32 $0x16598, s0;
	s29 =	sadd.s32 $0x30, s1  }
0x302: {  	[hbm4b:s29+s3] =	stream.linear.scatter [tilespmem:s28], [sflag:$0x3], $0x80, $0x38;
	[tilespmem:$0x1EC00] =	vst v63  }
0x303: {  	s30 =	sadd.s32 $0x16620, s0;
	s31 =	sadd.s32 $0x40, s1  }
0x304: {  	[hbm4b:s31+s3] =	stream.linear.scatter [tilespmem:s30], [sflag:$0x3], $0x80, $0x38;
	[tilespmem:$0x1EC00] =	vst v63  }
0x305: {  	s10 =	sadd.s32 $0x166A8, s0;
	s11 =	sadd.s32 $0x50, s1  }
0x306: {  	[hbm4b:s11+s3] =	stream.linear.scatter [tilespmem:s10], [sflag:$0x3], $0x80, $0x38;
	[tilespmem:$0x1EC00] =	vst v63  }
0x307: {  	s12 =	sadd.s32 $0x16730, s0;
	s13 =	sadd.s32 $0x60, s1;
	s28 =	sor.u32 s7, s25  }
0x308: {  	[hbm4b:s13+s3] =	stream.linear.scatter [tilespmem:s12], [sflag:$0x3], $0x80, $0x38;
	[tilespmem:$0x1EC00] =	vst v63  }
0x309: {  	s22 =	sadd.s32 $0x167B8, s0;
	s26 =	sadd.s32 $0x70, s1;
	s0 =	sshrl.u32 s28, $0x3  }
0x30a: {  	[hbm4b:s26+s3] =	stream.linear.scatter [tilespmem:s22], [sflag:$0x3], $0x80, $0x38;
	[tilespmem:$0x1EC00] =	vst v63  }
0x30b: {  	s29 =	simm.s32 $0x18600;
	s1 =	sadd.s32 s2, s0  }
0x30c: {  	[hbm4b:s1+s3] =	stream.linear.scatter [tilespmem:s29], [sflag:$0x3], $0x80, $0x38;
	[tilespmem:$0x1EC00] =	vst v63  }
0x30d: {  	s30 =	simm.s32 $0x18688;
	s31 =	sadd.s32 $0x10, s1  }
0x30e: {  	[hbm4b:s31+s3] =	stream.linear.scatter [tilespmem:s30], [sflag:$0x3], $0x80, $0x38;
	[tilespmem:$0x1EC00] =	vst v63  }
0x30f: {  	s6 =	simm.s32 $0x2200;
	s10 =	simm.s32 $0x18710;
	s11 =	sadd.s32 $0x20, s1  }
0x310: {  	[hbm4b:s11+s3] =	stream.linear.scatter [tilespmem:s10], [sflag:$0x3], $0x80, $0x38;
	[tilespmem:$0x1EC00] =	vst v63  }
0x311: {  	s28 =	simm.s32 $0x188A8;
	s12 =	simm.s32 $0x18798;
	s13 =	sadd.s32 $0x30, s1  }
0x312: {  	[hbm4b:s13+s3] =	stream.linear.scatter [tilespmem:s12], [sflag:$0x3], $0x80, $0x38;
	[tilespmem:$0x1EC00] =	vst v63  }
0x313: {  	s0 =	simm.s32 $0x440;
	s22 =	simm.s32 $0x18820;
	s26 =	sadd.s32 $0x40, s1  }
0x314: {  	[hbm4b:s26+s3] =	stream.linear.scatter [tilespmem:s22], [sflag:$0x3], $0x80, $0x38;
	[tilespmem:$0x1EC00] =	vst v63  }
0x315: {  	s29 =	sadd.s32 $0x50, s1;
	s30 =	simm.s32 $0x18930;
	s31 =	sadd.s32 $0x60, s1  }
0x316: {  	[hbm4b:s29+s3] =	stream.linear.scatter [tilespmem:s28], [sflag:$0x3], $0x80, $0x38;
	[tilespmem:$0x1EC00] =	vst v63  }
0x317: {  	s10 =	simm.s32 $0x189B8;
	s11 =	sadd.s32 $0x70, s1;
	s1 =	sadd.s32 $0x4000, s1  }
0x318: {  	[hbm4b:s31+s3] =	stream.linear.scatter [tilespmem:s30], [sflag:$0x3], $0x80, $0x38;
	[tilespmem:$0x1EC00] =	vst v63  }
.LBB2_7:
0x319: {  	[hbm4b:s11+s3] =	stream.linear.scatter [tilespmem:s10], [sflag:$0x3], $0x80, $0x38;
	[tilespmem:$0x1EC00] =	vst v63  }
0x31a: {  	s10 =	smov.u32 s0;
	s0 =	smov.u32 s6  }
0x31b: {  	s12 =	sadd.s32 $0x1100, s6;
	s0 =	sshra.s32 s0, $0x2;
	s11 =	sadd.s32 $0x18600, s10  }
0x31c: {  	[hbm4b:s1+s3] =	stream.linear.scatter [tilespmem:s11], [sflag:$0x3], $0x80, $0x38;
	[tilespmem:$0x1EC00] =	vst v63  }
0x31d: {  	p1 =	sne.s32 s6, $0x7700;
	s6 =	sadd.s32 $0x18688, s10;
	s11 =	sadd.s32 $0x10, s1  }
0x31e: {  	[hbm4b:s11+s3] =	stream.linear.scatter [tilespmem:s6], [sflag:$0x3], $0x80, $0x38;
	[tilespmem:$0x1EC00] =	vst v63  }
0x31f: {  	s6 =	sadd.s32 $0x18710, s10;
	s11 =	sadd.s32 $0x20, s1  }
0x320: {  	[hbm4b:s11+s3] =	stream.linear.scatter [tilespmem:s6], [sflag:$0x3], $0x80, $0x38;
	[tilespmem:$0x1EC00] =	vst v63  }
0x321: {  	s6 =	sadd.s32 $0x18798, s10;
	s11 =	sadd.s32 $0x30, s1  }
0x322: {  	[hbm4b:s11+s3] =	stream.linear.scatter [tilespmem:s6], [sflag:$0x3], $0x80, $0x38;
	[tilespmem:$0x1EC00] =	vst v63  }
0x323: {  	s6 =	sadd.s32 $0x18820, s10;
	s11 =	sadd.s32 $0x40, s1  }
0x324: {  	[hbm4b:s11+s3] =	stream.linear.scatter [tilespmem:s6], [sflag:$0x3], $0x80, $0x38;
	[tilespmem:$0x1EC00] =	vst v63  }
.Ltmp4:
0x325: {  	s6 =	sadd.s32 $0x188A8, s10;
	s11 =	sadd.s32 $0x50, s1;
	(pc) =	sbr.rel @p1 .LBB2_7-.Ltmp4, $4  }
0x326: {  	[hbm4b:s11+s3] =	stream.linear.scatter [tilespmem:s6], [sflag:$0x3], $0x80, $0x38;
	[tilespmem:$0x1EC00] =	vst v63  }
0x327: {  	s6 =	sadd.s32 $0x18930, s10;
	s11 =	sadd.s32 $0x60, s1;
	s10 =	sadd.s32 $0x189B8, s10  }
0x328: {  	[hbm4b:s11+s3] =	stream.linear.scatter [tilespmem:s6], [sflag:$0x3], $0x80, $0x38;
	[tilespmem:$0x1EC00] =	vst v63  }
0x329: {  	s11 =	sadd.s32 $0x70, s1;
	s1 =	sadd.s32 $0x4000, s1;
	s6 =	smov.u32 s12  }
0x32a: {  	[hbm4b:s11+s3] =	stream.linear.scatter [tilespmem:s10], [sflag:$0x3], $0x80, $0x38;
	[tilespmem:$0x1EC00] =	vst v63  }
0x32b: {  	s6 =	sadd.s32 $0x18600, s0  }
0x32c: {  	[hbm4b:s1+s3] =	stream.linear.scatter [tilespmem:s6], [sflag:$0x3], $0x80, $0x38;
	[tilespmem:$0x1EC00] =	vst v63  }
0x32d: {  	s28 =	sadd.s32 $0x18688, s0;
	s29 =	sadd.s32 $0x10, s1  }
0x32e: {  	[hbm4b:s29+s3] =	stream.linear.scatter [tilespmem:s28], [sflag:$0x3], $0x80, $0x38;
	[tilespmem:$0x1EC00] =	vst v63  }
0x32f: {  	s30 =	sadd.s32 $0x18710, s0;
	s31 =	sadd.s32 $0x20, s1  }
0x330: {  	[hbm4b:s31+s3] =	stream.linear.scatter [tilespmem:s30], [sflag:$0x3], $0x80, $0x38;
	[tilespmem:$0x1EC00] =	vst v63  }
0x331: {  	s10 =	sadd.s32 $0x18798, s0;
	s11 =	sadd.s32 $0x30, s1  }
0x332: {  	[hbm4b:s11+s3] =	stream.linear.scatter [tilespmem:s10], [sflag:$0x3], $0x80, $0x38;
	[tilespmem:$0x1EC00] =	vst v63  }
0x333: {  	s12 =	sadd.s32 $0x18820, s0;
	s13 =	sadd.s32 $0x40, s1  }
0x334: {  	[hbm4b:s13+s3] =	stream.linear.scatter [tilespmem:s12], [sflag:$0x3], $0x80, $0x38;
	[tilespmem:$0x1EC00] =	vst v63  }
0x335: {  	s22 =	sadd.s32 $0x188A8, s0;
	s26 =	sadd.s32 $0x50, s1;
	p1 =	sne.s32 s24, $0x31  }
0x336: {  	[hbm4b:s26+s3] =	stream.linear.scatter [tilespmem:s22], [sflag:$0x3], $0x80, $0x38;
	[tilespmem:$0x1EC00] =	vst v63  }
.Ltmp5:
0x337: {  	_ = 	snop;
	(pc) =	sbr.rel @p1 .LBB2_10-.Ltmp5, $4  }
0x338: {  	s28 =	sadd.s32 $0x18930, s0;
	s29 =	sadd.s32 $0x60, s1  }
0x339: {  	[hbm4b:s29+s3] =	stream.linear.scatter [tilespmem:s28], [sflag:$0x3], $0x80, $0x38;
	[tilespmem:$0x1EC00] =	vst v63  }
0x33a: {  	s30 =	sadd.s32 $0x189B8, s0;
	s31 =	sadd.s32 $0x70, s1  }
0x33b: {  	[hbm4b:s31+s3] =	stream.linear.scatter [tilespmem:s30], [sflag:$0x3], $0x80, $0x38;
	[tilespmem:$0x1EC00] =	vst v63  }
.Ltmp6:
0x33c: {  	(pc) =	sbr.rel .LBB2_11-.Ltmp6, $4  }
0x33d: {  	_ = 	snop  }
0x33e: {  	_ =	swait.ge [sflag:s19], $0x8000  }
0x33f: {  	[sflag:s19] =	ssyncset.done $0x0  }
0x340: {  	[sflag:s19] =	ssyncadd.s32 $0xFFFF8000  }
.LBB2_10:
0x341: {  	s0 =	sshll.u32 s24, $0x9  }
0x342: {  	s0 =	sand.u32 $0x3FFFFE00, s0  }
.Ltmp7:
0x343: {  	s0 =	sadd.s32 $0x200, s0;
	(pc) =	sbr.rel @p0 .LBB2_12-.Ltmp7, $4  }
0x344: {  	[tilespmem:s15], [sflag:$0x1] =	stream.indirect.gather [hbm4b:s4+s14], $0x80, s0, s14, $0xb8;
	[tilespmem:$0x1EC00] =	vst v63  }
0x345: {  	_ =	swait.ge [sflag:s19], $0x8000  }
0x346: {  	[sflag:s19] =	ssyncset.done $0x0  }
0x347: {  	[sflag:s19] =	ssyncadd.s32 $0xFFFF8000  }
.LBB2_11:
0x348: {  	_ =	swait.ge [sflag:s20], $0x2000  }
0x349: {  	[sflag:s20] =	ssyncset.done $0x0  }
0x34a: {  	[sflag:s20] =	ssyncadd.s32 $0xFFFFE000  }
0x34b: {  	_ =	swait.ge [sflag:s20], $0x2000  }
0x34c: {  	[sflag:s20] =	ssyncset.done $0x0  }
0x34d: {  	[sflag:s20] =	ssyncadd.s32 $0xFFFFE000  }
.LBB2_12:
0x34e: {  	s0 =	simm.s32 $0x0;
	s1 =	simm.s32 $0x0  }
0x34f: {  	s0 =	sand.u32 $0x70, s0;
	v5 =	vmov s1  }
0x350: {  	v6 =	vmov s0;
	v5 =	vmul.u32 $0x2200, v5  }
0x351: {  	v6 =	vshrl.u32 v6, $0x3  }
0x352: {  	v5 =	vbroadcast v5, $0x0;
	v6 =	vshll.u32 v6, v1  }
0x353: {  	v6 =	vbroadcast v6, $0x0  }
0x354: {  	s29 =	simm.s32 $0xE800;
	v14 =	vadd.s32 v0, v5  }
0x355: {  	v7 =	vld [tilespmem:s29+$0xFFFFFC00];
	v24 =	vadd.s32 v14, v6;
	_ =	sdelay $0x4  }
0x356: {  	v15 =	vadd.s32 v2, v5;
	[tilespmem:v24+s21+$0x0] =	vst.idx.msk $0xffff, v7  }
0x357: {  	v23 =	vadd.s32 v15, v6;
	v7 =	vld [tilespmem:s29+$0xFFFFFC10];
	_ =	sdelay $0x4  }
0x358: {  	v16 =	vadd.s32 v3, v5;
	[tilespmem:v23+s21+$0x0] =	vst.idx.msk $0xffff, v7  }
0x359: {  	v22 =	vadd.s32 v16, v6;
	v7 =	vld [tilespmem:s29+$0xFFFFFC20];
	_ =	sdelay $0x4  }
0x35a: {  	v9 =	vadd.s32 v4, v5;
	[tilespmem:v22+s21+$0x0] =	vst.idx.msk $0xffff, v7  }
0x35b: {  	v13 =	vadd.s32 v9, v6;
	v5 =	vld [tilespmem:s29+$0xFFFFFC30];
	_ =	sdelay $0x4  }
0x35c: {  	[tilespmem:v13+s21+$0x0] =	vst.idx.msk $0xffff, v5  }
0x35d: {  	v6 =	vor.u32 $0x1, v24;
	v5 =	vld [tilespmem:s29+$0xFFFFFC80];
	_ =	sdelay $0x4  }
0x35e: {  	[tilespmem:v6+s21+$0x0] =	vst.idx.msk $0xffff, v5  }
0x35f: {  	v6 =	vor.u32 $0x1, v23;
	v5 =	vld [tilespmem:s29+$0xFFFFFC90];
	_ =	sdelay $0x4  }
0x360: {  	[tilespmem:v6+s21+$0x0] =	vst.idx.msk $0xffff, v5  }
0x361: {  	v6 =	vor.u32 $0x1, v22;
	v5 =	vld [tilespmem:s29+$0xFFFFFCA0];
	_ =	sdelay $0x4  }
0x362: {  	[tilespmem:v6+s21+$0x0] =	vst.idx.msk $0xffff, v5  }
0x363: {  	v6 =	vor.u32 $0x1, v13;
	v5 =	vld [tilespmem:s29+$0xFFFFFCB0];
	_ =	sdelay $0x4  }
0x364: {  	[tilespmem:v6+s21+$0x0] =	vst.idx.msk $0xffff, v5  }
0x365: {  	v6 =	vor.u32 $0x2, v24;
	v5 =	vld [tilespmem:s29+$0xFFFFFD00];
	_ =	sdelay $0x4  }
0x366: {  	[tilespmem:v6+s21+$0x0] =	vst.idx.msk $0xffff, v5  }
0x367: {  	v6 =	vor.u32 $0x2, v23;
	v5 =	vld [tilespmem:s29+$0xFFFFFD10];
	_ =	sdelay $0x2  }
0x368: {  	s6 =	simm.s32 $0x10;
	s10 =	simm.s32 $0x0  }
0x369: {  	s6 =	sand.u32 $0x70, s6;
	v7 =	vmov s10  }
0x36a: {  	v8 =	vmov s6;
	v7 =	vmul.u32 $0x2200, v7;
	[tilespmem:v6+s21+$0x0] =	vst.idx.msk $0xffff, v5  }
0x36b: {  	v10 =	vor.u32 $0x2, v22;
	v5 =	vshrl.u32 v8, $0x3;
	v6 =	vld [tilespmem:s29+$0xFFFFFD20]  }
0x36c: {  	v11 =	vbroadcast v7, $0x0;
	v5 =	vshll.u32 v5, v1  }
0x36d: {  	v12 =	vbroadcast v5, $0x0  }
0x36e: {  	s26 =	simm.s32 $0xF000;
	v8 =	vadd.s32 v0, v11  }
0x36f: {  	v5 =	vld [tilespmem:s26+$0xFFFFFC00];
	v21 =	vadd.s32 v8, v12  }
0x370: {  	[tilespmem:v10+s21+$0x0] =	vst.idx.msk $0xffff, v6  }
0x371: {  	v10 =	vor.u32 $0x2, v13;
	v6 =	vld [tilespmem:s29+$0xFFFFFD30];
	_ =	sdelay $0x2  }
0x372: {  	v7 =	vadd.s32 v2, v11;
	[tilespmem:v21+s21+$0x0] =	vst.idx.msk $0xffff, v5  }
0x373: {  	v20 =	vadd.s32 v7, v12;
	v5 =	vld [tilespmem:s26+$0xFFFFFC10]  }
0x374: {  	[tilespmem:v10+s21+$0x0] =	vst.idx.msk $0xffff, v6  }
0x375: {  	v17 =	vor.u32 $0x3, v24;
	v10 =	vld [tilespmem:s29+$0xFFFFFD80];
	_ =	sdelay $0x2  }
0x376: {  	v6 =	vadd.s32 v3, v11;
	[tilespmem:v20+s21+$0x0] =	vst.idx.msk $0xffff, v5  }
0x377: {  	v19 =	vadd.s32 v6, v12;
	v5 =	vld [tilespmem:s26+$0xFFFFFC20]  }
0x378: {  	[tilespmem:v17+s21+$0x0] =	vst.idx.msk $0xffff, v10  }
0x379: {  	v17 =	vor.u32 $0x3, v23;
	v10 =	vld [tilespmem:s29+$0xFFFFFD90];
	_ =	sdelay $0x2  }
0x37a: {  	[tilespmem:v19+s21+$0x0] =	vst.idx.msk $0xffff, v5;
	v5 =	vadd.s32 v4, v11  }
0x37b: {  	v11 =	vld [tilespmem:s26+$0xFFFFFC30];
	v18 =	vadd.s32 v5, v12  }
0x37c: {  	[tilespmem:v17+s21+$0x0] =	vst.idx.msk $0xffff, v10  }
0x37d: {  	v12 =	vor.u32 $0x3, v22;
	v10 =	vld [tilespmem:s29+$0xFFFFFDA0];
	_ =	sdelay $0x2  }
0x37e: {  	[tilespmem:v18+s21+$0x0] =	vst.idx.msk $0xffff, v11  }
0x37f: {  	v17 =	vor.u32 $0x1, v21;
	v11 =	vld [tilespmem:s26+$0xFFFFFC80]  }
0x380: {  	[tilespmem:v12+s21+$0x0] =	vst.idx.msk $0xffff, v10  }
0x381: {  	v12 =	vor.u32 $0x3, v13;
	v10 =	vld [tilespmem:s29+$0xFFFFFDB0];
	_ =	sdelay $0x2  }
0x382: {  	[tilespmem:v17+s21+$0x0] =	vst.idx.msk $0xffff, v11  }
0x383: {  	v17 =	vor.u32 $0x1, v20;
	v11 =	vld [tilespmem:s26+$0xFFFFFC90]  }
0x384: {  	[tilespmem:v12+s21+$0x0] =	vst.idx.msk $0xffff, v10  }
0x385: {  	v12 =	vor.u32 $0x4, v24;
	v10 =	vld [tilespmem:s29+$0xFFFFFE00];
	_ =	sdelay $0x2  }
0x386: {  	[tilespmem:v17+s21+$0x0] =	vst.idx.msk $0xffff, v11  }
0x387: {  	v17 =	vor.u32 $0x1, v19;
	v11 =	vld [tilespmem:s26+$0xFFFFFCA0]  }
0x388: {  	[tilespmem:v12+s21+$0x0] =	vst.idx.msk $0xffff, v10  }
0x389: {  	v12 =	vor.u32 $0x4, v23;
	v10 =	vld [tilespmem:s29+$0xFFFFFE10];
	_ =	sdelay $0x2  }
0x38a: {  	[tilespmem:v17+s21+$0x0] =	vst.idx.msk $0xffff, v11  }
0x38b: {  	v17 =	vor.u32 $0x1, v18;
	v11 =	vld [tilespmem:s26+$0xFFFFFCB0]  }
0x38c: {  	[tilespmem:v12+s21+$0x0] =	vst.idx.msk $0xffff, v10  }
0x38d: {  	v12 =	vor.u32 $0x4, v22;
	v10 =	vld [tilespmem:s29+$0xFFFFFE20];
	_ =	sdelay $0x2  }
0x38e: {  	[tilespmem:v17+s21+$0x0] =	vst.idx.msk $0xffff, v11  }
0x38f: {  	v17 =	vor.u32 $0x2, v21;
	v11 =	vld [tilespmem:s26+$0xFFFFFD00]  }
0x390: {  	[tilespmem:v12+s21+$0x0] =	vst.idx.msk $0xffff, v10  }
0x391: {  	v12 =	vor.u32 $0x4, v13;
	v10 =	vld [tilespmem:s29+$0xFFFFFE30];
	_ =	sdelay $0x2  }
0x392: {  	[tilespmem:v17+s21+$0x0] =	vst.idx.msk $0xffff, v11  }
0x393: {  	v17 =	vor.u32 $0x2, v20;
	v11 =	vld [tilespmem:s26+$0xFFFFFD10]  }
0x394: {  	[tilespmem:v12+s21+$0x0] =	vst.idx.msk $0xffff, v10  }
0x395: {  	v12 =	vor.u32 $0x5, v24;
	v10 =	vld [tilespmem:s29+$0xFFFFFE80]  }
0x396: {  	s11 =	simm.s32 $0x0;
	s10 =	simm.s32 $0x20  }
0x397: {  	v25 =	vmov s11;
	s1 =	sand.u32 $0x70, s10  }
0x398: {  	v25 =	vmul.u32 $0x2200, v25;
	v26 =	vmov s1;
	[tilespmem:v17+s21+$0x0] =	vst.idx.msk $0xffff, v11  }
0x399: {  	v11 =	vshrl.u32 v26, $0x3;
	v26 =	vor.u32 $0x2, v19;
	v17 =	vld [tilespmem:s26+$0xFFFFFD20]  }
0x39a: {  	v25 =	vbroadcast v25, $0x0;
	v11 =	vshll.u32 v11, v1;
	[tilespmem:v12+s21+$0x0] =	vst.idx.msk $0xffff, v10  }
0x39b: {  	v30 =	vbroadcast v11, $0x0;
	v12 =	vor.u32 $0x5, v23;
	v11 =	vld [tilespmem:s29+$0xFFFFFE90]  }
0x39c: {  	s28 =	simm.s32 $0xF800;
	v10 =	vadd.s32 v0, v25  }
0x39d: {  	v27 =	vld [tilespmem:s28+$0xFFFFFC00];
	v29 =	vadd.s32 v10, v30  }
0x39e: {  	[tilespmem:v26+s21+$0x0] =	vst.idx.msk $0xffff, v17  }
0x39f: {  	v26 =	vor.u32 $0x2, v18;
	v17 =	vld [tilespmem:s26+$0xFFFFFD30]  }
0x3a0: {  	[tilespmem:v12+s21+$0x0] =	vst.idx.msk $0xffff, v11  }
0x3a1: {  	v31 =	vor.u32 $0x5, v22;
	v12 =	vld [tilespmem:s29+$0xFFFFFEA0]  }
0x3a2: {  	[tilespmem:v29+s21+$0x0] =	vst.idx.msk $0xffff, v27;
	v11 =	vadd.s32 v2, v25  }
0x3a3: {  	v27 =	vld [tilespmem:s28+$0xFFFFFC10];
	v28 =	vadd.s32 v11, v30  }
0x3a4: {  	[tilespmem:v26+s21+$0x0] =	vst.idx.msk $0xffff, v17  }
0x3a5: {  	v26 =	vor.u32 $0x3, v21;
	v17 =	vld [tilespmem:s26+$0xFFFFFD80]  }
0x3a6: {  	[tilespmem:v31+s21+$0x0] =	vst.idx.msk $0xffff, v12  }
0x3a7: {  	v32 =	vor.u32 $0x5, v13;
	v31 =	vld [tilespmem:s29+$0xFFFFFEB0]  }
0x3a8: {  	[tilespmem:v28+s21+$0x0] =	vst.idx.msk $0xffff, v27;
	v12 =	vadd.s32 v3, v25  }
0x3a9: {  	v33 =	vld [tilespmem:s28+$0xFFFFFC20];
	v27 =	vadd.s32 v12, v30  }
0x3aa: {  	[tilespmem:v26+s21+$0x0] =	vst.idx.msk $0xffff, v17  }
0x3ab: {  	v35 =	vor.u32 $0x3, v20;
	v34 =	vld [tilespmem:s26+$0xFFFFFD90]  }
0x3ac: {  	[tilespmem:v32+s21+$0x0] =	vst.idx.msk $0xffff, v31  }
0x3ad: {  	v57 =	vor.u32 $0x6, v24;
	v31 =	vld [tilespmem:s29+$0xFFFFFF00]  }
0x3ae: {  	v17 =	vadd.s32 v4, v25;
	[tilespmem:v27+s21+$0x0] =	vst.idx.msk $0xffff, v33  }
0x3af: {  	v26 =	vadd.s32 v17, v30;
	v25 =	vld [tilespmem:s28+$0xFFFFFC30]  }
0x3b0: {  	[tilespmem:v35+s21+$0x0] =	vst.idx.msk $0xffff, v34  }
0x3b1: {  	v58 =	vor.u32 $0x3, v19;
	v30 =	vld [tilespmem:s26+$0xFFFFFDA0]  }
0x3b2: {  	[tilespmem:v57+s21+$0x0] =	vst.idx.msk $0xffff, v31  }
0x3b3: {  	v59 =	vor.u32 $0x6, v23;
	v31 =	vld [tilespmem:s29+$0xFFFFFF10]  }
0x3b4: {  	[tilespmem:v26+s21+$0x0] =	vst.idx.msk $0xffff, v25  }
0x3b5: {  	v60 =	vor.u32 $0x1, v29;
	v25 =	vld [tilespmem:s28+$0xFFFFFC80]  }
0x3b6: {  	[tilespmem:v58+s21+$0x0] =	vst.idx.msk $0xffff, v30  }
0x3b7: {  	v61 =	vor.u32 $0x3, v18;
	v30 =	vld [tilespmem:s26+$0xFFFFFDB0]  }
0x3b8: {  	[tilespmem:v59+s21+$0x0] =	vst.idx.msk $0xffff, v31  }
0x3b9: {  	v62 =	vor.u32 $0x6, v22;
	v31 =	vld [tilespmem:s29+$0xFFFFFF20]  }
0x3ba: {  	[tilespmem:v60+s21+$0x0] =	vst.idx.msk $0xffff, v25  }
0x3bb: {  	v63 =	vor.u32 $0x1, v28;
	v25 =	vld [tilespmem:s28+$0xFFFFFC90]  }
0x3bc: {  	[tilespmem:v61+s21+$0x0] =	vst.idx.msk $0xffff, v30  }
0x3bd: {  	v36 =	vor.u32 $0x4, v21;
	v30 =	vld [tilespmem:s26+$0xFFFFFE00]  }
0x3be: {  	[tilespmem:v62+s21+$0x0] =	vst.idx.msk $0xffff, v31  }
0x3bf: {  	v37 =	vor.u32 $0x6, v13;
	v31 =	vld [tilespmem:s29+$0xFFFFFF30]  }
0x3c0: {  	[tilespmem:v63+s21+$0x0] =	vst.idx.msk $0xffff, v25  }
0x3c1: {  	v38 =	vor.u32 $0x1, v27;
	v25 =	vld [tilespmem:s28+$0xFFFFFCA0]  }
0x3c2: {  	[tilespmem:v36+s21+$0x0] =	vst.idx.msk $0xffff, v30  }
0x3c3: {  	v39 =	vor.u32 $0x4, v20;
	v30 =	vld [tilespmem:s26+$0xFFFFFE10]  }
0x3c4: {  	[tilespmem:v37+s21+$0x0] =	vst.idx.msk $0xffff, v31  }
0x3c5: {  	v24 =	vor.u32 $0x7, v24;
	v31 =	vld [tilespmem:s29+$0xFFFFFF80]  }
0x3c6: {  	[tilespmem:v38+s21+$0x0] =	vst.idx.msk $0xffff, v25  }
0x3c7: {  	v40 =	vor.u32 $0x1, v26;
	v25 =	vld [tilespmem:s28+$0xFFFFFCB0]  }
0x3c8: {  	[tilespmem:v39+s21+$0x0] =	vst.idx.msk $0xffff, v30  }
0x3c9: {  	v41 =	vor.u32 $0x4, v19;
	v30 =	vld [tilespmem:s26+$0xFFFFFE20]  }
0x3ca: {  	[tilespmem:v24+s21+$0x0] =	vst.idx.msk $0xffff, v31  }
0x3cb: {  	v23 =	vor.u32 $0x7, v23;
	v24 =	vld [tilespmem:s29+$0xFFFFFF90]  }
0x3cc: {  	[tilespmem:v40+s21+$0x0] =	vst.idx.msk $0xffff, v25  }
0x3cd: {  	v31 =	vor.u32 $0x2, v29;
	v25 =	vld [tilespmem:s28+$0xFFFFFD00]  }
0x3ce: {  	[tilespmem:v41+s21+$0x0] =	vst.idx.msk $0xffff, v30  }
0x3cf: {  	v42 =	vor.u32 $0x4, v18;
	v30 =	vld [tilespmem:s26+$0xFFFFFE30]  }
0x3d0: {  	[tilespmem:v23+s21+$0x0] =	vst.idx.msk $0xffff, v24  }
0x3d1: {  	v22 =	vor.u32 $0x7, v22;
	v23 =	vld [tilespmem:s29+$0xFFFFFFA0]  }
0x3d2: {  	[tilespmem:v31+s21+$0x0] =	vst.idx.msk $0xffff, v25  }
0x3d3: {  	v25 =	vor.u32 $0x2, v28;
	v24 =	vld [tilespmem:s28+$0xFFFFFD10]  }
0x3d4: {  	[tilespmem:v42+s21+$0x0] =	vst.idx.msk $0xffff, v30  }
0x3d5: {  	s12 =	simm.s32 $0x30;
	s11 =	simm.s32 $0x0;
	v31 =	vor.u32 $0x5, v21;
	v30 =	vld [tilespmem:s26+$0xFFFFFE80]  }
0x3d6: {  	s12 =	sand.u32 $0x70, s12;
	[tilespmem:v22+s21+$0x0] =	vst.idx.msk $0xffff, v23;
	v22 =	vmov s11  }
0x3d7: {  	s0 =	sor.u32 $0x8, s0;
	v44 =	vor.u32 $0x7, v13;
	v23 =	vmov s12;
	v43 =	vld [tilespmem:s29+$0xFFFFFFB0];
	v13 =	vmul.u32 $0x2200, v22  }
0x3d8: {  	[tilespmem:v25+s21+$0x0] =	vst.idx.msk $0xffff, v24;
	v24 =	vor.u32 $0x2, v27;
	v22 =	vmov s0;
	v23 =	vshrl.u32 v23, $0x3  }
0x3d9: {  	v25 =	vld [tilespmem:s28+$0xFFFFFD20];
	v22 =	vshrl.u32 v22, $0x3;
	v36 =	vbroadcast v13, $0x0;
	v13 =	vshll.u32 v23, v1  }
0x3da: {  	[tilespmem:v31+s21+$0x0] =	vst.idx.msk $0xffff, v30;
	v22 =	vshll.u32 v22, v1;
	v23 =	vbroadcast v13, $0x0  }
0x3db: {  	s30 =	simm.s32 $0x10000;
	v31 =	vor.u32 $0x5, v20;
	v30 =	vld [tilespmem:s26+$0xFFFFFE90];
	v22 =	vbroadcast v22, $0x0;
	v13 =	vadd.s32 v0, v36  }
0x3dc: {  	v45 =	vld [tilespmem:s30+$0xFFFFFC00];
	[tilespmem:v44+s21+$0x0] =	vst.idx.msk $0xffff, v43;
	v40 =	vadd.s32 v13, v23  }
0x3dd: {  	v39 =	vadd.s32 v14, v22;
	v33 =	vld [tilespmem:s29+$0x0]  }
0x3de: {  	[tilespmem:v24+s21+$0x0] =	vst.idx.msk $0xffff, v25  }
0x3df: {  	v25 =	vor.u32 $0x2, v26;
	v24 =	vld [tilespmem:s28+$0xFFFFFD30]  }
0x3e0: {  	[tilespmem:v31+s21+$0x0] =	vst.idx.msk $0xffff, v30  }
0x3e1: {  	v14 =	vadd.s32 v2, v36;
	v31 =	vor.u32 $0x5, v19;
	v30 =	vld [tilespmem:s26+$0xFFFFFEA0];
	[tilespmem:v40+s21+$0x0] =	vst.idx.msk $0xffff, v45  }
0x3e2: {  	v38 =	vadd.s32 v14, v23;
	v32 =	vld [tilespmem:s30+$0xFFFFFC10];
	[tilespmem:v39+s21+$0x0] =	vst.idx.msk $0xffff, v33  }
0x3e3: {  	v37 =	vadd.s32 v15, v22;
	v33 =	vld [tilespmem:s29+$0x10]  }
0x3e4: {  	[tilespmem:v25+s21+$0x0] =	vst.idx.msk $0xffff, v24  }
0x3e5: {  	v25 =	vor.u32 $0x3, v29;
	v24 =	vld [tilespmem:s28+$0xFFFFFD80]  }
0x3e6: {  	[tilespmem:v31+s21+$0x0] =	vst.idx.msk $0xffff, v30  }
0x3e7: {  	v15 =	vadd.s32 v3, v36;
	v31 =	vor.u32 $0x5, v18;
	v30 =	vld [tilespmem:s26+$0xFFFFFEB0];
	[tilespmem:v38+s21+$0x0] =	vst.idx.msk $0xffff, v32  }
0x3e8: {  	v35 =	vadd.s32 v15, v23;
	v32 =	vld [tilespmem:s30+$0xFFFFFC20];
	[tilespmem:v37+s21+$0x0] =	vst.idx.msk $0xffff, v33  }
0x3e9: {  	v34 =	vadd.s32 v16, v22;
	v33 =	vld [tilespmem:s29+$0x20]  }
0x3ea: {  	[tilespmem:v25+s21+$0x0] =	vst.idx.msk $0xffff, v24  }
0x3eb: {  	v25 =	vor.u32 $0x3, v28;
	v24 =	vld [tilespmem:s28+$0xFFFFFD90]  }
0x3ec: {  	[tilespmem:v31+s21+$0x0] =	vst.idx.msk $0xffff, v30  }
0x3ed: {  	v16 =	vadd.s32 v4, v36;
	v31 =	vor.u32 $0x6, v21;
	v30 =	vld [tilespmem:s26+$0xFFFFFF00];
	[tilespmem:v35+s21+$0x0] =	vst.idx.msk $0xffff, v32  }
0x3ee: {  	v36 =	vadd.s32 v16, v23;
	v32 =	vld [tilespmem:s30+$0xFFFFFC30];
	[tilespmem:v34+s21+$0x0] =	vst.idx.msk $0xffff, v33  }
0x3ef: {  	v9 =	vadd.s32 v9, v22;
	v23 =	vld [tilespmem:s29+$0x30]  }
0x3f0: {  	[tilespmem:v25+s21+$0x0] =	vst.idx.msk $0xffff, v24  }
0x3f1: {  	v24 =	vor.u32 $0x3, v27;
	v22 =	vld [tilespmem:s28+$0xFFFFFDA0]  }
0x3f2: {  	[tilespmem:v31+s21+$0x0] =	vst.idx.msk $0xffff, v30  }
0x3f3: {  	v30 =	vor.u32 $0x6, v20;
	v25 =	vld [tilespmem:s26+$0xFFFFFF10];
	[tilespmem:v36+s21+$0x0] =	vst.idx.msk $0xffff, v32  }
0x3f4: {  	v46 =	vor.u32 $0x1, v40;
	v31 =	vld [tilespmem:s30+$0xFFFFFC80];
	[tilespmem:v9+s21+$0x0] =	vst.idx.msk $0xffff, v23  }
0x3f5: {  	v47 =	vor.u32 $0x1, v39;
	v23 =	vld [tilespmem:s29+$0x80]  }
0x3f6: {  	[tilespmem:v24+s21+$0x0] =	vst.idx.msk $0xffff, v22  }
0x3f7: {  	v24 =	vor.u32 $0x3, v26;
	v22 =	vld [tilespmem:s28+$0xFFFFFDB0]  }
0x3f8: {  	[tilespmem:v30+s21+$0x0] =	vst.idx.msk $0xffff, v25  }
0x3f9: {  	v30 =	vor.u32 $0x6, v19;
	v25 =	vld [tilespmem:s26+$0xFFFFFF20];
	[tilespmem:v46+s21+$0x0] =	vst.idx.msk $0xffff, v31  }
0x3fa: {  	v48 =	vor.u32 $0x1, v38;
	v31 =	vld [tilespmem:s30+$0xFFFFFC90];
	[tilespmem:v47+s21+$0x0] =	vst.idx.msk $0xffff, v23  }
0x3fb: {  	v49 =	vor.u32 $0x1, v37;
	v23 =	vld [tilespmem:s29+$0x90]  }
0x3fc: {  	[tilespmem:v24+s21+$0x0] =	vst.idx.msk $0xffff, v22  }
0x3fd: {  	v24 =	vor.u32 $0x4, v29;
	v22 =	vld [tilespmem:s28+$0xFFFFFE00]  }
0x3fe: {  	[tilespmem:v30+s21+$0x0] =	vst.idx.msk $0xffff, v25  }
0x3ff: {  	v30 =	vor.u32 $0x6, v18;
	v25 =	vld [tilespmem:s26+$0xFFFFFF30];
	[tilespmem:v48+s21+$0x0] =	vst.idx.msk $0xffff, v31  }
0x400: {  	v50 =	vor.u32 $0x1, v35;
	v31 =	vld [tilespmem:s30+$0xFFFFFCA0];
	[tilespmem:v49+s21+$0x0] =	vst.idx.msk $0xffff, v23  }
0x401: {  	v51 =	vor.u32 $0x1, v34;
	v23 =	vld [tilespmem:s29+$0xA0]  }
0x402: {  	[tilespmem:v24+s21+$0x0] =	vst.idx.msk $0xffff, v22  }
0x403: {  	v24 =	vor.u32 $0x4, v28;
	v22 =	vld [tilespmem:s28+$0xFFFFFE10]  }
0x404: {  	[tilespmem:v30+s21+$0x0] =	vst.idx.msk $0xffff, v25  }
0x405: {  	v21 =	vor.u32 $0x7, v21;
	v25 =	vld [tilespmem:s26+$0xFFFFFF80];
	[tilespmem:v50+s21+$0x0] =	vst.idx.msk $0xffff, v31  }
0x406: {  	v31 =	vor.u32 $0x1, v36;
	v30 =	vld [tilespmem:s30+$0xFFFFFCB0];
	[tilespmem:v51+s21+$0x0] =	vst.idx.msk $0xffff, v23  }
0x407: {  	v52 =	vor.u32 $0x1, v9;
	v23 =	vld [tilespmem:s29+$0xB0]  }
0x408: {  	[tilespmem:v24+s21+$0x0] =	vst.idx.msk $0xffff, v22  }
0x409: {  	v24 =	vor.u32 $0x4, v27;
	v22 =	vld [tilespmem:s28+$0xFFFFFE20]  }
0x40a: {  	[tilespmem:v21+s21+$0x0] =	vst.idx.msk $0xffff, v25  }
0x40b: {  	v20 =	vor.u32 $0x7, v20;
	v21 =	vld [tilespmem:s26+$0xFFFFFF90];
	[tilespmem:v31+s21+$0x0] =	vst.idx.msk $0xffff, v30  }
0x40c: {  	v30 =	vor.u32 $0x2, v40;
	v25 =	vld [tilespmem:s30+$0xFFFFFD00];
	[tilespmem:v52+s21+$0x0] =	vst.idx.msk $0xffff, v23  }
0x40d: {  	v31 =	vor.u32 $0x2, v39;
	v23 =	vld [tilespmem:s29+$0x100]  }
0x40e: {  	[tilespmem:v24+s21+$0x0] =	vst.idx.msk $0xffff, v22  }
0x40f: {  	v24 =	vor.u32 $0x4, v26;
	v22 =	vld [tilespmem:s28+$0xFFFFFE30]  }
0x410: {  	[tilespmem:v20+s21+$0x0] =	vst.idx.msk $0xffff, v21  }
0x411: {  	v19 =	vor.u32 $0x7, v19;
	v20 =	vld [tilespmem:s26+$0xFFFFFFA0];
	[tilespmem:v30+s21+$0x0] =	vst.idx.msk $0xffff, v25  }
0x412: {  	v25 =	vor.u32 $0x2, v38;
	v21 =	vld [tilespmem:s30+$0xFFFFFD10];
	[tilespmem:v31+s21+$0x0] =	vst.idx.msk $0xffff, v23  }
0x413: {  	v30 =	vor.u32 $0x2, v37;
	v23 =	vld [tilespmem:s29+$0x110]  }
0x414: {  	[tilespmem:v24+s21+$0x0] =	vst.idx.msk $0xffff, v22  }
0x415: {  	s13 =	simm.s32 $0x40;
	s22 =	simm.s32 $0x0;
	v24 =	vor.u32 $0x5, v29;
	v22 =	vld [tilespmem:s28+$0xFFFFFE80]  }
0x416: {  	s6 =	sor.u32 $0x8, s6;
	v53 =	vor.u32 $0x7, v18;
	s0 =	sand.u32 $0x70, s13;
	[tilespmem:v19+s21+$0x0] =	vst.idx.msk $0xffff, v20;
	v19 =	vmov s22  }
0x417: {  	v20 =	vmov s0;
	v31 =	vld [tilespmem:s26+$0xFFFFFFB0];
	v18 =	vmul.u32 $0x2200, v19;
	v19 =	vmov s6;
	[tilespmem:v25+s21+$0x0] =	vst.idx.msk $0xffff, v21  }
0x418: {  	v20 =	vshrl.u32 v20, $0x3;
	v25 =	vor.u32 $0x2, v35;
	v19 =	vshrl.u32 v19, $0x3;
	v21 =	vld [tilespmem:s30+$0xFFFFFD20];
	[tilespmem:v30+s21+$0x0] =	vst.idx.msk $0xffff, v23  }
0x419: {  	v30 =	vbroadcast v18, $0x0;
	v18 =	vshll.u32 v20, v1;
	v23 =	vor.u32 $0x2, v34;
	v20 =	vld [tilespmem:s29+$0x120]  }
0x41a: {  	[tilespmem:v24+s21+$0x0] =	vst.idx.msk $0xffff, v22;
	v19 =	vshll.u32 v19, v1;
	v54 =	vbroadcast v18, $0x0  }
0x41b: {  	s31 =	simm.s32 $0x10800;
	v41 =	vor.u32 $0x5, v28;
	v24 =	vld [tilespmem:s28+$0xFFFFFE90];
	v42 =	vbroadcast v19, $0x0;
	v18 =	vadd.s32 v0, v30  }
0x41c: {  	v19 =	vld [tilespmem:s31+$0xFFFFFC00];
	[tilespmem:v53+s21+$0x0] =	vst.idx.msk $0xffff, v31;
	v22 =	vadd.s32 v18, v54  }
0x41d: {  	v8 =	vadd.s32 v8, v42;
	[tilespmem:v25+s21+$0x0] =	vst.idx.msk $0xffff, v21;
	v21 =	vld [tilespmem:s26+$0x0]  }
0x41e: {  	v31 =	vor.u32 $0x2, v36;
	v25 =	vld [tilespmem:s30+$0xFFFFFD30];
	[tilespmem:v23+s21+$0x0] =	vst.idx.msk $0xffff, v20  }
0x41f: {  	v55 =	vor.u32 $0x2, v9;
	v20 =	vld [tilespmem:s29+$0x130]  }
0x420: {  	[tilespmem:v41+s21+$0x0] =	vst.idx.msk $0xffff, v24  }
0x421: {  	v56 =	vor.u32 $0x5, v27;
	v24 =	vld [tilespmem:s28+$0xFFFFFEA0];
	[tilespmem:v22+s21+$0x0] =	vst.idx.msk $0xffff, v19;
	v19 =	vadd.s32 v2, v30  }
0x422: {  	v43 =	vld [tilespmem:s31+$0xFFFFFC10];
	v23 =	vadd.s32 v19, v54;
	[tilespmem:v8+s21+$0x0] =	vst.idx.msk $0xffff, v21  }
0x423: {  	v7 =	vadd.s32 v7, v42;
	[tilespmem:v31+s21+$0x0] =	vst.idx.msk $0xffff, v25;
	v21 =	vld [tilespmem:s26+$0x10]  }
0x424: {  	v31 =	vor.u32 $0x3, v40;
	v25 =	vld [tilespmem:s30+$0xFFFFFD80];
	[tilespmem:v55+s21+$0x0] =	vst.idx.msk $0xffff, v20  }
0x425: {  	v44 =	vor.u32 $0x3, v39;
	v32 =	vld [tilespmem:s29+$0x180]  }
0x426: {  	[tilespmem:v56+s21+$0x0] =	vst.idx.msk $0xffff, v24  }
0x427: {  	v45 =	vor.u32 $0x5, v26;
	v20 =	vadd.s32 v3, v30;
	v41 =	vld [tilespmem:s28+$0xFFFFFEB0];
	[tilespmem:v23+s21+$0x0] =	vst.idx.msk $0xffff, v43  }
0x428: {  	v24 =	vadd.s32 v20, v54;
	v43 =	vld [tilespmem:s31+$0xFFFFFC20];
	[tilespmem:v7+s21+$0x0] =	vst.idx.msk $0xffff, v21  }
0x429: {  	v6 =	vadd.s32 v6, v42;
	[tilespmem:v31+s21+$0x0] =	vst.idx.msk $0xffff, v25;
	v31 =	vld [tilespmem:s26+$0x20]  }
0x42a: {  	v47 =	vor.u32 $0x3, v38;
	v46 =	vld [tilespmem:s30+$0xFFFFFD90];
	[tilespmem:v44+s21+$0x0] =	vst.idx.msk $0xffff, v32  }
0x42b: {  	v57 =	vor.u32 $0x3, v37;
	v32 =	vld [tilespmem:s29+$0x190]  }
0x42c: {  	[tilespmem:v45+s21+$0x0] =	vst.idx.msk $0xffff, v41  }
0x42d: {  	v58 =	vor.u32 $0x6, v29;
	v21 =	vadd.s32 v4, v30;
	v41 =	vld [tilespmem:s28+$0xFFFFFF00];
	[tilespmem:v24+s21+$0x0] =	vst.idx.msk $0xffff, v43  }
0x42e: {  	v25 =	vadd.s32 v21, v54;
	v30 =	vld [tilespmem:s31+$0xFFFFFC30];
	[tilespmem:v6+s21+$0x0] =	vst.idx.msk $0xffff, v31  }
0x42f: {  	v5 =	vadd.s32 v5, v42;
	[tilespmem:v47+s21+$0x0] =	vst.idx.msk $0xffff, v46;
	v31 =	vld [tilespmem:s26+$0x30]  }
0x430: {  	v60 =	vor.u32 $0x3, v35;
	v59 =	vld [tilespmem:s30+$0xFFFFFDA0];
	[tilespmem:v57+s21+$0x0] =	vst.idx.msk $0xffff, v32  }
0x431: {  	v61 =	vor.u32 $0x3, v34;
	v32 =	vld [tilespmem:s29+$0x1A0]  }
0x432: {  	[tilespmem:v58+s21+$0x0] =	vst.idx.msk $0xffff, v41  }
0x433: {  	v62 =	vor.u32 $0x6, v28;
	v41 =	vld [tilespmem:s28+$0xFFFFFF10];
	[tilespmem:v25+s21+$0x0] =	vst.idx.msk $0xffff, v30  }
0x434: {  	v63 =	vor.u32 $0x1, v22;
	v30 =	vld [tilespmem:s31+$0xFFFFFC80];
	[tilespmem:v5+s21+$0x0] =	vst.idx.msk $0xffff, v31  }
0x435: {  	v48 =	vor.u32 $0x1, v8;
	[tilespmem:v60+s21+$0x0] =	vst.idx.msk $0xffff, v59;
	v31 =	vld [tilespmem:s26+$0x80]  }
0x436: {  	v49 =	vor.u32 $0x3, v36;
	v42 =	vld [tilespmem:s30+$0xFFFFFDB0];
	[tilespmem:v61+s21+$0x0] =	vst.idx.msk $0xffff, v32  }
0x437: {  	v50 =	vor.u32 $0x3, v9;
	v32 =	vld [tilespmem:s29+$0x1B0]  }
0x438: {  	[tilespmem:v62+s21+$0x0] =	vst.idx.msk $0xffff, v41  }
0x439: {  	v51 =	vor.u32 $0x6, v27;
	v41 =	vld [tilespmem:s28+$0xFFFFFF20];
	[tilespmem:v63+s21+$0x0] =	vst.idx.msk $0xffff, v30  }
0x43a: {  	v52 =	vor.u32 $0x1, v23;
	v30 =	vld [tilespmem:s31+$0xFFFFFC90];
	[tilespmem:v48+s21+$0x0] =	vst.idx.msk $0xffff, v31  }
0x43b: {  	v53 =	vor.u32 $0x1, v7;
	[tilespmem:v49+s21+$0x0] =	vst.idx.msk $0xffff, v42;
	v31 =	vld [tilespmem:s26+$0x90]  }
0x43c: {  	v54 =	vor.u32 $0x4, v40;
	v42 =	vld [tilespmem:s30+$0xFFFFFE00];
	[tilespmem:v50+s21+$0x0] =	vst.idx.msk $0xffff, v32  }
0x43d: {  	v55 =	vor.u32 $0x4, v39;
	v32 =	vld [tilespmem:s29+$0x200]  }
0x43e: {  	[tilespmem:v51+s21+$0x0] =	vst.idx.msk $0xffff, v41  }
0x43f: {  	v56 =	vor.u32 $0x6, v26;
	v41 =	vld [tilespmem:s28+$0xFFFFFF30];
	[tilespmem:v52+s21+$0x0] =	vst.idx.msk $0xffff, v30  }
0x440: {  	v57 =	vor.u32 $0x1, v24;
	v30 =	vld [tilespmem:s31+$0xFFFFFCA0];
	[tilespmem:v53+s21+$0x0] =	vst.idx.msk $0xffff, v31  }
0x441: {  	v58 =	vor.u32 $0x1, v6;
	[tilespmem:v54+s21+$0x0] =	vst.idx.msk $0xffff, v42;
	v31 =	vld [tilespmem:s26+$0xA0]  }
0x442: {  	v59 =	vor.u32 $0x4, v38;
	v42 =	vld [tilespmem:s30+$0xFFFFFE10];
	[tilespmem:v55+s21+$0x0] =	vst.idx.msk $0xffff, v32  }
0x443: {  	v60 =	vor.u32 $0x4, v37;
	v32 =	vld [tilespmem:s29+$0x210]  }
0x444: {  	[tilespmem:v56+s21+$0x0] =	vst.idx.msk $0xffff, v41  }
0x445: {  	v29 =	vor.u32 $0x7, v29;
	v41 =	vld [tilespmem:s28+$0xFFFFFF80];
	[tilespmem:v57+s21+$0x0] =	vst.idx.msk $0xffff, v30  }
0x446: {  	v61 =	vor.u32 $0x1, v25;
	v30 =	vld [tilespmem:s31+$0xFFFFFCB0];
	[tilespmem:v58+s21+$0x0] =	vst.idx.msk $0xffff, v31  }
0x447: {  	v62 =	vor.u32 $0x1, v5;
	[tilespmem:v59+s21+$0x0] =	vst.idx.msk $0xffff, v42;
	v31 =	vld [tilespmem:s26+$0xB0]  }
0x448: {  	v63 =	vor.u32 $0x4, v35;
	v42 =	vld [tilespmem:s30+$0xFFFFFE20];
	[tilespmem:v60+s21+$0x0] =	vst.idx.msk $0xffff, v32  }
0x449: {  	v48 =	vor.u32 $0x4, v34;
	v32 =	vld [tilespmem:s29+$0x220]  }
0x44a: {  	[tilespmem:v29+s21+$0x0] =	vst.idx.msk $0xffff, v41  }
0x44b: {  	v28 =	vor.u32 $0x7, v28;
	v29 =	vld [tilespmem:s28+$0xFFFFFF90];
	[tilespmem:v61+s21+$0x0] =	vst.idx.msk $0xffff, v30  }
0x44c: {  	v49 =	vor.u32 $0x2, v22;
	v30 =	vld [tilespmem:s31+$0xFFFFFD00];
	[tilespmem:v62+s21+$0x0] =	vst.idx.msk $0xffff, v31  }
0x44d: {  	v50 =	vor.u32 $0x2, v8;
	[tilespmem:v63+s21+$0x0] =	vst.idx.msk $0xffff, v42;
	v31 =	vld [tilespmem:s26+$0x100]  }
0x44e: {  	v51 =	vor.u32 $0x4, v36;
	v42 =	vld [tilespmem:s30+$0xFFFFFE30];
	[tilespmem:v48+s21+$0x0] =	vst.idx.msk $0xffff, v32  }
0x44f: {  	v52 =	vor.u32 $0x4, v9;
	v32 =	vld [tilespmem:s29+$0x230]  }
0x450: {  	[tilespmem:v28+s21+$0x0] =	vst.idx.msk $0xffff, v29  }
0x451: {  	v27 =	vor.u32 $0x7, v27;
	v28 =	vld [tilespmem:s28+$0xFFFFFFA0];
	[tilespmem:v49+s21+$0x0] =	vst.idx.msk $0xffff, v30  }
0x452: {  	v30 =	vor.u32 $0x2, v23;
	v29 =	vld [tilespmem:s31+$0xFFFFFD10];
	[tilespmem:v50+s21+$0x0] =	vst.idx.msk $0xffff, v31  }
0x453: {  	v53 =	vor.u32 $0x2, v7;
	[tilespmem:v51+s21+$0x0] =	vst.idx.msk $0xffff, v42;
	v31 =	vld [tilespmem:s26+$0x110]  }
0x454: {  	v55 =	vor.u32 $0x5, v40;
	v54 =	vld [tilespmem:s30+$0xFFFFFE80];
	[tilespmem:v52+s21+$0x0] =	vst.idx.msk $0xffff, v32  }
0x455: {  	s11 =	simm.s32 $0x50;
	s13 =	simm.s32 $0x0;
	v56 =	vor.u32 $0x5, v39;
	v32 =	vld [tilespmem:s29+$0x280]  }
0x456: {  	s1 =	sor.u32 $0x8, s1;
	s11 =	sand.u32 $0x70, s11;
	v58 =	vor.u32 $0x7, v26;
	[tilespmem:v27+s21+$0x0] =	vst.idx.msk $0xffff, v28;
	v27 =	vmov s13  }
0x457: {  	v28 =	vmov s11;
	v57 =	vld [tilespmem:s28+$0xFFFFFFB0];
	v26 =	vmul.u32 $0x2200, v27;
	v27 =	vmov s1;
	[tilespmem:v30+s21+$0x0] =	vst.idx.msk $0xffff, v29  }
0x458: {  	v59 =	vor.u32 $0x2, v24;
	v28 =	vshrl.u32 v28, $0x3;
	v27 =	vshrl.u32 v27, $0x3;
	v29 =	vld [tilespmem:s31+$0xFFFFFD20];
	[tilespmem:v53+s21+$0x0] =	vst.idx.msk $0xffff, v31  }
0x459: {  	v33 =	vbroadcast v26, $0x0;
	v26 =	vshll.u32 v28, v1;
	v31 =	vor.u32 $0x2, v6;
	[tilespmem:v55+s21+$0x0] =	vst.idx.msk $0xffff, v54;
	v28 =	vld [tilespmem:s26+$0x120]  }
0x45a: {  	v60 =	vor.u32 $0x5, v38;
	v27 =	vshll.u32 v27, v1;
	v41 =	vbroadcast v26, $0x0;
	v42 =	vld [tilespmem:s30+$0xFFFFFE90];
	[tilespmem:v56+s21+$0x0] =	vst.idx.msk $0xffff, v32  }
0x45b: {  	v62 =	vor.u32 $0x5, v37;
	s1 =	simm.s32 $0x11000;
	v61 =	vbroadcast v27, $0x0;
	v26 =	vadd.s32 v0, v33;
	v27 =	vld [tilespmem:s29+$0x290]  }
0x45c: {  	v63 =	vld [tilespmem:s1+$0xFFFFFC00];
	[tilespmem:v58+s21+$0x0] =	vst.idx.msk $0xffff, v57;
	v30 =	vadd.s32 v26, v41  }
0x45d: {  	v10 =	vadd.s32 v10, v61;
	[tilespmem:v59+s21+$0x0] =	vst.idx.msk $0xffff, v29;
	v29 =	vld [tilespmem:s28+$0x0]  }
0x45e: {  	v53 =	vor.u32 $0x2, v25;
	v52 =	vld [tilespmem:s31+$0xFFFFFD30];
	[tilespmem:v31+s21+$0x0] =	vst.idx.msk $0xffff, v28  }
0x45f: {  	v54 =	vor.u32 $0x2, v5;
	[tilespmem:v60+s21+$0x0] =	vst.idx.msk $0xffff, v42;
	v28 =	vld [tilespmem:s26+$0x130]  }
0x460: {  	v48 =	vor.u32 $0x5, v35;
	v47 =	vld [tilespmem:s30+$0xFFFFFEA0];
	[tilespmem:v62+s21+$0x0] =	vst.idx.msk $0xffff, v27  }
0x461: {  	v55 =	vor.u32 $0x5, v34;
	[tilespmem:v30+s21+$0x0] =	vst.idx.msk $0xffff, v63;
	v27 =	vadd.s32 v2, v33;
	v32 =	vld [tilespmem:s29+$0x2A0]  }
0x462: {  	v49 =	vld [tilespmem:s1+$0xFFFFFC10];
	v31 =	vadd.s32 v27, v41;
	[tilespmem:v10+s21+$0x0] =	vst.idx.msk $0xffff, v29  }
0x463: {  	v11 =	vadd.s32 v11, v61;
	[tilespmem:v53+s21+$0x0] =	vst.idx.msk $0xffff, v52;
	v29 =	vld [tilespmem:s28+$0x10]  }
0x464: {  	v56 =	vor.u32 $0x3, v22;
	v45 =	vld [tilespmem:s31+$0xFFFFFD80];
	[tilespmem:v54+s21+$0x0] =	vst.idx.msk $0xffff, v28  }
0x465: {  	v57 =	vor.u32 $0x3, v8;
	[tilespmem:v48+s21+$0x0] =	vst.idx.msk $0xffff, v47;
	v42 =	vld [tilespmem:s26+$0x180]  }
0x466: {  	v50 =	vor.u32 $0x5, v36;
	v48 =	vld [tilespmem:s30+$0xFFFFFEB0];
	[tilespmem:v55+s21+$0x0] =	vst.idx.msk $0xffff, v32  }
0x467: {  	v58 =	vor.u32 $0x5, v9;
	v28 =	vadd.s32 v3, v33;
	[tilespmem:v31+s21+$0x0] =	vst.idx.msk $0xffff, v49;
	v44 =	vld [tilespmem:s29+$0x2B0]  }
0x468: {  	v32 =	vadd.s32 v28, v41;
	v51 =	vld [tilespmem:s1+$0xFFFFFC20];
	[tilespmem:v11+s21+$0x0] =	vst.idx.msk $0xffff, v29  }
0x469: {  	v12 =	vadd.s32 v12, v61;
	[tilespmem:v56+s21+$0x0] =	vst.idx.msk $0xffff, v45;
	v59 =	vld [tilespmem:s28+$0x20]  }
0x46a: {  	v52 =	vor.u32 $0x3, v23;
	v46 =	vld [tilespmem:s31+$0xFFFFFD90];
	[tilespmem:v57+s21+$0x0] =	vst.idx.msk $0xffff, v42  }
0x46b: {  	v60 =	vor.u32 $0x3, v7;
	[tilespmem:v50+s21+$0x0] =	vst.idx.msk $0xffff, v48;
	v42 =	vld [tilespmem:s26+$0x190]  }
0x46c: {  	v63 =	vor.u32 $0x6, v40;
	v48 =	vld [tilespmem:s30+$0xFFFFFF00];
	[tilespmem:v58+s21+$0x0] =	vst.idx.msk $0xffff, v44  }
0x46d: {  	v54 =	vor.u32 $0x6, v39;
	v29 =	vadd.s32 v4, v33;
	[tilespmem:v32+s21+$0x0] =	vst.idx.msk $0xffff, v51;
	v44 =	vld [tilespmem:s29+$0x300]  }
0x46e: {  	v33 =	vadd.s32 v29, v41;
	v51 =	vld [tilespmem:s1+$0xFFFFFC30];
	[tilespmem:v12+s21+$0x0] =	vst.idx.msk $0xffff, v59  }
0x46f: {  	v17 =	vadd.s32 v17, v61;
	[tilespmem:v52+s21+$0x0] =	vst.idx.msk $0xffff, v46;
	v55 =	vld [tilespmem:s28+$0x30]  }
0x470: {  	v62 =	vor.u32 $0x3, v24;
	v61 =	vld [tilespmem:s31+$0xFFFFFDA0];
	[tilespmem:v60+s21+$0x0] =	vst.idx.msk $0xffff, v42  }
0x471: {  	[tilespmem:v63+s21+$0x0] =	vst.idx.msk $0xffff, v48;
	v42 =	vld [tilespmem:s26+$0x1A0];
	v63 =	vor.u32 $0x3, v6  }
0x472: {  	v57 =	vor.u32 $0x6, v38;
	v56 =	vld [tilespmem:s30+$0xFFFFFF10];
	[tilespmem:v54+s21+$0x0] =	vst.idx.msk $0xffff, v44  }
0x473: {  	v58 =	vor.u32 $0x6, v37;
	[tilespmem:v33+s21+$0x0] =	vst.idx.msk $0xffff, v51;
	v44 =	vld [tilespmem:s29+$0x310]  }
0x474: {  	v60 =	vor.u32 $0x1, v30;
	v59 =	vld [tilespmem:s1+$0xFFFFFC80];
	[tilespmem:v17+s21+$0x0] =	vst.idx.msk $0xffff, v55  }
0x475: {  	[tilespmem:v62+s21+$0x0] =	vst.idx.msk $0xffff, v61;
	v41 =	vld [tilespmem:s28+$0x80];
	v61 =	vor.u32 $0x1, v10  }
0x476: {  	v62 =	vor.u32 $0x3, v25;
	v45 =	vld [tilespmem:s31+$0xFFFFFDB0];
	[tilespmem:v63+s21+$0x0] =	vst.idx.msk $0xffff, v42  }
0x477: {  	v63 =	vor.u32 $0x3, v5;
	[tilespmem:v57+s21+$0x0] =	vst.idx.msk $0xffff, v56;
	v42 =	vld [tilespmem:s26+$0x1B0]  }
0x478: {  	v56 =	vor.u32 $0x6, v35;
	v47 =	vld [tilespmem:s30+$0xFFFFFF20];
	[tilespmem:v58+s21+$0x0] =	vst.idx.msk $0xffff, v44  }
0x479: {  	v57 =	vor.u32 $0x6, v34;
	[tilespmem:v60+s21+$0x0] =	vst.idx.msk $0xffff, v59;
	v44 =	vld [tilespmem:s29+$0x320]  }
0x47a: {  	v58 =	vor.u32 $0x1, v31;
	v50 =	vld [tilespmem:s1+$0xFFFFFC90];
	[tilespmem:v61+s21+$0x0] =	vst.idx.msk $0xffff, v41  }
0x47b: {  	v59 =	vor.u32 $0x1, v11;
	[tilespmem:v62+s21+$0x0] =	vst.idx.msk $0xffff, v45;
	v41 =	vld [tilespmem:s28+$0x90]  }
0x47c: {  	v60 =	vor.u32 $0x4, v22;
	v45 =	vld [tilespmem:s31+$0xFFFFFE00];
	[tilespmem:v63+s21+$0x0] =	vst.idx.msk $0xffff, v42  }
0x47d: {  	v61 =	vor.u32 $0x4, v8;
	[tilespmem:v56+s21+$0x0] =	vst.idx.msk $0xffff, v47;
	v42 =	vld [tilespmem:s26+$0x200]  }
0x47e: {  	v62 =	vor.u32 $0x6, v36;
	v47 =	vld [tilespmem:s30+$0xFFFFFF30];
	[tilespmem:v57+s21+$0x0] =	vst.idx.msk $0xffff, v44  }
0x47f: {  	v63 =	vor.u32 $0x6, v9;
	[tilespmem:v58+s21+$0x0] =	vst.idx.msk $0xffff, v50;
	v44 =	vld [tilespmem:s29+$0x330]  }
0x480: {  	v56 =	vor.u32 $0x1, v32;
	v50 =	vld [tilespmem:s1+$0xFFFFFCA0];
	[tilespmem:v59+s21+$0x0] =	vst.idx.msk $0xffff, v41  }
0x481: {  	v57 =	vor.u32 $0x1, v12;
	[tilespmem:v60+s21+$0x0] =	vst.idx.msk $0xffff, v45;
	v41 =	vld [tilespmem:s28+$0xA0]  }
0x482: {  	v58 =	vor.u32 $0x4, v23;
	v45 =	vld [tilespmem:s31+$0xFFFFFE10];
	[tilespmem:v61+s21+$0x0] =	vst.idx.msk $0xffff, v42  }
0x483: {  	v59 =	vor.u32 $0x4, v7;
	[tilespmem:v62+s21+$0x0] =	vst.idx.msk $0xffff, v47;
	v42 =	vld [tilespmem:s26+$0x210]  }
0x484: {  	v40 =	vor.u32 $0x7, v40;
	v47 =	vld [tilespmem:s30+$0xFFFFFF80];
	[tilespmem:v63+s21+$0x0] =	vst.idx.msk $0xffff, v44  }
0x485: {  	v39 =	vor.u32 $0x7, v39;
	[tilespmem:v56+s21+$0x0] =	vst.idx.msk $0xffff, v50;
	v44 =	vld [tilespmem:s29+$0x380]  }
0x486: {  	v61 =	vor.u32 $0x1, v33;
	v60 =	vld [tilespmem:s1+$0xFFFFFCB0];
	[tilespmem:v57+s21+$0x0] =	vst.idx.msk $0xffff, v41  }
0x487: {  	v62 =	vor.u32 $0x1, v17;
	[tilespmem:v58+s21+$0x0] =	vst.idx.msk $0xffff, v45;
	v41 =	vld [tilespmem:s28+$0xB0]  }
0x488: {  	v63 =	vor.u32 $0x4, v24;
	v45 =	vld [tilespmem:s31+$0xFFFFFE20];
	[tilespmem:v59+s21+$0x0] =	vst.idx.msk $0xffff, v42  }
0x489: {  	v53 =	vor.u32 $0x4, v6;
	[tilespmem:v40+s21+$0x0] =	vst.idx.msk $0xffff, v47;
	v52 =	vld [tilespmem:s26+$0x220]  }
0x48a: {  	v38 =	vor.u32 $0x7, v38;
	v54 =	vld [tilespmem:s30+$0xFFFFFF90];
	[tilespmem:v39+s21+$0x0] =	vst.idx.msk $0xffff, v44  }
0x48b: {  	v37 =	vor.u32 $0x7, v37;
	[tilespmem:v61+s21+$0x0] =	vst.idx.msk $0xffff, v60;
	v39 =	vld [tilespmem:s29+$0x390]  }
0x48c: {  	v56 =	vor.u32 $0x2, v30;
	v55 =	vld [tilespmem:s1+$0xFFFFFD00];
	[tilespmem:v62+s21+$0x0] =	vst.idx.msk $0xffff, v41  }
0x48d: {  	v57 =	vor.u32 $0x2, v10;
	[tilespmem:v63+s21+$0x0] =	vst.idx.msk $0xffff, v45;
	v41 =	vld [tilespmem:s28+$0x100]  }
0x48e: {  	v58 =	vor.u32 $0x4, v25;
	v45 =	vld [tilespmem:s31+$0xFFFFFE30];
	[tilespmem:v53+s21+$0x0] =	vst.idx.msk $0xffff, v52  }
0x48f: {  	v60 =	vor.u32 $0x4, v5;
	[tilespmem:v38+s21+$0x0] =	vst.idx.msk $0xffff, v54;
	v59 =	vld [tilespmem:s26+$0x230]  }
0x490: {  	v35 =	vor.u32 $0x7, v35;
	v61 =	vld [tilespmem:s30+$0xFFFFFFA0];
	[tilespmem:v37+s21+$0x0] =	vst.idx.msk $0xffff, v39  }
0x491: {  	v63 =	vor.u32 $0x7, v34;
	[tilespmem:v56+s21+$0x0] =	vst.idx.msk $0xffff, v55;
	v62 =	vld [tilespmem:s29+$0x3A0]  }
0x492: {  	v51 =	vor.u32 $0x2, v31;
	v50 =	vld [tilespmem:s1+$0xFFFFFD10];
	[tilespmem:v57+s21+$0x0] =	vst.idx.msk $0xffff, v41  }
0x493: {  	v38 =	vor.u32 $0x2, v11;
	[tilespmem:v58+s21+$0x0] =	vst.idx.msk $0xffff, v45;
	v37 =	vld [tilespmem:s28+$0x110]  }
0x494: {  	s6 =	simm.s32 $0x60;
	v49 =	vor.u32 $0x5, v22;
	v48 =	vld [tilespmem:s31+$0xFFFFFE80];
	[tilespmem:v60+s21+$0x0] =	vst.idx.msk $0xffff, v59  }
0x495: {  	s22 =	simm.s32 $0x0;
	s13 =	sand.u32 $0x70, s6;
	[tilespmem:v35+s21+$0x0] =	vst.idx.msk $0xffff, v61;
	v34 =	vld [tilespmem:s26+$0x280];
	v35 =	vor.u32 $0x5, v8  }
0x496: {  	s10 =	simm.s32 $0x7;
	v36 =	vor.u32 $0x7, v36;
	v42 =	vmov s22;
	s22 =	sor.u32 $0x8, s12;
	v41 =	vmov s13;
	v39 =	vld [tilespmem:s30+$0xFFFFFFB0];
	[tilespmem:v63+s21+$0x0] =	vst.idx.msk $0xffff, v62  }
.LBB2_13:
0x497: {  	p0 =	sne.s32 s10, $0xF;
	v40 =	vmul.u32 $0x2200, v42;
	[tilespmem:v51+s21+$0x0] =	vst.idx.msk $0xffff, v50;
	v42 =	vmov s22;
	v43 =	vld [tilespmem:s29+$0x3B0];
	v44 =	vor.u32 $0x7, v9;
	v9 =	vmovc v5;
	v5 =	vmovc v17;
	s29 =	smov.u32 s26;
	s26 =	smov.u32 s28  }
0x498: {  	v17 =	vshrl.u32 v41, $0x3;
	v45 =	vor.u32 $0x2, v32;
	s28 =	smov.u32 s30;
	s30 =	smov.u32 s31;
	s31 =	smov.u32 s1;
	v41 =	vld [tilespmem:s1+$0xFFFFFD20];
	v42 =	vshrl.u32 v42, $0x3;
	[tilespmem:v38+s21+$0x0] =	vst.idx.msk $0xffff, v37  }
0x499: {  	v46 =	vor.u32 $0x2, v12;
	s12 =	smov.u32 s11;
	s11 =	smov.u32 s13;
	v17 =	vshll.u32 v17, v1;
	v40 =	vbroadcast v40, $0x0;
	[tilespmem:v49+s21+$0x0] =	vst.idx.msk $0xffff, v48;
	v38 =	vld [tilespmem:s26+$0x120]  }
0x49a: {  	v17 =	vbroadcast v17, $0x0;
	v48 =	vor.u32 $0x5, v23;
	v37 =	vshll.u32 v42, v1;
	v47 =	vld [tilespmem:s30+$0xFFFFFE90];
	[tilespmem:v35+s21+$0x0] =	vst.idx.msk $0xffff, v34  }
0x49b: {  	s1 =	sadd.s32 $0x800, s1;
	v42 =	vbroadcast v37, $0x0;
	v35 =	vadd.s32 v0, v40;
	[tilespmem:v36+s21+$0x0] =	vst.idx.msk $0xffff, v39;
	v36 =	vld [tilespmem:s29+$0x290];
	v39 =	vor.u32 $0x5, v7  }
0x49c: {  	v49 =	vld [tilespmem:s1+$0xFFFFFC00];
	v37 =	vadd.s32 v35, v17;
	[tilespmem:v44+s21+$0x0] =	vst.idx.msk $0xffff, v43  }
0x49d: {  	v34 =	vadd.s32 v13, v42;
	v13 =	vmovc v18;
	v18 =	vmov v26;
	v26 =	vmov v35;
	[tilespmem:v45+s21+$0x0] =	vst.idx.msk $0xffff, v41;
	v41 =	vld [tilespmem:s28+$0x0]  }
0x49e: {  	v43 =	vor.u32 $0x2, v33;
	v35 =	vld [tilespmem:s31+$0xFFFFFD30];
	[tilespmem:v46+s21+$0x0] =	vst.idx.msk $0xffff, v38  }
0x49f: {  	v45 =	vor.u32 $0x2, v5;
	[tilespmem:v48+s21+$0x0] =	vst.idx.msk $0xffff, v47;
	v44 =	vld [tilespmem:s26+$0x130]  }
0x4a0: {  	v47 =	vor.u32 $0x5, v24;
	v46 =	vld [tilespmem:s30+$0xFFFFFEA0];
	[tilespmem:v39+s21+$0x0] =	vst.idx.msk $0xffff, v36  }
0x4a1: {  	v48 =	vor.u32 $0x5, v6;
	v36 =	vadd.s32 v2, v40;
	[tilespmem:v37+s21+$0x0] =	vst.idx.msk $0xffff, v49;
	v39 =	vld [tilespmem:s29+$0x2A0]  }
0x4a2: {  	v38 =	vadd.s32 v36, v17;
	v49 =	vld [tilespmem:s1+$0xFFFFFC10];
	[tilespmem:v34+s21+$0x0] =	vst.idx.msk $0xffff, v41  }
0x4a3: {  	[tilespmem:v43+s21+$0x0] =	vst.idx.msk $0xffff, v35;
	v41 =	vld [tilespmem:s28+$0x10];
	v35 =	vadd.s32 v14, v42;
	v14 =	vmovc v19;
	v19 =	vmov v27;
	v27 =	vmov v36  }
0x4a4: {  	v43 =	vor.u32 $0x3, v30;
	v36 =	vld [tilespmem:s31+$0xFFFFFD80];
	[tilespmem:v45+s21+$0x0] =	vst.idx.msk $0xffff, v44  }
0x4a5: {  	v45 =	vor.u32 $0x3, v10;
	[tilespmem:v47+s21+$0x0] =	vst.idx.msk $0xffff, v46;
	v44 =	vld [tilespmem:s26+$0x180]  }
0x4a6: {  	v47 =	vor.u32 $0x5, v25;
	v46 =	vld [tilespmem:s30+$0xFFFFFEB0];
	[tilespmem:v48+s21+$0x0] =	vst.idx.msk $0xffff, v39  }
0x4a7: {  	v50 =	vor.u32 $0x5, v9;
	v48 =	vadd.s32 v3, v40;
	[tilespmem:v38+s21+$0x0] =	vst.idx.msk $0xffff, v49;
	v49 =	vld [tilespmem:s29+$0x2B0]  }
0x4a8: {  	v39 =	vadd.s32 v48, v17;
	v51 =	vld [tilespmem:s1+$0xFFFFFC20];
	[tilespmem:v35+s21+$0x0] =	vst.idx.msk $0xffff, v41  }
0x4a9: {  	[tilespmem:v43+s21+$0x0] =	vst.idx.msk $0xffff, v36;
	v41 =	vld [tilespmem:s28+$0x20];
	v36 =	vadd.s32 v15, v42;
	v15 =	vmovc v20;
	v20 =	vmov v28;
	v28 =	vmov v48  }
0x4aa: {  	v48 =	vor.u32 $0x3, v31;
	v43 =	vld [tilespmem:s31+$0xFFFFFD90];
	[tilespmem:v45+s21+$0x0] =	vst.idx.msk $0xffff, v44  }
0x4ab: {  	v45 =	vor.u32 $0x3, v11;
	[tilespmem:v47+s21+$0x0] =	vst.idx.msk $0xffff, v46;
	v44 =	vld [tilespmem:s26+$0x190]  }
0x4ac: {  	v47 =	vor.u32 $0x6, v22;
	v46 =	vld [tilespmem:s30+$0xFFFFFF00];
	[tilespmem:v50+s21+$0x0] =	vst.idx.msk $0xffff, v49  }
0x4ad: {  	v49 =	vadd.s32 v4, v40;
	[tilespmem:v39+s21+$0x0] =	vst.idx.msk $0xffff, v51;
	v50 =	vld [tilespmem:s29+$0x300];
	v51 =	vor.u32 $0x6, v8  }
0x4ae: {  	v40 =	vadd.s32 v49, v17;
	v52 =	vld [tilespmem:s1+$0xFFFFFC30];
	[tilespmem:v36+s21+$0x0] =	vst.idx.msk $0xffff, v41  }
0x4af: {  	v17 =	vadd.s32 v16, v42;
	v16 =	vmovc v21;
	v21 =	vmov v29;
	v29 =	vmov v49;
	[tilespmem:v48+s21+$0x0] =	vst.idx.msk $0xffff, v43;
	v41 =	vld [tilespmem:s28+$0x30]  }
0x4b0: {  	v43 =	vor.u32 $0x3, v32;
	v42 =	vld [tilespmem:s31+$0xFFFFFDA0];
	[tilespmem:v45+s21+$0x0] =	vst.idx.msk $0xffff, v44  }
0x4b1: {  	v45 =	vor.u32 $0x3, v12;
	[tilespmem:v47+s21+$0x0] =	vst.idx.msk $0xffff, v46;
	v44 =	vld [tilespmem:s26+$0x1A0]  }
0x4b2: {  	v47 =	vor.u32 $0x6, v23;
	v46 =	vld [tilespmem:s30+$0xFFFFFF10];
	[tilespmem:v51+s21+$0x0] =	vst.idx.msk $0xffff, v50  }
0x4b3: {  	v49 =	vor.u32 $0x6, v7;
	[tilespmem:v40+s21+$0x0] =	vst.idx.msk $0xffff, v52;
	v48 =	vld [tilespmem:s29+$0x310]  }
0x4b4: {  	v51 =	vor.u32 $0x1, v37;
	v50 =	vld [tilespmem:s1+$0xFFFFFC80];
	[tilespmem:v17+s21+$0x0] =	vst.idx.msk $0xffff, v41  }
0x4b5: {  	[tilespmem:v43+s21+$0x0] =	vst.idx.msk $0xffff, v42;
	v41 =	vld [tilespmem:s28+$0x80];
	v42 =	vor.u32 $0x1, v34  }
0x4b6: {  	v52 =	vor.u32 $0x3, v33;
	v43 =	vld [tilespmem:s31+$0xFFFFFDB0];
	[tilespmem:v45+s21+$0x0] =	vst.idx.msk $0xffff, v44  }
0x4b7: {  	v45 =	vor.u32 $0x3, v5;
	[tilespmem:v47+s21+$0x0] =	vst.idx.msk $0xffff, v46;
	v44 =	vld [tilespmem:s26+$0x1B0]  }
0x4b8: {  	v47 =	vor.u32 $0x6, v24;
	v46 =	vld [tilespmem:s30+$0xFFFFFF20];
	[tilespmem:v49+s21+$0x0] =	vst.idx.msk $0xffff, v48  }
0x4b9: {  	v49 =	vor.u32 $0x6, v6;
	[tilespmem:v51+s21+$0x0] =	vst.idx.msk $0xffff, v50;
	v48 =	vld [tilespmem:s29+$0x320]  }
0x4ba: {  	v51 =	vor.u32 $0x1, v38;
	v50 =	vld [tilespmem:s1+$0xFFFFFC90];
	[tilespmem:v42+s21+$0x0] =	vst.idx.msk $0xffff, v41  }
0x4bb: {  	v42 =	vor.u32 $0x1, v35;
	[tilespmem:v52+s21+$0x0] =	vst.idx.msk $0xffff, v43;
	v41 =	vld [tilespmem:s28+$0x90]  }
0x4bc: {  	v52 =	vor.u32 $0x4, v30;
	v43 =	vld [tilespmem:s31+$0xFFFFFE00];
	[tilespmem:v45+s21+$0x0] =	vst.idx.msk $0xffff, v44  }
0x4bd: {  	v45 =	vor.u32 $0x4, v10;
	[tilespmem:v47+s21+$0x0] =	vst.idx.msk $0xffff, v46;
	v44 =	vld [tilespmem:s26+$0x200]  }
0x4be: {  	v47 =	vor.u32 $0x6, v25;
	v46 =	vld [tilespmem:s30+$0xFFFFFF30];
	[tilespmem:v49+s21+$0x0] =	vst.idx.msk $0xffff, v48  }
0x4bf: {  	v49 =	vor.u32 $0x6, v9;
	[tilespmem:v51+s21+$0x0] =	vst.idx.msk $0xffff, v50;
	v48 =	vld [tilespmem:s29+$0x330]  }
0x4c0: {  	v51 =	vor.u32 $0x1, v39;
	v50 =	vld [tilespmem:s1+$0xFFFFFCA0];
	[tilespmem:v42+s21+$0x0] =	vst.idx.msk $0xffff, v41  }
0x4c1: {  	v42 =	vor.u32 $0x1, v36;
	[tilespmem:v52+s21+$0x0] =	vst.idx.msk $0xffff, v43;
	v41 =	vld [tilespmem:s28+$0xA0]  }
0x4c2: {  	v52 =	vor.u32 $0x4, v31;
	v43 =	vld [tilespmem:s31+$0xFFFFFE10];
	[tilespmem:v45+s21+$0x0] =	vst.idx.msk $0xffff, v44  }
0x4c3: {  	v45 =	vor.u32 $0x4, v11;
	[tilespmem:v47+s21+$0x0] =	vst.idx.msk $0xffff, v46;
	v44 =	vld [tilespmem:s26+$0x210]  }
0x4c4: {  	v47 =	vor.u32 $0x7, v22;
	v22 =	vmov v30;
	v30 =	vmov v37;
	v46 =	vld [tilespmem:s30+$0xFFFFFF80];
	[tilespmem:v49+s21+$0x0] =	vst.idx.msk $0xffff, v48  }
0x4c5: {  	v48 =	vor.u32 $0x7, v8;
	v8 =	vmov v10;
	v10 =	vmov v34;
	[tilespmem:v51+s21+$0x0] =	vst.idx.msk $0xffff, v50;
	v37 =	vld [tilespmem:s29+$0x380]  }
0x4c6: {  	v49 =	vor.u32 $0x1, v40;
	v34 =	vld [tilespmem:s1+$0xFFFFFCB0];
	[tilespmem:v42+s21+$0x0] =	vst.idx.msk $0xffff, v41  }
0x4c7: {  	v42 =	vor.u32 $0x1, v17;
	[tilespmem:v52+s21+$0x0] =	vst.idx.msk $0xffff, v43;
	v41 =	vld [tilespmem:s28+$0xB0]  }
0x4c8: {  	v50 =	vor.u32 $0x4, v32;
	v43 =	vld [tilespmem:s31+$0xFFFFFE20];
	[tilespmem:v45+s21+$0x0] =	vst.idx.msk $0xffff, v44  }
0x4c9: {  	v45 =	vor.u32 $0x4, v12;
	[tilespmem:v47+s21+$0x0] =	vst.idx.msk $0xffff, v46;
	v44 =	vld [tilespmem:s26+$0x220]  }
0x4ca: {  	v47 =	vor.u32 $0x7, v23;
	v23 =	vmov v31;
	v31 =	vmov v38;
	v46 =	vld [tilespmem:s30+$0xFFFFFF90];
	[tilespmem:v48+s21+$0x0] =	vst.idx.msk $0xffff, v37  }
0x4cb: {  	v37 =	vor.u32 $0x7, v7;
	v7 =	vmov v11;
	v11 =	vmov v35;
	[tilespmem:v49+s21+$0x0] =	vst.idx.msk $0xffff, v34;
	v34 =	vld [tilespmem:s29+$0x390]  }
0x4cc: {  	v38 =	vor.u32 $0x2, v30;
	v35 =	vld [tilespmem:s1+$0xFFFFFD00];
	[tilespmem:v42+s21+$0x0] =	vst.idx.msk $0xffff, v41  }
0x4cd: {  	v42 =	vor.u32 $0x2, v10;
	[tilespmem:v50+s21+$0x0] =	vst.idx.msk $0xffff, v43;
	v41 =	vld [tilespmem:s28+$0x100]  }
0x4ce: {  	v48 =	vor.u32 $0x4, v33;
	v43 =	vld [tilespmem:s31+$0xFFFFFE30];
	[tilespmem:v45+s21+$0x0] =	vst.idx.msk $0xffff, v44  }
0x4cf: {  	v45 =	vor.u32 $0x4, v5;
	[tilespmem:v47+s21+$0x0] =	vst.idx.msk $0xffff, v46;
	v44 =	vld [tilespmem:s26+$0x230]  }
0x4d0: {  	v47 =	vor.u32 $0x7, v24;
	v24 =	vmov v32;
	v32 =	vmov v39;
	v46 =	vld [tilespmem:s30+$0xFFFFFFA0];
	[tilespmem:v37+s21+$0x0] =	vst.idx.msk $0xffff, v34  }
0x4d1: {  	v53 =	vor.u32 $0x7, v6;
	v6 =	vmov v12;
	v12 =	vmov v36;
	[tilespmem:v38+s21+$0x0] =	vst.idx.msk $0xffff, v35;
	v52 =	vld [tilespmem:s29+$0x3A0]  }
.Ltmp8:
0x4d2: {  	v51 =	vor.u32 $0x2, v31;
	v50 =	vld [tilespmem:s1+$0xFFFFFD10];
	[tilespmem:v42+s21+$0x0] =	vst.idx.msk $0xffff, v41;
	(pc) =	sbr.rel @p0 .LBB2_13-.Ltmp8, $4  }
0x4d3: {  	v38 =	vor.u32 $0x2, v11;
	[tilespmem:v48+s21+$0x0] =	vst.idx.msk $0xffff, v43;
	v37 =	vld [tilespmem:s28+$0x110]  }
0x4d4: {  	s6 =	sadd.s32 $0x10, s6;
	v49 =	vor.u32 $0x5, v22;
	v48 =	vld [tilespmem:s31+$0xFFFFFE80];
	[tilespmem:v45+s21+$0x0] =	vst.idx.msk $0xffff, v44  }
0x4d5: {  	s22 =	sshrl.u32 s10, $0x3;
	s13 =	sand.u32 $0x70, s6;
	v35 =	vor.u32 $0x5, v8;
	[tilespmem:v47+s21+$0x0] =	vst.idx.msk $0xffff, v46;
	v34 =	vld [tilespmem:s26+$0x280]  }
0x4d6: {  	s10 =	sadd.s32 $0x1, s10;
	v36 =	vor.u32 $0x7, v25;
	v25 =	vmovc v33;
	v33 =	vmovc v40;
	v42 =	vmov s22;
	v41 =	vmov s13;
	s22 =	sor.u32 $0x8, s0;
	s0 =	smov.u32 s12;
	v39 =	vld [tilespmem:s30+$0xFFFFFFB0];
	[tilespmem:v53+s21+$0x0] =	vst.idx.msk $0xffff, v52  }
0x4d7: {  	v40 =	vmul.u32 $0x2200, v42  }
0x4d8: {  	v41 =	vshrl.u32 v41, $0x3  }
0x4d9: {  	v41 =	vshll.u32 v41, v1;
	v40 =	vbroadcast v40, $0x0  }
0x4da: {  	v44 =	vbroadcast v41, $0x0  }
0x4db: {  	s12 =	sadd.s32 $0x800, s1;
	v43 =	vadd.s32 v0, v40  }
0x4dc: {  	v59 =	vld [tilespmem:s12+$0xFFFFFC00];
	v47 =	vadd.s32 v43, v44;
	_ =	sdelay $0x4  }
0x4dd: {  	v42 =	vadd.s32 v2, v40;
	[tilespmem:v47+s21+$0x0] =	vst.idx.msk $0xffff, v59  }
0x4de: {  	v46 =	vadd.s32 v42, v44;
	v41 =	vld [tilespmem:s12+$0xFFFFFC10];
	_ =	sdelay $0x4  }
0x4df: {  	[tilespmem:v46+s21+$0x0] =	vst.idx.msk $0xffff, v41;
	v41 =	vadd.s32 v3, v40  }
0x4e0: {  	v52 =	vld [tilespmem:s12+$0xFFFFFC20];
	v45 =	vadd.s32 v41, v44;
	_ =	sdelay $0x4  }
0x4e1: {  	v40 =	vadd.s32 v4, v40;
	[tilespmem:v45+s21+$0x0] =	vst.idx.msk $0xffff, v52  }
0x4e2: {  	v44 =	vadd.s32 v40, v44;
	v52 =	vld [tilespmem:s12+$0xFFFFFC30];
	_ =	sdelay $0x4  }
0x4e3: {  	[tilespmem:v44+s21+$0x0] =	vst.idx.msk $0xffff, v52  }
0x4e4: {  	v53 =	vor.u32 $0x1, v47;
	v52 =	vld [tilespmem:s12+$0xFFFFFC80];
	_ =	sdelay $0x4  }
0x4e5: {  	[tilespmem:v53+s21+$0x0] =	vst.idx.msk $0xffff, v52  }
0x4e6: {  	v60 =	vor.u32 $0x1, v46;
	v52 =	vld [tilespmem:s12+$0xFFFFFC90];
	_ =	sdelay $0x4  }
0x4e7: {  	[tilespmem:v60+s21+$0x0] =	vst.idx.msk $0xffff, v52  }
0x4e8: {  	v61 =	vor.u32 $0x1, v45;
	v52 =	vld [tilespmem:s12+$0xFFFFFCA0];
	_ =	sdelay $0x4  }
0x4e9: {  	[tilespmem:v61+s21+$0x0] =	vst.idx.msk $0xffff, v52  }
0x4ea: {  	v62 =	vor.u32 $0x1, v44;
	v52 =	vld [tilespmem:s12+$0xFFFFFCB0];
	_ =	sdelay $0x4  }
0x4eb: {  	[tilespmem:v62+s21+$0x0] =	vst.idx.msk $0xffff, v52  }
0x4ec: {  	v63 =	vor.u32 $0x2, v47;
	v52 =	vld [tilespmem:s12+$0xFFFFFD00];
	_ =	sdelay $0x4  }
0x4ed: {  	[tilespmem:v63+s21+$0x0] =	vst.idx.msk $0xffff, v52  }
0x4ee: {  	v56 =	vor.u32 $0x2, v46;
	v52 =	vld [tilespmem:s12+$0xFFFFFD10];
	_ =	sdelay $0x3  }
0x4ef: {  	[tilespmem:v51+s21+$0x0] =	vst.idx.msk $0xffff, v50  }
0x4f0: {  	v57 =	vor.u32 $0x2, v32;
	v50 =	vld [tilespmem:s1+$0xFFFFFD20];
	[tilespmem:v56+s21+$0x0] =	vst.idx.msk $0xffff, v52  }
0x4f1: {  	v58 =	vor.u32 $0x2, v45;
	v52 =	vld [tilespmem:s12+$0xFFFFFD20];
	_ =	sdelay $0x3  }
0x4f2: {  	[tilespmem:v57+s21+$0x0] =	vst.idx.msk $0xffff, v50  }
0x4f3: {  	v50 =	vld [tilespmem:s1+$0xFFFFFD30];
	v59 =	vor.u32 $0x2, v33;
	[tilespmem:v58+s21+$0x0] =	vst.idx.msk $0xffff, v52  }
0x4f4: {  	v60 =	vor.u32 $0x2, v44;
	v52 =	vld [tilespmem:s12+$0xFFFFFD30];
	_ =	sdelay $0x3  }
0x4f5: {  	[tilespmem:v59+s21+$0x0] =	vst.idx.msk $0xffff, v50  }
0x4f6: {  	v50 =	vld [tilespmem:s1+$0xFFFFFD80];
	v61 =	vor.u32 $0x3, v30;
	[tilespmem:v60+s21+$0x0] =	vst.idx.msk $0xffff, v52  }
0x4f7: {  	v62 =	vor.u32 $0x3, v47;
	v52 =	vld [tilespmem:s12+$0xFFFFFD80];
	_ =	sdelay $0x3  }
0x4f8: {  	[tilespmem:v61+s21+$0x0] =	vst.idx.msk $0xffff, v50  }
0x4f9: {  	v50 =	vld [tilespmem:s1+$0xFFFFFD90];
	v63 =	vor.u32 $0x3, v31;
	[tilespmem:v62+s21+$0x0] =	vst.idx.msk $0xffff, v52  }
0x4fa: {  	v56 =	vor.u32 $0x3, v46;
	v52 =	vld [tilespmem:s12+$0xFFFFFD90];
	_ =	sdelay $0x3  }
0x4fb: {  	[tilespmem:v63+s21+$0x0] =	vst.idx.msk $0xffff, v50  }
0x4fc: {  	v57 =	vor.u32 $0x3, v32;
	v50 =	vld [tilespmem:s1+$0xFFFFFDA0];
	[tilespmem:v56+s21+$0x0] =	vst.idx.msk $0xffff, v52  }
0x4fd: {  	v58 =	vor.u32 $0x3, v45;
	v52 =	vld [tilespmem:s12+$0xFFFFFDA0];
	_ =	sdelay $0x3  }
0x4fe: {  	[tilespmem:v57+s21+$0x0] =	vst.idx.msk $0xffff, v50  }
0x4ff: {  	v59 =	vor.u32 $0x3, v33;
	v50 =	vld [tilespmem:s1+$0xFFFFFDB0];
	[tilespmem:v58+s21+$0x0] =	vst.idx.msk $0xffff, v52  }
0x500: {  	v60 =	vor.u32 $0x3, v44;
	v52 =	vld [tilespmem:s12+$0xFFFFFDB0];
	_ =	sdelay $0x3  }
0x501: {  	[tilespmem:v59+s21+$0x0] =	vst.idx.msk $0xffff, v50  }
0x502: {  	v61 =	vor.u32 $0x4, v30;
	v50 =	vld [tilespmem:s1+$0xFFFFFE00];
	[tilespmem:v60+s21+$0x0] =	vst.idx.msk $0xffff, v52  }
0x503: {  	v62 =	vor.u32 $0x4, v47;
	v52 =	vld [tilespmem:s12+$0xFFFFFE00];
	_ =	sdelay $0x3  }
0x504: {  	[tilespmem:v61+s21+$0x0] =	vst.idx.msk $0xffff, v50  }
0x505: {  	v63 =	vor.u32 $0x4, v31;
	v50 =	vld [tilespmem:s1+$0xFFFFFE10];
	[tilespmem:v62+s21+$0x0] =	vst.idx.msk $0xffff, v52  }
0x506: {  	v56 =	vor.u32 $0x4, v46;
	v52 =	vld [tilespmem:s12+$0xFFFFFE10];
	_ =	sdelay $0x3  }
0x507: {  	[tilespmem:v63+s21+$0x0] =	vst.idx.msk $0xffff, v50  }
0x508: {  	v57 =	vor.u32 $0x4, v32;
	v50 =	vld [tilespmem:s1+$0xFFFFFE20];
	[tilespmem:v56+s21+$0x0] =	vst.idx.msk $0xffff, v52  }
0x509: {  	v58 =	vor.u32 $0x4, v45;
	v52 =	vld [tilespmem:s12+$0xFFFFFE20];
	_ =	sdelay $0x3  }
0x50a: {  	[tilespmem:v57+s21+$0x0] =	vst.idx.msk $0xffff, v50  }
0x50b: {  	v59 =	vor.u32 $0x4, v33;
	v50 =	vld [tilespmem:s1+$0xFFFFFE30];
	[tilespmem:v58+s21+$0x0] =	vst.idx.msk $0xffff, v52  }
0x50c: {  	v60 =	vor.u32 $0x4, v44;
	v52 =	vld [tilespmem:s12+$0xFFFFFE30];
	_ =	sdelay $0x3  }
0x50d: {  	[tilespmem:v59+s21+$0x0] =	vst.idx.msk $0xffff, v50  }
0x50e: {  	v61 =	vor.u32 $0x5, v30;
	v50 =	vld [tilespmem:s1+$0xFFFFFE80];
	[tilespmem:v60+s21+$0x0] =	vst.idx.msk $0xffff, v52  }
0x50f: {  	v62 =	vor.u32 $0x5, v47;
	v52 =	vld [tilespmem:s12+$0xFFFFFE80];
	_ =	sdelay $0x2  }
0x510: {  	[tilespmem:v49+s21+$0x0] =	vst.idx.msk $0xffff, v48  }
0x511: {  	v48 =	vld [tilespmem:s31+$0xFFFFFE90];
	v63 =	vor.u32 $0x5, v23;
	[tilespmem:v61+s21+$0x0] =	vst.idx.msk $0xffff, v50  }
0x512: {  	v50 =	vld [tilespmem:s1+$0xFFFFFE90];
	v56 =	vor.u32 $0x5, v31;
	[tilespmem:v62+s21+$0x0] =	vst.idx.msk $0xffff, v52  }
0x513: {  	v57 =	vor.u32 $0x5, v46;
	v52 =	vld [tilespmem:s12+$0xFFFFFE90];
	_ =	sdelay $0x2  }
0x514: {  	[tilespmem:v63+s21+$0x0] =	vst.idx.msk $0xffff, v48  }
0x515: {  	v48 =	vld [tilespmem:s31+$0xFFFFFEA0];
	[tilespmem:v56+s21+$0x0] =	vst.idx.msk $0xffff, v50;
	v58 =	vor.u32 $0x5, v24  }
0x516: {  	v59 =	vor.u32 $0x5, v32;
	v50 =	vld [tilespmem:s1+$0xFFFFFEA0];
	[tilespmem:v57+s21+$0x0] =	vst.idx.msk $0xffff, v52  }
0x517: {  	v60 =	vor.u32 $0x5, v45;
	v52 =	vld [tilespmem:s12+$0xFFFFFEA0];
	_ =	sdelay $0x2  }
0x518: {  	[tilespmem:v58+s21+$0x0] =	vst.idx.msk $0xffff, v48  }
0x519: {  	v61 =	vor.u32 $0x5, v25;
	[tilespmem:v59+s21+$0x0] =	vst.idx.msk $0xffff, v50;
	v48 =	vld [tilespmem:s31+$0xFFFFFEB0]  }
0x51a: {  	v50 =	vld [tilespmem:s1+$0xFFFFFEB0];
	v62 =	vor.u32 $0x5, v33;
	[tilespmem:v60+s21+$0x0] =	vst.idx.msk $0xffff, v52  }
0x51b: {  	v63 =	vor.u32 $0x5, v44;
	v52 =	vld [tilespmem:s12+$0xFFFFFEB0];
	_ =	sdelay $0x2  }
0x51c: {  	[tilespmem:v61+s21+$0x0] =	vst.idx.msk $0xffff, v48  }
0x51d: {  	v56 =	vor.u32 $0x6, v22;
	v48 =	vld [tilespmem:s31+$0xFFFFFF00];
	[tilespmem:v62+s21+$0x0] =	vst.idx.msk $0xffff, v50  }
0x51e: {  	v50 =	vld [tilespmem:s1+$0xFFFFFF00];
	v57 =	vor.u32 $0x6, v30;
	[tilespmem:v63+s21+$0x0] =	vst.idx.msk $0xffff, v52  }
0x51f: {  	v58 =	vor.u32 $0x6, v47;
	v52 =	vld [tilespmem:s12+$0xFFFFFF00];
	_ =	sdelay $0x2  }
0x520: {  	[tilespmem:v56+s21+$0x0] =	vst.idx.msk $0xffff, v48  }
0x521: {  	v59 =	vor.u32 $0x6, v23;
	v48 =	vld [tilespmem:s31+$0xFFFFFF10];
	[tilespmem:v57+s21+$0x0] =	vst.idx.msk $0xffff, v50  }
0x522: {  	v50 =	vld [tilespmem:s1+$0xFFFFFF10];
	v60 =	vor.u32 $0x6, v31;
	[tilespmem:v58+s21+$0x0] =	vst.idx.msk $0xffff, v52  }
0x523: {  	v61 =	vor.u32 $0x6, v46;
	v52 =	vld [tilespmem:s12+$0xFFFFFF10];
	_ =	sdelay $0x2  }
0x524: {  	[tilespmem:v59+s21+$0x0] =	vst.idx.msk $0xffff, v48  }
0x525: {  	v62 =	vor.u32 $0x6, v24;
	v48 =	vld [tilespmem:s31+$0xFFFFFF20];
	[tilespmem:v60+s21+$0x0] =	vst.idx.msk $0xffff, v50  }
0x526: {  	v50 =	vld [tilespmem:s1+$0xFFFFFF20];
	v63 =	vor.u32 $0x6, v32;
	[tilespmem:v61+s21+$0x0] =	vst.idx.msk $0xffff, v52  }
0x527: {  	v56 =	vor.u32 $0x6, v45;
	v52 =	vld [tilespmem:s12+$0xFFFFFF20];
	_ =	sdelay $0x2  }
0x528: {  	[tilespmem:v62+s21+$0x0] =	vst.idx.msk $0xffff, v48  }
0x529: {  	v57 =	vor.u32 $0x6, v25;
	v48 =	vld [tilespmem:s31+$0xFFFFFF30];
	[tilespmem:v63+s21+$0x0] =	vst.idx.msk $0xffff, v50  }
0x52a: {  	v50 =	vld [tilespmem:s1+$0xFFFFFF30];
	v58 =	vor.u32 $0x6, v33;
	[tilespmem:v56+s21+$0x0] =	vst.idx.msk $0xffff, v52  }
0x52b: {  	v59 =	vor.u32 $0x6, v44;
	v52 =	vld [tilespmem:s12+$0xFFFFFF30];
	_ =	sdelay $0x2  }
0x52c: {  	[tilespmem:v57+s21+$0x0] =	vst.idx.msk $0xffff, v48  }
0x52d: {  	v60 =	vor.u32 $0x7, v22;
	v48 =	vld [tilespmem:s31+$0xFFFFFF80];
	[tilespmem:v58+s21+$0x0] =	vst.idx.msk $0xffff, v50  }
0x52e: {  	v62 =	vor.u32 $0x7, v30;
	v61 =	vld [tilespmem:s1+$0xFFFFFF80];
	[tilespmem:v59+s21+$0x0] =	vst.idx.msk $0xffff, v52  }
0x52f: {  	v47 =	vor.u32 $0x7, v47;
	v63 =	vld [tilespmem:s12+$0xFFFFFF80];
	_ =	sdelay $0x2  }
0x530: {  	[tilespmem:v60+s21+$0x0] =	vst.idx.msk $0xffff, v48  }
0x531: {  	v48 =	vor.u32 $0x7, v23;
	v22 =	vld [tilespmem:s31+$0xFFFFFF90];
	[tilespmem:v62+s21+$0x0] =	vst.idx.msk $0xffff, v61  }
0x532: {  	v49 =	vor.u32 $0x7, v31;
	v30 =	vld [tilespmem:s1+$0xFFFFFF90];
	[tilespmem:v47+s21+$0x0] =	vst.idx.msk $0xffff, v63  }
0x533: {  	v46 =	vor.u32 $0x7, v46;
	v47 =	vld [tilespmem:s12+$0xFFFFFF90];
	_ =	sdelay $0x2  }
0x534: {  	[tilespmem:v48+s21+$0x0] =	vst.idx.msk $0xffff, v22  }
0x535: {  	v51 =	vor.u32 $0x7, v24;
	v22 =	vld [tilespmem:s31+$0xFFFFFFA0];
	[tilespmem:v49+s21+$0x0] =	vst.idx.msk $0xffff, v30  }
0x536: {  	v53 =	vor.u32 $0x7, v32;
	v52 =	vld [tilespmem:s1+$0xFFFFFFA0];
	[tilespmem:v46+s21+$0x0] =	vst.idx.msk $0xffff, v47  }
0x537: {  	v55 =	vor.u32 $0x7, v45;
	v54 =	vld [tilespmem:s12+$0xFFFFFFA0];
	_ =	sdelay $0x2  }
0x538: {  	v44 =	vor.u32 $0x7, v44;
	v56 =	vmov s22;
	[tilespmem:v51+s21+$0x0] =	vst.idx.msk $0xffff, v22  }
0x539: {  	s0 =	sor.u32 $0x8, s0;
	s11 =	sor.u32 $0x8, s11;
	v58 =	vor.u32 $0x7, v25;
	v60 =	vor.u32 $0x7, v33;
	v45 =	vshrl.u32 v56, $0x3;
	v23 =	vld [tilespmem:s31+$0xFFFFFFB0];
	[tilespmem:v53+s21+$0x0] =	vst.idx.msk $0xffff, v52  }
0x53a: {  	v61 =	vmov s11;
	s22 =	sor.u32 $0x8, s13;
	v57 =	vshll.u32 v45, v1;
	v59 =	vmov s0;
	v24 =	vld [tilespmem:s1+$0xFFFFFFB0];
	[tilespmem:v55+s21+$0x0] =	vst.idx.msk $0xffff, v54  }
0x53b: {  	v62 =	vmov s22;
	v45 =	vbroadcast v57, $0x0;
	v22 =	vshrl.u32 v59, $0x3;
	v31 =	vld [tilespmem:s12+$0xFFFFFFB0]  }
0x53c: {  	[tilespmem:v36+s21+$0x0] =	vst.idx.msk $0xffff, v39;
	v32 =	vshrl.u32 v62, $0x3;
	v30 =	vshrl.u32 v61, $0x3;
	v22 =	vshll.u32 v22, v1  }
0x53d: {  	v39 =	vld [tilespmem:s30+$0x0];
	v48 =	vshll.u32 v30, v1;
	v30 =	vadd.s32 v13, v45;
	v63 =	vbroadcast v22, $0x0  }
0x53e: {  	v50 =	vshll.u32 v32, v1;
	v49 =	vbroadcast v48, $0x0;
	[tilespmem:v58+s21+$0x0] =	vst.idx.msk $0xffff, v23  }
0x53f: {  	v51 =	vbroadcast v50, $0x0;
	v23 =	vld [tilespmem:s31+$0x0];
	v32 =	vadd.s32 v18, v63;
	[tilespmem:v60+s21+$0x0] =	vst.idx.msk $0xffff, v24  }
0x540: {  	v33 =	vadd.s32 v26, v49;
	v52 =	vld [tilespmem:s1+$0x0];
	[tilespmem:v44+s21+$0x0] =	vst.idx.msk $0xffff, v31  }
0x541: {  	v31 =	vadd.s32 v43, v51;
	v53 =	vld [tilespmem:s12+$0x0]  }
0x542: {  	[tilespmem:v30+s21+$0x0] =	vst.idx.msk $0xffff, v39  }
0x543: {  	v26 =	vadd.s32 v14, v45;
	v39 =	vld [tilespmem:s30+$0x10]  }
0x544: {  	[tilespmem:v32+s21+$0x0] =	vst.idx.msk $0xffff, v23  }
0x545: {  	v25 =	vadd.s32 v19, v63;
	[tilespmem:v33+s21+$0x0] =	vst.idx.msk $0xffff, v52;
	v54 =	vld [tilespmem:s31+$0x10]  }
0x546: {  	v24 =	vadd.s32 v27, v49;
	v18 =	vld [tilespmem:s1+$0x10];
	[tilespmem:v31+s21+$0x0] =	vst.idx.msk $0xffff, v53  }
0x547: {  	v23 =	vadd.s32 v42, v51;
	v55 =	vld [tilespmem:s12+$0x10]  }
0x548: {  	[tilespmem:v26+s21+$0x0] =	vst.idx.msk $0xffff, v39  }
0x549: {  	v22 =	vadd.s32 v15, v45;
	v39 =	vld [tilespmem:s30+$0x20]  }
0x54a: {  	[tilespmem:v25+s21+$0x0] =	vst.idx.msk $0xffff, v54  }
0x54b: {  	v20 =	vadd.s32 v20, v63;
	[tilespmem:v24+s21+$0x0] =	vst.idx.msk $0xffff, v18;
	v14 =	vld [tilespmem:s31+$0x20]  }
0x54c: {  	v19 =	vadd.s32 v28, v49;
	v56 =	vld [tilespmem:s1+$0x20];
	[tilespmem:v23+s21+$0x0] =	vst.idx.msk $0xffff, v55  }
0x54d: {  	v18 =	vadd.s32 v41, v51;
	v27 =	vld [tilespmem:s12+$0x20]  }
0x54e: {  	[tilespmem:v22+s21+$0x0] =	vst.idx.msk $0xffff, v39  }
0x54f: {  	v16 =	vadd.s32 v16, v45;
	v57 =	vld [tilespmem:s30+$0x30]  }
0x550: {  	[tilespmem:v20+s21+$0x0] =	vst.idx.msk $0xffff, v14  }
0x551: {  	v15 =	vadd.s32 v21, v63;
	[tilespmem:v19+s21+$0x0] =	vst.idx.msk $0xffff, v56;
	v58 =	vld [tilespmem:s31+$0x30]  }
0x552: {  	v14 =	vadd.s32 v29, v49;
	v59 =	vld [tilespmem:s1+$0x30];
	[tilespmem:v18+s21+$0x0] =	vst.idx.msk $0xffff, v27  }
0x553: {  	v13 =	vadd.s32 v40, v51;
	v27 =	vld [tilespmem:s12+$0x30]  }
0x554: {  	[tilespmem:v16+s21+$0x0] =	vst.idx.msk $0xffff, v57  }
0x555: {  	v60 =	vor.u32 $0x1, v30;
	v28 =	vld [tilespmem:s30+$0x80]  }
0x556: {  	[tilespmem:v15+s21+$0x0] =	vst.idx.msk $0xffff, v58  }
0x557: {  	v62 =	vor.u32 $0x1, v32;
	[tilespmem:v14+s21+$0x0] =	vst.idx.msk $0xffff, v59;
	v61 =	vld [tilespmem:s31+$0x80]  }
0x558: {  	v63 =	vor.u32 $0x1, v33;
	v21 =	vld [tilespmem:s1+$0x80];
	[tilespmem:v13+s21+$0x0] =	vst.idx.msk $0xffff, v27  }
0x559: {  	v44 =	vor.u32 $0x1, v31;
	v27 =	vld [tilespmem:s12+$0x80]  }
0x55a: {  	[tilespmem:v60+s21+$0x0] =	vst.idx.msk $0xffff, v28  }
0x55b: {  	v45 =	vor.u32 $0x1, v26;
	v28 =	vld [tilespmem:s30+$0x90]  }
0x55c: {  	[tilespmem:v62+s21+$0x0] =	vst.idx.msk $0xffff, v61  }
0x55d: {  	v46 =	vor.u32 $0x1, v25;
	[tilespmem:v63+s21+$0x0] =	vst.idx.msk $0xffff, v21;
	v36 =	vld [tilespmem:s31+$0x90]  }
0x55e: {  	v47 =	vor.u32 $0x1, v24;
	v21 =	vld [tilespmem:s1+$0x90];
	[tilespmem:v44+s21+$0x0] =	vst.idx.msk $0xffff, v27  }
0x55f: {  	v48 =	vor.u32 $0x1, v23;
	v27 =	vld [tilespmem:s12+$0x90]  }
0x560: {  	[tilespmem:v45+s21+$0x0] =	vst.idx.msk $0xffff, v28  }
0x561: {  	v49 =	vor.u32 $0x1, v22;
	v28 =	vld [tilespmem:s30+$0xA0]  }
0x562: {  	[tilespmem:v46+s21+$0x0] =	vst.idx.msk $0xffff, v36  }
0x563: {  	v50 =	vor.u32 $0x1, v20;
	[tilespmem:v47+s21+$0x0] =	vst.idx.msk $0xffff, v21;
	v36 =	vld [tilespmem:s31+$0xA0]  }
0x564: {  	v51 =	vor.u32 $0x1, v19;
	v21 =	vld [tilespmem:s1+$0xA0];
	[tilespmem:v48+s21+$0x0] =	vst.idx.msk $0xffff, v27  }
0x565: {  	v52 =	vor.u32 $0x1, v18;
	v27 =	vld [tilespmem:s12+$0xA0]  }
0x566: {  	[tilespmem:v49+s21+$0x0] =	vst.idx.msk $0xffff, v28  }
0x567: {  	v53 =	vor.u32 $0x1, v16;
	v28 =	vld [tilespmem:s30+$0xB0]  }
0x568: {  	[tilespmem:v50+s21+$0x0] =	vst.idx.msk $0xffff, v36  }
0x569: {  	v54 =	vor.u32 $0x1, v15;
	[tilespmem:v51+s21+$0x0] =	vst.idx.msk $0xffff, v21;
	v36 =	vld [tilespmem:s31+$0xB0]  }
0x56a: {  	v55 =	vor.u32 $0x1, v14;
	v21 =	vld [tilespmem:s1+$0xB0];
	[tilespmem:v52+s21+$0x0] =	vst.idx.msk $0xffff, v27  }
0x56b: {  	v56 =	vor.u32 $0x1, v13;
	v27 =	vld [tilespmem:s12+$0xB0]  }
0x56c: {  	[tilespmem:v53+s21+$0x0] =	vst.idx.msk $0xffff, v28  }
0x56d: {  	v57 =	vor.u32 $0x2, v30;
	v28 =	vld [tilespmem:s30+$0x100]  }
0x56e: {  	[tilespmem:v54+s21+$0x0] =	vst.idx.msk $0xffff, v36  }
0x56f: {  	v58 =	vor.u32 $0x2, v32;
	[tilespmem:v55+s21+$0x0] =	vst.idx.msk $0xffff, v21;
	v36 =	vld [tilespmem:s31+$0x100]  }
0x570: {  	v59 =	vor.u32 $0x2, v33;
	v21 =	vld [tilespmem:s1+$0x100];
	[tilespmem:v56+s21+$0x0] =	vst.idx.msk $0xffff, v27  }
0x571: {  	v60 =	vor.u32 $0x2, v31;
	v27 =	vld [tilespmem:s12+$0x100]  }
0x572: {  	[tilespmem:v57+s21+$0x0] =	vst.idx.msk $0xffff, v28  }
0x573: {  	v61 =	vor.u32 $0x2, v26;
	v28 =	vld [tilespmem:s30+$0x110]  }
0x574: {  	[tilespmem:v58+s21+$0x0] =	vst.idx.msk $0xffff, v36  }
0x575: {  	v62 =	vor.u32 $0x2, v25;
	[tilespmem:v59+s21+$0x0] =	vst.idx.msk $0xffff, v21;
	v36 =	vld [tilespmem:s31+$0x110]  }
0x576: {  	v63 =	vor.u32 $0x2, v24;
	v21 =	vld [tilespmem:s1+$0x110];
	[tilespmem:v60+s21+$0x0] =	vst.idx.msk $0xffff, v27  }
0x577: {  	v44 =	vor.u32 $0x2, v23;
	v27 =	vld [tilespmem:s12+$0x110]  }
0x578: {  	[tilespmem:v61+s21+$0x0] =	vst.idx.msk $0xffff, v28  }
0x579: {  	[tilespmem:v38+s21+$0x0] =	vst.idx.msk $0xffff, v37;
	v46 =	vor.u32 $0x2, v22;
	v28 =	vld [tilespmem:s30+$0x120]  }
0x57a: {  	v37 =	vld [tilespmem:s28+$0x120];
	v45 =	vor.u32 $0x2, v12;
	[tilespmem:v62+s21+$0x0] =	vst.idx.msk $0xffff, v36  }
0x57b: {  	v47 =	vor.u32 $0x2, v20;
	[tilespmem:v63+s21+$0x0] =	vst.idx.msk $0xffff, v21;
	v36 =	vld [tilespmem:s31+$0x120]  }
0x57c: {  	v48 =	vor.u32 $0x2, v19;
	v21 =	vld [tilespmem:s1+$0x120];
	[tilespmem:v44+s21+$0x0] =	vst.idx.msk $0xffff, v27  }
0x57d: {  	v49 =	vor.u32 $0x2, v18;
	v27 =	vld [tilespmem:s12+$0x120]  }
0x57e: {  	[tilespmem:v46+s21+$0x0] =	vst.idx.msk $0xffff, v28  }
0x57f: {  	[tilespmem:v45+s21+$0x0] =	vst.idx.msk $0xffff, v37;
	v51 =	vor.u32 $0x2, v16;
	v28 =	vld [tilespmem:s30+$0x130]  }
0x580: {  	v37 =	vld [tilespmem:s28+$0x130];
	v50 =	vor.u32 $0x2, v17;
	[tilespmem:v47+s21+$0x0] =	vst.idx.msk $0xffff, v36  }
0x581: {  	v52 =	vor.u32 $0x2, v15;
	[tilespmem:v48+s21+$0x0] =	vst.idx.msk $0xffff, v21;
	v36 =	vld [tilespmem:s31+$0x130]  }
0x582: {  	v53 =	vor.u32 $0x2, v14;
	v21 =	vld [tilespmem:s1+$0x130];
	[tilespmem:v49+s21+$0x0] =	vst.idx.msk $0xffff, v27  }
0x583: {  	v54 =	vor.u32 $0x2, v13;
	v27 =	vld [tilespmem:s12+$0x130]  }
0x584: {  	[tilespmem:v51+s21+$0x0] =	vst.idx.msk $0xffff, v28  }
0x585: {  	[tilespmem:v50+s21+$0x0] =	vst.idx.msk $0xffff, v37;
	v28 =	vld [tilespmem:s30+$0x180];
	v56 =	vor.u32 $0x3, v30  }
0x586: {  	v37 =	vld [tilespmem:s28+$0x180];
	v55 =	vor.u32 $0x3, v10;
	[tilespmem:v52+s21+$0x0] =	vst.idx.msk $0xffff, v36  }
0x587: {  	v57 =	vor.u32 $0x3, v32;
	[tilespmem:v53+s21+$0x0] =	vst.idx.msk $0xffff, v21;
	v36 =	vld [tilespmem:s31+$0x180]  }
0x588: {  	v58 =	vor.u32 $0x3, v33;
	v21 =	vld [tilespmem:s1+$0x180];
	[tilespmem:v54+s21+$0x0] =	vst.idx.msk $0xffff, v27  }
0x589: {  	v59 =	vor.u32 $0x3, v31;
	v27 =	vld [tilespmem:s12+$0x180]  }
0x58a: {  	[tilespmem:v56+s21+$0x0] =	vst.idx.msk $0xffff, v28  }
0x58b: {  	v61 =	vor.u32 $0x3, v26;
	[tilespmem:v55+s21+$0x0] =	vst.idx.msk $0xffff, v37;
	v28 =	vld [tilespmem:s30+$0x190]  }
0x58c: {  	v37 =	vld [tilespmem:s28+$0x190];
	v60 =	vor.u32 $0x3, v11;
	[tilespmem:v57+s21+$0x0] =	vst.idx.msk $0xffff, v36  }
0x58d: {  	v62 =	vor.u32 $0x3, v25;
	[tilespmem:v58+s21+$0x0] =	vst.idx.msk $0xffff, v21;
	v36 =	vld [tilespmem:s31+$0x190]  }
0x58e: {  	v63 =	vor.u32 $0x3, v24;
	v21 =	vld [tilespmem:s1+$0x190];
	[tilespmem:v59+s21+$0x0] =	vst.idx.msk $0xffff, v27  }
0x58f: {  	v44 =	vor.u32 $0x3, v23;
	v27 =	vld [tilespmem:s12+$0x190]  }
0x590: {  	[tilespmem:v61+s21+$0x0] =	vst.idx.msk $0xffff, v28  }
0x591: {  	v46 =	vor.u32 $0x3, v22;
	[tilespmem:v60+s21+$0x0] =	vst.idx.msk $0xffff, v37;
	v28 =	vld [tilespmem:s30+$0x1A0]  }
0x592: {  	v45 =	vor.u32 $0x3, v12;
	v37 =	vld [tilespmem:s28+$0x1A0];
	[tilespmem:v62+s21+$0x0] =	vst.idx.msk $0xffff, v36  }
0x593: {  	v47 =	vor.u32 $0x3, v20;
	[tilespmem:v63+s21+$0x0] =	vst.idx.msk $0xffff, v21;
	v36 =	vld [tilespmem:s31+$0x1A0]  }
0x594: {  	v48 =	vor.u32 $0x3, v19;
	v21 =	vld [tilespmem:s1+$0x1A0];
	[tilespmem:v44+s21+$0x0] =	vst.idx.msk $0xffff, v27  }
0x595: {  	v49 =	vor.u32 $0x3, v18;
	v27 =	vld [tilespmem:s12+$0x1A0]  }
0x596: {  	[tilespmem:v46+s21+$0x0] =	vst.idx.msk $0xffff, v28  }
0x597: {  	v51 =	vor.u32 $0x3, v16;
	[tilespmem:v45+s21+$0x0] =	vst.idx.msk $0xffff, v37;
	v28 =	vld [tilespmem:s30+$0x1B0]  }
0x598: {  	v50 =	vor.u32 $0x3, v17;
	v37 =	vld [tilespmem:s28+$0x1B0];
	[tilespmem:v47+s21+$0x0] =	vst.idx.msk $0xffff, v36  }
0x599: {  	v52 =	vor.u32 $0x3, v15;
	[tilespmem:v48+s21+$0x0] =	vst.idx.msk $0xffff, v21;
	v36 =	vld [tilespmem:s31+$0x1B0]  }
0x59a: {  	v53 =	vor.u32 $0x3, v14;
	v21 =	vld [tilespmem:s1+$0x1B0];
	[tilespmem:v49+s21+$0x0] =	vst.idx.msk $0xffff, v27  }
0x59b: {  	v54 =	vor.u32 $0x3, v13;
	v27 =	vld [tilespmem:s12+$0x1B0]  }
0x59c: {  	[tilespmem:v51+s21+$0x0] =	vst.idx.msk $0xffff, v28  }
0x59d: {  	v56 =	vor.u32 $0x4, v30;
	[tilespmem:v50+s21+$0x0] =	vst.idx.msk $0xffff, v37;
	v28 =	vld [tilespmem:s30+$0x200]  }
0x59e: {  	v55 =	vor.u32 $0x4, v10;
	v37 =	vld [tilespmem:s28+$0x200];
	[tilespmem:v52+s21+$0x0] =	vst.idx.msk $0xffff, v36  }
0x59f: {  	v57 =	vor.u32 $0x4, v32;
	[tilespmem:v53+s21+$0x0] =	vst.idx.msk $0xffff, v21;
	v36 =	vld [tilespmem:s31+$0x200]  }
0x5a0: {  	v58 =	vor.u32 $0x4, v33;
	v21 =	vld [tilespmem:s1+$0x200];
	[tilespmem:v54+s21+$0x0] =	vst.idx.msk $0xffff, v27  }
0x5a1: {  	v59 =	vor.u32 $0x4, v31;
	v27 =	vld [tilespmem:s12+$0x200]  }
0x5a2: {  	[tilespmem:v56+s21+$0x0] =	vst.idx.msk $0xffff, v28  }
0x5a3: {  	v61 =	vor.u32 $0x4, v26;
	[tilespmem:v55+s21+$0x0] =	vst.idx.msk $0xffff, v37;
	v28 =	vld [tilespmem:s30+$0x210]  }
0x5a4: {  	v60 =	vor.u32 $0x4, v11;
	v37 =	vld [tilespmem:s28+$0x210];
	[tilespmem:v57+s21+$0x0] =	vst.idx.msk $0xffff, v36  }
0x5a5: {  	v62 =	vor.u32 $0x4, v25;
	[tilespmem:v58+s21+$0x0] =	vst.idx.msk $0xffff, v21;
	v36 =	vld [tilespmem:s31+$0x210]  }
0x5a6: {  	v63 =	vor.u32 $0x4, v24;
	v21 =	vld [tilespmem:s1+$0x210];
	[tilespmem:v59+s21+$0x0] =	vst.idx.msk $0xffff, v27  }
0x5a7: {  	v44 =	vor.u32 $0x4, v23;
	v27 =	vld [tilespmem:s12+$0x210]  }
0x5a8: {  	[tilespmem:v61+s21+$0x0] =	vst.idx.msk $0xffff, v28  }
0x5a9: {  	v46 =	vor.u32 $0x4, v22;
	[tilespmem:v60+s21+$0x0] =	vst.idx.msk $0xffff, v37;
	v28 =	vld [tilespmem:s30+$0x220]  }
0x5aa: {  	v45 =	vor.u32 $0x4, v12;
	v37 =	vld [tilespmem:s28+$0x220];
	[tilespmem:v62+s21+$0x0] =	vst.idx.msk $0xffff, v36  }
0x5ab: {  	v47 =	vor.u32 $0x4, v20;
	[tilespmem:v63+s21+$0x0] =	vst.idx.msk $0xffff, v21;
	v36 =	vld [tilespmem:s31+$0x220]  }
0x5ac: {  	v48 =	vor.u32 $0x4, v19;
	v21 =	vld [tilespmem:s1+$0x220];
	[tilespmem:v44+s21+$0x0] =	vst.idx.msk $0xffff, v27  }
0x5ad: {  	v49 =	vor.u32 $0x4, v18;
	v27 =	vld [tilespmem:s12+$0x220]  }
0x5ae: {  	[tilespmem:v46+s21+$0x0] =	vst.idx.msk $0xffff, v28  }
0x5af: {  	v51 =	vor.u32 $0x4, v16;
	[tilespmem:v45+s21+$0x0] =	vst.idx.msk $0xffff, v37;
	v28 =	vld [tilespmem:s30+$0x230]  }
0x5b0: {  	v50 =	vor.u32 $0x4, v17;
	v37 =	vld [tilespmem:s28+$0x230];
	[tilespmem:v47+s21+$0x0] =	vst.idx.msk $0xffff, v36  }
0x5b1: {  	v52 =	vor.u32 $0x4, v15;
	[tilespmem:v48+s21+$0x0] =	vst.idx.msk $0xffff, v21;
	v36 =	vld [tilespmem:s31+$0x230]  }
0x5b2: {  	v53 =	vor.u32 $0x4, v14;
	v21 =	vld [tilespmem:s1+$0x230];
	[tilespmem:v49+s21+$0x0] =	vst.idx.msk $0xffff, v27  }
0x5b3: {  	[tilespmem:v35+s21+$0x0] =	vst.idx.msk $0xffff, v34;
	v54 =	vor.u32 $0x4, v13;
	v27 =	vld [tilespmem:s12+$0x230]  }
0x5b4: {  	v9 =	vor.u32 $0x7, v9;
	v55 =	vld [tilespmem:s29+$0x3B0];
	[tilespmem:v51+s21+$0x0] =	vst.idx.msk $0xffff, v28  }
0x5b5: {  	v57 =	vor.u32 $0x5, v30;
	[tilespmem:v50+s21+$0x0] =	vst.idx.msk $0xffff, v37;
	v28 =	vld [tilespmem:s30+$0x280]  }
0x5b6: {  	v56 =	vor.u32 $0x5, v10;
	v37 =	vld [tilespmem:s28+$0x280];
	[tilespmem:v52+s21+$0x0] =	vst.idx.msk $0xffff, v36  }
0x5b7: {  	v58 =	vor.u32 $0x5, v32;
	[tilespmem:v53+s21+$0x0] =	vst.idx.msk $0xffff, v21;
	v36 =	vld [tilespmem:s31+$0x280]  }
0x5b8: {  	v59 =	vor.u32 $0x5, v33;
	v21 =	vld [tilespmem:s1+$0x280];
	[tilespmem:v54+s21+$0x0] =	vst.idx.msk $0xffff, v27  }
0x5b9: {  	[tilespmem:v9+s21+$0x0] =	vst.idx.msk $0xffff, v55;
	v61 =	vor.u32 $0x5, v31;
	v60 =	vld [tilespmem:s12+$0x280]  }
0x5ba: {  	v62 =	vld [tilespmem:s26+$0x290];
	v63 =	vor.u32 $0x5, v7;
	[tilespmem:v57+s21+$0x0] =	vst.idx.msk $0xffff, v28  }
0x5bb: {  	v45 =	vor.u32 $0x5, v26;
	[tilespmem:v56+s21+$0x0] =	vst.idx.msk $0xffff, v37;
	v28 =	vld [tilespmem:s30+$0x290]  }
0x5bc: {  	v37 =	vld [tilespmem:s28+$0x290];
	v44 =	vor.u32 $0x5, v11;
	[tilespmem:v58+s21+$0x0] =	vst.idx.msk $0xffff, v36  }
0x5bd: {  	v46 =	vor.u32 $0x5, v25;
	[tilespmem:v59+s21+$0x0] =	vst.idx.msk $0xffff, v21;
	v36 =	vld [tilespmem:s31+$0x290]  }
0x5be: {  	v47 =	vor.u32 $0x5, v24;
	v21 =	vld [tilespmem:s1+$0x290];
	[tilespmem:v61+s21+$0x0] =	vst.idx.msk $0xffff, v60  }
0x5bf: {  	[tilespmem:v63+s21+$0x0] =	vst.idx.msk $0xffff, v62;
	v48 =	vor.u32 $0x5, v23;
	v9 =	vld [tilespmem:s12+$0x290]  }
0x5c0: {  	v34 =	vld [tilespmem:s26+$0x2A0];
	[tilespmem:v45+s21+$0x0] =	vst.idx.msk $0xffff, v28;
	v49 =	vor.u32 $0x5, v6  }
0x5c1: {  	v51 =	vor.u32 $0x5, v22;
	v28 =	vld [tilespmem:s30+$0x2A0];
	[tilespmem:v44+s21+$0x0] =	vst.idx.msk $0xffff, v37  }
0x5c2: {  	v50 =	vor.u32 $0x5, v12;
	v37 =	vld [tilespmem:s28+$0x2A0];
	[tilespmem:v46+s21+$0x0] =	vst.idx.msk $0xffff, v36  }
0x5c3: {  	v52 =	vor.u32 $0x5, v20;
	[tilespmem:v47+s21+$0x0] =	vst.idx.msk $0xffff, v21;
	v36 =	vld [tilespmem:s31+$0x2A0]  }
0x5c4: {  	v53 =	vor.u32 $0x5, v19;
	v21 =	vld [tilespmem:s1+$0x2A0];
	[tilespmem:v48+s21+$0x0] =	vst.idx.msk $0xffff, v9  }
0x5c5: {  	[tilespmem:v49+s21+$0x0] =	vst.idx.msk $0xffff, v34;
	v54 =	vor.u32 $0x5, v18;
	v9 =	vld [tilespmem:s12+$0x2A0]  }
0x5c6: {  	v55 =	vor.u32 $0x5, v5;
	[tilespmem:v51+s21+$0x0] =	vst.idx.msk $0xffff, v28;
	v34 =	vld [tilespmem:s26+$0x2B0]  }
0x5c7: {  	v57 =	vor.u32 $0x5, v16;
	v28 =	vld [tilespmem:s30+$0x2B0];
	[tilespmem:v50+s21+$0x0] =	vst.idx.msk $0xffff, v37  }
0x5c8: {  	v56 =	vor.u32 $0x5, v17;
	v37 =	vld [tilespmem:s28+$0x2B0];
	[tilespmem:v52+s21+$0x0] =	vst.idx.msk $0xffff, v36  }
0x5c9: {  	v58 =	vor.u32 $0x5, v15;
	[tilespmem:v53+s21+$0x0] =	vst.idx.msk $0xffff, v21;
	v36 =	vld [tilespmem:s31+$0x2B0]  }
0x5ca: {  	v59 =	vor.u32 $0x5, v14;
	v21 =	vld [tilespmem:s1+$0x2B0];
	[tilespmem:v54+s21+$0x0] =	vst.idx.msk $0xffff, v9  }
0x5cb: {  	[tilespmem:v55+s21+$0x0] =	vst.idx.msk $0xffff, v34;
	v60 =	vor.u32 $0x5, v13;
	v9 =	vld [tilespmem:s12+$0x2B0]  }
0x5cc: {  	[tilespmem:v57+s21+$0x0] =	vst.idx.msk $0xffff, v28;
	v34 =	vld [tilespmem:s26+$0x300];
	v61 =	vor.u32 $0x6, v8  }
0x5cd: {  	v63 =	vor.u32 $0x6, v30;
	v28 =	vld [tilespmem:s30+$0x300];
	[tilespmem:v56+s21+$0x0] =	vst.idx.msk $0xffff, v37  }
0x5ce: {  	v62 =	vor.u32 $0x6, v10;
	v37 =	vld [tilespmem:s28+$0x300];
	[tilespmem:v58+s21+$0x0] =	vst.idx.msk $0xffff, v36  }
0x5cf: {  	v44 =	vor.u32 $0x6, v32;
	[tilespmem:v59+s21+$0x0] =	vst.idx.msk $0xffff, v21;
	v36 =	vld [tilespmem:s31+$0x300]  }
0x5d0: {  	v45 =	vor.u32 $0x6, v33;
	v21 =	vld [tilespmem:s1+$0x300];
	[tilespmem:v60+s21+$0x0] =	vst.idx.msk $0xffff, v9  }
0x5d1: {  	v46 =	vor.u32 $0x6, v31;
	[tilespmem:v61+s21+$0x0] =	vst.idx.msk $0xffff, v34;
	v9 =	vld [tilespmem:s12+$0x300]  }
0x5d2: {  	v47 =	vor.u32 $0x6, v7;
	[tilespmem:v63+s21+$0x0] =	vst.idx.msk $0xffff, v28;
	v34 =	vld [tilespmem:s26+$0x310]  }
0x5d3: {  	v49 =	vor.u32 $0x6, v26;
	v28 =	vld [tilespmem:s30+$0x310];
	[tilespmem:v62+s21+$0x0] =	vst.idx.msk $0xffff, v37  }
0x5d4: {  	v37 =	vld [tilespmem:s28+$0x310];
	v48 =	vor.u32 $0x6, v11;
	[tilespmem:v44+s21+$0x0] =	vst.idx.msk $0xffff, v36  }
0x5d5: {  	v50 =	vor.u32 $0x6, v25;
	[tilespmem:v45+s21+$0x0] =	vst.idx.msk $0xffff, v21;
	v36 =	vld [tilespmem:s31+$0x310]  }
0x5d6: {  	v51 =	vor.u32 $0x6, v24;
	v21 =	vld [tilespmem:s1+$0x310];
	[tilespmem:v46+s21+$0x0] =	vst.idx.msk $0xffff, v9  }
0x5d7: {  	v52 =	vor.u32 $0x6, v23;
	[tilespmem:v47+s21+$0x0] =	vst.idx.msk $0xffff, v34;
	v9 =	vld [tilespmem:s12+$0x310]  }
0x5d8: {  	v53 =	vor.u32 $0x6, v6;
	[tilespmem:v49+s21+$0x0] =	vst.idx.msk $0xffff, v28;
	v34 =	vld [tilespmem:s26+$0x320]  }
0x5d9: {  	v55 =	vor.u32 $0x6, v22;
	v28 =	vld [tilespmem:s30+$0x320];
	[tilespmem:v48+s21+$0x0] =	vst.idx.msk $0xffff, v37  }
0x5da: {  	v37 =	vld [tilespmem:s28+$0x320];
	v54 =	vor.u32 $0x6, v12;
	[tilespmem:v50+s21+$0x0] =	vst.idx.msk $0xffff, v36  }
0x5db: {  	v56 =	vor.u32 $0x6, v20;
	[tilespmem:v51+s21+$0x0] =	vst.idx.msk $0xffff, v21;
	v36 =	vld [tilespmem:s31+$0x320]  }
0x5dc: {  	v57 =	vor.u32 $0x6, v19;
	v21 =	vld [tilespmem:s1+$0x320];
	[tilespmem:v52+s21+$0x0] =	vst.idx.msk $0xffff, v9  }
0x5dd: {  	v58 =	vor.u32 $0x6, v18;
	[tilespmem:v53+s21+$0x0] =	vst.idx.msk $0xffff, v34;
	v9 =	vld [tilespmem:s12+$0x320]  }
0x5de: {  	v59 =	vor.u32 $0x6, v5;
	[tilespmem:v55+s21+$0x0] =	vst.idx.msk $0xffff, v28;
	v34 =	vld [tilespmem:s26+$0x330]  }
0x5df: {  	v61 =	vor.u32 $0x6, v16;
	v28 =	vld [tilespmem:s30+$0x330];
	[tilespmem:v54+s21+$0x0] =	vst.idx.msk $0xffff, v37  }
0x5e0: {  	v37 =	vld [tilespmem:s28+$0x330];
	v60 =	vor.u32 $0x6, v17;
	[tilespmem:v56+s21+$0x0] =	vst.idx.msk $0xffff, v36  }
0x5e1: {  	v62 =	vor.u32 $0x6, v15;
	[tilespmem:v57+s21+$0x0] =	vst.idx.msk $0xffff, v21;
	v36 =	vld [tilespmem:s31+$0x330]  }
0x5e2: {  	v63 =	vor.u32 $0x6, v14;
	v21 =	vld [tilespmem:s1+$0x330];
	[tilespmem:v58+s21+$0x0] =	vst.idx.msk $0xffff, v9  }
0x5e3: {  	v41 =	vor.u32 $0x6, v13;
	[tilespmem:v59+s21+$0x0] =	vst.idx.msk $0xffff, v34;
	v9 =	vld [tilespmem:s12+$0x330]  }
0x5e4: {  	v42 =	vor.u32 $0x7, v8;
	[tilespmem:v61+s21+$0x0] =	vst.idx.msk $0xffff, v28;
	v34 =	vld [tilespmem:s26+$0x380]  }
0x5e5: {  	v45 =	vor.u32 $0x7, v30;
	v28 =	vld [tilespmem:s30+$0x380];
	[tilespmem:v60+s21+$0x0] =	vst.idx.msk $0xffff, v37  }
0x5e6: {  	v44 =	vor.u32 $0x7, v10;
	v43 =	vld [tilespmem:s28+$0x380];
	[tilespmem:v62+s21+$0x0] =	vst.idx.msk $0xffff, v36  }
0x5e7: {  	v32 =	vor.u32 $0x7, v32;
	[tilespmem:v63+s21+$0x0] =	vst.idx.msk $0xffff, v21;
	v46 =	vld [tilespmem:s31+$0x380]  }
0x5e8: {  	v33 =	vor.u32 $0x7, v33;
	v21 =	vld [tilespmem:s1+$0x380];
	[tilespmem:v41+s21+$0x0] =	vst.idx.msk $0xffff, v9  }
0x5e9: {  	v48 =	vor.u32 $0x7, v31;
	[tilespmem:v42+s21+$0x0] =	vst.idx.msk $0xffff, v34;
	v47 =	vld [tilespmem:s12+$0x380]  }
0x5ea: {  	v7 =	vor.u32 $0x7, v7;
	[tilespmem:v45+s21+$0x0] =	vst.idx.msk $0xffff, v28;
	v49 =	vld [tilespmem:s26+$0x390]  }
0x5eb: {  	v26 =	vor.u32 $0x7, v26;
	v28 =	vld [tilespmem:s30+$0x390];
	[tilespmem:v44+s21+$0x0] =	vst.idx.msk $0xffff, v43  }
0x5ec: {  	v50 =	vor.u32 $0x7, v11;
	v10 =	vld [tilespmem:s28+$0x390];
	[tilespmem:v32+s21+$0x0] =	vst.idx.msk $0xffff, v46  }
0x5ed: {  	v25 =	vor.u32 $0x7, v25;
	[tilespmem:v33+s21+$0x0] =	vst.idx.msk $0xffff, v21;
	v51 =	vld [tilespmem:s31+$0x390]  }
0x5ee: {  	v24 =	vor.u32 $0x7, v24;
	v21 =	vld [tilespmem:s1+$0x390];
	[tilespmem:v48+s21+$0x0] =	vst.idx.msk $0xffff, v47  }
0x5ef: {  	v52 =	vor.u32 $0x7, v23;
	[tilespmem:v7+s21+$0x0] =	vst.idx.msk $0xffff, v49;
	v7 =	vld [tilespmem:s12+$0x390]  }
0x5f0: {  	v6 =	vor.u32 $0x7, v6;
	[tilespmem:v26+s21+$0x0] =	vst.idx.msk $0xffff, v28;
	v53 =	vld [tilespmem:s26+$0x3A0]  }
0x5f1: {  	v22 =	vor.u32 $0x7, v22;
	v55 =	vld [tilespmem:s30+$0x3A0];
	[tilespmem:v50+s21+$0x0] =	vst.idx.msk $0xffff, v10  }
0x5f2: {  	v54 =	vor.u32 $0x7, v12;
	v10 =	vld [tilespmem:s28+$0x3A0];
	[tilespmem:v25+s21+$0x0] =	vst.idx.msk $0xffff, v51  }
0x5f3: {  	v20 =	vor.u32 $0x7, v20;
	[tilespmem:v24+s21+$0x0] =	vst.idx.msk $0xffff, v21;
	v56 =	vld [tilespmem:s31+$0x3A0]  }
0x5f4: {  	v19 =	vor.u32 $0x7, v19;
	v21 =	vld [tilespmem:s1+$0x3A0];
	[tilespmem:v52+s21+$0x0] =	vst.idx.msk $0xffff, v7  }
0x5f5: {  	[tilespmem:v6+s21+$0x0] =	vst.idx.msk $0xffff, v53;
	v7 =	vor.u32 $0x7, v18;
	v6 =	vld [tilespmem:s12+$0x3A0]  }
0x5f6: {  	v5 =	vor.u32 $0x7, v5;
	[tilespmem:v22+s21+$0x0] =	vst.idx.msk $0xffff, v55;
	v57 =	vld [tilespmem:s26+$0x3B0]  }
0x5f7: {  	v61 =	vor.u32 $0x7, v16;
	v60 =	vld [tilespmem:s30+$0x3B0];
	[tilespmem:v54+s21+$0x0] =	vst.idx.msk $0xffff, v10  }
0x5f8: {  	v59 =	vor.u32 $0x7, v17;
	v58 =	vld [tilespmem:s28+$0x3B0];
	[tilespmem:v20+s21+$0x0] =	vst.idx.msk $0xffff, v56  }
0x5f9: {  	v15 =	vor.u32 $0x7, v15;
	[tilespmem:v19+s21+$0x0] =	vst.idx.msk $0xffff, v21;
	v62 =	vld [tilespmem:s31+$0x3B0]  }
0x5fa: {  	v14 =	vor.u32 $0x7, v14;
	v63 =	vld [tilespmem:s1+$0x3B0];
	[tilespmem:v7+s21+$0x0] =	vst.idx.msk $0xffff, v6  }
0x5fb: {  	[tilespmem:v5+s21+$0x0] =	vst.idx.msk $0xffff, v57;
	v6 =	vor.u32 $0x7, v13;
	v5 =	vld [tilespmem:s12+$0x3B0]  }
0x5fc: {  	[tilespmem:v61+s21+$0x0] =	vst.idx.msk $0xffff, v60  }
0x5fd: {  	[tilespmem:v59+s21+$0x0] =	vst.idx.msk $0xffff, v58  }
0x5fe: {  	s29 =	sor.u32 s8, s25;
	[tilespmem:v15+s21+$0x0] =	vst.idx.msk $0xffff, v62  }
0x5ff: {  	s0 =	sshrl.u32 s29, $0x3;
	[tilespmem:v14+s21+$0x0] =	vst.idx.msk $0xffff, v63  }
0x600: {  	s30 =	simm.s32 $0x1A800;
	s1 =	sadd.s32 s2, s0;
	[tilespmem:v6+s21+$0x0] =	vst.idx.msk $0xffff, v5  }
0x601: {  	[hbm4b:s1+s3] =	stream.linear.scatter [tilespmem:s30], [sflag:$0x4], $0x80, $0x38;
	[tilespmem:$0x1EC00] =	vst v63  }
0x602: {  	s31 =	simm.s32 $0x1A888;
	s6 =	sadd.s32 $0x10, s1  }
0x603: {  	[hbm4b:s6+s3] =	stream.linear.scatter [tilespmem:s31], [sflag:$0x4], $0x80, $0x38;
	[tilespmem:$0x1EC00] =	vst v63  }
0x604: {  	s10 =	simm.s32 $0x1A910;
	s22 =	simm.s32 $0x1AA20;
	s11 =	sadd.s32 $0x20, s1  }
0x605: {  	[hbm4b:s11+s3] =	stream.linear.scatter [tilespmem:s10], [sflag:$0x4], $0x80, $0x38;
	[tilespmem:$0x1EC00] =	vst v63  }
0x606: {  	s28 =	simm.s32 $0x1AAA8;
	s13 =	sadd.s32 $0x30, s1;
	s12 =	simm.s32 $0x1A998  }
0x607: {  	[hbm4b:s13+s3] =	stream.linear.scatter [tilespmem:s12], [sflag:$0x4], $0x80, $0x38;
	[tilespmem:$0x1EC00] =	vst v63  }
0x608: {  	s0 =	simm.s32 $0x440;
	s26 =	sadd.s32 $0x40, s1;
	s29 =	sadd.s32 $0x50, s1  }
0x609: {  	[hbm4b:s26+s3] =	stream.linear.scatter [tilespmem:s22], [sflag:$0x4], $0x80, $0x38;
	[tilespmem:$0x1EC00] =	vst v63  }
0x60a: {  	s30 =	simm.s32 $0x1AB30;
	s31 =	sadd.s32 $0x60, s1;
	s6 =	simm.s32 $0x2200  }
0x60b: {  	[hbm4b:s29+s3] =	stream.linear.scatter [tilespmem:s28], [sflag:$0x4], $0x80, $0x38;
	[tilespmem:$0x1EC00] =	vst v63  }
0x60c: {  	s10 =	simm.s32 $0x1ABB8;
	s11 =	sadd.s32 $0x70, s1;
	s1 =	sadd.s32 $0x4000, s1  }
0x60d: {  	[hbm4b:s31+s3] =	stream.linear.scatter [tilespmem:s30], [sflag:$0x4], $0x80, $0x38;
	[tilespmem:$0x1EC00] =	vst v63  }
.LBB2_15:
0x60e: {  	[hbm4b:s11+s3] =	stream.linear.scatter [tilespmem:s10], [sflag:$0x4], $0x80, $0x38;
	[tilespmem:$0x1EC00] =	vst v63  }
0x60f: {  	s10 =	smov.u32 s0;
	s0 =	smov.u32 s6  }
0x610: {  	s12 =	sadd.s32 $0x1100, s6;
	s0 =	sshra.s32 s0, $0x2;
	s11 =	sadd.s32 $0x1A800, s10  }
0x611: {  	[hbm4b:s1+s3] =	stream.linear.scatter [tilespmem:s11], [sflag:$0x4], $0x80, $0x38;
	[tilespmem:$0x1EC00] =	vst v63  }
0x612: {  	p0 =	sne.s32 s6, $0x7700;
	s6 =	sadd.s32 $0x1A888, s10;
	s11 =	sadd.s32 $0x10, s1  }
0x613: {  	[hbm4b:s11+s3] =	stream.linear.scatter [tilespmem:s6], [sflag:$0x4], $0x80, $0x38;
	[tilespmem:$0x1EC00] =	vst v63  }
0x614: {  	s6 =	sadd.s32 $0x1A910, s10;
	s11 =	sadd.s32 $0x20, s1  }
0x615: {  	[hbm4b:s11+s3] =	stream.linear.scatter [tilespmem:s6], [sflag:$0x4], $0x80, $0x38;
	[tilespmem:$0x1EC00] =	vst v63  }
0x616: {  	s6 =	sadd.s32 $0x1A998, s10;
	s11 =	sadd.s32 $0x30, s1  }
0x617: {  	[hbm4b:s11+s3] =	stream.linear.scatter [tilespmem:s6], [sflag:$0x4], $0x80, $0x38;
	[tilespmem:$0x1EC00] =	vst v63  }
0x618: {  	s6 =	sadd.s32 $0x1AA20, s10;
	s11 =	sadd.s32 $0x40, s1  }
0x619: {  	[hbm4b:s11+s3] =	stream.linear.scatter [tilespmem:s6], [sflag:$0x4], $0x80, $0x38;
	[tilespmem:$0x1EC00] =	vst v63  }
.Ltmp9:
0x61a: {  	s6 =	sadd.s32 $0x1AAA8, s10;
	s11 =	sadd.s32 $0x50, s1;
	(pc) =	sbr.rel @p0 .LBB2_15-.Ltmp9, $4  }
0x61b: {  	[hbm4b:s11+s3] =	stream.linear.scatter [tilespmem:s6], [sflag:$0x4], $0x80, $0x38;
	[tilespmem:$0x1EC00] =	vst v63  }
0x61c: {  	s6 =	sadd.s32 $0x1AB30, s10;
	s11 =	sadd.s32 $0x60, s1;
	s10 =	sadd.s32 $0x1ABB8, s10  }
0x61d: {  	[hbm4b:s11+s3] =	stream.linear.scatter [tilespmem:s6], [sflag:$0x4], $0x80, $0x38;
	[tilespmem:$0x1EC00] =	vst v63  }
0x61e: {  	s11 =	sadd.s32 $0x70, s1;
	s1 =	sadd.s32 $0x4000, s1;
	s6 =	smov.u32 s12  }
0x61f: {  	[hbm4b:s11+s3] =	stream.linear.scatter [tilespmem:s10], [sflag:$0x4], $0x80, $0x38;
	[tilespmem:$0x1EC00] =	vst v63  }
0x620: {  	s6 =	sadd.s32 $0x1A800, s0  }
0x621: {  	[hbm4b:s1+s3] =	stream.linear.scatter [tilespmem:s6], [sflag:$0x4], $0x80, $0x38;
	[tilespmem:$0x1EC00] =	vst v63  }
0x622: {  	s22 =	sadd.s32 $0x1A888, s0;
	s26 =	sadd.s32 $0x10, s1  }
0x623: {  	[hbm4b:s26+s3] =	stream.linear.scatter [tilespmem:s22], [sflag:$0x4], $0x80, $0x38;
	[tilespmem:$0x1EC00] =	vst v63  }
0x624: {  	s28 =	sadd.s32 $0x1A910, s0;
	s29 =	sadd.s32 $0x20, s1  }
0x625: {  	[hbm4b:s29+s3] =	stream.linear.scatter [tilespmem:s28], [sflag:$0x4], $0x80, $0x38;
	[tilespmem:$0x1EC00] =	vst v63  }
0x626: {  	s30 =	sadd.s32 $0x1A998, s0;
	s31 =	sadd.s32 $0x30, s1  }
0x627: {  	[hbm4b:s31+s3] =	stream.linear.scatter [tilespmem:s30], [sflag:$0x4], $0x80, $0x38;
	[tilespmem:$0x1EC00] =	vst v63  }
0x628: {  	s10 =	sadd.s32 $0x1AA20, s0;
	s11 =	sadd.s32 $0x40, s1  }
0x629: {  	[hbm4b:s11+s3] =	stream.linear.scatter [tilespmem:s10], [sflag:$0x4], $0x80, $0x38;
	[tilespmem:$0x1EC00] =	vst v63  }
0x62a: {  	s12 =	sadd.s32 $0x1AAA8, s0;
	s13 =	sadd.s32 $0x50, s1  }
0x62b: {  	[hbm4b:s13+s3] =	stream.linear.scatter [tilespmem:s12], [sflag:$0x4], $0x80, $0x38;
	[tilespmem:$0x1EC00] =	vst v63  }
0x62c: {  	s22 =	sadd.s32 $0x1AB30, s0;
	s26 =	sadd.s32 $0x60, s1;
	s30 =	sor.u32 s9, s25  }
0x62d: {  	[hbm4b:s26+s3] =	stream.linear.scatter [tilespmem:s22], [sflag:$0x4], $0x80, $0x38;
	[tilespmem:$0x1EC00] =	vst v63  }
0x62e: {  	s28 =	sadd.s32 $0x1ABB8, s0;
	s29 =	sadd.s32 $0x70, s1;
	s0 =	sshrl.u32 s30, $0x3  }
0x62f: {  	[hbm4b:s29+s3] =	stream.linear.scatter [tilespmem:s28], [sflag:$0x4], $0x80, $0x38;
	[tilespmem:$0x1EC00] =	vst v63  }
0x630: {  	s31 =	simm.s32 $0x1CA00;
	s1 =	sadd.s32 s2, s0  }
0x631: {  	[hbm4b:s1+s3] =	stream.linear.scatter [tilespmem:s31], [sflag:$0x4], $0x80, $0x38;
	[tilespmem:$0x1EC00] =	vst v63  }
0x632: {  	s6 =	simm.s32 $0x1CA88;
	s10 =	sadd.s32 $0x10, s1  }
0x633: {  	[hbm4b:s10+s3] =	stream.linear.scatter [tilespmem:s6], [sflag:$0x4], $0x80, $0x38;
	[tilespmem:$0x1EC00] =	vst v63  }
0x634: {  	s25 =	simm.s32 $0x1CC20;
	s11 =	simm.s32 $0x1CB10;
	s12 =	sadd.s32 $0x20, s1  }
0x635: {  	[hbm4b:s12+s3] =	stream.linear.scatter [tilespmem:s11], [sflag:$0x4], $0x80, $0x38;
	[tilespmem:$0x1EC00] =	vst v63  }
0x636: {  	s30 =	simm.s32 $0x1CD30;
	s13 =	simm.s32 $0x1CB98;
	s22 =	sadd.s32 $0x30, s1  }
0x637: {  	[hbm4b:s22+s3] =	stream.linear.scatter [tilespmem:s13], [sflag:$0x4], $0x80, $0x38;
	[tilespmem:$0x1EC00] =	vst v63  }
0x638: {  	s0 =	simm.s32 $0x440;
	s26 =	sadd.s32 $0x40, s1;
	s28 =	simm.s32 $0x1CCA8  }
0x639: {  	[hbm4b:s26+s3] =	stream.linear.scatter [tilespmem:s25], [sflag:$0x4], $0x80, $0x38;
	[tilespmem:$0x1EC00] =	vst v63  }
0x63a: {  	s29 =	sadd.s32 $0x50, s1;
	s31 =	sadd.s32 $0x60, s1;
	s6 =	simm.s32 $0x2200  }
0x63b: {  	[hbm4b:s29+s3] =	stream.linear.scatter [tilespmem:s28], [sflag:$0x4], $0x80, $0x38;
	[tilespmem:$0x1EC00] =	vst v63  }
0x63c: {  	s10 =	simm.s32 $0x1CDB8;
	s11 =	sadd.s32 $0x70, s1;
	s1 =	sadd.s32 $0x4000, s1  }
0x63d: {  	[hbm4b:s31+s3] =	stream.linear.scatter [tilespmem:s30], [sflag:$0x4], $0x80, $0x38;
	[tilespmem:$0x1EC00] =	vst v63  }
.LBB2_17:
0x63e: {  	[hbm4b:s11+s3] =	stream.linear.scatter [tilespmem:s10], [sflag:$0x4], $0x80, $0x38;
	[tilespmem:$0x1EC00] =	vst v63  }
0x63f: {  	s10 =	smov.u32 s0;
	s0 =	smov.u32 s6  }
0x640: {  	s12 =	sadd.s32 $0x1100, s6;
	s0 =	sshra.s32 s0, $0x2;
	s11 =	sadd.s32 $0x1CA00, s10  }
0x641: {  	[hbm4b:s1+s3] =	stream.linear.scatter [tilespmem:s11], [sflag:$0x4], $0x80, $0x38;
	[tilespmem:$0x1EC00] =	vst v63  }
0x642: {  	p0 =	sne.s32 s6, $0x7700;
	s6 =	sadd.s32 $0x1CA88, s10;
	s11 =	sadd.s32 $0x10, s1  }
0x643: {  	[hbm4b:s11+s3] =	stream.linear.scatter [tilespmem:s6], [sflag:$0x4], $0x80, $0x38;
	[tilespmem:$0x1EC00] =	vst v63  }
0x644: {  	s6 =	sadd.s32 $0x1CB10, s10;
	s11 =	sadd.s32 $0x20, s1  }
0x645: {  	[hbm4b:s11+s3] =	stream.linear.scatter [tilespmem:s6], [sflag:$0x4], $0x80, $0x38;
	[tilespmem:$0x1EC00] =	vst v63  }
0x646: {  	s6 =	sadd.s32 $0x1CB98, s10;
	s11 =	sadd.s32 $0x30, s1  }
0x647: {  	[hbm4b:s11+s3] =	stream.linear.scatter [tilespmem:s6], [sflag:$0x4], $0x80, $0x38;
	[tilespmem:$0x1EC00] =	vst v63  }
0x648: {  	s6 =	sadd.s32 $0x1CC20, s10;
	s11 =	sadd.s32 $0x40, s1  }
0x649: {  	[hbm4b:s11+s3] =	stream.linear.scatter [tilespmem:s6], [sflag:$0x4], $0x80, $0x38;
	[tilespmem:$0x1EC00] =	vst v63  }
.Ltmp10:
0x64a: {  	s6 =	sadd.s32 $0x1CCA8, s10;
	s11 =	sadd.s32 $0x50, s1;
	(pc) =	sbr.rel @p0 .LBB2_17-.Ltmp10, $4  }
0x64b: {  	[hbm4b:s11+s3] =	stream.linear.scatter [tilespmem:s6], [sflag:$0x4], $0x80, $0x38;
	[tilespmem:$0x1EC00] =	vst v63  }
0x64c: {  	s6 =	sadd.s32 $0x1CD30, s10;
	s11 =	sadd.s32 $0x60, s1;
	s10 =	sadd.s32 $0x1CDB8, s10  }
0x64d: {  	[hbm4b:s11+s3] =	stream.linear.scatter [tilespmem:s6], [sflag:$0x4], $0x80, $0x38;
	[tilespmem:$0x1EC00] =	vst v63  }
0x64e: {  	s11 =	sadd.s32 $0x70, s1;
	s1 =	sadd.s32 $0x4000, s1;
	s6 =	smov.u32 s12  }
0x64f: {  	[hbm4b:s11+s3] =	stream.linear.scatter [tilespmem:s10], [sflag:$0x4], $0x80, $0x38;
	[tilespmem:$0x1EC00] =	vst v63  }
0x650: {  	s6 =	sadd.s32 $0x1CA00, s0  }
0x651: {  	[hbm4b:s1+s3] =	stream.linear.scatter [tilespmem:s6], [sflag:$0x4], $0x80, $0x38;
	[tilespmem:$0x1EC00] =	vst v63  }
0x652: {  	s28 =	sadd.s32 $0x1CA88, s0;
	s29 =	sadd.s32 $0x10, s1  }
0x653: {  	[hbm4b:s29+s3] =	stream.linear.scatter [tilespmem:s28], [sflag:$0x4], $0x80, $0x38;
	[tilespmem:$0x1EC00] =	vst v63  }
0x654: {  	s30 =	sadd.s32 $0x1CB10, s0;
	s31 =	sadd.s32 $0x20, s1  }
0x655: {  	[hbm4b:s31+s3] =	stream.linear.scatter [tilespmem:s30], [sflag:$0x4], $0x80, $0x38;
	[tilespmem:$0x1EC00] =	vst v63  }
0x656: {  	s11 =	sadd.s32 $0x1CB98, s0;
	s12 =	sadd.s32 $0x30, s1  }
0x657: {  	[hbm4b:s12+s3] =	stream.linear.scatter [tilespmem:s11], [sflag:$0x4], $0x80, $0x38;
	[tilespmem:$0x1EC00] =	vst v63  }
0x658: {  	s13 =	sadd.s32 $0x1CC20, s0;
	s22 =	sadd.s32 $0x40, s1  }
0x659: {  	[hbm4b:s22+s3] =	stream.linear.scatter [tilespmem:s13], [sflag:$0x4], $0x80, $0x38;
	[tilespmem:$0x1EC00] =	vst v63  }
0x65a: {  	s25 =	sadd.s32 $0x1CCA8, s0;
	s26 =	sadd.s32 $0x50, s1;
	p0 =	seq.s32 s24, $0x31  }
0x65b: {  	[hbm4b:s26+s3] =	stream.linear.scatter [tilespmem:s25], [sflag:$0x4], $0x80, $0x38;
	[tilespmem:$0x1EC00] =	vst v63  }
.Ltmp11:
0x65c: {  	_ = 	snop;
	(pc) =	sbr.rel @p0 .LBB2_20-.Ltmp11, $4  }
0x65d: {  	s28 =	sadd.s32 $0x1CD30, s0;
	s29 =	sadd.s32 $0x60, s1  }
0x65e: {  	[hbm4b:s29+s3] =	stream.linear.scatter [tilespmem:s28], [sflag:$0x4], $0x80, $0x38;
	[tilespmem:$0x1EC00] =	vst v63  }
0x65f: {  	s30 =	sadd.s32 $0x1CDB8, s0;
	s31 =	sadd.s32 $0x70, s1  }
0x660: {  	[hbm4b:s31+s3] =	stream.linear.scatter [tilespmem:s30], [sflag:$0x4], $0x80, $0x38;
	[tilespmem:$0x1EC00] =	vst v63  }
.Ltmp12:
0x661: {  	(pc) =	sbr.rel .LBB2_2-.Ltmp12, $4  }
0x662: {  	s0 =	sshll.u32 s24, $0x9  }
0x663: {  	s0 =	sand.u32 $0x3FFFFE00, s0  }
0x664: {  	s24 =	sadd.s32 $0x1, s24;
	s0 =	sadd.s32 $0x300, s0  }
0x665: {  	[tilespmem:s16], [sflag:$0x2] =	stream.indirect.gather [hbm4b:s4+s14], $0x80, s0, s14, $0xb8;
	[tilespmem:$0x1EC00] =	vst v63  }
.LBB2_21:
0x666: {  	_ =	sfence.sel $0x180000  }
0x667: {  	[bflag:$0x0] =	sbarrier.arrive $0xFFFF  }
0x668: {  	_ =	strace $0x90000047  }
0x669: {  	s0 =	stileid.u32;
	[bflag:$0x2] =	sbarrier.arrive $0xFFFF  }
0x66a: {  	p0 =	sne.s32 s0, $0x0;
	s0 =	rddreg [dreg:$0x2]  }
0x66b: {  	s0 =	sadd.s32 @!p0 $0x100000, s0  }
0x66c: {  	[sflag:s0] =	ssyncadd.tile.s32 @!p0 $0x1;
	_ =	shalt  }
.Lfunc_end2:
_tile_overlayer_lowered:
.L_overlay_start_2:
0x66d: {  	(tag) =	ssettag $0x2  }
0x66e: {  	s0 =	rddreg [dreg:$0x0];
	s2 =	stileid.u32  }
0x66f: {  	s1 =	rddreg [dreg:$0x1];
	p0 =	sne.s32 s2, $0x0  }
0x670: {  	s3 =	rddreg [dreg:$0x2];
	[bflag:$0x3] =	sbarrier.arrive $0xFFFF;
	s2 =	simm.s32 @!p0 $0x1C05  }
0x671: {  	[timem:s3], [sflag:s2] =	dma.local @!p0 [hbm:s0], s1  }
0x672: {  	s0 =	simm.s32 @!p0 $0x5  }
0x673: {  	_ =	swait.ge @!p0 [sflag:s0], s1  }
0x674: {  	s1 =	ssub.s32 @!p0 $0x0, s1;
	[sflag:s0] =	ssyncset.done @!p0 $0x0  }
0x675: {  	[sflag:s0] =	ssyncadd.s32 @!p0 s1  }
0x676: {  	[bflag:$0x3] =	sbarrier.arrive $0xFFFF  }
0x677: {  	_ =	shalt  }

</sc_bundles>
